<compile_context>
chip_gen: v7x
topology: tpu7x:2x2x1
jax: 0.10.2.dev20260603
libtpu: 0.0.44.dev20260713+nightly
codegen_flags: <defaults>
</compile_context>

<pallas_src>
import jax
import jax.numpy as jnp
from jax import lax
from jax.experimental import pallas as pl
from jax.experimental.pallas import tpu as pltpu
from jax.experimental.pallas import tpu_sc as plsc

N_NODES = 50000
D = 128
E = 300000
N_CLS = 8

NTILES = 16
NCORES = 2
NCHUNK = 8
DC = D // NCHUNK
KE = 256
KC = 128
NBATCH = 38
EPT = NBATCH * KE
E_PAD = EPT * NTILES * NCORES
TSTRIPE = 3136
NT = 50176
TB = NT + 8
DUMP = NT
STRIPE = NT // NTILES
BLK = 392


def _seg_sums(tabs, src2d, dst2d):

    def body(*refs):
        tabs_in = refs[:NCHUNK]
        (src_hbm, dst_hbm, zeros_hbm, ones_hbm, sums_o, cnt_o,
         src_big, dst_big, rows0, rows1, ones, tab_sp, acc,
         sem0, sem1) = refs[NCHUNK:]
        rows = (rows0, rows1)
        sems = (sem0, sem1)
        cid = lax.axis_index("c")
        sid = lax.axis_index("s")
        e0 = (cid * NTILES + sid) * EPT

        pltpu.sync_copy(src_hbm.at[pl.ds(e0, EPT + KE)], src_big)
        pltpu.sync_copy(dst_hbm.at[pl.ds(e0, EPT)], dst_big)
        pltpu.sync_copy(ones_hbm, ones)

        def zero_acc():
            z0 = sid * STRIPE
            pltpu.sync_copy(zeros_hbm, acc.at[pl.ds(z0, STRIPE)])
            pltpu.sync_copy(zeros_hbm.at[pl.ds(0, 8)],
                            acc.at[pl.ds(TB - 8, 8)])
            plsc.subcore_barrier()

        def writeout(dst_view):
            plsc.subcore_barrier()
            w0 = sid * STRIPE
            pltpu.sync_copy(acc.at[pl.ds(w0, STRIPE)],
                            dst_view.at[pl.ds(w0, STRIPE)])
            plsc.subcore_barrier()

        for c in range(NCHUNK):
            tab = tabs_in[c]
            t0 = jnp.minimum(sid * TSTRIPE, N_NODES - TSTRIPE)
            pltpu.sync_copy(tab.at[pl.ds(t0, TSTRIPE)],
                            tab_sp.at[pl.ds(t0, TSTRIPE)])
            zero_acc()

            def gdesc(b, p, make=False):
                f = pltpu.make_async_copy if make else pltpu.async_copy
                return f(tab_sp.at[src_big.at[pl.ds(b * KE, KE)]], rows[p],
                         sems[p])

            def scat(b, p):
                pltpu.sync_copy(rows[p],
                                acc.at[dst_big.at[pl.ds(b * KE, KE)]],
                                add=True)

            gdesc(0, 0)

            def biter2(i, _):
                b0 = i * 2
                gdesc(b0, 0, make=True).wait()
                gdesc(b0 + 1, 1)
                scat(b0, 0)
                gdesc(b0 + 1, 1, make=True).wait()
                gdesc(b0 + 2, 0)
                scat(b0 + 1, 1)
                return 0

            lax.fori_loop(0, NBATCH // 2, biter2, 0)
            gdesc(NBATCH, 0, make=True).wait()
            writeout(sums_o.at[c, cid])

        zero_acc()

        def citer(b, _):
            pltpu.sync_copy(ones, acc.at[dst_big.at[pl.ds(b * KC, KC)]],
                            add=True)
            return 0

        lax.fori_loop(0, EPT // KC, citer, 0)
        writeout(cnt_o.at[cid])

    k = pl.kernel(
        body,
        out_type=(
            jax.ShapeDtypeStruct((NCHUNK, NCORES, NT, DC), jnp.float32),
            jax.ShapeDtypeStruct((NCORES, NT, DC), jnp.float32),
        ),
        mesh=plsc.VectorSubcoreMesh(core_axis_name="c", subcore_axis_name="s"),
        scratch_types=(
            pltpu.VMEM((EPT + KE,), jnp.int32),
            pltpu.VMEM((EPT,), jnp.int32),
            pltpu.VMEM((KE, DC), jnp.float32),
            pltpu.VMEM((KE, DC), jnp.float32),
            pltpu.VMEM((KC, DC), jnp.float32),
            pltpu.VMEM_SHARED((N_NODES, DC), jnp.float32),
            pltpu.VMEM_SHARED((TB, DC), jnp.float32),
            pltpu.SemaphoreType.DMA,
            pltpu.SemaphoreType.DMA,
        ),
        compiler_params=pltpu.CompilerParams(use_tc_tiling_on_sc=False),
    )
    return k(*tabs, src2d, dst2d, _zeros_const(), _ones_const())


def _stage_in(x, w, b):
    n = x.shape[0]
    blk = 400 if n % 400 == 0 else BLK

    def kern(x_ref, w_ref, b_ref, *outs):
        h = (jnp.dot(x_ref[...], w_ref[...],
                     preferred_element_type=jnp.float32) + b_ref[...])
        for c in range(NCHUNK):
            outs[c][...] = h[:, c * DC:(c + 1) * DC]

    return pl.pallas_call(
        kern,
        grid=(n // blk,),
        in_specs=[
            pl.BlockSpec((blk, D), lambda i: (i, 0)),
            pl.BlockSpec((D, D), lambda i: (0, 0)),
            pl.BlockSpec((1, D), lambda i: (0, 0)),
        ],
        out_specs=[pl.BlockSpec((blk, DC), lambda i: (i, 0))
                   for _ in range(NCHUNK)],
        out_shape=[jax.ShapeDtypeStruct((n, DC), jnp.float32)
                   for _ in range(NCHUNK)],
    )(x, w, b.reshape(1, D))


def _stage_merge(sums, cnt, w, b, relu, split_out):
    d_out = w.shape[1]

    def kern(s_ref, c_ref, w_ref, b_ref, *outs):
        hs = [s_ref[c, 0] + s_ref[c, 1] for c in range(NCHUNK)]
        h = jnp.concatenate(hs, axis=1)
        cnt_b = c_ref[0] + c_ref[1]
        h = h / jnp.maximum(cnt_b[:, 0:1], 1.0)
        if relu:
            h = jnp.where(h >= 0, h, 0.01 * h)
        o = (jnp.dot(h, w_ref[...], preferred_element_type=jnp.float32)
             + b_ref[...])
        if split_out:
            for c in range(NCHUNK):
                outs[c][...] = o[:, c * DC:(c + 1) * DC]
        else:
            outs[0][...] = o

    if split_out:
        out_specs = [pl.BlockSpec((BLK, DC), lambda i: (i, 0))
                     for _ in range(NCHUNK)]
        out_shape = [jax.ShapeDtypeStruct((NT, DC), jnp.float32)
                     for _ in range(NCHUNK)]
    else:
        out_specs = [pl.BlockSpec((BLK, d_out), lambda i: (i, 0))]
        out_shape = [jax.ShapeDtypeStruct((NT, d_out), jnp.float32)]

    return pl.pallas_call(
        kern,
        grid=(NT // BLK,),
        in_specs=[
            pl.BlockSpec((NCHUNK, NCORES, BLK, DC), lambda i: (0, 0, i, 0)),
            pl.BlockSpec((NCORES, BLK, DC), lambda i: (0, i, 0)),
            pl.BlockSpec((D, d_out), lambda i: (0, 0)),
            pl.BlockSpec((1, d_out), lambda i: (0, 0)),
        ],
        out_specs=out_specs,
        out_shape=out_shape,
    )(sums, cnt, w, b.reshape(1, d_out))


def _edges_pad(ei):
    src = jnp.concatenate([ei[0].astype(jnp.int32),
                           jnp.zeros((E_PAD + KE - E,), jnp.int32)])
    dst = jnp.concatenate([ei[1].astype(jnp.int32),
                           jnp.full((E_PAD - E,), DUMP, jnp.int32)])
    return src, dst


def _zeros_const():
    return jnp.zeros((STRIPE, DC), jnp.float32)


def _ones_const():
    return jnp.ones((KC, DC), jnp.float32)


def kernel(features, edge_index_u2t, edge_index_t2u, embed_user,
           W0_u2t, b0_u2t, W0_t2u, b0_t2u,
           W1_u2t, b1_u2t, W1_t2u, b1_t2u, Wc, bc):
    src_t2u, dst_t2u = _edges_pad(edge_index_t2u)
    src_u2t, dst_u2t = _edges_pad(edge_index_u2t)

    wh0 = _stage_in(features, W0_t2u, b0_t2u)
    sums_u, cnt_u = _seg_sums(wh0, src_t2u, dst_t2u)
    wh1 = _stage_merge(sums_u, cnt_u, W1_u2t, b1_u2t, relu=True,
                       split_out=True)
    sums_t, cnt_t = _seg_sums(wh1, src_u2t, dst_u2t)
    out = _stage_merge(sums_t, cnt_t, Wc, bc, relu=False, split_out=False)[0]
    return out[:N_NODES]

# --- scband reference (transcript-rebuilt; emitter-appended) ---
"""Pipeline reference for scband-hetero-rgcn-28209345200162 (READ-ONLY COPY).

The authoritative reference and input builder live on the scoring server;
editing this copy changes nothing except your own understanding.
"""

import jax, jax.numpy as jnp
import numpy as np

N_TARGET = 50000
N_USER = 50000
E = 300000
D_IN = 128
D_HID = 128
N_CLS = 8


def setup_inputs(seed: int = 0) -> dict:
    key = jax.random.key(seed)
    ks = jax.random.split(key, 16)
    def xavier(k, shape):
        fan_in, fan_out = shape[0], shape[1]
        lim = np.sqrt(6.0 / (fan_in + fan_out))
        return jax.random.uniform(k, shape, dtype=jnp.float32, minval=-lim, maxval=lim)
    inp = {
        "features": jax.random.normal(ks[0], (N_TARGET, D_IN), dtype=jnp.float32),
        "edge_index_u2t": jax.random.randint(ks[1], (2, E), 0, 50000, dtype=jnp.int64) if jax.config.jax_enable_x64 else jax.random.randint(ks[1], (2, E), 0, 50000).astype(jnp.int32),
        "edge_index_t2u": jax.random.randint(ks[2], (2, E), 0, 50000, dtype=jnp.int64) if jax.config.jax_enable_x64 else jax.random.randint(ks[2], (2, E), 0, 50000).astype(jnp.int32),
        "embed_user": xavier(ks[3], (N_USER, D_IN)),
        "W0_u2t": xavier(ks[4], (D_IN, D_HID)), "b0_u2t": jnp.zeros((D_HID,), jnp.float32),
        "W0_t2u": xavier(ks[5], (D_IN, D_HID)), "b0_t2u": jnp.zeros((D_HID,), jnp.float32),
        "W1_u2t": xavier(ks[6], (D_HID, D_HID)), "b1_u2t": jnp.zeros((D_HID,), jnp.float32),
        "W1_t2u": xavier(ks[7], (D_HID, D_HID)), "b1_t2u": jnp.zeros((D_HID,), jnp.float32),
        "Wc": xavier(ks[8], (D_HID, N_CLS)), "bc": jnp.zeros((N_CLS,), jnp.float32),
    }
    return inp


def _mean_agg(Wh, src, dst, num_dst):
    # copy_u -> gather source-transformed features onto edges, then mean-reduce per dst node
    m = jnp.take(Wh, src, axis=0)
    s = jax.ops.segment_sum(m, dst, num_segments=num_dst)
    cnt = jax.ops.segment_sum(jnp.ones((src.shape[0], 1), Wh.dtype), dst, num_segments=num_dst)
    return s / jnp.maximum(cnt, 1.0)


def reference(features, edge_index_u2t, edge_index_t2u, embed_user,
              W0_u2t, b0_u2t, W0_t2u, b0_t2u,
              W1_u2t, b1_u2t, W1_t2u, b1_t2u, Wc, bc):
    h_user = embed_user
    h_target = features
    # layer 0 (no activation before first layer)
    Wh_u = h_user @ W0_u2t + b0_u2t
    new_target = _mean_agg(Wh_u, edge_index_u2t[0], edge_index_u2t[1], N_TARGET)
    Wh_t = h_target @ W0_t2u + b0_t2u
    new_user = _mean_agg(Wh_t, edge_index_t2u[0], edge_index_t2u[1], N_USER)
    h_target, h_user = new_target, new_user
    # layer 1 (leaky_relu applied to all node types before layer, per forward)
    h_target = jax.nn.leaky_relu(h_target, negative_slope=0.01)
    h_user = jax.nn.leaky_relu(h_user, negative_slope=0.01)
    Wh_u = h_user @ W1_u2t + b1_u2t
    new_target = _mean_agg(Wh_u, edge_index_u2t[0], edge_index_u2t[1], N_TARGET)
    Wh_t = h_target @ W1_t2u + b1_t2u
    new_user = _mean_agg(Wh_t, edge_index_t2u[0], edge_index_t2u[1], N_USER)
    h_target = new_target
    # classifier on target nodes
    return h_target @ Wc + bc

if __name__ == "__main__":
    import jax
    _d = setup_inputs()
    print(jax.jit(kernel)(*tuple(_d.values())))

</pallas_src>

<mosaic_0001>
#map = affine_map<(d0, d1) -> (0, 0)>
#map1 = affine_map<(d0, d1) -> (0)>
#map2 = affine_map<(d0, d1) -> (0, 0, 0, 0)>
#map3 = affine_map<(d0, d1) -> (0, 0, 0)>
module attributes {stable_mosaic.version = 14 : i64} {
  func.func @body(%arg0: i32, %arg1: i32, %arg2: memref<50176x16xf32, #tpu.memory_space<hbm>>, %arg3: memref<50176x16xf32, #tpu.memory_space<hbm>>, %arg4: memref<50176x16xf32, #tpu.memory_space<hbm>>, %arg5: memref<50176x16xf32, #tpu.memory_space<hbm>>, %arg6: memref<50176x16xf32, #tpu.memory_space<hbm>>, %arg7: memref<50176x16xf32, #tpu.memory_space<hbm>>, %arg8: memref<50176x16xf32, #tpu.memory_space<hbm>>, %arg9: memref<50176x16xf32, #tpu.memory_space<hbm>>, %arg10: memref<311552xi32, #tpu.memory_space<hbm>>, %arg11: memref<311296xi32, #tpu.memory_space<hbm>>, %arg12: memref<3136x16xf32, #tpu.memory_space<hbm>>, %arg13: memref<128x16xf32, #tpu.memory_space<hbm>>, %arg14: memref<8x2x50176x16xf32, #tpu.memory_space<hbm>>, %arg15: memref<2x50176x16xf32, #tpu.memory_space<hbm>>, %arg16: memref<9984xi32, #tpu.memory_space<vmem>>, %arg17: memref<9728xi32, #tpu.memory_space<vmem>>, %arg18: memref<256x16xf32, #tpu.memory_space<vmem>>, %arg19: memref<256x16xf32, #tpu.memory_space<vmem>>, %arg20: memref<128x16xf32, #tpu.memory_space<vmem>>, %arg21: memref<50000x16xf32, #tpu.memory_space<vmem_shared>>, %arg22: memref<50184x16xf32, #tpu.memory_space<vmem_shared>>, %arg23: memref<!tpu.dma_semaphore, #tpu.memory_space<semaphore_mem>>, %arg24: memref<!tpu.dma_semaphore, #tpu.memory_space<semaphore_mem>>) attributes {dimension_semantics = [#tpu.dimension_semantics<core_parallel>, #tpu.dimension_semantics<subcore_parallel>], iteration_bounds = array<i64: 2, 16>, scalar_prefetch = 0 : i64, scratch_operands = 9 : i64, tpu.core_type = #tpu.core_type<sc_vector_subcore>, window_params = [{transform_indices = #map}, {transform_indices = #map}, {transform_indices = #map}, {transform_indices = #map}, {transform_indices = #map}, {transform_indices = #map}, {transform_indices = #map}, {transform_indices = #map}, {transform_indices = #map1}, {transform_indices = #map1}, {transform_indices = #map}, {transform_indices = #map}, {transform_indices = #map2}, {transform_indices = #map3}]} {
    %mul3A = arith.constant 16 : i32
    %mul3A_0 = arith.muli %arg0, %mul3A : i32
    %add3A = arith.addi %mul3A_0, %arg1 : i32
    %mul3A_1 = arith.constant 9728 : i32
    %mul3A_2 = arith.muli %add3A, %mul3A_1 : i32
    "tpu.region"() ({
      %run_scoped3A_243 = tpu.sem_alloc : memref<!tpu.dma_semaphore, #tpu.memory_space<semaphore_mem>>
      %dma_start3A_244 = tpu.memref_slice %arg10[%mul3A_2] : memref<311552xi32, #tpu.memory_space<hbm>> -> memref<9984xi32, #tpu.memory_space<hbm>>
      %dma_start3A_245 = tpu.memref_slice %arg10[%mul3A_2] : memref<311552xi32, #tpu.memory_space<hbm>> -> memref<9984xi32, #tpu.memory_space<hbm>>
      tpu.enqueue_dma source(%dma_start3A_245 : memref<9984xi32, #tpu.memory_space<hbm>>) target(%arg16 : memref<9984xi32, #tpu.memory_space<vmem>>) target_semaphore(%run_scoped3A_243 : memref<!tpu.dma_semaphore, #tpu.memory_space<semaphore_mem>>)
      %dma_wait3A_246 = tpu.memref_slice %arg10[%mul3A_2] : memref<311552xi32, #tpu.memory_space<hbm>> -> memref<9984xi32, #tpu.memory_space<hbm>>
      %dma_wait3A_247 = tpu.memref_slice %arg10[%mul3A_2] : memref<311552xi32, #tpu.memory_space<hbm>> -> memref<9984xi32, #tpu.memory_space<hbm>>
      tpu.wait_dma2 semaphore(%run_scoped3A_243 : memref<!tpu.dma_semaphore, #tpu.memory_space<semaphore_mem>>) src(%dma_wait3A_247 : memref<9984xi32, #tpu.memory_space<hbm>>) dst(%arg16 : memref<9984xi32, #tpu.memory_space<vmem>>)
      tpu.yield
    }) : () -> ()
    "tpu.region"() ({
      %run_scoped3A_243 = tpu.sem_alloc : memref<!tpu.dma_semaphore, #tpu.memory_space<semaphore_mem>>
      %dma_start3A_244 = tpu.memref_slice %arg11[%mul3A_2] : memref<311296xi32, #tpu.memory_space<hbm>> -> memref<9728xi32, #tpu.memory_space<hbm>>
      %dma_start3A_245 = tpu.memref_slice %arg11[%mul3A_2] : memref<311296xi32, #tpu.memory_space<hbm>> -> memref<9728xi32, #tpu.memory_space<hbm>>
      tpu.enqueue_dma source(%dma_start3A_245 : memref<9728xi32, #tpu.memory_space<hbm>>) target(%arg17 : memref<9728xi32, #tpu.memory_space<vmem>>) target_semaphore(%run_scoped3A_243 : memref<!tpu.dma_semaphore, #tpu.memory_space<semaphore_mem>>)
      %dma_wait3A_246 = tpu.memref_slice %arg11[%mul3A_2] : memref<311296xi32, #tpu.memory_space<hbm>> -> memref<9728xi32, #tpu.memory_space<hbm>>
      %dma_wait3A_247 = tpu.memref_slice %arg11[%mul3A_2] : memref<311296xi32, #tpu.memory_space<hbm>> -> memref<9728xi32, #tpu.memory_space<hbm>>
      tpu.wait_dma2 semaphore(%run_scoped3A_243 : memref<!tpu.dma_semaphore, #tpu.memory_space<semaphore_mem>>) src(%dma_wait3A_247 : memref<9728xi32, #tpu.memory_space<hbm>>) dst(%arg17 : memref<9728xi32, #tpu.memory_space<vmem>>)
      tpu.yield
    }) : () -> ()
    "tpu.region"() ({
      %run_scoped3A_243 = tpu.sem_alloc : memref<!tpu.dma_semaphore, #tpu.memory_space<semaphore_mem>>
      tpu.enqueue_dma source(%arg13 : memref<128x16xf32, #tpu.memory_space<hbm>>) target(%arg20 : memref<128x16xf32, #tpu.memory_space<vmem>>) target_semaphore(%run_scoped3A_243 : memref<!tpu.dma_semaphore, #tpu.memory_space<semaphore_mem>>)
      tpu.wait_dma2 semaphore(%run_scoped3A_243 : memref<!tpu.dma_semaphore, #tpu.memory_space<semaphore_mem>>) src(%arg13 : memref<128x16xf32, #tpu.memory_space<hbm>>) dst(%arg20 : memref<128x16xf32, #tpu.memory_space<vmem>>)
      tpu.yield
    }) : () -> ()
    %mul3A_3 = arith.constant 3136 : i32
    %mul3A_4 = arith.muli %arg1, %mul3A_3 : i32
    %min3A = arith.constant 46864 : i32
    %min3A_5 = arith.minsi %mul3A_4, %min3A : i32
    "tpu.region"() ({
      %run_scoped3A_243 = tpu.sem_alloc : memref<!tpu.dma_semaphore, #tpu.memory_space<semaphore_mem>>
      %dma_start3A_244 = arith.constant 0 : i32
      %dma_start3A_245 = tpu.memref_slice %arg21[%min3A_5, %dma_start3A_244] : memref<50000x16xf32, #tpu.memory_space<vmem_shared>> -> memref<3136x16xf32, #tpu.memory_space<vmem_shared>>
      %dma_start3A_246 = arith.constant 0 : i32
      %dma_start3A_247 = tpu.memref_slice %arg2[%min3A_5, %dma_start3A_246] : memref<50176x16xf32, #tpu.memory_space<hbm>> -> memref<3136x16xf32, #tpu.memory_space<hbm>>
      tpu.enqueue_dma source(%dma_start3A_247 : memref<3136x16xf32, #tpu.memory_space<hbm>>) target(%dma_start3A_245 : memref<3136x16xf32, #tpu.memory_space<vmem_shared>>) target_semaphore(%run_scoped3A_243 : memref<!tpu.dma_semaphore, #tpu.memory_space<semaphore_mem>>)
      %dma_wait3A_248 = arith.constant 0 : i32
      %dma_wait3A_249 = tpu.memref_slice %arg21[%min3A_5, %dma_wait3A_248] : memref<50000x16xf32, #tpu.memory_space<vmem_shared>> -> memref<3136x16xf32, #tpu.memory_space<vmem_shared>>
      %dma_wait3A_250 = arith.constant 0 : i32
      %dma_wait3A_251 = tpu.memref_slice %arg2[%min3A_5, %dma_wait3A_250] : memref<50176x16xf32, #tpu.memory_space<hbm>> -> memref<3136x16xf32, #tpu.memory_space<hbm>>
      tpu.wait_dma2 semaphore(%run_scoped3A_243 : memref<!tpu.dma_semaphore, #tpu.memory_space<semaphore_mem>>) src(%dma_wait3A_251 : memref<3136x16xf32, #tpu.memory_space<hbm>>) dst(%dma_wait3A_249 : memref<3136x16xf32, #tpu.memory_space<vmem_shared>>)
      tpu.yield
    }) : () -> ()
    %mul3A_6 = arith.constant 3136 : i32
    %mul3A_7 = arith.muli %arg1, %mul3A_6 : i32
    "tpu.region"() ({
      %run_scoped3A_243 = tpu.sem_alloc : memref<!tpu.dma_semaphore, #tpu.memory_space<semaphore_mem>>
      %dma_start3A_244 = arith.constant 0 : i32
      %dma_start3A_245 = tpu.memref_slice %arg22[%mul3A_7, %dma_start3A_244] : memref<50184x16xf32, #tpu.memory_space<vmem_shared>> -> memref<3136x16xf32, #tpu.memory_space<vmem_shared>>
      tpu.enqueue_dma source(%arg12 : memref<3136x16xf32, #tpu.memory_space<hbm>>) target(%dma_start3A_245 : memref<3136x16xf32, #tpu.memory_space<vmem_shared>>) target_semaphore(%run_scoped3A_243 : memref<!tpu.dma_semaphore, #tpu.memory_space<semaphore_mem>>)
      %dma_wait3A_246 = arith.constant 0 : i32
      %dma_wait3A_247 = tpu.memref_slice %arg22[%mul3A_7, %dma_wait3A_246] : memref<50184x16xf32, #tpu.memory_space<vmem_shared>> -> memref<3136x16xf32, #tpu.memory_space<vmem_shared>>
      tpu.wait_dma2 semaphore(%run_scoped3A_243 : memref<!tpu.dma_semaphore, #tpu.memory_space<semaphore_mem>>) src(%arg12 : memref<3136x16xf32, #tpu.memory_space<hbm>>) dst(%dma_wait3A_247 : memref<3136x16xf32, #tpu.memory_space<vmem_shared>>)
      tpu.yield
    }) : () -> ()
    "tpu.region"() ({
      %run_scoped3A_243 = tpu.sem_alloc : memref<!tpu.dma_semaphore, #tpu.memory_space<semaphore_mem>>
      %dma_start3A_244 = arith.constant 50176 : i32
      %dma_start3A_245 = arith.constant 0 : i32
      %dma_start3A_246 = tpu.memref_slice %arg22[%dma_start3A_244, %dma_start3A_245] : memref<50184x16xf32, #tpu.memory_space<vmem_shared>> -> memref<8x16xf32, #tpu.memory_space<vmem_shared>>
      %dma_start3A_247 = arith.constant 0 : i32
      %dma_start3A_248 = arith.constant 0 : i32
      %dma_start3A_249 = tpu.memref_slice %arg12[%dma_start3A_247, %dma_start3A_248] : memref<3136x16xf32, #tpu.memory_space<hbm>> -> memref<8x16xf32, #tpu.memory_space<hbm>>
      tpu.enqueue_dma source(%dma_start3A_249 : memref<8x16xf32, #tpu.memory_space<hbm>>) target(%dma_start3A_246 : memref<8x16xf32, #tpu.memory_space<vmem_shared>>) target_semaphore(%run_scoped3A_243 : memref<!tpu.dma_semaphore, #tpu.memory_space<semaphore_mem>>)
      %dma_wait3A_250 = arith.constant 50176 : i32
      %dma_wait3A_251 = arith.constant 0 : i32
      %dma_wait3A_252 = tpu.memref_slice %arg22[%dma_wait3A_250, %dma_wait3A_251] : memref<50184x16xf32, #tpu.memory_space<vmem_shared>> -> memref<8x16xf32, #tpu.memory_space<vmem_shared>>
      %dma_wait3A_253 = arith.constant 0 : i32
      %dma_wait3A_254 = arith.constant 0 : i32
      %dma_wait3A_255 = tpu.memref_slice %arg12[%dma_wait3A_253, %dma_wait3A_254] : memref<3136x16xf32, #tpu.memory_space<hbm>> -> memref<8x16xf32, #tpu.memory_space<hbm>>
      tpu.wait_dma2 semaphore(%run_scoped3A_243 : memref<!tpu.dma_semaphore, #tpu.memory_space<semaphore_mem>>) src(%dma_wait3A_255 : memref<8x16xf32, #tpu.memory_space<hbm>>) dst(%dma_wait3A_252 : memref<8x16xf32, #tpu.memory_space<vmem_shared>>)
      tpu.yield
    }) : () -> ()
    %barrier3A = arith.constant 0 : index
    tpu.barrier barrier_id(%barrier3A)
    %dma_start3A = arith.constant 0 : i32
    %dma_start3A_8 = tpu.memref_slice %arg16[%dma_start3A] : memref<9984xi32, #tpu.memory_space<vmem>> -> memref<256xi32, #tpu.memory_space<vmem>>
    %dma_start3A_9 = arith.constant 0 : i32
    %dma_start3A_10 = arith.constant 0 : i32
    %dma_start3A_11 = tpu.memref_slice %arg21[%dma_start3A_9, %dma_start3A_10] : memref<50000x16xf32, #tpu.memory_space<vmem_shared>> -> memref<50000x16xf32, #tpu.memory_space<vmem_shared>>
    tpu.enqueue_indirect_dma source(%dma_start3A_11 : memref<50000x16xf32, #tpu.memory_space<vmem_shared>>) target(%arg18 : memref<256x16xf32, #tpu.memory_space<vmem>>) offsets(%dma_start3A_8 : memref<256xi32, #tpu.memory_space<vmem>>) semaphore(%arg23 : memref<!tpu.dma_semaphore, #tpu.memory_space<semaphore_mem>>)
    %scan3A = arith.constant 0 : i32
    %scan3A_12 = arith.constant 0 : i32
    %scan3A_13 = arith.constant 19 : i32
    %scan3A_14 = arith.addi %scan3A_12, %scan3A_13 : i32
    %scan3A_15 = arith.constant 1 : i32
    %scan3A_16 = scf.for %scan3A_243 = %scan3A_12 to %scan3A_14 step %scan3A_15 iter_args(%scan3A_244 = %scan3A) -> (i32)  : i32 {
      %mul3A_245 = arith.constant 2 : i32
      %mul3A_246 = arith.muli %scan3A_243, %mul3A_245 : i32
      %mul3A_247 = arith.constant 256 : i32
      %mul3A_248 = arith.muli %mul3A_246, %mul3A_247 : i32
      %dma_wait3A_249 = tpu.memref_slice %arg16[%mul3A_248] : memref<9984xi32, #tpu.memory_space<vmem>> -> memref<256xi32, #tpu.memory_space<vmem>>
      %dma_wait3A_250 = arith.constant 0 : i32
      %dma_wait3A_251 = arith.constant 0 : i32
      %dma_wait3A_252 = tpu.memref_slice %arg21[%dma_wait3A_250, %dma_wait3A_251] : memref<50000x16xf32, #tpu.memory_space<vmem_shared>> -> memref<50000x16xf32, #tpu.memory_space<vmem_shared>>
      tpu.wait_indirect_dma semaphore(%arg23 : memref<!tpu.dma_semaphore, #tpu.memory_space<semaphore_mem>>) src(%dma_wait3A_252 : memref<50000x16xf32, #tpu.memory_space<vmem_shared>>) dst(%arg18 : memref<256x16xf32, #tpu.memory_space<vmem>>)
      %add3A_253 = arith.constant 1 : i32
      %add3A_254 = arith.addi %mul3A_246, %add3A_253 : i32
      %mul3A_255 = arith.constant 256 : i32
      %mul3A_256 = arith.muli %add3A_254, %mul3A_255 : i32
      %dma_start3A_257 = tpu.memref_slice %arg16[%mul3A_256] : memref<9984xi32, #tpu.memory_space<vmem>> -> memref<256xi32, #tpu.memory_space<vmem>>
      %dma_start3A_258 = arith.constant 0 : i32
      %dma_start3A_259 = arith.constant 0 : i32
      %dma_start3A_260 = tpu.memref_slice %arg21[%dma_start3A_258, %dma_start3A_259] : memref<50000x16xf32, #tpu.memory_space<vmem_shared>> -> memref<50000x16xf32, #tpu.memory_space<vmem_shared>>
      tpu.enqueue_indirect_dma source(%dma_start3A_260 : memref<50000x16xf32, #tpu.memory_space<vmem_shared>>) target(%arg19 : memref<256x16xf32, #tpu.memory_space<vmem>>) offsets(%dma_start3A_257 : memref<256xi32, #tpu.memory_space<vmem>>) semaphore(%arg24 : memref<!tpu.dma_semaphore, #tpu.memory_space<semaphore_mem>>)
      %mul3A_261 = arith.constant 256 : i32
      %mul3A_262 = arith.muli %mul3A_246, %mul3A_261 : i32
      "tpu.region"() ({
        %run_scoped3A_284 = tpu.sem_alloc : memref<!tpu.dma_semaphore, #tpu.memory_space<semaphore_mem>>
        %dma_start3A_285 = tpu.memref_slice %arg17[%mul3A_262] : memref<9728xi32, #tpu.memory_space<vmem>> -> memref<256xi32, #tpu.memory_space<vmem>>
        %dma_start3A_286 = arith.constant 0 : i32
        %dma_start3A_287 = arith.constant 0 : i32
        %dma_start3A_288 = tpu.memref_slice %arg22[%dma_start3A_286, %dma_start3A_287] : memref<50184x16xf32, #tpu.memory_space<vmem_shared>> -> memref<50184x16xf32, #tpu.memory_space<vmem_shared>>
        tpu.enqueue_indirect_dma source(%arg18 : memref<256x16xf32, #tpu.memory_space<vmem>>) target(%dma_start3A_288 : memref<50184x16xf32, #tpu.memory_space<vmem_shared>>) offsets(%dma_start3A_285 : memref<256xi32, #tpu.memory_space<vmem>>) semaphore(%run_scoped3A_284 : memref<!tpu.dma_semaphore, #tpu.memory_space<semaphore_mem>>) {add = true}
        %dma_wait3A_289 = tpu.memref_slice %arg17[%mul3A_262] : memref<9728xi32, #tpu.memory_space<vmem>> -> memref<256xi32, #tpu.memory_space<vmem>>
        %dma_wait3A_290 = arith.constant 0 : i32
        %dma_wait3A_291 = arith.constant 0 : i32
        %dma_wait3A_292 = tpu.memref_slice %arg22[%dma_wait3A_290, %dma_wait3A_291] : memref<50184x16xf32, #tpu.memory_space<vmem_shared>> -> memref<50184x16xf32, #tpu.memory_space<vmem_shared>>
        tpu.wait_indirect_dma semaphore(%run_scoped3A_284 : memref<!tpu.dma_semaphore, #tpu.memory_space<semaphore_mem>>) src(%arg18 : memref<256x16xf32, #tpu.memory_space<vmem>>) dst(%dma_wait3A_292 : memref<50184x16xf32, #tpu.memory_space<vmem_shared>>)
        tpu.yield
      }) : () -> ()
      %add3A_263 = arith.constant 1 : i32
      %add3A_264 = arith.addi %mul3A_246, %add3A_263 : i32
      %mul3A_265 = arith.constant 256 : i32
      %mul3A_266 = arith.muli %add3A_264, %mul3A_265 : i32
      %dma_wait3A_267 = tpu.memref_slice %arg16[%mul3A_266] : memref<9984xi32, #tpu.memory_space<vmem>> -> memref<256xi32, #tpu.memory_space<vmem>>
      %dma_wait3A_268 = arith.constant 0 : i32
      %dma_wait3A_269 = arith.constant 0 : i32
      %dma_wait3A_270 = tpu.memref_slice %arg21[%dma_wait3A_268, %dma_wait3A_269] : memref<50000x16xf32, #tpu.memory_space<vmem_shared>> -> memref<50000x16xf32, #tpu.memory_space<vmem_shared>>
      tpu.wait_indirect_dma semaphore(%arg24 : memref<!tpu.dma_semaphore, #tpu.memory_space<semaphore_mem>>) src(%dma_wait3A_270 : memref<50000x16xf32, #tpu.memory_space<vmem_shared>>) dst(%arg19 : memref<256x16xf32, #tpu.memory_space<vmem>>)
      %add3A_271 = arith.constant 2 : i32
      %add3A_272 = arith.addi %mul3A_246, %add3A_271 : i32
      %mul3A_273 = arith.constant 256 : i32
      %mul3A_274 = arith.muli %add3A_272, %mul3A_273 : i32
      %dma_start3A_275 = tpu.memref_slice %arg16[%mul3A_274] : memref<9984xi32, #tpu.memory_space<vmem>> -> memref<256xi32, #tpu.memory_space<vmem>>
      %dma_start3A_276 = arith.constant 0 : i32
      %dma_start3A_277 = arith.constant 0 : i32
      %dma_start3A_278 = tpu.memref_slice %arg21[%dma_start3A_276, %dma_start3A_277] : memref<50000x16xf32, #tpu.memory_space<vmem_shared>> -> memref<50000x16xf32, #tpu.memory_space<vmem_shared>>
      tpu.enqueue_indirect_dma source(%dma_start3A_278 : memref<50000x16xf32, #tpu.memory_space<vmem_shared>>) target(%arg18 : memref<256x16xf32, #tpu.memory_space<vmem>>) offsets(%dma_start3A_275 : memref<256xi32, #tpu.memory_space<vmem>>) semaphore(%arg23 : memref<!tpu.dma_semaphore, #tpu.memory_space<semaphore_mem>>)
      %add3A_279 = arith.constant 1 : i32
      %add3A_280 = arith.addi %mul3A_246, %add3A_279 : i32
      %mul3A_281 = arith.constant 256 : i32
      %mul3A_282 = arith.muli %add3A_280, %mul3A_281 : i32
      "tpu.region"() ({
        %run_scoped3A_284 = tpu.sem_alloc : memref<!tpu.dma_semaphore, #tpu.memory_space<semaphore_mem>>
        %dma_start3A_285 = tpu.memref_slice %arg17[%mul3A_282] : memref<9728xi32, #tpu.memory_space<vmem>> -> memref<256xi32, #tpu.memory_space<vmem>>
        %dma_start3A_286 = arith.constant 0 : i32
        %dma_start3A_287 = arith.constant 0 : i32
        %dma_start3A_288 = tpu.memref_slice %arg22[%dma_start3A_286, %dma_start3A_287] : memref<50184x16xf32, #tpu.memory_space<vmem_shared>> -> memref<50184x16xf32, #tpu.memory_space<vmem_shared>>
        tpu.enqueue_indirect_dma source(%arg19 : memref<256x16xf32, #tpu.memory_space<vmem>>) target(%dma_start3A_288 : memref<50184x16xf32, #tpu.memory_space<vmem_shared>>) offsets(%dma_start3A_285 : memref<256xi32, #tpu.memory_space<vmem>>) semaphore(%run_scoped3A_284 : memref<!tpu.dma_semaphore, #tpu.memory_space<semaphore_mem>>) {add = true}
        %dma_wait3A_289 = tpu.memref_slice %arg17[%mul3A_282] : memref<9728xi32, #tpu.memory_space<vmem>> -> memref<256xi32, #tpu.memory_space<vmem>>
        %dma_wait3A_290 = arith.constant 0 : i32
        %dma_wait3A_291 = arith.constant 0 : i32
        %dma_wait3A_292 = tpu.memref_slice %arg22[%dma_wait3A_290, %dma_wait3A_291] : memref<50184x16xf32, #tpu.memory_space<vmem_shared>> -> memref<50184x16xf32, #tpu.memory_space<vmem_shared>>
        tpu.wait_indirect_dma semaphore(%run_scoped3A_284 : memref<!tpu.dma_semaphore, #tpu.memory_space<semaphore_mem>>) src(%arg19 : memref<256x16xf32, #tpu.memory_space<vmem>>) dst(%dma_wait3A_292 : memref<50184x16xf32, #tpu.memory_space<vmem_shared>>)
        tpu.yield
      }) : () -> ()
      %scan3A_283 = arith.constant 0 : i32
      scf.yield %scan3A_283 : i32
    }
    %scan3A_17 = arith.constant 19 : i32
    %dma_wait3A = arith.constant 9728 : i32
    %dma_wait3A_18 = tpu.memref_slice %arg16[%dma_wait3A] : memref<9984xi32, #tpu.memory_space<vmem>> -> memref<256xi32, #tpu.memory_space<vmem>>
    %dma_wait3A_19 = arith.constant 0 : i32
    %dma_wait3A_20 = arith.constant 0 : i32
    %dma_wait3A_21 = tpu.memref_slice %arg21[%dma_wait3A_19, %dma_wait3A_20] : memref<50000x16xf32, #tpu.memory_space<vmem_shared>> -> memref<50000x16xf32, #tpu.memory_space<vmem_shared>>
    tpu.wait_indirect_dma semaphore(%arg23 : memref<!tpu.dma_semaphore, #tpu.memory_space<semaphore_mem>>) src(%dma_wait3A_21 : memref<50000x16xf32, #tpu.memory_space<vmem_shared>>) dst(%arg18 : memref<256x16xf32, #tpu.memory_space<vmem>>)
    %barrier3A_22 = arith.constant 0 : index
    tpu.barrier barrier_id(%barrier3A_22)
    %mul3A_23 = arith.constant 3136 : i32
    %mul3A_24 = arith.muli %arg1, %mul3A_23 : i32
    %run_scoped3A = arith.constant 0 : i32
    "tpu.region"() ({
      %run_scoped3A_243 = tpu.sem_alloc : memref<!tpu.dma_semaphore, #tpu.memory_space<semaphore_mem>>
      %dma_start3A_244 = arith.constant 0 : i32
      %dma_start3A_245 = arith.constant 0 : i32
      %dma_start3A_246 = tpu.memref_slice %arg14[%run_scoped3A, %arg0, %dma_start3A_244, %dma_start3A_245] : memref<8x2x50176x16xf32, #tpu.memory_space<hbm>> -> memref<1x1x50176x16xf32, #tpu.memory_space<hbm>>
      %dma_start3A_247 = tpu.memref_squeeze %dma_start3A_246 : memref<1x1x50176x16xf32, #tpu.memory_space<hbm>> -> memref<50176x16xf32, #tpu.memory_space<hbm>>
      %dma_start3A_248 = arith.constant 0 : i32
      %dma_start3A_249 = tpu.memref_slice %dma_start3A_247[%mul3A_24, %dma_start3A_248] : memref<50176x16xf32, #tpu.memory_space<hbm>> -> memref<3136x16xf32, #tpu.memory_space<hbm>>
      %dma_start3A_250 = arith.constant 0 : i32
      %dma_start3A_251 = tpu.memref_slice %arg22[%mul3A_24, %dma_start3A_250] : memref<50184x16xf32, #tpu.memory_space<vmem_shared>> -> memref<3136x16xf32, #tpu.memory_space<vmem_shared>>
      tpu.enqueue_dma source(%dma_start3A_251 : memref<3136x16xf32, #tpu.memory_space<vmem_shared>>) target(%dma_start3A_249 : memref<3136x16xf32, #tpu.memory_space<hbm>>) target_semaphore(%run_scoped3A_243 : memref<!tpu.dma_semaphore, #tpu.memory_space<semaphore_mem>>)
      %dma_wait3A_252 = arith.constant 0 : i32
      %dma_wait3A_253 = arith.constant 0 : i32
      %dma_wait3A_254 = tpu.memref_slice %arg14[%run_scoped3A, %arg0, %dma_wait3A_252, %dma_wait3A_253] : memref<8x2x50176x16xf32, #tpu.memory_space<hbm>> -> memref<1x1x50176x16xf32, #tpu.memory_space<hbm>>
      %dma_wait3A_255 = tpu.memref_squeeze %dma_wait3A_254 : memref<1x1x50176x16xf32, #tpu.memory_space<hbm>> -> memref<50176x16xf32, #tpu.memory_space<hbm>>
      %dma_wait3A_256 = arith.constant 0 : i32
      %dma_wait3A_257 = tpu.memref_slice %dma_wait3A_255[%mul3A_24, %dma_wait3A_256] : memref<50176x16xf32, #tpu.memory_space<hbm>> -> memref<3136x16xf32, #tpu.memory_space<hbm>>
      %dma_wait3A_258 = arith.constant 0 : i32
      %dma_wait3A_259 = tpu.memref_slice %arg22[%mul3A_24, %dma_wait3A_258] : memref<50184x16xf32, #tpu.memory_space<vmem_shared>> -> memref<3136x16xf32, #tpu.memory_space<vmem_shared>>
      tpu.wait_dma2 semaphore(%run_scoped3A_243 : memref<!tpu.dma_semaphore, #tpu.memory_space<semaphore_mem>>) src(%dma_wait3A_259 : memref<3136x16xf32, #tpu.memory_space<vmem_shared>>) dst(%dma_wait3A_257 : memref<3136x16xf32, #tpu.memory_space<hbm>>)
      tpu.yield
    }) : () -> ()
    %barrier3A_25 = arith.constant 0 : index
    tpu.barrier barrier_id(%barrier3A_25)
    %mul3A_26 = arith.constant 3136 : i32
    %mul3A_27 = arith.muli %arg1, %mul3A_26 : i32
    %min3A_28 = arith.constant 46864 : i32
    %min3A_29 = arith.minsi %mul3A_27, %min3A_28 : i32
    "tpu.region"() ({
      %run_scoped3A_243 = tpu.sem_alloc : memref<!tpu.dma_semaphore, #tpu.memory_space<semaphore_mem>>
      %dma_start3A_244 = arith.constant 0 : i32
      %dma_start3A_245 = tpu.memref_slice %arg21[%min3A_29, %dma_start3A_244] : memref<50000x16xf32, #tpu.memory_space<vmem_shared>> -> memref<3136x16xf32, #tpu.memory_space<vmem_shared>>
      %dma_start3A_246 = arith.constant 0 : i32
      %dma_start3A_247 = tpu.memref_slice %arg3[%min3A_29, %dma_start3A_246] : memref<50176x16xf32, #tpu.memory_space<hbm>> -> memref<3136x16xf32, #tpu.memory_space<hbm>>
      tpu.enqueue_dma source(%dma_start3A_247 : memref<3136x16xf32, #tpu.memory_space<hbm>>) target(%dma_start3A_245 : memref<3136x16xf32, #tpu.memory_space<vmem_shared>>) target_semaphore(%run_scoped3A_243 : memref<!tpu.dma_semaphore, #tpu.memory_space<semaphore_mem>>)
      %dma_wait3A_248 = arith.constant 0 : i32
      %dma_wait3A_249 = tpu.memref_slice %arg21[%min3A_29, %dma_wait3A_248] : memref<50000x16xf32, #tpu.memory_space<vmem_shared>> -> memref<3136x16xf32, #tpu.memory_space<vmem_shared>>
      %dma_wait3A_250 = arith.constant 0 : i32
      %dma_wait3A_251 = tpu.memref_slice %arg3[%min3A_29, %dma_wait3A_250] : memref<50176x16xf32, #tpu.memory_space<hbm>> -> memref<3136x16xf32, #tpu.memory_space<hbm>>
      tpu.wait_dma2 semaphore(%run_scoped3A_243 : memref<!tpu.dma_semaphore, #tpu.memory_space<semaphore_mem>>) src(%dma_wait3A_251 : memref<3136x16xf32, #tpu.memory_space<hbm>>) dst(%dma_wait3A_249 : memref<3136x16xf32, #tpu.memory_space<vmem_shared>>)
      tpu.yield
    }) : () -> ()
    %mul3A_30 = arith.constant 3136 : i32
    %mul3A_31 = arith.muli %arg1, %mul3A_30 : i32
    "tpu.region"() ({
      %run_scoped3A_243 = tpu.sem_alloc : memref<!tpu.dma_semaphore, #tpu.memory_space<semaphore_mem>>
      %dma_start3A_244 = arith.constant 0 : i32
      %dma_start3A_245 = tpu.memref_slice %arg22[%mul3A_31, %dma_start3A_244] : memref<50184x16xf32, #tpu.memory_space<vmem_shared>> -> memref<3136x16xf32, #tpu.memory_space<vmem_shared>>
      tpu.enqueue_dma source(%arg12 : memref<3136x16xf32, #tpu.memory_space<hbm>>) target(%dma_start3A_245 : memref<3136x16xf32, #tpu.memory_space<vmem_shared>>) target_semaphore(%run_scoped3A_243 : memref<!tpu.dma_semaphore, #tpu.memory_space<semaphore_mem>>)
      %dma_wait3A_246 = arith.constant 0 : i32
      %dma_wait3A_247 = tpu.memref_slice %arg22[%mul3A_31, %dma_wait3A_246] : memref<50184x16xf32, #tpu.memory_space<vmem_shared>> -> memref<3136x16xf32, #tpu.memory_space<vmem_shared>>
      tpu.wait_dma2 semaphore(%run_scoped3A_243 : memref<!tpu.dma_semaphore, #tpu.memory_space<semaphore_mem>>) src(%arg12 : memref<3136x16xf32, #tpu.memory_space<hbm>>) dst(%dma_wait3A_247 : memref<3136x16xf32, #tpu.memory_space<vmem_shared>>)
      tpu.yield
    }) : () -> ()
    "tpu.region"() ({
      %run_scoped3A_243 = tpu.sem_alloc : memref<!tpu.dma_semaphore, #tpu.memory_space<semaphore_mem>>
      %dma_start3A_244 = arith.constant 50176 : i32
      %dma_start3A_245 = arith.constant 0 : i32
      %dma_start3A_246 = tpu.memref_slice %arg22[%dma_start3A_244, %dma_start3A_245] : memref<50184x16xf32, #tpu.memory_space<vmem_shared>> -> memref<8x16xf32, #tpu.memory_space<vmem_shared>>
      %dma_start3A_247 = arith.constant 0 : i32
      %dma_start3A_248 = arith.constant 0 : i32
      %dma_start3A_249 = tpu.memref_slice %arg12[%dma_start3A_247, %dma_start3A_248] : memref<3136x16xf32, #tpu.memory_space<hbm>> -> memref<8x16xf32, #tpu.memory_space<hbm>>
      tpu.enqueue_dma source(%dma_start3A_249 : memref<8x16xf32, #tpu.memory_space<hbm>>) target(%dma_start3A_246 : memref<8x16xf32, #tpu.memory_space<vmem_shared>>) target_semaphore(%run_scoped3A_243 : memref<!tpu.dma_semaphore, #tpu.memory_space<semaphore_mem>>)
      %dma_wait3A_250 = arith.constant 50176 : i32
      %dma_wait3A_251 = arith.constant 0 : i32
      %dma_wait3A_252 = tpu.memref_slice %arg22[%dma_wait3A_250, %dma_wait3A_251] : memref<50184x16xf32, #tpu.memory_space<vmem_shared>> -> memref<8x16xf32, #tpu.memory_space<vmem_shared>>
      %dma_wait3A_253 = arith.constant 0 : i32
      %dma_wait3A_254 = arith.constant 0 : i32
      %dma_wait3A_255 = tpu.memref_slice %arg12[%dma_wait3A_253, %dma_wait3A_254] : memref<3136x16xf32, #tpu.memory_space<hbm>> -> memref<8x16xf32, #tpu.memory_space<hbm>>
      tpu.wait_dma2 semaphore(%run_scoped3A_243 : memref<!tpu.dma_semaphore, #tpu.memory_space<semaphore_mem>>) src(%dma_wait3A_255 : memref<8x16xf32, #tpu.memory_space<hbm>>) dst(%dma_wait3A_252 : memref<8x16xf32, #tpu.memory_space<vmem_shared>>)
      tpu.yield
    }) : () -> ()
    %barrier3A_32 = arith.constant 0 : index
    tpu.barrier barrier_id(%barrier3A_32)
    %dma_start3A_33 = arith.constant 0 : i32
    %dma_start3A_34 = tpu.memref_slice %arg16[%dma_start3A_33] : memref<9984xi32, #tpu.memory_space<vmem>> -> memref<256xi32, #tpu.memory_space<vmem>>
    %dma_start3A_35 = arith.constant 0 : i32
    %dma_start3A_36 = arith.constant 0 : i32
    %dma_start3A_37 = tpu.memref_slice %arg21[%dma_start3A_35, %dma_start3A_36] : memref<50000x16xf32, #tpu.memory_space<vmem_shared>> -> memref<50000x16xf32, #tpu.memory_space<vmem_shared>>
    tpu.enqueue_indirect_dma source(%dma_start3A_37 : memref<50000x16xf32, #tpu.memory_space<vmem_shared>>) target(%arg18 : memref<256x16xf32, #tpu.memory_space<vmem>>) offsets(%dma_start3A_34 : memref<256xi32, #tpu.memory_space<vmem>>) semaphore(%arg23 : memref<!tpu.dma_semaphore, #tpu.memory_space<semaphore_mem>>)
    %scan3A_38 = arith.constant 0 : i32
    %scan3A_39 = arith.constant 0 : i32
    %scan3A_40 = arith.constant 19 : i32
    %scan3A_41 = arith.addi %scan3A_39, %scan3A_40 : i32
    %scan3A_42 = arith.constant 1 : i32
    %scan3A_43 = scf.for %scan3A_243 = %scan3A_39 to %scan3A_41 step %scan3A_42 iter_args(%scan3A_244 = %scan3A_38) -> (i32)  : i32 {
      %mul3A_245 = arith.constant 2 : i32
      %mul3A_246 = arith.muli %scan3A_243, %mul3A_245 : i32
      %mul3A_247 = arith.constant 256 : i32
      %mul3A_248 = arith.muli %mul3A_246, %mul3A_247 : i32
      %dma_wait3A_249 = tpu.memref_slice %arg16[%mul3A_248] : memref<9984xi32, #tpu.memory_space<vmem>> -> memref<256xi32, #tpu.memory_space<vmem>>
      %dma_wait3A_250 = arith.constant 0 : i32
      %dma_wait3A_251 = arith.constant 0 : i32
      %dma_wait3A_252 = tpu.memref_slice %arg21[%dma_wait3A_250, %dma_wait3A_251] : memref<50000x16xf32, #tpu.memory_space<vmem_shared>> -> memref<50000x16xf32, #tpu.memory_space<vmem_shared>>
      tpu.wait_indirect_dma semaphore(%arg23 : memref<!tpu.dma_semaphore, #tpu.memory_space<semaphore_mem>>) src(%dma_wait3A_252 : memref<50000x16xf32, #tpu.memory_space<vmem_shared>>) dst(%arg18 : memref<256x16xf32, #tpu.memory_space<vmem>>)
      %add3A_253 = arith.constant 1 : i32
      %add3A_254 = arith.addi %mul3A_246, %add3A_253 : i32
      %mul3A_255 = arith.constant 256 : i32
      %mul3A_256 = arith.muli %add3A_254, %mul3A_255 : i32
      %dma_start3A_257 = tpu.memref_slice %arg16[%mul3A_256] : memref<9984xi32, #tpu.memory_space<vmem>> -> memref<256xi32, #tpu.memory_space<vmem>>
      %dma_start3A_258 = arith.constant 0 : i32
      %dma_start3A_259 = arith.constant 0 : i32
      %dma_start3A_260 = tpu.memref_slice %arg21[%dma_start3A_258, %dma_start3A_259] : memref<50000x16xf32, #tpu.memory_space<vmem_shared>> -> memref<50000x16xf32, #tpu.memory_space<vmem_shared>>
      tpu.enqueue_indirect_dma source(%dma_start3A_260 : memref<50000x16xf32, #tpu.memory_space<vmem_shared>>) target(%arg19 : memref<256x16xf32, #tpu.memory_space<vmem>>) offsets(%dma_start3A_257 : memref<256xi32, #tpu.memory_space<vmem>>) semaphore(%arg24 : memref<!tpu.dma_semaphore, #tpu.memory_space<semaphore_mem>>)
      %mul3A_261 = arith.constant 256 : i32
      %mul3A_262 = arith.muli %mul3A_246, %mul3A_261 : i32
      "tpu.region"() ({
        %run_scoped3A_284 = tpu.sem_alloc : memref<!tpu.dma_semaphore, #tpu.memory_space<semaphore_mem>>
        %dma_start3A_285 = tpu.memref_slice %arg17[%mul3A_262] : memref<9728xi32, #tpu.memory_space<vmem>> -> memref<256xi32, #tpu.memory_space<vmem>>
        %dma_start3A_286 = arith.constant 0 : i32
        %dma_start3A_287 = arith.constant 0 : i32
        %dma_start3A_288 = tpu.memref_slice %arg22[%dma_start3A_286, %dma_start3A_287] : memref<50184x16xf32, #tpu.memory_space<vmem_shared>> -> memref<50184x16xf32, #tpu.memory_space<vmem_shared>>
        tpu.enqueue_indirect_dma source(%arg18 : memref<256x16xf32, #tpu.memory_space<vmem>>) target(%dma_start3A_288 : memref<50184x16xf32, #tpu.memory_space<vmem_shared>>) offsets(%dma_start3A_285 : memref<256xi32, #tpu.memory_space<vmem>>) semaphore(%run_scoped3A_284 : memref<!tpu.dma_semaphore, #tpu.memory_space<semaphore_mem>>) {add = true}
        %dma_wait3A_289 = tpu.memref_slice %arg17[%mul3A_262] : memref<9728xi32, #tpu.memory_space<vmem>> -> memref<256xi32, #tpu.memory_space<vmem>>
        %dma_wait3A_290 = arith.constant 0 : i32
        %dma_wait3A_291 = arith.constant 0 : i32
        %dma_wait3A_292 = tpu.memref_slice %arg22[%dma_wait3A_290, %dma_wait3A_291] : memref<50184x16xf32, #tpu.memory_space<vmem_shared>> -> memref<50184x16xf32, #tpu.memory_space<vmem_shared>>
        tpu.wait_indirect_dma semaphore(%run_scoped3A_284 : memref<!tpu.dma_semaphore, #tpu.memory_space<semaphore_mem>>) src(%arg18 : memref<256x16xf32, #tpu.memory_space<vmem>>) dst(%dma_wait3A_292 : memref<50184x16xf32, #tpu.memory_space<vmem_shared>>)
        tpu.yield
      }) : () -> ()
      %add3A_263 = arith.constant 1 : i32
      %add3A_264 = arith.addi %mul3A_246, %add3A_263 : i32
      %mul3A_265 = arith.constant 256 : i32
      %mul3A_266 = arith.muli %add3A_264, %mul3A_265 : i32
      %dma_wait3A_267 = tpu.memref_slice %arg16[%mul3A_266] : memref<9984xi32, #tpu.memory_space<vmem>> -> memref<256xi32, #tpu.memory_space<vmem>>
      %dma_wait3A_268 = arith.constant 0 : i32
      %dma_wait3A_269 = arith.constant 0 : i32
      %dma_wait3A_270 = tpu.memref_slice %arg21[%dma_wait3A_268, %dma_wait3A_269] : memref<50000x16xf32, #tpu.memory_space<vmem_shared>> -> memref<50000x16xf32, #tpu.memory_space<vmem_shared>>
      tpu.wait_indirect_dma semaphore(%arg24 : memref<!tpu.dma_semaphore, #tpu.memory_space<semaphore_mem>>) src(%dma_wait3A_270 : memref<50000x16xf32, #tpu.memory_space<vmem_shared>>) dst(%arg19 : memref<256x16xf32, #tpu.memory_space<vmem>>)
      %add3A_271 = arith.constant 2 : i32
      %add3A_272 = arith.addi %mul3A_246, %add3A_271 : i32
      %mul3A_273 = arith.constant 256 : i32
      %mul3A_274 = arith.muli %add3A_272, %mul3A_273 : i32
      %dma_start3A_275 = tpu.memref_slice %arg16[%mul3A_274] : memref<9984xi32, #tpu.memory_space<vmem>> -> memref<256xi32, #tpu.memory_space<vmem>>
      %dma_start3A_276 = arith.constant 0 : i32
      %dma_start3A_277 = arith.constant 0 : i32
      %dma_start3A_278 = tpu.memref_slice %arg21[%dma_start3A_276, %dma_start3A_277] : memref<50000x16xf32, #tpu.memory_space<vmem_shared>> -> memref<50000x16xf32, #tpu.memory_space<vmem_shared>>
      tpu.enqueue_indirect_dma source(%dma_start3A_278 : memref<50000x16xf32, #tpu.memory_space<vmem_shared>>) target(%arg18 : memref<256x16xf32, #tpu.memory_space<vmem>>) offsets(%dma_start3A_275 : memref<256xi32, #tpu.memory_space<vmem>>) semaphore(%arg23 : memref<!tpu.dma_semaphore, #tpu.memory_space<semaphore_mem>>)
      %add3A_279 = arith.constant 1 : i32
      %add3A_280 = arith.addi %mul3A_246, %add3A_279 : i32
      %mul3A_281 = arith.constant 256 : i32
      %mul3A_282 = arith.muli %add3A_280, %mul3A_281 : i32
      "tpu.region"() ({
        %run_scoped3A_284 = tpu.sem_alloc : memref<!tpu.dma_semaphore, #tpu.memory_space<semaphore_mem>>
        %dma_start3A_285 = tpu.memref_slice %arg17[%mul3A_282] : memref<9728xi32, #tpu.memory_space<vmem>> -> memref<256xi32, #tpu.memory_space<vmem>>
        %dma_start3A_286 = arith.constant 0 : i32
        %dma_start3A_287 = arith.constant 0 : i32
        %dma_start3A_288 = tpu.memref_slice %arg22[%dma_start3A_286, %dma_start3A_287] : memref<50184x16xf32, #tpu.memory_space<vmem_shared>> -> memref<50184x16xf32, #tpu.memory_space<vmem_shared>>
        tpu.enqueue_indirect_dma source(%arg19 : memref<256x16xf32, #tpu.memory_space<vmem>>) target(%dma_start3A_288 : memref<50184x16xf32, #tpu.memory_space<vmem_shared>>) offsets(%dma_start3A_285 : memref<256xi32, #tpu.memory_space<vmem>>) semaphore(%run_scoped3A_284 : memref<!tpu.dma_semaphore, #tpu.memory_space<semaphore_mem>>) {add = true}
        %dma_wait3A_289 = tpu.memref_slice %arg17[%mul3A_282] : memref<9728xi32, #tpu.memory_space<vmem>> -> memref<256xi32, #tpu.memory_space<vmem>>
        %dma_wait3A_290 = arith.constant 0 : i32
        %dma_wait3A_291 = arith.constant 0 : i32
        %dma_wait3A_292 = tpu.memref_slice %arg22[%dma_wait3A_290, %dma_wait3A_291] : memref<50184x16xf32, #tpu.memory_space<vmem_shared>> -> memref<50184x16xf32, #tpu.memory_space<vmem_shared>>
        tpu.wait_indirect_dma semaphore(%run_scoped3A_284 : memref<!tpu.dma_semaphore, #tpu.memory_space<semaphore_mem>>) src(%arg19 : memref<256x16xf32, #tpu.memory_space<vmem>>) dst(%dma_wait3A_292 : memref<50184x16xf32, #tpu.memory_space<vmem_shared>>)
        tpu.yield
      }) : () -> ()
      %scan3A_283 = arith.constant 0 : i32
      scf.yield %scan3A_283 : i32
    }
    %scan3A_44 = arith.constant 19 : i32
    %dma_wait3A_45 = arith.constant 9728 : i32
    %dma_wait3A_46 = tpu.memref_slice %arg16[%dma_wait3A_45] : memref<9984xi32, #tpu.memory_space<vmem>> -> memref<256xi32, #tpu.memory_space<vmem>>
    %dma_wait3A_47 = arith.constant 0 : i32
    %dma_wait3A_48 = arith.constant 0 : i32
    %dma_wait3A_49 = tpu.memref_slice %arg21[%dma_wait3A_47, %dma_wait3A_48] : memref<50000x16xf32, #tpu.memory_space<vmem_shared>> -> memref<50000x16xf32, #tpu.memory_space<vmem_shared>>
    tpu.wait_indirect_dma semaphore(%arg23 : memref<!tpu.dma_semaphore, #tpu.memory_space<semaphore_mem>>) src(%dma_wait3A_49 : memref<50000x16xf32, #tpu.memory_space<vmem_shared>>) dst(%arg18 : memref<256x16xf32, #tpu.memory_space<vmem>>)
    %barrier3A_50 = arith.constant 0 : index
    tpu.barrier barrier_id(%barrier3A_50)
    %mul3A_51 = arith.constant 3136 : i32
    %mul3A_52 = arith.muli %arg1, %mul3A_51 : i32
    %run_scoped3A_53 = arith.constant 1 : i32
    "tpu.region"() ({
      %run_scoped3A_243 = tpu.sem_alloc : memref<!tpu.dma_semaphore, #tpu.memory_space<semaphore_mem>>
      %dma_start3A_244 = arith.constant 0 : i32
      %dma_start3A_245 = arith.constant 0 : i32
      %dma_start3A_246 = tpu.memref_slice %arg14[%run_scoped3A_53, %arg0, %dma_start3A_244, %dma_start3A_245] : memref<8x2x50176x16xf32, #tpu.memory_space<hbm>> -> memref<1x1x50176x16xf32, #tpu.memory_space<hbm>>
      %dma_start3A_247 = tpu.memref_squeeze %dma_start3A_246 : memref<1x1x50176x16xf32, #tpu.memory_space<hbm>> -> memref<50176x16xf32, #tpu.memory_space<hbm>>
      %dma_start3A_248 = arith.constant 0 : i32
      %dma_start3A_249 = tpu.memref_slice %dma_start3A_247[%mul3A_52, %dma_start3A_248] : memref<50176x16xf32, #tpu.memory_space<hbm>> -> memref<3136x16xf32, #tpu.memory_space<hbm>>
      %dma_start3A_250 = arith.constant 0 : i32
      %dma_start3A_251 = tpu.memref_slice %arg22[%mul3A_52, %dma_start3A_250] : memref<50184x16xf32, #tpu.memory_space<vmem_shared>> -> memref<3136x16xf32, #tpu.memory_space<vmem_shared>>
      tpu.enqueue_dma source(%dma_start3A_251 : memref<3136x16xf32, #tpu.memory_space<vmem_shared>>) target(%dma_start3A_249 : memref<3136x16xf32, #tpu.memory_space<hbm>>) target_semaphore(%run_scoped3A_243 : memref<!tpu.dma_semaphore, #tpu.memory_space<semaphore_mem>>)
      %dma_wait3A_252 = arith.constant 0 : i32
      %dma_wait3A_253 = arith.constant 0 : i32
      %dma_wait3A_254 = tpu.memref_slice %arg14[%run_scoped3A_53, %arg0, %dma_wait3A_252, %dma_wait3A_253] : memref<8x2x50176x16xf32, #tpu.memory_space<hbm>> -> memref<1x1x50176x16xf32, #tpu.memory_space<hbm>>
      %dma_wait3A_255 = tpu.memref_squeeze %dma_wait3A_254 : memref<1x1x50176x16xf32, #tpu.memory_space<hbm>> -> memref<50176x16xf32, #tpu.memory_space<hbm>>
      %dma_wait3A_256 = arith.constant 0 : i32
      %dma_wait3A_257 = tpu.memref_slice %dma_wait3A_255[%mul3A_52, %dma_wait3A_256] : memref<50176x16xf32, #tpu.memory_space<hbm>> -> memref<3136x16xf32, #tpu.memory_space<hbm>>
      %dma_wait3A_258 = arith.constant 0 : i32
      %dma_wait3A_259 = tpu.memref_slice %arg22[%mul3A_52, %dma_wait3A_258] : memref<50184x16xf32, #tpu.memory_space<vmem_shared>> -> memref<3136x16xf32, #tpu.memory_space<vmem_shared>>
      tpu.wait_dma2 semaphore(%run_scoped3A_243 : memref<!tpu.dma_semaphore, #tpu.memory_space<semaphore_mem>>) src(%dma_wait3A_259 : memref<3136x16xf32, #tpu.memory_space<vmem_shared>>) dst(%dma_wait3A_257 : memref<3136x16xf32, #tpu.memory_space<hbm>>)
      tpu.yield
    }) : () -> ()
    %barrier3A_54 = arith.constant 0 : index
    tpu.barrier barrier_id(%barrier3A_54)
    %mul3A_55 = arith.constant 3136 : i32
    %mul3A_56 = arith.muli %arg1, %mul3A_55 : i32
    %min3A_57 = arith.constant 46864 : i32
    %min3A_58 = arith.minsi %mul3A_56, %min3A_57 : i32
    "tpu.region"() ({
      %run_scoped3A_243 = tpu.sem_alloc : memref<!tpu.dma_semaphore, #tpu.memory_space<semaphore_mem>>
      %dma_start3A_244 = arith.constant 0 : i32
      %dma_start3A_245 = tpu.memref_slice %arg21[%min3A_58, %dma_start3A_244] : memref<50000x16xf32, #tpu.memory_space<vmem_shared>> -> memref<3136x16xf32, #tpu.memory_space<vmem_shared>>
      %dma_start3A_246 = arith.constant 0 : i32
      %dma_start3A_247 = tpu.memref_slice %arg4[%min3A_58, %dma_start3A_246] : memref<50176x16xf32, #tpu.memory_space<hbm>> -> memref<3136x16xf32, #tpu.memory_space<hbm>>
      tpu.enqueue_dma source(%dma_start3A_247 : memref<3136x16xf32, #tpu.memory_space<hbm>>) target(%dma_start3A_245 : memref<3136x16xf32, #tpu.memory_space<vmem_shared>>) target_semaphore(%run_scoped3A_243 : memref<!tpu.dma_semaphore, #tpu.memory_space<semaphore_mem>>)
      %dma_wait3A_248 = arith.constant 0 : i32
      %dma_wait3A_249 = tpu.memref_slice %arg21[%min3A_58, %dma_wait3A_248] : memref<50000x16xf32, #tpu.memory_space<vmem_shared>> -> memref<3136x16xf32, #tpu.memory_space<vmem_shared>>
      %dma_wait3A_250 = arith.constant 0 : i32
      %dma_wait3A_251 = tpu.memref_slice %arg4[%min3A_58, %dma_wait3A_250] : memref<50176x16xf32, #tpu.memory_space<hbm>> -> memref<3136x16xf32, #tpu.memory_space<hbm>>
      tpu.wait_dma2 semaphore(%run_scoped3A_243 : memref<!tpu.dma_semaphore, #tpu.memory_space<semaphore_mem>>) src(%dma_wait3A_251 : memref<3136x16xf32, #tpu.memory_space<hbm>>) dst(%dma_wait3A_249 : memref<3136x16xf32, #tpu.memory_space<vmem_shared>>)
      tpu.yield
    }) : () -> ()
    %mul3A_59 = arith.constant 3136 : i32
    %mul3A_60 = arith.muli %arg1, %mul3A_59 : i32
    "tpu.region"() ({
      %run_scoped3A_243 = tpu.sem_alloc : memref<!tpu.dma_semaphore, #tpu.memory_space<semaphore_mem>>
      %dma_start3A_244 = arith.constant 0 : i32
      %dma_start3A_245 = tpu.memref_slice %arg22[%mul3A_60, %dma_start3A_244] : memref<50184x16xf32, #tpu.memory_space<vmem_shared>> -> memref<3136x16xf32, #tpu.memory_space<vmem_shared>>
      tpu.enqueue_dma source(%arg12 : memref<3136x16xf32, #tpu.memory_space<hbm>>) target(%dma_start3A_245 : memref<3136x16xf32, #tpu.memory_space<vmem_shared>>) target_semaphore(%run_scoped3A_243 : memref<!tpu.dma_semaphore, #tpu.memory_space<semaphore_mem>>)
      %dma_wait3A_246 = arith.constant 0 : i32
      %dma_wait3A_247 = tpu.memref_slice %arg22[%mul3A_60, %dma_wait3A_246] : memref<50184x16xf32, #tpu.memory_space<vmem_shared>> -> memref<3136x16xf32, #tpu.memory_space<vmem_shared>>
      tpu.wait_dma2 semaphore(%run_scoped3A_243 : memref<!tpu.dma_semaphore, #tpu.memory_space<semaphore_mem>>) src(%arg12 : memref<3136x16xf32, #tpu.memory_space<hbm>>) dst(%dma_wait3A_247 : memref<3136x16xf32, #tpu.memory_space<vmem_shared>>)
      tpu.yield
    }) : () -> ()
    "tpu.region"() ({
      %run_scoped3A_243 = tpu.sem_alloc : memref<!tpu.dma_semaphore, #tpu.memory_space<semaphore_mem>>
      %dma_start3A_244 = arith.constant 50176 : i32
      %dma_start3A_245 = arith.constant 0 : i32
      %dma_start3A_246 = tpu.memref_slice %arg22[%dma_start3A_244, %dma_start3A_245] : memref<50184x16xf32, #tpu.memory_space<vmem_shared>> -> memref<8x16xf32, #tpu.memory_space<vmem_shared>>
      %dma_start3A_247 = arith.constant 0 : i32
      %dma_start3A_248 = arith.constant 0 : i32
      %dma_start3A_249 = tpu.memref_slice %arg12[%dma_start3A_247, %dma_start3A_248] : memref<3136x16xf32, #tpu.memory_space<hbm>> -> memref<8x16xf32, #tpu.memory_space<hbm>>
      tpu.enqueue_dma source(%dma_start3A_249 : memref<8x16xf32, #tpu.memory_space<hbm>>) target(%dma_start3A_246 : memref<8x16xf32, #tpu.memory_space<vmem_shared>>) target_semaphore(%run_scoped3A_243 : memref<!tpu.dma_semaphore, #tpu.memory_space<semaphore_mem>>)
      %dma_wait3A_250 = arith.constant 50176 : i32
      %dma_wait3A_251 = arith.constant 0 : i32
      %dma_wait3A_252 = tpu.memref_slice %arg22[%dma_wait3A_250, %dma_wait3A_251] : memref<50184x16xf32, #tpu.memory_space<vmem_shared>> -> memref<8x16xf32, #tpu.memory_space<vmem_shared>>
      %dma_wait3A_253 = arith.constant 0 : i32
      %dma_wait3A_254 = arith.constant 0 : i32
      %dma_wait3A_255 = tpu.memref_slice %arg12[%dma_wait3A_253, %dma_wait3A_254] : memref<3136x16xf32, #tpu.memory_space<hbm>> -> memref<8x16xf32, #tpu.memory_space<hbm>>
      tpu.wait_dma2 semaphore(%run_scoped3A_243 : memref<!tpu.dma_semaphore, #tpu.memory_space<semaphore_mem>>) src(%dma_wait3A_255 : memref<8x16xf32, #tpu.memory_space<hbm>>) dst(%dma_wait3A_252 : memref<8x16xf32, #tpu.memory_space<vmem_shared>>)
      tpu.yield
    }) : () -> ()
    %barrier3A_61 = arith.constant 0 : index
    tpu.barrier barrier_id(%barrier3A_61)
    %dma_start3A_62 = arith.constant 0 : i32
    %dma_start3A_63 = tpu.memref_slice %arg16[%dma_start3A_62] : memref<9984xi32, #tpu.memory_space<vmem>> -> memref<256xi32, #tpu.memory_space<vmem>>
    %dma_start3A_64 = arith.constant 0 : i32
    %dma_start3A_65 = arith.constant 0 : i32
    %dma_start3A_66 = tpu.memref_slice %arg21[%dma_start3A_64, %dma_start3A_65] : memref<50000x16xf32, #tpu.memory_space<vmem_shared>> -> memref<50000x16xf32, #tpu.memory_space<vmem_shared>>
    tpu.enqueue_indirect_dma source(%dma_start3A_66 : memref<50000x16xf32, #tpu.memory_space<vmem_shared>>) target(%arg18 : memref<256x16xf32, #tpu.memory_space<vmem>>) offsets(%dma_start3A_63 : memref<256xi32, #tpu.memory_space<vmem>>) semaphore(%arg23 : memref<!tpu.dma_semaphore, #tpu.memory_space<semaphore_mem>>)
    %scan3A_67 = arith.constant 0 : i32
    %scan3A_68 = arith.constant 0 : i32
    %scan3A_69 = arith.constant 19 : i32
    %scan3A_70 = arith.addi %scan3A_68, %scan3A_69 : i32
    %scan3A_71 = arith.constant 1 : i32
    %scan3A_72 = scf.for %scan3A_243 = %scan3A_68 to %scan3A_70 step %scan3A_71 iter_args(%scan3A_244 = %scan3A_67) -> (i32)  : i32 {
      %mul3A_245 = arith.constant 2 : i32
      %mul3A_246 = arith.muli %scan3A_243, %mul3A_245 : i32
      %mul3A_247 = arith.constant 256 : i32
      %mul3A_248 = arith.muli %mul3A_246, %mul3A_247 : i32
      %dma_wait3A_249 = tpu.memref_slice %arg16[%mul3A_248] : memref<9984xi32, #tpu.memory_space<vmem>> -> memref<256xi32, #tpu.memory_space<vmem>>
      %dma_wait3A_250 = arith.constant 0 : i32
      %dma_wait3A_251 = arith.constant 0 : i32
      %dma_wait3A_252 = tpu.memref_slice %arg21[%dma_wait3A_250, %dma_wait3A_251] : memref<50000x16xf32, #tpu.memory_space<vmem_shared>> -> memref<50000x16xf32, #tpu.memory_space<vmem_shared>>
      tpu.wait_indirect_dma semaphore(%arg23 : memref<!tpu.dma_semaphore, #tpu.memory_space<semaphore_mem>>) src(%dma_wait3A_252 : memref<50000x16xf32, #tpu.memory_space<vmem_shared>>) dst(%arg18 : memref<256x16xf32, #tpu.memory_space<vmem>>)
      %add3A_253 = arith.constant 1 : i32
      %add3A_254 = arith.addi %mul3A_246, %add3A_253 : i32
      %mul3A_255 = arith.constant 256 : i32
      %mul3A_256 = arith.muli %add3A_254, %mul3A_255 : i32
      %dma_start3A_257 = tpu.memref_slice %arg16[%mul3A_256] : memref<9984xi32, #tpu.memory_space<vmem>> -> memref<256xi32, #tpu.memory_space<vmem>>
      %dma_start3A_258 = arith.constant 0 : i32
      %dma_start3A_259 = arith.constant 0 : i32
      %dma_start3A_260 = tpu.memref_slice %arg21[%dma_start3A_258, %dma_start3A_259] : memref<50000x16xf32, #tpu.memory_space<vmem_shared>> -> memref<50000x16xf32, #tpu.memory_space<vmem_shared>>
      tpu.enqueue_indirect_dma source(%dma_start3A_260 : memref<50000x16xf32, #tpu.memory_space<vmem_shared>>) target(%arg19 : memref<256x16xf32, #tpu.memory_space<vmem>>) offsets(%dma_start3A_257 : memref<256xi32, #tpu.memory_space<vmem>>) semaphore(%arg24 : memref<!tpu.dma_semaphore, #tpu.memory_space<semaphore_mem>>)
      %mul3A_261 = arith.constant 256 : i32
      %mul3A_262 = arith.muli %mul3A_246, %mul3A_261 : i32
      "tpu.region"() ({
        %run_scoped3A_284 = tpu.sem_alloc : memref<!tpu.dma_semaphore, #tpu.memory_space<semaphore_mem>>
        %dma_start3A_285 = tpu.memref_slice %arg17[%mul3A_262] : memref<9728xi32, #tpu.memory_space<vmem>> -> memref<256xi32, #tpu.memory_space<vmem>>
        %dma_start3A_286 = arith.constant 0 : i32
        %dma_start3A_287 = arith.constant 0 : i32
        %dma_start3A_288 = tpu.memref_slice %arg22[%dma_start3A_286, %dma_start3A_287] : memref<50184x16xf32, #tpu.memory_space<vmem_shared>> -> memref<50184x16xf32, #tpu.memory_space<vmem_shared>>
        tpu.enqueue_indirect_dma source(%arg18 : memref<256x16xf32, #tpu.memory_space<vmem>>) target(%dma_start3A_288 : memref<50184x16xf32, #tpu.memory_space<vmem_shared>>) offsets(%dma_start3A_285 : memref<256xi32, #tpu.memory_space<vmem>>) semaphore(%run_scoped3A_284 : memref<!tpu.dma_semaphore, #tpu.memory_space<semaphore_mem>>) {add = true}
        %dma_wait3A_289 = tpu.memref_slice %arg17[%mul3A_262] : memref<9728xi32, #tpu.memory_space<vmem>> -> memref<256xi32, #tpu.memory_space<vmem>>
        %dma_wait3A_290 = arith.constant 0 : i32
        %dma_wait3A_291 = arith.constant 0 : i32
        %dma_wait3A_292 = tpu.memref_slice %arg22[%dma_wait3A_290, %dma_wait3A_291] : memref<50184x16xf32, #tpu.memory_space<vmem_shared>> -> memref<50184x16xf32, #tpu.memory_space<vmem_shared>>
        tpu.wait_indirect_dma semaphore(%run_scoped3A_284 : memref<!tpu.dma_semaphore, #tpu.memory_space<semaphore_mem>>) src(%arg18 : memref<256x16xf32, #tpu.memory_space<vmem>>) dst(%dma_wait3A_292 : memref<50184x16xf32, #tpu.memory_space<vmem_shared>>)
        tpu.yield
      }) : () -> ()
      %add3A_263 = arith.constant 1 : i32
      %add3A_264 = arith.addi %mul3A_246, %add3A_263 : i32
      %mul3A_265 = arith.constant 256 : i32
      %mul3A_266 = arith.muli %add3A_264, %mul3A_265 : i32
      %dma_wait3A_267 = tpu.memref_slice %arg16[%mul3A_266] : memref<9984xi32, #tpu.memory_space<vmem>> -> memref<256xi32, #tpu.memory_space<vmem>>
      %dma_wait3A_268 = arith.constant 0 : i32
      %dma_wait3A_269 = arith.constant 0 : i32
      %dma_wait3A_270 = tpu.memref_slice %arg21[%dma_wait3A_268, %dma_wait3A_269] : memref<50000x16xf32, #tpu.memory_space<vmem_shared>> -> memref<50000x16xf32, #tpu.memory_space<vmem_shared>>
      tpu.wait_indirect_dma semaphore(%arg24 : memref<!tpu.dma_semaphore, #tpu.memory_space<semaphore_mem>>) src(%dma_wait3A_270 : memref<50000x16xf32, #tpu.memory_space<vmem_shared>>) dst(%arg19 : memref<256x16xf32, #tpu.memory_space<vmem>>)
      %add3A_271 = arith.constant 2 : i32
      %add3A_272 = arith.addi %mul3A_246, %add3A_271 : i32
      %mul3A_273 = arith.constant 256 : i32
      %mul3A_274 = arith.muli %add3A_272, %mul3A_273 : i32
      %dma_start3A_275 = tpu.memref_slice %arg16[%mul3A_274] : memref<9984xi32, #tpu.memory_space<vmem>> -> memref<256xi32, #tpu.memory_space<vmem>>
      %dma_start3A_276 = arith.constant 0 : i32
      %dma_start3A_277 = arith.constant 0 : i32
      %dma_start3A_278 = tpu.memref_slice %arg21[%dma_start3A_276, %dma_start3A_277] : memref<50000x16xf32, #tpu.memory_space<vmem_shared>> -> memref<50000x16xf32, #tpu.memory_space<vmem_shared>>
      tpu.enqueue_indirect_dma source(%dma_start3A_278 : memref<50000x16xf32, #tpu.memory_space<vmem_shared>>) target(%arg18 : memref<256x16xf32, #tpu.memory_space<vmem>>) offsets(%dma_start3A_275 : memref<256xi32, #tpu.memory_space<vmem>>) semaphore(%arg23 : memref<!tpu.dma_semaphore, #tpu.memory_space<semaphore_mem>>)
      %add3A_279 = arith.constant 1 : i32
      %add3A_280 = arith.addi %mul3A_246, %add3A_279 : i32
      %mul3A_281 = arith.constant 256 : i32
      %mul3A_282 = arith.muli %add3A_280, %mul3A_281 : i32
      "tpu.region"() ({
        %run_scoped3A_284 = tpu.sem_alloc : memref<!tpu.dma_semaphore, #tpu.memory_space<semaphore_mem>>
        %dma_start3A_285 = tpu.memref_slice %arg17[%mul3A_282] : memref<9728xi32, #tpu.memory_space<vmem>> -> memref<256xi32, #tpu.memory_space<vmem>>
        %dma_start3A_286 = arith.constant 0 : i32
        %dma_start3A_287 = arith.constant 0 : i32
        %dma_start3A_288 = tpu.memref_slice %arg22[%dma_start3A_286, %dma_start3A_287] : memref<50184x16xf32, #tpu.memory_space<vmem_shared>> -> memref<50184x16xf32, #tpu.memory_space<vmem_shared>>
        tpu.enqueue_indirect_dma source(%arg19 : memref<256x16xf32, #tpu.memory_space<vmem>>) target(%dma_start3A_288 : memref<50184x16xf32, #tpu.memory_space<vmem_shared>>) offsets(%dma_start3A_285 : memref<256xi32, #tpu.memory_space<vmem>>) semaphore(%run_scoped3A_284 : memref<!tpu.dma_semaphore, #tpu.memory_space<semaphore_mem>>) {add = true}
        %dma_wait3A_289 = tpu.memref_slice %arg17[%mul3A_282] : memref<9728xi32, #tpu.memory_space<vmem>> -> memref<256xi32, #tpu.memory_space<vmem>>
        %dma_wait3A_290 = arith.constant 0 : i32
        %dma_wait3A_291 = arith.constant 0 : i32
        %dma_wait3A_292 = tpu.memref_slice %arg22[%dma_wait3A_290, %dma_wait3A_291] : memref<50184x16xf32, #tpu.memory_space<vmem_shared>> -> memref<50184x16xf32, #tpu.memory_space<vmem_shared>>
        tpu.wait_indirect_dma semaphore(%run_scoped3A_284 : memref<!tpu.dma_semaphore, #tpu.memory_space<semaphore_mem>>) src(%arg19 : memref<256x16xf32, #tpu.memory_space<vmem>>) dst(%dma_wait3A_292 : memref<50184x16xf32, #tpu.memory_space<vmem_shared>>)
        tpu.yield
      }) : () -> ()
      %scan3A_283 = arith.constant 0 : i32
      scf.yield %scan3A_283 : i32
    }
    %scan3A_73 = arith.constant 19 : i32
    %dma_wait3A_74 = arith.constant 9728 : i32
    %dma_wait3A_75 = tpu.memref_slice %arg16[%dma_wait3A_74] : memref<9984xi32, #tpu.memory_space<vmem>> -> memref<256xi32, #tpu.memory_space<vmem>>
    %dma_wait3A_76 = arith.constant 0 : i32
    %dma_wait3A_77 = arith.constant 0 : i32
    %dma_wait3A_78 = tpu.memref_slice %arg21[%dma_wait3A_76, %dma_wait3A_77] : memref<50000x16xf32, #tpu.memory_space<vmem_shared>> -> memref<50000x16xf32, #tpu.memory_space<vmem_shared>>
    tpu.wait_indirect_dma semaphore(%arg23 : memref<!tpu.dma_semaphore, #tpu.memory_space<semaphore_mem>>) src(%dma_wait3A_78 : memref<50000x16xf32, #tpu.memory_space<vmem_shared>>) dst(%arg18 : memref<256x16xf32, #tpu.memory_space<vmem>>)
    %barrier3A_79 = arith.constant 0 : index
    tpu.barrier barrier_id(%barrier3A_79)
    %mul3A_80 = arith.constant 3136 : i32
    %mul3A_81 = arith.muli %arg1, %mul3A_80 : i32
    %run_scoped3A_82 = arith.constant 2 : i32
    "tpu.region"() ({
      %run_scoped3A_243 = tpu.sem_alloc : memref<!tpu.dma_semaphore, #tpu.memory_space<semaphore_mem>>
      %dma_start3A_244 = arith.constant 0 : i32
      %dma_start3A_245 = arith.constant 0 : i32
      %dma_start3A_246 = tpu.memref_slice %arg14[%run_scoped3A_82, %arg0, %dma_start3A_244, %dma_start3A_245] : memref<8x2x50176x16xf32, #tpu.memory_space<hbm>> -> memref<1x1x50176x16xf32, #tpu.memory_space<hbm>>
      %dma_start3A_247 = tpu.memref_squeeze %dma_start3A_246 : memref<1x1x50176x16xf32, #tpu.memory_space<hbm>> -> memref<50176x16xf32, #tpu.memory_space<hbm>>
      %dma_start3A_248 = arith.constant 0 : i32
      %dma_start3A_249 = tpu.memref_slice %dma_start3A_247[%mul3A_81, %dma_start3A_248] : memref<50176x16xf32, #tpu.memory_space<hbm>> -> memref<3136x16xf32, #tpu.memory_space<hbm>>
      %dma_start3A_250 = arith.constant 0 : i32
      %dma_start3A_251 = tpu.memref_slice %arg22[%mul3A_81, %dma_start3A_250] : memref<50184x16xf32, #tpu.memory_space<vmem_shared>> -> memref<3136x16xf32, #tpu.memory_space<vmem_shared>>
      tpu.enqueue_dma source(%dma_start3A_251 : memref<3136x16xf32, #tpu.memory_space<vmem_shared>>) target(%dma_start3A_249 : memref<3136x16xf32, #tpu.memory_space<hbm>>) target_semaphore(%run_scoped3A_243 : memref<!tpu.dma_semaphore, #tpu.memory_space<semaphore_mem>>)
      %dma_wait3A_252 = arith.constant 0 : i32
      %dma_wait3A_253 = arith.constant 0 : i32
      %dma_wait3A_254 = tpu.memref_slice %arg14[%run_scoped3A_82, %arg0, %dma_wait3A_252, %dma_wait3A_253] : memref<8x2x50176x16xf32, #tpu.memory_space<hbm>> -> memref<1x1x50176x16xf32, #tpu.memory_space<hbm>>
      %dma_wait3A_255 = tpu.memref_squeeze %dma_wait3A_254 : memref<1x1x50176x16xf32, #tpu.memory_space<hbm>> -> memref<50176x16xf32, #tpu.memory_space<hbm>>
      %dma_wait3A_256 = arith.constant 0 : i32
      %dma_wait3A_257 = tpu.memref_slice %dma_wait3A_255[%mul3A_81, %dma_wait3A_256] : memref<50176x16xf32, #tpu.memory_space<hbm>> -> memref<3136x16xf32, #tpu.memory_space<hbm>>
      %dma_wait3A_258 = arith.constant 0 : i32
      %dma_wait3A_259 = tpu.memref_slice %arg22[%mul3A_81, %dma_wait3A_258] : memref<50184x16xf32, #tpu.memory_space<vmem_shared>> -> memref<3136x16xf32, #tpu.memory_space<vmem_shared>>
      tpu.wait_dma2 semaphore(%run_scoped3A_243 : memref<!tpu.dma_semaphore, #tpu.memory_space<semaphore_mem>>) src(%dma_wait3A_259 : memref<3136x16xf32, #tpu.memory_space<vmem_shared>>) dst(%dma_wait3A_257 : memref<3136x16xf32, #tpu.memory_space<hbm>>)
      tpu.yield
    }) : () -> ()
    %barrier3A_83 = arith.constant 0 : index
    tpu.barrier barrier_id(%barrier3A_83)
    %mul3A_84 = arith.constant 3136 : i32
    %mul3A_85 = arith.muli %arg1, %mul3A_84 : i32
    %min3A_86 = arith.constant 46864 : i32
    %min3A_87 = arith.minsi %mul3A_85, %min3A_86 : i32
    "tpu.region"() ({
      %run_scoped3A_243 = tpu.sem_alloc : memref<!tpu.dma_semaphore, #tpu.memory_space<semaphore_mem>>
      %dma_start3A_244 = arith.constant 0 : i32
      %dma_start3A_245 = tpu.memref_slice %arg21[%min3A_87, %dma_start3A_244] : memref<50000x16xf32, #tpu.memory_space<vmem_shared>> -> memref<3136x16xf32, #tpu.memory_space<vmem_shared>>
      %dma_start3A_246 = arith.constant 0 : i32
      %dma_start3A_247 = tpu.memref_slice %arg5[%min3A_87, %dma_start3A_246] : memref<50176x16xf32, #tpu.memory_space<hbm>> -> memref<3136x16xf32, #tpu.memory_space<hbm>>
      tpu.enqueue_dma source(%dma_start3A_247 : memref<3136x16xf32, #tpu.memory_space<hbm>>) target(%dma_start3A_245 : memref<3136x16xf32, #tpu.memory_space<vmem_shared>>) target_semaphore(%run_scoped3A_243 : memref<!tpu.dma_semaphore, #tpu.memory_space<semaphore_mem>>)
      %dma_wait3A_248 = arith.constant 0 : i32
      %dma_wait3A_249 = tpu.memref_slice %arg21[%min3A_87, %dma_wait3A_248] : memref<50000x16xf32, #tpu.memory_space<vmem_shared>> -> memref<3136x16xf32, #tpu.memory_space<vmem_shared>>
      %dma_wait3A_250 = arith.constant 0 : i32
      %dma_wait3A_251 = tpu.memref_slice %arg5[%min3A_87, %dma_wait3A_250] : memref<50176x16xf32, #tpu.memory_space<hbm>> -> memref<3136x16xf32, #tpu.memory_space<hbm>>
      tpu.wait_dma2 semaphore(%run_scoped3A_243 : memref<!tpu.dma_semaphore, #tpu.memory_space<semaphore_mem>>) src(%dma_wait3A_251 : memref<3136x16xf32, #tpu.memory_space<hbm>>) dst(%dma_wait3A_249 : memref<3136x16xf32, #tpu.memory_space<vmem_shared>>)
      tpu.yield
    }) : () -> ()
    %mul3A_88 = arith.constant 3136 : i32
    %mul3A_89 = arith.muli %arg1, %mul3A_88 : i32
    "tpu.region"() ({
      %run_scoped3A_243 = tpu.sem_alloc : memref<!tpu.dma_semaphore, #tpu.memory_space<semaphore_mem>>
      %dma_start3A_244 = arith.constant 0 : i32
      %dma_start3A_245 = tpu.memref_slice %arg22[%mul3A_89, %dma_start3A_244] : memref<50184x16xf32, #tpu.memory_space<vmem_shared>> -> memref<3136x16xf32, #tpu.memory_space<vmem_shared>>
      tpu.enqueue_dma source(%arg12 : memref<3136x16xf32, #tpu.memory_space<hbm>>) target(%dma_start3A_245 : memref<3136x16xf32, #tpu.memory_space<vmem_shared>>) target_semaphore(%run_scoped3A_243 : memref<!tpu.dma_semaphore, #tpu.memory_space<semaphore_mem>>)
      %dma_wait3A_246 = arith.constant 0 : i32
      %dma_wait3A_247 = tpu.memref_slice %arg22[%mul3A_89, %dma_wait3A_246] : memref<50184x16xf32, #tpu.memory_space<vmem_shared>> -> memref<3136x16xf32, #tpu.memory_space<vmem_shared>>
      tpu.wait_dma2 semaphore(%run_scoped3A_243 : memref<!tpu.dma_semaphore, #tpu.memory_space<semaphore_mem>>) src(%arg12 : memref<3136x16xf32, #tpu.memory_space<hbm>>) dst(%dma_wait3A_247 : memref<3136x16xf32, #tpu.memory_space<vmem_shared>>)
      tpu.yield
    }) : () -> ()
    "tpu.region"() ({
      %run_scoped3A_243 = tpu.sem_alloc : memref<!tpu.dma_semaphore, #tpu.memory_space<semaphore_mem>>
      %dma_start3A_244 = arith.constant 50176 : i32
      %dma_start3A_245 = arith.constant 0 : i32
      %dma_start3A_246 = tpu.memref_slice %arg22[%dma_start3A_244, %dma_start3A_245] : memref<50184x16xf32, #tpu.memory_space<vmem_shared>> -> memref<8x16xf32, #tpu.memory_space<vmem_shared>>
      %dma_start3A_247 = arith.constant 0 : i32
      %dma_start3A_248 = arith.constant 0 : i32
      %dma_start3A_249 = tpu.memref_slice %arg12[%dma_start3A_247, %dma_start3A_248] : memref<3136x16xf32, #tpu.memory_space<hbm>> -> memref<8x16xf32, #tpu.memory_space<hbm>>
      tpu.enqueue_dma source(%dma_start3A_249 : memref<8x16xf32, #tpu.memory_space<hbm>>) target(%dma_start3A_246 : memref<8x16xf32, #tpu.memory_space<vmem_shared>>) target_semaphore(%run_scoped3A_243 : memref<!tpu.dma_semaphore, #tpu.memory_space<semaphore_mem>>)
      %dma_wait3A_250 = arith.constant 50176 : i32
      %dma_wait3A_251 = arith.constant 0 : i32
      %dma_wait3A_252 = tpu.memref_slice %arg22[%dma_wait3A_250, %dma_wait3A_251] : memref<50184x16xf32, #tpu.memory_space<vmem_shared>> -> memref<8x16xf32, #tpu.memory_space<vmem_shared>>
      %dma_wait3A_253 = arith.constant 0 : i32
      %dma_wait3A_254 = arith.constant 0 : i32
      %dma_wait3A_255 = tpu.memref_slice %arg12[%dma_wait3A_253, %dma_wait3A_254] : memref<3136x16xf32, #tpu.memory_space<hbm>> -> memref<8x16xf32, #tpu.memory_space<hbm>>
      tpu.wait_dma2 semaphore(%run_scoped3A_243 : memref<!tpu.dma_semaphore, #tpu.memory_space<semaphore_mem>>) src(%dma_wait3A_255 : memref<8x16xf32, #tpu.memory_space<hbm>>) dst(%dma_wait3A_252 : memref<8x16xf32, #tpu.memory_space<vmem_shared>>)
      tpu.yield
    }) : () -> ()
    %barrier3A_90 = arith.constant 0 : index
    tpu.barrier barrier_id(%barrier3A_90)
    %dma_start3A_91 = arith.constant 0 : i32
    %dma_start3A_92 = tpu.memref_slice %arg16[%dma_start3A_91] : memref<9984xi32, #tpu.memory_space<vmem>> -> memref<256xi32, #tpu.memory_space<vmem>>
    %dma_start3A_93 = arith.constant 0 : i32
    %dma_start3A_94 = arith.constant 0 : i32
    %dma_start3A_95 = tpu.memref_slice %arg21[%dma_start3A_93, %dma_start3A_94] : memref<50000x16xf32, #tpu.memory_space<vmem_shared>> -> memref<50000x16xf32, #tpu.memory_space<vmem_shared>>
    tpu.enqueue_indirect_dma source(%dma_start3A_95 : memref<50000x16xf32, #tpu.memory_space<vmem_shared>>) target(%arg18 : memref<256x16xf32, #tpu.memory_space<vmem>>) offsets(%dma_start3A_92 : memref<256xi32, #tpu.memory_space<vmem>>) semaphore(%arg23 : memref<!tpu.dma_semaphore, #tpu.memory_space<semaphore_mem>>)
    %scan3A_96 = arith.constant 0 : i32
    %scan3A_97 = arith.constant 0 : i32
    %scan3A_98 = arith.constant 19 : i32
    %scan3A_99 = arith.addi %scan3A_97, %scan3A_98 : i32
    %scan3A_100 = arith.constant 1 : i32
    %scan3A_101 = scf.for %scan3A_243 = %scan3A_97 to %scan3A_99 step %scan3A_100 iter_args(%scan3A_244 = %scan3A_96) -> (i32)  : i32 {
      %mul3A_245 = arith.constant 2 : i32
      %mul3A_246 = arith.muli %scan3A_243, %mul3A_245 : i32
      %mul3A_247 = arith.constant 256 : i32
      %mul3A_248 = arith.muli %mul3A_246, %mul3A_247 : i32
      %dma_wait3A_249 = tpu.memref_slice %arg16[%mul3A_248] : memref<9984xi32, #tpu.memory_space<vmem>> -> memref<256xi32, #tpu.memory_space<vmem>>
      %dma_wait3A_250 = arith.constant 0 : i32
      %dma_wait3A_251 = arith.constant 0 : i32
      %dma_wait3A_252 = tpu.memref_slice %arg21[%dma_wait3A_250, %dma_wait3A_251] : memref<50000x16xf32, #tpu.memory_space<vmem_shared>> -> memref<50000x16xf32, #tpu.memory_space<vmem_shared>>
      tpu.wait_indirect_dma semaphore(%arg23 : memref<!tpu.dma_semaphore, #tpu.memory_space<semaphore_mem>>) src(%dma_wait3A_252 : memref<50000x16xf32, #tpu.memory_space<vmem_shared>>) dst(%arg18 : memref<256x16xf32, #tpu.memory_space<vmem>>)
      %add3A_253 = arith.constant 1 : i32
      %add3A_254 = arith.addi %mul3A_246, %add3A_253 : i32
      %mul3A_255 = arith.constant 256 : i32
      %mul3A_256 = arith.muli %add3A_254, %mul3A_255 : i32
      %dma_start3A_257 = tpu.memref_slice %arg16[%mul3A_256] : memref<9984xi32, #tpu.memory_space<vmem>> -> memref<256xi32, #tpu.memory_space<vmem>>
      %dma_start3A_258 = arith.constant 0 : i32
      %dma_start3A_259 = arith.constant 0 : i32
      %dma_start3A_260 = tpu.memref_slice %arg21[%dma_start3A_258, %dma_start3A_259] : memref<50000x16xf32, #tpu.memory_space<vmem_shared>> -> memref<50000x16xf32, #tpu.memory_space<vmem_shared>>
      tpu.enqueue_indirect_dma source(%dma_start3A_260 : memref<50000x16xf32, #tpu.memory_space<vmem_shared>>) target(%arg19 : memref<256x16xf32, #tpu.memory_space<vmem>>) offsets(%dma_start3A_257 : memref<256xi32, #tpu.memory_space<vmem>>) semaphore(%arg24 : memref<!tpu.dma_semaphore, #tpu.memory_space<semaphore_mem>>)
      %mul3A_261 = arith.constant 256 : i32
      %mul3A_262 = arith.muli %mul3A_246, %mul3A_261 : i32
      "tpu.region"() ({
        %run_scoped3A_284 = tpu.sem_alloc : memref<!tpu.dma_semaphore, #tpu.memory_space<semaphore_mem>>
        %dma_start3A_285 = tpu.memref_slice %arg17[%mul3A_262] : memref<9728xi32, #tpu.memory_space<vmem>> -> memref<256xi32, #tpu.memory_space<vmem>>
        %dma_start3A_286 = arith.constant 0 : i32
        %dma_start3A_287 = arith.constant 0 : i32
        %dma_start3A_288 = tpu.memref_slice %arg22[%dma_start3A_286, %dma_start3A_287] : memref<50184x16xf32, #tpu.memory_space<vmem_shared>> -> memref<50184x16xf32, #tpu.memory_space<vmem_shared>>
        tpu.enqueue_indirect_dma source(%arg18 : memref<256x16xf32, #tpu.memory_space<vmem>>) target(%dma_start3A_288 : memref<50184x16xf32, #tpu.memory_space<vmem_shared>>) offsets(%dma_start3A_285 : memref<256xi32, #tpu.memory_space<vmem>>) semaphore(%run_scoped3A_284 : memref<!tpu.dma_semaphore, #tpu.memory_space<semaphore_mem>>) {add = true}
        %dma_wait3A_289 = tpu.memref_slice %arg17[%mul3A_262] : memref<9728xi32, #tpu.memory_space<vmem>> -> memref<256xi32, #tpu.memory_space<vmem>>
        %dma_wait3A_290 = arith.constant 0 : i32
        %dma_wait3A_291 = arith.constant 0 : i32
        %dma_wait3A_292 = tpu.memref_slice %arg22[%dma_wait3A_290, %dma_wait3A_291] : memref<50184x16xf32, #tpu.memory_space<vmem_shared>> -> memref<50184x16xf32, #tpu.memory_space<vmem_shared>>
        tpu.wait_indirect_dma semaphore(%run_scoped3A_284 : memref<!tpu.dma_semaphore, #tpu.memory_space<semaphore_mem>>) src(%arg18 : memref<256x16xf32, #tpu.memory_space<vmem>>) dst(%dma_wait3A_292 : memref<50184x16xf32, #tpu.memory_space<vmem_shared>>)
        tpu.yield
      }) : () -> ()
      %add3A_263 = arith.constant 1 : i32
      %add3A_264 = arith.addi %mul3A_246, %add3A_263 : i32
      %mul3A_265 = arith.constant 256 : i32
      %mul3A_266 = arith.muli %add3A_264, %mul3A_265 : i32
      %dma_wait3A_267 = tpu.memref_slice %arg16[%mul3A_266] : memref<9984xi32, #tpu.memory_space<vmem>> -> memref<256xi32, #tpu.memory_space<vmem>>
      %dma_wait3A_268 = arith.constant 0 : i32
      %dma_wait3A_269 = arith.constant 0 : i32
      %dma_wait3A_270 = tpu.memref_slice %arg21[%dma_wait3A_268, %dma_wait3A_269] : memref<50000x16xf32, #tpu.memory_space<vmem_shared>> -> memref<50000x16xf32, #tpu.memory_space<vmem_shared>>
      tpu.wait_indirect_dma semaphore(%arg24 : memref<!tpu.dma_semaphore, #tpu.memory_space<semaphore_mem>>) src(%dma_wait3A_270 : memref<50000x16xf32, #tpu.memory_space<vmem_shared>>) dst(%arg19 : memref<256x16xf32, #tpu.memory_space<vmem>>)
      %add3A_271 = arith.constant 2 : i32
      %add3A_272 = arith.addi %mul3A_246, %add3A_271 : i32
      %mul3A_273 = arith.constant 256 : i32
      %mul3A_274 = arith.muli %add3A_272, %mul3A_273 : i32
      %dma_start3A_275 = tpu.memref_slice %arg16[%mul3A_274] : memref<9984xi32, #tpu.memory_space<vmem>> -> memref<256xi32, #tpu.memory_space<vmem>>
      %dma_start3A_276 = arith.constant 0 : i32
      %dma_start3A_277 = arith.constant 0 : i32
      %dma_start3A_278 = tpu.memref_slice %arg21[%dma_start3A_276, %dma_start3A_277] : memref<50000x16xf32, #tpu.memory_space<vmem_shared>> -> memref<50000x16xf32, #tpu.memory_space<vmem_shared>>
      tpu.enqueue_indirect_dma source(%dma_start3A_278 : memref<50000x16xf32, #tpu.memory_space<vmem_shared>>) target(%arg18 : memref<256x16xf32, #tpu.memory_space<vmem>>) offsets(%dma_start3A_275 : memref<256xi32, #tpu.memory_space<vmem>>) semaphore(%arg23 : memref<!tpu.dma_semaphore, #tpu.memory_space<semaphore_mem>>)
      %add3A_279 = arith.constant 1 : i32
      %add3A_280 = arith.addi %mul3A_246, %add3A_279 : i32
      %mul3A_281 = arith.constant 256 : i32
      %mul3A_282 = arith.muli %add3A_280, %mul3A_281 : i32
      "tpu.region"() ({
        %run_scoped3A_284 = tpu.sem_alloc : memref<!tpu.dma_semaphore, #tpu.memory_space<semaphore_mem>>
        %dma_start3A_285 = tpu.memref_slice %arg17[%mul3A_282] : memref<9728xi32, #tpu.memory_space<vmem>> -> memref<256xi32, #tpu.memory_space<vmem>>
        %dma_start3A_286 = arith.constant 0 : i32
        %dma_start3A_287 = arith.constant 0 : i32
        %dma_start3A_288 = tpu.memref_slice %arg22[%dma_start3A_286, %dma_start3A_287] : memref<50184x16xf32, #tpu.memory_space<vmem_shared>> -> memref<50184x16xf32, #tpu.memory_space<vmem_shared>>
        tpu.enqueue_indirect_dma source(%arg19 : memref<256x16xf32, #tpu.memory_space<vmem>>) target(%dma_start3A_288 : memref<50184x16xf32, #tpu.memory_space<vmem_shared>>) offsets(%dma_start3A_285 : memref<256xi32, #tpu.memory_space<vmem>>) semaphore(%run_scoped3A_284 : memref<!tpu.dma_semaphore, #tpu.memory_space<semaphore_mem>>) {add = true}
        %dma_wait3A_289 = tpu.memref_slice %arg17[%mul3A_282] : memref<9728xi32, #tpu.memory_space<vmem>> -> memref<256xi32, #tpu.memory_space<vmem>>
        %dma_wait3A_290 = arith.constant 0 : i32
        %dma_wait3A_291 = arith.constant 0 : i32
        %dma_wait3A_292 = tpu.memref_slice %arg22[%dma_wait3A_290, %dma_wait3A_291] : memref<50184x16xf32, #tpu.memory_space<vmem_shared>> -> memref<50184x16xf32, #tpu.memory_space<vmem_shared>>
        tpu.wait_indirect_dma semaphore(%run_scoped3A_284 : memref<!tpu.dma_semaphore, #tpu.memory_space<semaphore_mem>>) src(%arg19 : memref<256x16xf32, #tpu.memory_space<vmem>>) dst(%dma_wait3A_292 : memref<50184x16xf32, #tpu.memory_space<vmem_shared>>)
        tpu.yield
      }) : () -> ()
      %scan3A_283 = arith.constant 0 : i32
      scf.yield %scan3A_283 : i32
    }
    %scan3A_102 = arith.constant 19 : i32
    %dma_wait3A_103 = arith.constant 9728 : i32
    %dma_wait3A_104 = tpu.memref_slice %arg16[%dma_wait3A_103] : memref<9984xi32, #tpu.memory_space<vmem>> -> memref<256xi32, #tpu.memory_space<vmem>>
    %dma_wait3A_105 = arith.constant 0 : i32
    %dma_wait3A_106 = arith.constant 0 : i32
    %dma_wait3A_107 = tpu.memref_slice %arg21[%dma_wait3A_105, %dma_wait3A_106] : memref<50000x16xf32, #tpu.memory_space<vmem_shared>> -> memref<50000x16xf32, #tpu.memory_space<vmem_shared>>
    tpu.wait_indirect_dma semaphore(%arg23 : memref<!tpu.dma_semaphore, #tpu.memory_space<semaphore_mem>>) src(%dma_wait3A_107 : memref<50000x16xf32, #tpu.memory_space<vmem_shared>>) dst(%arg18 : memref<256x16xf32, #tpu.memory_space<vmem>>)
    %barrier3A_108 = arith.constant 0 : index
    tpu.barrier barrier_id(%barrier3A_108)
    %mul3A_109 = arith.constant 3136 : i32
    %mul3A_110 = arith.muli %arg1, %mul3A_109 : i32
    %run_scoped3A_111 = arith.constant 3 : i32
    "tpu.region"() ({
      %run_scoped3A_243 = tpu.sem_alloc : memref<!tpu.dma_semaphore, #tpu.memory_space<semaphore_mem>>
      %dma_start3A_244 = arith.constant 0 : i32
      %dma_start3A_245 = arith.constant 0 : i32
      %dma_start3A_246 = tpu.memref_slice %arg14[%run_scoped3A_111, %arg0, %dma_start3A_244, %dma_start3A_245] : memref<8x2x50176x16xf32, #tpu.memory_space<hbm>> -> memref<1x1x50176x16xf32, #tpu.memory_space<hbm>>
      %dma_start3A_247 = tpu.memref_squeeze %dma_start3A_246 : memref<1x1x50176x16xf32, #tpu.memory_space<hbm>> -> memref<50176x16xf32, #tpu.memory_space<hbm>>
      %dma_start3A_248 = arith.constant 0 : i32
      %dma_start3A_249 = tpu.memref_slice %dma_start3A_247[%mul3A_110, %dma_start3A_248] : memref<50176x16xf32, #tpu.memory_space<hbm>> -> memref<3136x16xf32, #tpu.memory_space<hbm>>
      %dma_start3A_250 = arith.constant 0 : i32
      %dma_start3A_251 = tpu.memref_slice %arg22[%mul3A_110, %dma_start3A_250] : memref<50184x16xf32, #tpu.memory_space<vmem_shared>> -> memref<3136x16xf32, #tpu.memory_space<vmem_shared>>
      tpu.enqueue_dma source(%dma_start3A_251 : memref<3136x16xf32, #tpu.memory_space<vmem_shared>>) target(%dma_start3A_249 : memref<3136x16xf32, #tpu.memory_space<hbm>>) target_semaphore(%run_scoped3A_243 : memref<!tpu.dma_semaphore, #tpu.memory_space<semaphore_mem>>)
      %dma_wait3A_252 = arith.constant 0 : i32
      %dma_wait3A_253 = arith.constant 0 : i32
      %dma_wait3A_254 = tpu.memref_slice %arg14[%run_scoped3A_111, %arg0, %dma_wait3A_252, %dma_wait3A_253] : memref<8x2x50176x16xf32, #tpu.memory_space<hbm>> -> memref<1x1x50176x16xf32, #tpu.memory_space<hbm>>
      %dma_wait3A_255 = tpu.memref_squeeze %dma_wait3A_254 : memref<1x1x50176x16xf32, #tpu.memory_space<hbm>> -> memref<50176x16xf32, #tpu.memory_space<hbm>>
      %dma_wait3A_256 = arith.constant 0 : i32
      %dma_wait3A_257 = tpu.memref_slice %dma_wait3A_255[%mul3A_110, %dma_wait3A_256] : memref<50176x16xf32, #tpu.memory_space<hbm>> -> memref<3136x16xf32, #tpu.memory_space<hbm>>
      %dma_wait3A_258 = arith.constant 0 : i32
      %dma_wait3A_259 = tpu.memref_slice %arg22[%mul3A_110, %dma_wait3A_258] : memref<50184x16xf32, #tpu.memory_space<vmem_shared>> -> memref<3136x16xf32, #tpu.memory_space<vmem_shared>>
      tpu.wait_dma2 semaphore(%run_scoped3A_243 : memref<!tpu.dma_semaphore, #tpu.memory_space<semaphore_mem>>) src(%dma_wait3A_259 : memref<3136x16xf32, #tpu.memory_space<vmem_shared>>) dst(%dma_wait3A_257 : memref<3136x16xf32, #tpu.memory_space<hbm>>)
      tpu.yield
    }) : () -> ()
    %barrier3A_112 = arith.constant 0 : index
    tpu.barrier barrier_id(%barrier3A_112)
    %mul3A_113 = arith.constant 3136 : i32
    %mul3A_114 = arith.muli %arg1, %mul3A_113 : i32
    %min3A_115 = arith.constant 46864 : i32
    %min3A_116 = arith.minsi %mul3A_114, %min3A_115 : i32
    "tpu.region"() ({
      %run_scoped3A_243 = tpu.sem_alloc : memref<!tpu.dma_semaphore, #tpu.memory_space<semaphore_mem>>
      %dma_start3A_244 = arith.constant 0 : i32
      %dma_start3A_245 = tpu.memref_slice %arg21[%min3A_116, %dma_start3A_244] : memref<50000x16xf32, #tpu.memory_space<vmem_shared>> -> memref<3136x16xf32, #tpu.memory_space<vmem_shared>>
      %dma_start3A_246 = arith.constant 0 : i32
      %dma_start3A_247 = tpu.memref_slice %arg6[%min3A_116, %dma_start3A_246] : memref<50176x16xf32, #tpu.memory_space<hbm>> -> memref<3136x16xf32, #tpu.memory_space<hbm>>
      tpu.enqueue_dma source(%dma_start3A_247 : memref<3136x16xf32, #tpu.memory_space<hbm>>) target(%dma_start3A_245 : memref<3136x16xf32, #tpu.memory_space<vmem_shared>>) target_semaphore(%run_scoped3A_243 : memref<!tpu.dma_semaphore, #tpu.memory_space<semaphore_mem>>)
      %dma_wait3A_248 = arith.constant 0 : i32
      %dma_wait3A_249 = tpu.memref_slice %arg21[%min3A_116, %dma_wait3A_248] : memref<50000x16xf32, #tpu.memory_space<vmem_shared>> -> memref<3136x16xf32, #tpu.memory_space<vmem_shared>>
      %dma_wait3A_250 = arith.constant 0 : i32
      %dma_wait3A_251 = tpu.memref_slice %arg6[%min3A_116, %dma_wait3A_250] : memref<50176x16xf32, #tpu.memory_space<hbm>> -> memref<3136x16xf32, #tpu.memory_space<hbm>>
      tpu.wait_dma2 semaphore(%run_scoped3A_243 : memref<!tpu.dma_semaphore, #tpu.memory_space<semaphore_mem>>) src(%dma_wait3A_251 : memref<3136x16xf32, #tpu.memory_space<hbm>>) dst(%dma_wait3A_249 : memref<3136x16xf32, #tpu.memory_space<vmem_shared>>)
      tpu.yield
    }) : () -> ()
    %mul3A_117 = arith.constant 3136 : i32
    %mul3A_118 = arith.muli %arg1, %mul3A_117 : i32
    "tpu.region"() ({
      %run_scoped3A_243 = tpu.sem_alloc : memref<!tpu.dma_semaphore, #tpu.memory_space<semaphore_mem>>
      %dma_start3A_244 = arith.constant 0 : i32
      %dma_start3A_245 = tpu.memref_slice %arg22[%mul3A_118, %dma_start3A_244] : memref<50184x16xf32, #tpu.memory_space<vmem_shared>> -> memref<3136x16xf32, #tpu.memory_space<vmem_shared>>
      tpu.enqueue_dma source(%arg12 : memref<3136x16xf32, #tpu.memory_space<hbm>>) target(%dma_start3A_245 : memref<3136x16xf32, #tpu.memory_space<vmem_shared>>) target_semaphore(%run_scoped3A_243 : memref<!tpu.dma_semaphore, #tpu.memory_space<semaphore_mem>>)
      %dma_wait3A_246 = arith.constant 0 : i32
      %dma_wait3A_247 = tpu.memref_slice %arg22[%mul3A_118, %dma_wait3A_246] : memref<50184x16xf32, #tpu.memory_space<vmem_shared>> -> memref<3136x16xf32, #tpu.memory_space<vmem_shared>>
      tpu.wait_dma2 semaphore(%run_scoped3A_243 : memref<!tpu.dma_semaphore, #tpu.memory_space<semaphore_mem>>) src(%arg12 : memref<3136x16xf32, #tpu.memory_space<hbm>>) dst(%dma_wait3A_247 : memref<3136x16xf32, #tpu.memory_space<vmem_shared>>)
      tpu.yield
    }) : () -> ()
    "tpu.region"() ({
      %run_scoped3A_243 = tpu.sem_alloc : memref<!tpu.dma_semaphore, #tpu.memory_space<semaphore_mem>>
      %dma_start3A_244 = arith.constant 50176 : i32
      %dma_start3A_245 = arith.constant 0 : i32
      %dma_start3A_246 = tpu.memref_slice %arg22[%dma_start3A_244, %dma_start3A_245] : memref<50184x16xf32, #tpu.memory_space<vmem_shared>> -> memref<8x16xf32, #tpu.memory_space<vmem_shared>>
      %dma_start3A_247 = arith.constant 0 : i32
      %dma_start3A_248 = arith.constant 0 : i32
      %dma_start3A_249 = tpu.memref_slice %arg12[%dma_start3A_247, %dma_start3A_248] : memref<3136x16xf32, #tpu.memory_space<hbm>> -> memref<8x16xf32, #tpu.memory_space<hbm>>
      tpu.enqueue_dma source(%dma_start3A_249 : memref<8x16xf32, #tpu.memory_space<hbm>>) target(%dma_start3A_246 : memref<8x16xf32, #tpu.memory_space<vmem_shared>>) target_semaphore(%run_scoped3A_243 : memref<!tpu.dma_semaphore, #tpu.memory_space<semaphore_mem>>)
      %dma_wait3A_250 = arith.constant 50176 : i32
      %dma_wait3A_251 = arith.constant 0 : i32
      %dma_wait3A_252 = tpu.memref_slice %arg22[%dma_wait3A_250, %dma_wait3A_251] : memref<50184x16xf32, #tpu.memory_space<vmem_shared>> -> memref<8x16xf32, #tpu.memory_space<vmem_shared>>
      %dma_wait3A_253 = arith.constant 0 : i32
      %dma_wait3A_254 = arith.constant 0 : i32
      %dma_wait3A_255 = tpu.memref_slice %arg12[%dma_wait3A_253, %dma_wait3A_254] : memref<3136x16xf32, #tpu.memory_space<hbm>> -> memref<8x16xf32, #tpu.memory_space<hbm>>
      tpu.wait_dma2 semaphore(%run_scoped3A_243 : memref<!tpu.dma_semaphore, #tpu.memory_space<semaphore_mem>>) src(%dma_wait3A_255 : memref<8x16xf32, #tpu.memory_space<hbm>>) dst(%dma_wait3A_252 : memref<8x16xf32, #tpu.memory_space<vmem_shared>>)
      tpu.yield
    }) : () -> ()
    %barrier3A_119 = arith.constant 0 : index
    tpu.barrier barrier_id(%barrier3A_119)
    %dma_start3A_120 = arith.constant 0 : i32
    %dma_start3A_121 = tpu.memref_slice %arg16[%dma_start3A_120] : memref<9984xi32, #tpu.memory_space<vmem>> -> memref<256xi32, #tpu.memory_space<vmem>>
    %dma_start3A_122 = arith.constant 0 : i32
    %dma_start3A_123 = arith.constant 0 : i32
    %dma_start3A_124 = tpu.memref_slice %arg21[%dma_start3A_122, %dma_start3A_123] : memref<50000x16xf32, #tpu.memory_space<vmem_shared>> -> memref<50000x16xf32, #tpu.memory_space<vmem_shared>>
    tpu.enqueue_indirect_dma source(%dma_start3A_124 : memref<50000x16xf32, #tpu.memory_space<vmem_shared>>) target(%arg18 : memref<256x16xf32, #tpu.memory_space<vmem>>) offsets(%dma_start3A_121 : memref<256xi32, #tpu.memory_space<vmem>>) semaphore(%arg23 : memref<!tpu.dma_semaphore, #tpu.memory_space<semaphore_mem>>)
    %scan3A_125 = arith.constant 0 : i32
    %scan3A_126 = arith.constant 0 : i32
    %scan3A_127 = arith.constant 19 : i32
    %scan3A_128 = arith.addi %scan3A_126, %scan3A_127 : i32
    %scan3A_129 = arith.constant 1 : i32
    %scan3A_130 = scf.for %scan3A_243 = %scan3A_126 to %scan3A_128 step %scan3A_129 iter_args(%scan3A_244 = %scan3A_125) -> (i32)  : i32 {
      %mul3A_245 = arith.constant 2 : i32
      %mul3A_246 = arith.muli %scan3A_243, %mul3A_245 : i32
      %mul3A_247 = arith.constant 256 : i32
      %mul3A_248 = arith.muli %mul3A_246, %mul3A_247 : i32
      %dma_wait3A_249 = tpu.memref_slice %arg16[%mul3A_248] : memref<9984xi32, #tpu.memory_space<vmem>> -> memref<256xi32, #tpu.memory_space<vmem>>
      %dma_wait3A_250 = arith.constant 0 : i32
      %dma_wait3A_251 = arith.constant 0 : i32
      %dma_wait3A_252 = tpu.memref_slice %arg21[%dma_wait3A_250, %dma_wait3A_251] : memref<50000x16xf32, #tpu.memory_space<vmem_shared>> -> memref<50000x16xf32, #tpu.memory_space<vmem_shared>>
      tpu.wait_indirect_dma semaphore(%arg23 : memref<!tpu.dma_semaphore, #tpu.memory_space<semaphore_mem>>) src(%dma_wait3A_252 : memref<50000x16xf32, #tpu.memory_space<vmem_shared>>) dst(%arg18 : memref<256x16xf32, #tpu.memory_space<vmem>>)
      %add3A_253 = arith.constant 1 : i32
      %add3A_254 = arith.addi %mul3A_246, %add3A_253 : i32
      %mul3A_255 = arith.constant 256 : i32
      %mul3A_256 = arith.muli %add3A_254, %mul3A_255 : i32
      %dma_start3A_257 = tpu.memref_slice %arg16[%mul3A_256] : memref<9984xi32, #tpu.memory_space<vmem>> -> memref<256xi32, #tpu.memory_space<vmem>>
      %dma_start3A_258 = arith.constant 0 : i32
      %dma_start3A_259 = arith.constant 0 : i32
      %dma_start3A_260 = tpu.memref_slice %arg21[%dma_start3A_258, %dma_start3A_259] : memref<50000x16xf32, #tpu.memory_space<vmem_shared>> -> memref<50000x16xf32, #tpu.memory_space<vmem_shared>>
      tpu.enqueue_indirect_dma source(%dma_start3A_260 : memref<50000x16xf32, #tpu.memory_space<vmem_shared>>) target(%arg19 : memref<256x16xf32, #tpu.memory_space<vmem>>) offsets(%dma_start3A_257 : memref<256xi32, #tpu.memory_space<vmem>>) semaphore(%arg24 : memref<!tpu.dma_semaphore, #tpu.memory_space<semaphore_mem>>)
      %mul3A_261 = arith.constant 256 : i32
      %mul3A_262 = arith.muli %mul3A_246, %mul3A_261 : i32
      "tpu.region"() ({
        %run_scoped3A_284 = tpu.sem_alloc : memref<!tpu.dma_semaphore, #tpu.memory_space<semaphore_mem>>
        %dma_start3A_285 = tpu.memref_slice %arg17[%mul3A_262] : memref<9728xi32, #tpu.memory_space<vmem>> -> memref<256xi32, #tpu.memory_space<vmem>>
        %dma_start3A_286 = arith.constant 0 : i32
        %dma_start3A_287 = arith.constant 0 : i32
        %dma_start3A_288 = tpu.memref_slice %arg22[%dma_start3A_286, %dma_start3A_287] : memref<50184x16xf32, #tpu.memory_space<vmem_shared>> -> memref<50184x16xf32, #tpu.memory_space<vmem_shared>>
        tpu.enqueue_indirect_dma source(%arg18 : memref<256x16xf32, #tpu.memory_space<vmem>>) target(%dma_start3A_288 : memref<50184x16xf32, #tpu.memory_space<vmem_shared>>) offsets(%dma_start3A_285 : memref<256xi32, #tpu.memory_space<vmem>>) semaphore(%run_scoped3A_284 : memref<!tpu.dma_semaphore, #tpu.memory_space<semaphore_mem>>) {add = true}
        %dma_wait3A_289 = tpu.memref_slice %arg17[%mul3A_262] : memref<9728xi32, #tpu.memory_space<vmem>> -> memref<256xi32, #tpu.memory_space<vmem>>
        %dma_wait3A_290 = arith.constant 0 : i32
        %dma_wait3A_291 = arith.constant 0 : i32
        %dma_wait3A_292 = tpu.memref_slice %arg22[%dma_wait3A_290, %dma_wait3A_291] : memref<50184x16xf32, #tpu.memory_space<vmem_shared>> -> memref<50184x16xf32, #tpu.memory_space<vmem_shared>>
        tpu.wait_indirect_dma semaphore(%run_scoped3A_284 : memref<!tpu.dma_semaphore, #tpu.memory_space<semaphore_mem>>) src(%arg18 : memref<256x16xf32, #tpu.memory_space<vmem>>) dst(%dma_wait3A_292 : memref<50184x16xf32, #tpu.memory_space<vmem_shared>>)
        tpu.yield
      }) : () -> ()
      %add3A_263 = arith.constant 1 : i32
      %add3A_264 = arith.addi %mul3A_246, %add3A_263 : i32
      %mul3A_265 = arith.constant 256 : i32
      %mul3A_266 = arith.muli %add3A_264, %mul3A_265 : i32
      %dma_wait3A_267 = tpu.memref_slice %arg16[%mul3A_266] : memref<9984xi32, #tpu.memory_space<vmem>> -> memref<256xi32, #tpu.memory_space<vmem>>
      %dma_wait3A_268 = arith.constant 0 : i32
      %dma_wait3A_269 = arith.constant 0 : i32
      %dma_wait3A_270 = tpu.memref_slice %arg21[%dma_wait3A_268, %dma_wait3A_269] : memref<50000x16xf32, #tpu.memory_space<vmem_shared>> -> memref<50000x16xf32, #tpu.memory_space<vmem_shared>>
      tpu.wait_indirect_dma semaphore(%arg24 : memref<!tpu.dma_semaphore, #tpu.memory_space<semaphore_mem>>) src(%dma_wait3A_270 : memref<50000x16xf32, #tpu.memory_space<vmem_shared>>) dst(%arg19 : memref<256x16xf32, #tpu.memory_space<vmem>>)
      %add3A_271 = arith.constant 2 : i32
      %add3A_272 = arith.addi %mul3A_246, %add3A_271 : i32
      %mul3A_273 = arith.constant 256 : i32
      %mul3A_274 = arith.muli %add3A_272, %mul3A_273 : i32
      %dma_start3A_275 = tpu.memref_slice %arg16[%mul3A_274] : memref<9984xi32, #tpu.memory_space<vmem>> -> memref<256xi32, #tpu.memory_space<vmem>>
      %dma_start3A_276 = arith.constant 0 : i32
      %dma_start3A_277 = arith.constant 0 : i32
      %dma_start3A_278 = tpu.memref_slice %arg21[%dma_start3A_276, %dma_start3A_277] : memref<50000x16xf32, #tpu.memory_space<vmem_shared>> -> memref<50000x16xf32, #tpu.memory_space<vmem_shared>>
      tpu.enqueue_indirect_dma source(%dma_start3A_278 : memref<50000x16xf32, #tpu.memory_space<vmem_shared>>) target(%arg18 : memref<256x16xf32, #tpu.memory_space<vmem>>) offsets(%dma_start3A_275 : memref<256xi32, #tpu.memory_space<vmem>>) semaphore(%arg23 : memref<!tpu.dma_semaphore, #tpu.memory_space<semaphore_mem>>)
      %add3A_279 = arith.constant 1 : i32
      %add3A_280 = arith.addi %mul3A_246, %add3A_279 : i32
      %mul3A_281 = arith.constant 256 : i32
      %mul3A_282 = arith.muli %add3A_280, %mul3A_281 : i32
      "tpu.region"() ({
        %run_scoped3A_284 = tpu.sem_alloc : memref<!tpu.dma_semaphore, #tpu.memory_space<semaphore_mem>>
        %dma_start3A_285 = tpu.memref_slice %arg17[%mul3A_282] : memref<9728xi32, #tpu.memory_space<vmem>> -> memref<256xi32, #tpu.memory_space<vmem>>
        %dma_start3A_286 = arith.constant 0 : i32
        %dma_start3A_287 = arith.constant 0 : i32
        %dma_start3A_288 = tpu.memref_slice %arg22[%dma_start3A_286, %dma_start3A_287] : memref<50184x16xf32, #tpu.memory_space<vmem_shared>> -> memref<50184x16xf32, #tpu.memory_space<vmem_shared>>
        tpu.enqueue_indirect_dma source(%arg19 : memref<256x16xf32, #tpu.memory_space<vmem>>) target(%dma_start3A_288 : memref<50184x16xf32, #tpu.memory_space<vmem_shared>>) offsets(%dma_start3A_285 : memref<256xi32, #tpu.memory_space<vmem>>) semaphore(%run_scoped3A_284 : memref<!tpu.dma_semaphore, #tpu.memory_space<semaphore_mem>>) {add = true}
        %dma_wait3A_289 = tpu.memref_slice %arg17[%mul3A_282] : memref<9728xi32, #tpu.memory_space<vmem>> -> memref<256xi32, #tpu.memory_space<vmem>>
        %dma_wait3A_290 = arith.constant 0 : i32
        %dma_wait3A_291 = arith.constant 0 : i32
        %dma_wait3A_292 = tpu.memref_slice %arg22[%dma_wait3A_290, %dma_wait3A_291] : memref<50184x16xf32, #tpu.memory_space<vmem_shared>> -> memref<50184x16xf32, #tpu.memory_space<vmem_shared>>
        tpu.wait_indirect_dma semaphore(%run_scoped3A_284 : memref<!tpu.dma_semaphore, #tpu.memory_space<semaphore_mem>>) src(%arg19 : memref<256x16xf32, #tpu.memory_space<vmem>>) dst(%dma_wait3A_292 : memref<50184x16xf32, #tpu.memory_space<vmem_shared>>)
        tpu.yield
      }) : () -> ()
      %scan3A_283 = arith.constant 0 : i32
      scf.yield %scan3A_283 : i32
    }
    %scan3A_131 = arith.constant 19 : i32
    %dma_wait3A_132 = arith.constant 9728 : i32
    %dma_wait3A_133 = tpu.memref_slice %arg16[%dma_wait3A_132] : memref<9984xi32, #tpu.memory_space<vmem>> -> memref<256xi32, #tpu.memory_space<vmem>>
    %dma_wait3A_134 = arith.constant 0 : i32
    %dma_wait3A_135 = arith.constant 0 : i32
    %dma_wait3A_136 = tpu.memref_slice %arg21[%dma_wait3A_134, %dma_wait3A_135] : memref<50000x16xf32, #tpu.memory_space<vmem_shared>> -> memref<50000x16xf32, #tpu.memory_space<vmem_shared>>
    tpu.wait_indirect_dma semaphore(%arg23 : memref<!tpu.dma_semaphore, #tpu.memory_space<semaphore_mem>>) src(%dma_wait3A_136 : memref<50000x16xf32, #tpu.memory_space<vmem_shared>>) dst(%arg18 : memref<256x16xf32, #tpu.memory_space<vmem>>)
    %barrier3A_137 = arith.constant 0 : index
    tpu.barrier barrier_id(%barrier3A_137)
    %mul3A_138 = arith.constant 3136 : i32
    %mul3A_139 = arith.muli %arg1, %mul3A_138 : i32
    %run_scoped3A_140 = arith.constant 4 : i32
    "tpu.region"() ({
      %run_scoped3A_243 = tpu.sem_alloc : memref<!tpu.dma_semaphore, #tpu.memory_space<semaphore_mem>>
      %dma_start3A_244 = arith.constant 0 : i32
      %dma_start3A_245 = arith.constant 0 : i32
      %dma_start3A_246 = tpu.memref_slice %arg14[%run_scoped3A_140, %arg0, %dma_start3A_244, %dma_start3A_245] : memref<8x2x50176x16xf32, #tpu.memory_space<hbm>> -> memref<1x1x50176x16xf32, #tpu.memory_space<hbm>>
      %dma_start3A_247 = tpu.memref_squeeze %dma_start3A_246 : memref<1x1x50176x16xf32, #tpu.memory_space<hbm>> -> memref<50176x16xf32, #tpu.memory_space<hbm>>
      %dma_start3A_248 = arith.constant 0 : i32
      %dma_start3A_249 = tpu.memref_slice %dma_start3A_247[%mul3A_139, %dma_start3A_248] : memref<50176x16xf32, #tpu.memory_space<hbm>> -> memref<3136x16xf32, #tpu.memory_space<hbm>>
      %dma_start3A_250 = arith.constant 0 : i32
      %dma_start3A_251 = tpu.memref_slice %arg22[%mul3A_139, %dma_start3A_250] : memref<50184x16xf32, #tpu.memory_space<vmem_shared>> -> memref<3136x16xf32, #tpu.memory_space<vmem_shared>>
      tpu.enqueue_dma source(%dma_start3A_251 : memref<3136x16xf32, #tpu.memory_space<vmem_shared>>) target(%dma_start3A_249 : memref<3136x16xf32, #tpu.memory_space<hbm>>) target_semaphore(%run_scoped3A_243 : memref<!tpu.dma_semaphore, #tpu.memory_space<semaphore_mem>>)
      %dma_wait3A_252 = arith.constant 0 : i32
      %dma_wait3A_253 = arith.constant 0 : i32
      %dma_wait3A_254 = tpu.memref_slice %arg14[%run_scoped3A_140, %arg0, %dma_wait3A_252, %dma_wait3A_253] : memref<8x2x50176x16xf32, #tpu.memory_space<hbm>> -> memref<1x1x50176x16xf32, #tpu.memory_space<hbm>>
      %dma_wait3A_255 = tpu.memref_squeeze %dma_wait3A_254 : memref<1x1x50176x16xf32, #tpu.memory_space<hbm>> -> memref<50176x16xf32, #tpu.memory_space<hbm>>
      %dma_wait3A_256 = arith.constant 0 : i32
      %dma_wait3A_257 = tpu.memref_slice %dma_wait3A_255[%mul3A_139, %dma_wait3A_256] : memref<50176x16xf32, #tpu.memory_space<hbm>> -> memref<3136x16xf32, #tpu.memory_space<hbm>>
      %dma_wait3A_258 = arith.constant 0 : i32
      %dma_wait3A_259 = tpu.memref_slice %arg22[%mul3A_139, %dma_wait3A_258] : memref<50184x16xf32, #tpu.memory_space<vmem_shared>> -> memref<3136x16xf32, #tpu.memory_space<vmem_shared>>
      tpu.wait_dma2 semaphore(%run_scoped3A_243 : memref<!tpu.dma_semaphore, #tpu.memory_space<semaphore_mem>>) src(%dma_wait3A_259 : memref<3136x16xf32, #tpu.memory_space<vmem_shared>>) dst(%dma_wait3A_257 : memref<3136x16xf32, #tpu.memory_space<hbm>>)
      tpu.yield
    }) : () -> ()
    %barrier3A_141 = arith.constant 0 : index
    tpu.barrier barrier_id(%barrier3A_141)
    %mul3A_142 = arith.constant 3136 : i32
    %mul3A_143 = arith.muli %arg1, %mul3A_142 : i32
    %min3A_144 = arith.constant 46864 : i32
    %min3A_145 = arith.minsi %mul3A_143, %min3A_144 : i32
    "tpu.region"() ({
      %run_scoped3A_243 = tpu.sem_alloc : memref<!tpu.dma_semaphore, #tpu.memory_space<semaphore_mem>>
      %dma_start3A_244 = arith.constant 0 : i32
      %dma_start3A_245 = tpu.memref_slice %arg21[%min3A_145, %dma_start3A_244] : memref<50000x16xf32, #tpu.memory_space<vmem_shared>> -> memref<3136x16xf32, #tpu.memory_space<vmem_shared>>
      %dma_start3A_246 = arith.constant 0 : i32
      %dma_start3A_247 = tpu.memref_slice %arg7[%min3A_145, %dma_start3A_246] : memref<50176x16xf32, #tpu.memory_space<hbm>> -> memref<3136x16xf32, #tpu.memory_space<hbm>>
      tpu.enqueue_dma source(%dma_start3A_247 : memref<3136x16xf32, #tpu.memory_space<hbm>>) target(%dma_start3A_245 : memref<3136x16xf32, #tpu.memory_space<vmem_shared>>) target_semaphore(%run_scoped3A_243 : memref<!tpu.dma_semaphore, #tpu.memory_space<semaphore_mem>>)
      %dma_wait3A_248 = arith.constant 0 : i32
      %dma_wait3A_249 = tpu.memref_slice %arg21[%min3A_145, %dma_wait3A_248] : memref<50000x16xf32, #tpu.memory_space<vmem_shared>> -> memref<3136x16xf32, #tpu.memory_space<vmem_shared>>
      %dma_wait3A_250 = arith.constant 0 : i32
      %dma_wait3A_251 = tpu.memref_slice %arg7[%min3A_145, %dma_wait3A_250] : memref<50176x16xf32, #tpu.memory_space<hbm>> -> memref<3136x16xf32, #tpu.memory_space<hbm>>
      tpu.wait_dma2 semaphore(%run_scoped3A_243 : memref<!tpu.dma_semaphore, #tpu.memory_space<semaphore_mem>>) src(%dma_wait3A_251 : memref<3136x16xf32, #tpu.memory_space<hbm>>) dst(%dma_wait3A_249 : memref<3136x16xf32, #tpu.memory_space<vmem_shared>>)
      tpu.yield
    }) : () -> ()
    %mul3A_146 = arith.constant 3136 : i32
    %mul3A_147 = arith.muli %arg1, %mul3A_146 : i32
    "tpu.region"() ({
      %run_scoped3A_243 = tpu.sem_alloc : memref<!tpu.dma_semaphore, #tpu.memory_space<semaphore_mem>>
      %dma_start3A_244 = arith.constant 0 : i32
      %dma_start3A_245 = tpu.memref_slice %arg22[%mul3A_147, %dma_start3A_244] : memref<50184x16xf32, #tpu.memory_space<vmem_shared>> -> memref<3136x16xf32, #tpu.memory_space<vmem_shared>>
      tpu.enqueue_dma source(%arg12 : memref<3136x16xf32, #tpu.memory_space<hbm>>) target(%dma_start3A_245 : memref<3136x16xf32, #tpu.memory_space<vmem_shared>>) target_semaphore(%run_scoped3A_243 : memref<!tpu.dma_semaphore, #tpu.memory_space<semaphore_mem>>)
      %dma_wait3A_246 = arith.constant 0 : i32
      %dma_wait3A_247 = tpu.memref_slice %arg22[%mul3A_147, %dma_wait3A_246] : memref<50184x16xf32, #tpu.memory_space<vmem_shared>> -> memref<3136x16xf32, #tpu.memory_space<vmem_shared>>
      tpu.wait_dma2 semaphore(%run_scoped3A_243 : memref<!tpu.dma_semaphore, #tpu.memory_space<semaphore_mem>>) src(%arg12 : memref<3136x16xf32, #tpu.memory_space<hbm>>) dst(%dma_wait3A_247 : memref<3136x16xf32, #tpu.memory_space<vmem_shared>>)
      tpu.yield
    }) : () -> ()
    "tpu.region"() ({
      %run_scoped3A_243 = tpu.sem_alloc : memref<!tpu.dma_semaphore, #tpu.memory_space<semaphore_mem>>
      %dma_start3A_244 = arith.constant 50176 : i32
      %dma_start3A_245 = arith.constant 0 : i32
      %dma_start3A_246 = tpu.memref_slice %arg22[%dma_start3A_244, %dma_start3A_245] : memref<50184x16xf32, #tpu.memory_space<vmem_shared>> -> memref<8x16xf32, #tpu.memory_space<vmem_shared>>
      %dma_start3A_247 = arith.constant 0 : i32
      %dma_start3A_248 = arith.constant 0 : i32
      %dma_start3A_249 = tpu.memref_slice %arg12[%dma_start3A_247, %dma_start3A_248] : memref<3136x16xf32, #tpu.memory_space<hbm>> -> memref<8x16xf32, #tpu.memory_space<hbm>>
      tpu.enqueue_dma source(%dma_start3A_249 : memref<8x16xf32, #tpu.memory_space<hbm>>) target(%dma_start3A_246 : memref<8x16xf32, #tpu.memory_space<vmem_shared>>) target_semaphore(%run_scoped3A_243 : memref<!tpu.dma_semaphore, #tpu.memory_space<semaphore_mem>>)
      %dma_wait3A_250 = arith.constant 50176 : i32
      %dma_wait3A_251 = arith.constant 0 : i32
      %dma_wait3A_252 = tpu.memref_slice %arg22[%dma_wait3A_250, %dma_wait3A_251] : memref<50184x16xf32, #tpu.memory_space<vmem_shared>> -> memref<8x16xf32, #tpu.memory_space<vmem_shared>>
      %dma_wait3A_253 = arith.constant 0 : i32
      %dma_wait3A_254 = arith.constant 0 : i32
      %dma_wait3A_255 = tpu.memref_slice %arg12[%dma_wait3A_253, %dma_wait3A_254] : memref<3136x16xf32, #tpu.memory_space<hbm>> -> memref<8x16xf32, #tpu.memory_space<hbm>>
      tpu.wait_dma2 semaphore(%run_scoped3A_243 : memref<!tpu.dma_semaphore, #tpu.memory_space<semaphore_mem>>) src(%dma_wait3A_255 : memref<8x16xf32, #tpu.memory_space<hbm>>) dst(%dma_wait3A_252 : memref<8x16xf32, #tpu.memory_space<vmem_shared>>)
      tpu.yield
    }) : () -> ()
    %barrier3A_148 = arith.constant 0 : index
    tpu.barrier barrier_id(%barrier3A_148)
    %dma_start3A_149 = arith.constant 0 : i32
    %dma_start3A_150 = tpu.memref_slice %arg16[%dma_start3A_149] : memref<9984xi32, #tpu.memory_space<vmem>> -> memref<256xi32, #tpu.memory_space<vmem>>
    %dma_start3A_151 = arith.constant 0 : i32
    %dma_start3A_152 = arith.constant 0 : i32
    %dma_start3A_153 = tpu.memref_slice %arg21[%dma_start3A_151, %dma_start3A_152] : memref<50000x16xf32, #tpu.memory_space<vmem_shared>> -> memref<50000x16xf32, #tpu.memory_space<vmem_shared>>
    tpu.enqueue_indirect_dma source(%dma_start3A_153 : memref<50000x16xf32, #tpu.memory_space<vmem_shared>>) target(%arg18 : memref<256x16xf32, #tpu.memory_space<vmem>>) offsets(%dma_start3A_150 : memref<256xi32, #tpu.memory_space<vmem>>) semaphore(%arg23 : memref<!tpu.dma_semaphore, #tpu.memory_space<semaphore_mem>>)
    %scan3A_154 = arith.constant 0 : i32
    %scan3A_155 = arith.constant 0 : i32
    %scan3A_156 = arith.constant 19 : i32
    %scan3A_157 = arith.addi %scan3A_155, %scan3A_156 : i32
    %scan3A_158 = arith.constant 1 : i32
    %scan3A_159 = scf.for %scan3A_243 = %scan3A_155 to %scan3A_157 step %scan3A_158 iter_args(%scan3A_244 = %scan3A_154) -> (i32)  : i32 {
      %mul3A_245 = arith.constant 2 : i32
      %mul3A_246 = arith.muli %scan3A_243, %mul3A_245 : i32
      %mul3A_247 = arith.constant 256 : i32
      %mul3A_248 = arith.muli %mul3A_246, %mul3A_247 : i32
      %dma_wait3A_249 = tpu.memref_slice %arg16[%mul3A_248] : memref<9984xi32, #tpu.memory_space<vmem>> -> memref<256xi32, #tpu.memory_space<vmem>>
      %dma_wait3A_250 = arith.constant 0 : i32
      %dma_wait3A_251 = arith.constant 0 : i32
      %dma_wait3A_252 = tpu.memref_slice %arg21[%dma_wait3A_250, %dma_wait3A_251] : memref<50000x16xf32, #tpu.memory_space<vmem_shared>> -> memref<50000x16xf32, #tpu.memory_space<vmem_shared>>
      tpu.wait_indirect_dma semaphore(%arg23 : memref<!tpu.dma_semaphore, #tpu.memory_space<semaphore_mem>>) src(%dma_wait3A_252 : memref<50000x16xf32, #tpu.memory_space<vmem_shared>>) dst(%arg18 : memref<256x16xf32, #tpu.memory_space<vmem>>)
      %add3A_253 = arith.constant 1 : i32
      %add3A_254 = arith.addi %mul3A_246, %add3A_253 : i32
      %mul3A_255 = arith.constant 256 : i32
      %mul3A_256 = arith.muli %add3A_254, %mul3A_255 : i32
      %dma_start3A_257 = tpu.memref_slice %arg16[%mul3A_256] : memref<9984xi32, #tpu.memory_space<vmem>> -> memref<256xi32, #tpu.memory_space<vmem>>
      %dma_start3A_258 = arith.constant 0 : i32
      %dma_start3A_259 = arith.constant 0 : i32
      %dma_start3A_260 = tpu.memref_slice %arg21[%dma_start3A_258, %dma_start3A_259] : memref<50000x16xf32, #tpu.memory_space<vmem_shared>> -> memref<50000x16xf32, #tpu.memory_space<vmem_shared>>
      tpu.enqueue_indirect_dma source(%dma_start3A_260 : memref<50000x16xf32, #tpu.memory_space<vmem_shared>>) target(%arg19 : memref<256x16xf32, #tpu.memory_space<vmem>>) offsets(%dma_start3A_257 : memref<256xi32, #tpu.memory_space<vmem>>) semaphore(%arg24 : memref<!tpu.dma_semaphore, #tpu.memory_space<semaphore_mem>>)
      %mul3A_261 = arith.constant 256 : i32
      %mul3A_262 = arith.muli %mul3A_246, %mul3A_261 : i32
      "tpu.region"() ({
        %run_scoped3A_284 = tpu.sem_alloc : memref<!tpu.dma_semaphore, #tpu.memory_space<semaphore_mem>>
        %dma_start3A_285 = tpu.memref_slice %arg17[%mul3A_262] : memref<9728xi32, #tpu.memory_space<vmem>> -> memref<256xi32, #tpu.memory_space<vmem>>
        %dma_start3A_286 = arith.constant 0 : i32
        %dma_start3A_287 = arith.constant 0 : i32
        %dma_start3A_288 = tpu.memref_slice %arg22[%dma_start3A_286, %dma_start3A_287] : memref<50184x16xf32, #tpu.memory_space<vmem_shared>> -> memref<50184x16xf32, #tpu.memory_space<vmem_shared>>
        tpu.enqueue_indirect_dma source(%arg18 : memref<256x16xf32, #tpu.memory_space<vmem>>) target(%dma_start3A_288 : memref<50184x16xf32, #tpu.memory_space<vmem_shared>>) offsets(%dma_start3A_285 : memref<256xi32, #tpu.memory_space<vmem>>) semaphore(%run_scoped3A_284 : memref<!tpu.dma_semaphore, #tpu.memory_space<semaphore_mem>>) {add = true}
        %dma_wait3A_289 = tpu.memref_slice %arg17[%mul3A_262] : memref<9728xi32, #tpu.memory_space<vmem>> -> memref<256xi32, #tpu.memory_space<vmem>>
        %dma_wait3A_290 = arith.constant 0 : i32
        %dma_wait3A_291 = arith.constant 0 : i32
        %dma_wait3A_292 = tpu.memref_slice %arg22[%dma_wait3A_290, %dma_wait3A_291] : memref<50184x16xf32, #tpu.memory_space<vmem_shared>> -> memref<50184x16xf32, #tpu.memory_space<vmem_shared>>
        tpu.wait_indirect_dma semaphore(%run_scoped3A_284 : memref<!tpu.dma_semaphore, #tpu.memory_space<semaphore_mem>>) src(%arg18 : memref<256x16xf32, #tpu.memory_space<vmem>>) dst(%dma_wait3A_292 : memref<50184x16xf32, #tpu.memory_space<vmem_shared>>)
        tpu.yield
      }) : () -> ()
      %add3A_263 = arith.constant 1 : i32
      %add3A_264 = arith.addi %mul3A_246, %add3A_263 : i32
      %mul3A_265 = arith.constant 256 : i32
      %mul3A_266 = arith.muli %add3A_264, %mul3A_265 : i32
      %dma_wait3A_267 = tpu.memref_slice %arg16[%mul3A_266] : memref<9984xi32, #tpu.memory_space<vmem>> -> memref<256xi32, #tpu.memory_space<vmem>>
      %dma_wait3A_268 = arith.constant 0 : i32
      %dma_wait3A_269 = arith.constant 0 : i32
      %dma_wait3A_270 = tpu.memref_slice %arg21[%dma_wait3A_268, %dma_wait3A_269] : memref<50000x16xf32, #tpu.memory_space<vmem_shared>> -> memref<50000x16xf32, #tpu.memory_space<vmem_shared>>
      tpu.wait_indirect_dma semaphore(%arg24 : memref<!tpu.dma_semaphore, #tpu.memory_space<semaphore_mem>>) src(%dma_wait3A_270 : memref<50000x16xf32, #tpu.memory_space<vmem_shared>>) dst(%arg19 : memref<256x16xf32, #tpu.memory_space<vmem>>)
      %add3A_271 = arith.constant 2 : i32
      %add3A_272 = arith.addi %mul3A_246, %add3A_271 : i32
      %mul3A_273 = arith.constant 256 : i32
      %mul3A_274 = arith.muli %add3A_272, %mul3A_273 : i32
      %dma_start3A_275 = tpu.memref_slice %arg16[%mul3A_274] : memref<9984xi32, #tpu.memory_space<vmem>> -> memref<256xi32, #tpu.memory_space<vmem>>
      %dma_start3A_276 = arith.constant 0 : i32
      %dma_start3A_277 = arith.constant 0 : i32
      %dma_start3A_278 = tpu.memref_slice %arg21[%dma_start3A_276, %dma_start3A_277] : memref<50000x16xf32, #tpu.memory_space<vmem_shared>> -> memref<50000x16xf32, #tpu.memory_space<vmem_shared>>
      tpu.enqueue_indirect_dma source(%dma_start3A_278 : memref<50000x16xf32, #tpu.memory_space<vmem_shared>>) target(%arg18 : memref<256x16xf32, #tpu.memory_space<vmem>>) offsets(%dma_start3A_275 : memref<256xi32, #tpu.memory_space<vmem>>) semaphore(%arg23 : memref<!tpu.dma_semaphore, #tpu.memory_space<semaphore_mem>>)
      %add3A_279 = arith.constant 1 : i32
      %add3A_280 = arith.addi %mul3A_246, %add3A_279 : i32
      %mul3A_281 = arith.constant 256 : i32
      %mul3A_282 = arith.muli %add3A_280, %mul3A_281 : i32
      "tpu.region"() ({
        %run_scoped3A_284 = tpu.sem_alloc : memref<!tpu.dma_semaphore, #tpu.memory_space<semaphore_mem>>
        %dma_start3A_285 = tpu.memref_slice %arg17[%mul3A_282] : memref<9728xi32, #tpu.memory_space<vmem>> -> memref<256xi32, #tpu.memory_space<vmem>>
        %dma_start3A_286 = arith.constant 0 : i32
        %dma_start3A_287 = arith.constant 0 : i32
        %dma_start3A_288 = tpu.memref_slice %arg22[%dma_start3A_286, %dma_start3A_287] : memref<50184x16xf32, #tpu.memory_space<vmem_shared>> -> memref<50184x16xf32, #tpu.memory_space<vmem_shared>>
        tpu.enqueue_indirect_dma source(%arg19 : memref<256x16xf32, #tpu.memory_space<vmem>>) target(%dma_start3A_288 : memref<50184x16xf32, #tpu.memory_space<vmem_shared>>) offsets(%dma_start3A_285 : memref<256xi32, #tpu.memory_space<vmem>>) semaphore(%run_scoped3A_284 : memref<!tpu.dma_semaphore, #tpu.memory_space<semaphore_mem>>) {add = true}
        %dma_wait3A_289 = tpu.memref_slice %arg17[%mul3A_282] : memref<9728xi32, #tpu.memory_space<vmem>> -> memref<256xi32, #tpu.memory_space<vmem>>
        %dma_wait3A_290 = arith.constant 0 : i32
        %dma_wait3A_291 = arith.constant 0 : i32
        %dma_wait3A_292 = tpu.memref_slice %arg22[%dma_wait3A_290, %dma_wait3A_291] : memref<50184x16xf32, #tpu.memory_space<vmem_shared>> -> memref<50184x16xf32, #tpu.memory_space<vmem_shared>>
        tpu.wait_indirect_dma semaphore(%run_scoped3A_284 : memref<!tpu.dma_semaphore, #tpu.memory_space<semaphore_mem>>) src(%arg19 : memref<256x16xf32, #tpu.memory_space<vmem>>) dst(%dma_wait3A_292 : memref<50184x16xf32, #tpu.memory_space<vmem_shared>>)
        tpu.yield
      }) : () -> ()
      %scan3A_283 = arith.constant 0 : i32
      scf.yield %scan3A_283 : i32
    }
    %scan3A_160 = arith.constant 19 : i32
    %dma_wait3A_161 = arith.constant 9728 : i32
    %dma_wait3A_162 = tpu.memref_slice %arg16[%dma_wait3A_161] : memref<9984xi32, #tpu.memory_space<vmem>> -> memref<256xi32, #tpu.memory_space<vmem>>
    %dma_wait3A_163 = arith.constant 0 : i32
    %dma_wait3A_164 = arith.constant 0 : i32
    %dma_wait3A_165 = tpu.memref_slice %arg21[%dma_wait3A_163, %dma_wait3A_164] : memref<50000x16xf32, #tpu.memory_space<vmem_shared>> -> memref<50000x16xf32, #tpu.memory_space<vmem_shared>>
    tpu.wait_indirect_dma semaphore(%arg23 : memref<!tpu.dma_semaphore, #tpu.memory_space<semaphore_mem>>) src(%dma_wait3A_165 : memref<50000x16xf32, #tpu.memory_space<vmem_shared>>) dst(%arg18 : memref<256x16xf32, #tpu.memory_space<vmem>>)
    %barrier3A_166 = arith.constant 0 : index
    tpu.barrier barrier_id(%barrier3A_166)
    %mul3A_167 = arith.constant 3136 : i32
    %mul3A_168 = arith.muli %arg1, %mul3A_167 : i32
    %run_scoped3A_169 = arith.constant 5 : i32
    "tpu.region"() ({
      %run_scoped3A_243 = tpu.sem_alloc : memref<!tpu.dma_semaphore, #tpu.memory_space<semaphore_mem>>
      %dma_start3A_244 = arith.constant 0 : i32
      %dma_start3A_245 = arith.constant 0 : i32
      %dma_start3A_246 = tpu.memref_slice %arg14[%run_scoped3A_169, %arg0, %dma_start3A_244, %dma_start3A_245] : memref<8x2x50176x16xf32, #tpu.memory_space<hbm>> -> memref<1x1x50176x16xf32, #tpu.memory_space<hbm>>
      %dma_start3A_247 = tpu.memref_squeeze %dma_start3A_246 : memref<1x1x50176x16xf32, #tpu.memory_space<hbm>> -> memref<50176x16xf32, #tpu.memory_space<hbm>>
      %dma_start3A_248 = arith.constant 0 : i32
      %dma_start3A_249 = tpu.memref_slice %dma_start3A_247[%mul3A_168, %dma_start3A_248] : memref<50176x16xf32, #tpu.memory_space<hbm>> -> memref<3136x16xf32, #tpu.memory_space<hbm>>
      %dma_start3A_250 = arith.constant 0 : i32
      %dma_start3A_251 = tpu.memref_slice %arg22[%mul3A_168, %dma_start3A_250] : memref<50184x16xf32, #tpu.memory_space<vmem_shared>> -> memref<3136x16xf32, #tpu.memory_space<vmem_shared>>
      tpu.enqueue_dma source(%dma_start3A_251 : memref<3136x16xf32, #tpu.memory_space<vmem_shared>>) target(%dma_start3A_249 : memref<3136x16xf32, #tpu.memory_space<hbm>>) target_semaphore(%run_scoped3A_243 : memref<!tpu.dma_semaphore, #tpu.memory_space<semaphore_mem>>)
      %dma_wait3A_252 = arith.constant 0 : i32
      %dma_wait3A_253 = arith.constant 0 : i32
      %dma_wait3A_254 = tpu.memref_slice %arg14[%run_scoped3A_169, %arg0, %dma_wait3A_252, %dma_wait3A_253] : memref<8x2x50176x16xf32, #tpu.memory_space<hbm>> -> memref<1x1x50176x16xf32, #tpu.memory_space<hbm>>
      %dma_wait3A_255 = tpu.memref_squeeze %dma_wait3A_254 : memref<1x1x50176x16xf32, #tpu.memory_space<hbm>> -> memref<50176x16xf32, #tpu.memory_space<hbm>>
      %dma_wait3A_256 = arith.constant 0 : i32
      %dma_wait3A_257 = tpu.memref_slice %dma_wait3A_255[%mul3A_168, %dma_wait3A_256] : memref<50176x16xf32, #tpu.memory_space<hbm>> -> memref<3136x16xf32, #tpu.memory_space<hbm>>
      %dma_wait3A_258 = arith.constant 0 : i32
      %dma_wait3A_259 = tpu.memref_slice %arg22[%mul3A_168, %dma_wait3A_258] : memref<50184x16xf32, #tpu.memory_space<vmem_shared>> -> memref<3136x16xf32, #tpu.memory_space<vmem_shared>>
      tpu.wait_dma2 semaphore(%run_scoped3A_243 : memref<!tpu.dma_semaphore, #tpu.memory_space<semaphore_mem>>) src(%dma_wait3A_259 : memref<3136x16xf32, #tpu.memory_space<vmem_shared>>) dst(%dma_wait3A_257 : memref<3136x16xf32, #tpu.memory_space<hbm>>)
      tpu.yield
    }) : () -> ()
    %barrier3A_170 = arith.constant 0 : index
    tpu.barrier barrier_id(%barrier3A_170)
    %mul3A_171 = arith.constant 3136 : i32
    %mul3A_172 = arith.muli %arg1, %mul3A_171 : i32
    %min3A_173 = arith.constant 46864 : i32
    %min3A_174 = arith.minsi %mul3A_172, %min3A_173 : i32
    "tpu.region"() ({
      %run_scoped3A_243 = tpu.sem_alloc : memref<!tpu.dma_semaphore, #tpu.memory_space<semaphore_mem>>
      %dma_start3A_244 = arith.constant 0 : i32
      %dma_start3A_245 = tpu.memref_slice %arg21[%min3A_174, %dma_start3A_244] : memref<50000x16xf32, #tpu.memory_space<vmem_shared>> -> memref<3136x16xf32, #tpu.memory_space<vmem_shared>>
      %dma_start3A_246 = arith.constant 0 : i32
      %dma_start3A_247 = tpu.memref_slice %arg8[%min3A_174, %dma_start3A_246] : memref<50176x16xf32, #tpu.memory_space<hbm>> -> memref<3136x16xf32, #tpu.memory_space<hbm>>
      tpu.enqueue_dma source(%dma_start3A_247 : memref<3136x16xf32, #tpu.memory_space<hbm>>) target(%dma_start3A_245 : memref<3136x16xf32, #tpu.memory_space<vmem_shared>>) target_semaphore(%run_scoped3A_243 : memref<!tpu.dma_semaphore, #tpu.memory_space<semaphore_mem>>)
      %dma_wait3A_248 = arith.constant 0 : i32
      %dma_wait3A_249 = tpu.memref_slice %arg21[%min3A_174, %dma_wait3A_248] : memref<50000x16xf32, #tpu.memory_space<vmem_shared>> -> memref<3136x16xf32, #tpu.memory_space<vmem_shared>>
      %dma_wait3A_250 = arith.constant 0 : i32
      %dma_wait3A_251 = tpu.memref_slice %arg8[%min3A_174, %dma_wait3A_250] : memref<50176x16xf32, #tpu.memory_space<hbm>> -> memref<3136x16xf32, #tpu.memory_space<hbm>>
      tpu.wait_dma2 semaphore(%run_scoped3A_243 : memref<!tpu.dma_semaphore, #tpu.memory_space<semaphore_mem>>) src(%dma_wait3A_251 : memref<3136x16xf32, #tpu.memory_space<hbm>>) dst(%dma_wait3A_249 : memref<3136x16xf32, #tpu.memory_space<vmem_shared>>)
      tpu.yield
    }) : () -> ()
    %mul3A_175 = arith.constant 3136 : i32
    %mul3A_176 = arith.muli %arg1, %mul3A_175 : i32
    "tpu.region"() ({
      %run_scoped3A_243 = tpu.sem_alloc : memref<!tpu.dma_semaphore, #tpu.memory_space<semaphore_mem>>
      %dma_start3A_244 = arith.constant 0 : i32
      %dma_start3A_245 = tpu.memref_slice %arg22[%mul3A_176, %dma_start3A_244] : memref<50184x16xf32, #tpu.memory_space<vmem_shared>> -> memref<3136x16xf32, #tpu.memory_space<vmem_shared>>
      tpu.enqueue_dma source(%arg12 : memref<3136x16xf32, #tpu.memory_space<hbm>>) target(%dma_start3A_245 : memref<3136x16xf32, #tpu.memory_space<vmem_shared>>) target_semaphore(%run_scoped3A_243 : memref<!tpu.dma_semaphore, #tpu.memory_space<semaphore_mem>>)
      %dma_wait3A_246 = arith.constant 0 : i32
      %dma_wait3A_247 = tpu.memref_slice %arg22[%mul3A_176, %dma_wait3A_246] : memref<50184x16xf32, #tpu.memory_space<vmem_shared>> -> memref<3136x16xf32, #tpu.memory_space<vmem_shared>>
      tpu.wait_dma2 semaphore(%run_scoped3A_243 : memref<!tpu.dma_semaphore, #tpu.memory_space<semaphore_mem>>) src(%arg12 : memref<3136x16xf32, #tpu.memory_space<hbm>>) dst(%dma_wait3A_247 : memref<3136x16xf32, #tpu.memory_space<vmem_shared>>)
      tpu.yield
    }) : () -> ()
    "tpu.region"() ({
      %run_scoped3A_243 = tpu.sem_alloc : memref<!tpu.dma_semaphore, #tpu.memory_space<semaphore_mem>>
      %dma_start3A_244 = arith.constant 50176 : i32
      %dma_start3A_245 = arith.constant 0 : i32
      %dma_start3A_246 = tpu.memref_slice %arg22[%dma_start3A_244, %dma_start3A_245] : memref<50184x16xf32, #tpu.memory_space<vmem_shared>> -> memref<8x16xf32, #tpu.memory_space<vmem_shared>>
      %dma_start3A_247 = arith.constant 0 : i32
      %dma_start3A_248 = arith.constant 0 : i32
      %dma_start3A_249 = tpu.memref_slice %arg12[%dma_start3A_247, %dma_start3A_248] : memref<3136x16xf32, #tpu.memory_space<hbm>> -> memref<8x16xf32, #tpu.memory_space<hbm>>
      tpu.enqueue_dma source(%dma_start3A_249 : memref<8x16xf32, #tpu.memory_space<hbm>>) target(%dma_start3A_246 : memref<8x16xf32, #tpu.memory_space<vmem_shared>>) target_semaphore(%run_scoped3A_243 : memref<!tpu.dma_semaphore, #tpu.memory_space<semaphore_mem>>)
      %dma_wait3A_250 = arith.constant 50176 : i32
      %dma_wait3A_251 = arith.constant 0 : i32
      %dma_wait3A_252 = tpu.memref_slice %arg22[%dma_wait3A_250, %dma_wait3A_251] : memref<50184x16xf32, #tpu.memory_space<vmem_shared>> -> memref<8x16xf32, #tpu.memory_space<vmem_shared>>
      %dma_wait3A_253 = arith.constant 0 : i32
      %dma_wait3A_254 = arith.constant 0 : i32
      %dma_wait3A_255 = tpu.memref_slice %arg12[%dma_wait3A_253, %dma_wait3A_254] : memref<3136x16xf32, #tpu.memory_space<hbm>> -> memref<8x16xf32, #tpu.memory_space<hbm>>
      tpu.wait_dma2 semaphore(%run_scoped3A_243 : memref<!tpu.dma_semaphore, #tpu.memory_space<semaphore_mem>>) src(%dma_wait3A_255 : memref<8x16xf32, #tpu.memory_space<hbm>>) dst(%dma_wait3A_252 : memref<8x16xf32, #tpu.memory_space<vmem_shared>>)
      tpu.yield
    }) : () -> ()
    %barrier3A_177 = arith.constant 0 : index
    tpu.barrier barrier_id(%barrier3A_177)
    %dma_start3A_178 = arith.constant 0 : i32
    %dma_start3A_179 = tpu.memref_slice %arg16[%dma_start3A_178] : memref<9984xi32, #tpu.memory_space<vmem>> -> memref<256xi32, #tpu.memory_space<vmem>>
    %dma_start3A_180 = arith.constant 0 : i32
    %dma_start3A_181 = arith.constant 0 : i32
    %dma_start3A_182 = tpu.memref_slice %arg21[%dma_start3A_180, %dma_start3A_181] : memref<50000x16xf32, #tpu.memory_space<vmem_shared>> -> memref<50000x16xf32, #tpu.memory_space<vmem_shared>>
    tpu.enqueue_indirect_dma source(%dma_start3A_182 : memref<50000x16xf32, #tpu.memory_space<vmem_shared>>) target(%arg18 : memref<256x16xf32, #tpu.memory_space<vmem>>) offsets(%dma_start3A_179 : memref<256xi32, #tpu.memory_space<vmem>>) semaphore(%arg23 : memref<!tpu.dma_semaphore, #tpu.memory_space<semaphore_mem>>)
    %scan3A_183 = arith.constant 0 : i32
    %scan3A_184 = arith.constant 0 : i32
    %scan3A_185 = arith.constant 19 : i32
    %scan3A_186 = arith.addi %scan3A_184, %scan3A_185 : i32
    %scan3A_187 = arith.constant 1 : i32
    %scan3A_188 = scf.for %scan3A_243 = %scan3A_184 to %scan3A_186 step %scan3A_187 iter_args(%scan3A_244 = %scan3A_183) -> (i32)  : i32 {
      %mul3A_245 = arith.constant 2 : i32
      %mul3A_246 = arith.muli %scan3A_243, %mul3A_245 : i32
      %mul3A_247 = arith.constant 256 : i32
      %mul3A_248 = arith.muli %mul3A_246, %mul3A_247 : i32
      %dma_wait3A_249 = tpu.memref_slice %arg16[%mul3A_248] : memref<9984xi32, #tpu.memory_space<vmem>> -> memref<256xi32, #tpu.memory_space<vmem>>
      %dma_wait3A_250 = arith.constant 0 : i32
      %dma_wait3A_251 = arith.constant 0 : i32
      %dma_wait3A_252 = tpu.memref_slice %arg21[%dma_wait3A_250, %dma_wait3A_251] : memref<50000x16xf32, #tpu.memory_space<vmem_shared>> -> memref<50000x16xf32, #tpu.memory_space<vmem_shared>>
      tpu.wait_indirect_dma semaphore(%arg23 : memref<!tpu.dma_semaphore, #tpu.memory_space<semaphore_mem>>) src(%dma_wait3A_252 : memref<50000x16xf32, #tpu.memory_space<vmem_shared>>) dst(%arg18 : memref<256x16xf32, #tpu.memory_space<vmem>>)
      %add3A_253 = arith.constant 1 : i32
      %add3A_254 = arith.addi %mul3A_246, %add3A_253 : i32
      %mul3A_255 = arith.constant 256 : i32
      %mul3A_256 = arith.muli %add3A_254, %mul3A_255 : i32
      %dma_start3A_257 = tpu.memref_slice %arg16[%mul3A_256] : memref<9984xi32, #tpu.memory_space<vmem>> -> memref<256xi32, #tpu.memory_space<vmem>>
      %dma_start3A_258 = arith.constant 0 : i32
      %dma_start3A_259 = arith.constant 0 : i32
      %dma_start3A_260 = tpu.memref_slice %arg21[%dma_start3A_258, %dma_start3A_259] : memref<50000x16xf32, #tpu.memory_space<vmem_shared>> -> memref<50000x16xf32, #tpu.memory_space<vmem_shared>>
      tpu.enqueue_indirect_dma source(%dma_start3A_260 : memref<50000x16xf32, #tpu.memory_space<vmem_shared>>) target(%arg19 : memref<256x16xf32, #tpu.memory_space<vmem>>) offsets(%dma_start3A_257 : memref<256xi32, #tpu.memory_space<vmem>>) semaphore(%arg24 : memref<!tpu.dma_semaphore, #tpu.memory_space<semaphore_mem>>)
      %mul3A_261 = arith.constant 256 : i32
      %mul3A_262 = arith.muli %mul3A_246, %mul3A_261 : i32
      "tpu.region"() ({
        %run_scoped3A_284 = tpu.sem_alloc : memref<!tpu.dma_semaphore, #tpu.memory_space<semaphore_mem>>
        %dma_start3A_285 = tpu.memref_slice %arg17[%mul3A_262] : memref<9728xi32, #tpu.memory_space<vmem>> -> memref<256xi32, #tpu.memory_space<vmem>>
        %dma_start3A_286 = arith.constant 0 : i32
        %dma_start3A_287 = arith.constant 0 : i32
        %dma_start3A_288 = tpu.memref_slice %arg22[%dma_start3A_286, %dma_start3A_287] : memref<50184x16xf32, #tpu.memory_space<vmem_shared>> -> memref<50184x16xf32, #tpu.memory_space<vmem_shared>>
        tpu.enqueue_indirect_dma source(%arg18 : memref<256x16xf32, #tpu.memory_space<vmem>>) target(%dma_start3A_288 : memref<50184x16xf32, #tpu.memory_space<vmem_shared>>) offsets(%dma_start3A_285 : memref<256xi32, #tpu.memory_space<vmem>>) semaphore(%run_scoped3A_284 : memref<!tpu.dma_semaphore, #tpu.memory_space<semaphore_mem>>) {add = true}
        %dma_wait3A_289 = tpu.memref_slice %arg17[%mul3A_262] : memref<9728xi32, #tpu.memory_space<vmem>> -> memref<256xi32, #tpu.memory_space<vmem>>
        %dma_wait3A_290 = arith.constant 0 : i32
        %dma_wait3A_291 = arith.constant 0 : i32
        %dma_wait3A_292 = tpu.memref_slice %arg22[%dma_wait3A_290, %dma_wait3A_291] : memref<50184x16xf32, #tpu.memory_space<vmem_shared>> -> memref<50184x16xf32, #tpu.memory_space<vmem_shared>>
        tpu.wait_indirect_dma semaphore(%run_scoped3A_284 : memref<!tpu.dma_semaphore, #tpu.memory_space<semaphore_mem>>) src(%arg18 : memref<256x16xf32, #tpu.memory_space<vmem>>) dst(%dma_wait3A_292 : memref<50184x16xf32, #tpu.memory_space<vmem_shared>>)
        tpu.yield
      }) : () -> ()
      %add3A_263 = arith.constant 1 : i32
      %add3A_264 = arith.addi %mul3A_246, %add3A_263 : i32
      %mul3A_265 = arith.constant 256 : i32
      %mul3A_266 = arith.muli %add3A_264, %mul3A_265 : i32
      %dma_wait3A_267 = tpu.memref_slice %arg16[%mul3A_266] : memref<9984xi32, #tpu.memory_space<vmem>> -> memref<256xi32, #tpu.memory_space<vmem>>
      %dma_wait3A_268 = arith.constant 0 : i32
      %dma_wait3A_269 = arith.constant 0 : i32
      %dma_wait3A_270 = tpu.memref_slice %arg21[%dma_wait3A_268, %dma_wait3A_269] : memref<50000x16xf32, #tpu.memory_space<vmem_shared>> -> memref<50000x16xf32, #tpu.memory_space<vmem_shared>>
      tpu.wait_indirect_dma semaphore(%arg24 : memref<!tpu.dma_semaphore, #tpu.memory_space<semaphore_mem>>) src(%dma_wait3A_270 : memref<50000x16xf32, #tpu.memory_space<vmem_shared>>) dst(%arg19 : memref<256x16xf32, #tpu.memory_space<vmem>>)
      %add3A_271 = arith.constant 2 : i32
      %add3A_272 = arith.addi %mul3A_246, %add3A_271 : i32
      %mul3A_273 = arith.constant 256 : i32
      %mul3A_274 = arith.muli %add3A_272, %mul3A_273 : i32
      %dma_start3A_275 = tpu.memref_slice %arg16[%mul3A_274] : memref<9984xi32, #tpu.memory_space<vmem>> -> memref<256xi32, #tpu.memory_space<vmem>>
      %dma_start3A_276 = arith.constant 0 : i32
      %dma_start3A_277 = arith.constant 0 : i32
      %dma_start3A_278 = tpu.memref_slice %arg21[%dma_start3A_276, %dma_start3A_277] : memref<50000x16xf32, #tpu.memory_space<vmem_shared>> -> memref<50000x16xf32, #tpu.memory_space<vmem_shared>>
      tpu.enqueue_indirect_dma source(%dma_start3A_278 : memref<50000x16xf32, #tpu.memory_space<vmem_shared>>) target(%arg18 : memref<256x16xf32, #tpu.memory_space<vmem>>) offsets(%dma_start3A_275 : memref<256xi32, #tpu.memory_space<vmem>>) semaphore(%arg23 : memref<!tpu.dma_semaphore, #tpu.memory_space<semaphore_mem>>)
      %add3A_279 = arith.constant 1 : i32
      %add3A_280 = arith.addi %mul3A_246, %add3A_279 : i32
      %mul3A_281 = arith.constant 256 : i32
      %mul3A_282 = arith.muli %add3A_280, %mul3A_281 : i32
      "tpu.region"() ({
        %run_scoped3A_284 = tpu.sem_alloc : memref<!tpu.dma_semaphore, #tpu.memory_space<semaphore_mem>>
        %dma_start3A_285 = tpu.memref_slice %arg17[%mul3A_282] : memref<9728xi32, #tpu.memory_space<vmem>> -> memref<256xi32, #tpu.memory_space<vmem>>
        %dma_start3A_286 = arith.constant 0 : i32
        %dma_start3A_287 = arith.constant 0 : i32
        %dma_start3A_288 = tpu.memref_slice %arg22[%dma_start3A_286, %dma_start3A_287] : memref<50184x16xf32, #tpu.memory_space<vmem_shared>> -> memref<50184x16xf32, #tpu.memory_space<vmem_shared>>
        tpu.enqueue_indirect_dma source(%arg19 : memref<256x16xf32, #tpu.memory_space<vmem>>) target(%dma_start3A_288 : memref<50184x16xf32, #tpu.memory_space<vmem_shared>>) offsets(%dma_start3A_285 : memref<256xi32, #tpu.memory_space<vmem>>) semaphore(%run_scoped3A_284 : memref<!tpu.dma_semaphore, #tpu.memory_space<semaphore_mem>>) {add = true}
        %dma_wait3A_289 = tpu.memref_slice %arg17[%mul3A_282] : memref<9728xi32, #tpu.memory_space<vmem>> -> memref<256xi32, #tpu.memory_space<vmem>>
        %dma_wait3A_290 = arith.constant 0 : i32
        %dma_wait3A_291 = arith.constant 0 : i32
        %dma_wait3A_292 = tpu.memref_slice %arg22[%dma_wait3A_290, %dma_wait3A_291] : memref<50184x16xf32, #tpu.memory_space<vmem_shared>> -> memref<50184x16xf32, #tpu.memory_space<vmem_shared>>
        tpu.wait_indirect_dma semaphore(%run_scoped3A_284 : memref<!tpu.dma_semaphore, #tpu.memory_space<semaphore_mem>>) src(%arg19 : memref<256x16xf32, #tpu.memory_space<vmem>>) dst(%dma_wait3A_292 : memref<50184x16xf32, #tpu.memory_space<vmem_shared>>)
        tpu.yield
      }) : () -> ()
      %scan3A_283 = arith.constant 0 : i32
      scf.yield %scan3A_283 : i32
    }
    %scan3A_189 = arith.constant 19 : i32
    %dma_wait3A_190 = arith.constant 9728 : i32
    %dma_wait3A_191 = tpu.memref_slice %arg16[%dma_wait3A_190] : memref<9984xi32, #tpu.memory_space<vmem>> -> memref<256xi32, #tpu.memory_space<vmem>>
    %dma_wait3A_192 = arith.constant 0 : i32
    %dma_wait3A_193 = arith.constant 0 : i32
    %dma_wait3A_194 = tpu.memref_slice %arg21[%dma_wait3A_192, %dma_wait3A_193] : memref<50000x16xf32, #tpu.memory_space<vmem_shared>> -> memref<50000x16xf32, #tpu.memory_space<vmem_shared>>
    tpu.wait_indirect_dma semaphore(%arg23 : memref<!tpu.dma_semaphore, #tpu.memory_space<semaphore_mem>>) src(%dma_wait3A_194 : memref<50000x16xf32, #tpu.memory_space<vmem_shared>>) dst(%arg18 : memref<256x16xf32, #tpu.memory_space<vmem>>)
    %barrier3A_195 = arith.constant 0 : index
    tpu.barrier barrier_id(%barrier3A_195)
    %mul3A_196 = arith.constant 3136 : i32
    %mul3A_197 = arith.muli %arg1, %mul3A_196 : i32
    %run_scoped3A_198 = arith.constant 6 : i32
    "tpu.region"() ({
      %run_scoped3A_243 = tpu.sem_alloc : memref<!tpu.dma_semaphore, #tpu.memory_space<semaphore_mem>>
      %dma_start3A_244 = arith.constant 0 : i32
      %dma_start3A_245 = arith.constant 0 : i32
      %dma_start3A_246 = tpu.memref_slice %arg14[%run_scoped3A_198, %arg0, %dma_start3A_244, %dma_start3A_245] : memref<8x2x50176x16xf32, #tpu.memory_space<hbm>> -> memref<1x1x50176x16xf32, #tpu.memory_space<hbm>>
      %dma_start3A_247 = tpu.memref_squeeze %dma_start3A_246 : memref<1x1x50176x16xf32, #tpu.memory_space<hbm>> -> memref<50176x16xf32, #tpu.memory_space<hbm>>
      %dma_start3A_248 = arith.constant 0 : i32
      %dma_start3A_249 = tpu.memref_slice %dma_start3A_247[%mul3A_197, %dma_start3A_248] : memref<50176x16xf32, #tpu.memory_space<hbm>> -> memref<3136x16xf32, #tpu.memory_space<hbm>>
      %dma_start3A_250 = arith.constant 0 : i32
      %dma_start3A_251 = tpu.memref_slice %arg22[%mul3A_197, %dma_start3A_250] : memref<50184x16xf32, #tpu.memory_space<vmem_shared>> -> memref<3136x16xf32, #tpu.memory_space<vmem_shared>>
      tpu.enqueue_dma source(%dma_start3A_251 : memref<3136x16xf32, #tpu.memory_space<vmem_shared>>) target(%dma_start3A_249 : memref<3136x16xf32, #tpu.memory_space<hbm>>) target_semaphore(%run_scoped3A_243 : memref<!tpu.dma_semaphore, #tpu.memory_space<semaphore_mem>>)
      %dma_wait3A_252 = arith.constant 0 : i32
      %dma_wait3A_253 = arith.constant 0 : i32
      %dma_wait3A_254 = tpu.memref_slice %arg14[%run_scoped3A_198, %arg0, %dma_wait3A_252, %dma_wait3A_253] : memref<8x2x50176x16xf32, #tpu.memory_space<hbm>> -> memref<1x1x50176x16xf32, #tpu.memory_space<hbm>>
      %dma_wait3A_255 = tpu.memref_squeeze %dma_wait3A_254 : memref<1x1x50176x16xf32, #tpu.memory_space<hbm>> -> memref<50176x16xf32, #tpu.memory_space<hbm>>
      %dma_wait3A_256 = arith.constant 0 : i32
      %dma_wait3A_257 = tpu.memref_slice %dma_wait3A_255[%mul3A_197, %dma_wait3A_256] : memref<50176x16xf32, #tpu.memory_space<hbm>> -> memref<3136x16xf32, #tpu.memory_space<hbm>>
      %dma_wait3A_258 = arith.constant 0 : i32
      %dma_wait3A_259 = tpu.memref_slice %arg22[%mul3A_197, %dma_wait3A_258] : memref<50184x16xf32, #tpu.memory_space<vmem_shared>> -> memref<3136x16xf32, #tpu.memory_space<vmem_shared>>
      tpu.wait_dma2 semaphore(%run_scoped3A_243 : memref<!tpu.dma_semaphore, #tpu.memory_space<semaphore_mem>>) src(%dma_wait3A_259 : memref<3136x16xf32, #tpu.memory_space<vmem_shared>>) dst(%dma_wait3A_257 : memref<3136x16xf32, #tpu.memory_space<hbm>>)
      tpu.yield
    }) : () -> ()
    %barrier3A_199 = arith.constant 0 : index
    tpu.barrier barrier_id(%barrier3A_199)
    %mul3A_200 = arith.constant 3136 : i32
    %mul3A_201 = arith.muli %arg1, %mul3A_200 : i32
    %min3A_202 = arith.constant 46864 : i32
    %min3A_203 = arith.minsi %mul3A_201, %min3A_202 : i32
    "tpu.region"() ({
      %run_scoped3A_243 = tpu.sem_alloc : memref<!tpu.dma_semaphore, #tpu.memory_space<semaphore_mem>>
      %dma_start3A_244 = arith.constant 0 : i32
      %dma_start3A_245 = tpu.memref_slice %arg21[%min3A_203, %dma_start3A_244] : memref<50000x16xf32, #tpu.memory_space<vmem_shared>> -> memref<3136x16xf32, #tpu.memory_space<vmem_shared>>
      %dma_start3A_246 = arith.constant 0 : i32
      %dma_start3A_247 = tpu.memref_slice %arg9[%min3A_203, %dma_start3A_246] : memref<50176x16xf32, #tpu.memory_space<hbm>> -> memref<3136x16xf32, #tpu.memory_space<hbm>>
      tpu.enqueue_dma source(%dma_start3A_247 : memref<3136x16xf32, #tpu.memory_space<hbm>>) target(%dma_start3A_245 : memref<3136x16xf32, #tpu.memory_space<vmem_shared>>) target_semaphore(%run_scoped3A_243 : memref<!tpu.dma_semaphore, #tpu.memory_space<semaphore_mem>>)
      %dma_wait3A_248 = arith.constant 0 : i32
      %dma_wait3A_249 = tpu.memref_slice %arg21[%min3A_203, %dma_wait3A_248] : memref<50000x16xf32, #tpu.memory_space<vmem_shared>> -> memref<3136x16xf32, #tpu.memory_space<vmem_shared>>
      %dma_wait3A_250 = arith.constant 0 : i32
      %dma_wait3A_251 = tpu.memref_slice %arg9[%min3A_203, %dma_wait3A_250] : memref<50176x16xf32, #tpu.memory_space<hbm>> -> memref<3136x16xf32, #tpu.memory_space<hbm>>
      tpu.wait_dma2 semaphore(%run_scoped3A_243 : memref<!tpu.dma_semaphore, #tpu.memory_space<semaphore_mem>>) src(%dma_wait3A_251 : memref<3136x16xf32, #tpu.memory_space<hbm>>) dst(%dma_wait3A_249 : memref<3136x16xf32, #tpu.memory_space<vmem_shared>>)
      tpu.yield
    }) : () -> ()
    %mul3A_204 = arith.constant 3136 : i32
    %mul3A_205 = arith.muli %arg1, %mul3A_204 : i32
    "tpu.region"() ({
      %run_scoped3A_243 = tpu.sem_alloc : memref<!tpu.dma_semaphore, #tpu.memory_space<semaphore_mem>>
      %dma_start3A_244 = arith.constant 0 : i32
      %dma_start3A_245 = tpu.memref_slice %arg22[%mul3A_205, %dma_start3A_244] : memref<50184x16xf32, #tpu.memory_space<vmem_shared>> -> memref<3136x16xf32, #tpu.memory_space<vmem_shared>>
      tpu.enqueue_dma source(%arg12 : memref<3136x16xf32, #tpu.memory_space<hbm>>) target(%dma_start3A_245 : memref<3136x16xf32, #tpu.memory_space<vmem_shared>>) target_semaphore(%run_scoped3A_243 : memref<!tpu.dma_semaphore, #tpu.memory_space<semaphore_mem>>)
      %dma_wait3A_246 = arith.constant 0 : i32
      %dma_wait3A_247 = tpu.memref_slice %arg22[%mul3A_205, %dma_wait3A_246] : memref<50184x16xf32, #tpu.memory_space<vmem_shared>> -> memref<3136x16xf32, #tpu.memory_space<vmem_shared>>
      tpu.wait_dma2 semaphore(%run_scoped3A_243 : memref<!tpu.dma_semaphore, #tpu.memory_space<semaphore_mem>>) src(%arg12 : memref<3136x16xf32, #tpu.memory_space<hbm>>) dst(%dma_wait3A_247 : memref<3136x16xf32, #tpu.memory_space<vmem_shared>>)
      tpu.yield
    }) : () -> ()
    "tpu.region"() ({
      %run_scoped3A_243 = tpu.sem_alloc : memref<!tpu.dma_semaphore, #tpu.memory_space<semaphore_mem>>
      %dma_start3A_244 = arith.constant 50176 : i32
      %dma_start3A_245 = arith.constant 0 : i32
      %dma_start3A_246 = tpu.memref_slice %arg22[%dma_start3A_244, %dma_start3A_245] : memref<50184x16xf32, #tpu.memory_space<vmem_shared>> -> memref<8x16xf32, #tpu.memory_space<vmem_shared>>
      %dma_start3A_247 = arith.constant 0 : i32
      %dma_start3A_248 = arith.constant 0 : i32
      %dma_start3A_249 = tpu.memref_slice %arg12[%dma_start3A_247, %dma_start3A_248] : memref<3136x16xf32, #tpu.memory_space<hbm>> -> memref<8x16xf32, #tpu.memory_space<hbm>>
      tpu.enqueue_dma source(%dma_start3A_249 : memref<8x16xf32, #tpu.memory_space<hbm>>) target(%dma_start3A_246 : memref<8x16xf32, #tpu.memory_space<vmem_shared>>) target_semaphore(%run_scoped3A_243 : memref<!tpu.dma_semaphore, #tpu.memory_space<semaphore_mem>>)
      %dma_wait3A_250 = arith.constant 50176 : i32
      %dma_wait3A_251 = arith.constant 0 : i32
      %dma_wait3A_252 = tpu.memref_slice %arg22[%dma_wait3A_250, %dma_wait3A_251] : memref<50184x16xf32, #tpu.memory_space<vmem_shared>> -> memref<8x16xf32, #tpu.memory_space<vmem_shared>>
      %dma_wait3A_253 = arith.constant 0 : i32
      %dma_wait3A_254 = arith.constant 0 : i32
      %dma_wait3A_255 = tpu.memref_slice %arg12[%dma_wait3A_253, %dma_wait3A_254] : memref<3136x16xf32, #tpu.memory_space<hbm>> -> memref<8x16xf32, #tpu.memory_space<hbm>>
      tpu.wait_dma2 semaphore(%run_scoped3A_243 : memref<!tpu.dma_semaphore, #tpu.memory_space<semaphore_mem>>) src(%dma_wait3A_255 : memref<8x16xf32, #tpu.memory_space<hbm>>) dst(%dma_wait3A_252 : memref<8x16xf32, #tpu.memory_space<vmem_shared>>)
      tpu.yield
    }) : () -> ()
    %barrier3A_206 = arith.constant 0 : index
    tpu.barrier barrier_id(%barrier3A_206)
    %dma_start3A_207 = arith.constant 0 : i32
    %dma_start3A_208 = tpu.memref_slice %arg16[%dma_start3A_207] : memref<9984xi32, #tpu.memory_space<vmem>> -> memref<256xi32, #tpu.memory_space<vmem>>
    %dma_start3A_209 = arith.constant 0 : i32
    %dma_start3A_210 = arith.constant 0 : i32
    %dma_start3A_211 = tpu.memref_slice %arg21[%dma_start3A_209, %dma_start3A_210] : memref<50000x16xf32, #tpu.memory_space<vmem_shared>> -> memref<50000x16xf32, #tpu.memory_space<vmem_shared>>
    tpu.enqueue_indirect_dma source(%dma_start3A_211 : memref<50000x16xf32, #tpu.memory_space<vmem_shared>>) target(%arg18 : memref<256x16xf32, #tpu.memory_space<vmem>>) offsets(%dma_start3A_208 : memref<256xi32, #tpu.memory_space<vmem>>) semaphore(%arg23 : memref<!tpu.dma_semaphore, #tpu.memory_space<semaphore_mem>>)
    %scan3A_212 = arith.constant 0 : i32
    %scan3A_213 = arith.constant 0 : i32
    %scan3A_214 = arith.constant 19 : i32
    %scan3A_215 = arith.addi %scan3A_213, %scan3A_214 : i32
    %scan3A_216 = arith.constant 1 : i32
    %scan3A_217 = scf.for %scan3A_243 = %scan3A_213 to %scan3A_215 step %scan3A_216 iter_args(%scan3A_244 = %scan3A_212) -> (i32)  : i32 {
      %mul3A_245 = arith.constant 2 : i32
      %mul3A_246 = arith.muli %scan3A_243, %mul3A_245 : i32
      %mul3A_247 = arith.constant 256 : i32
      %mul3A_248 = arith.muli %mul3A_246, %mul3A_247 : i32
      %dma_wait3A_249 = tpu.memref_slice %arg16[%mul3A_248] : memref<9984xi32, #tpu.memory_space<vmem>> -> memref<256xi32, #tpu.memory_space<vmem>>
      %dma_wait3A_250 = arith.constant 0 : i32
      %dma_wait3A_251 = arith.constant 0 : i32
      %dma_wait3A_252 = tpu.memref_slice %arg21[%dma_wait3A_250, %dma_wait3A_251] : memref<50000x16xf32, #tpu.memory_space<vmem_shared>> -> memref<50000x16xf32, #tpu.memory_space<vmem_shared>>
      tpu.wait_indirect_dma semaphore(%arg23 : memref<!tpu.dma_semaphore, #tpu.memory_space<semaphore_mem>>) src(%dma_wait3A_252 : memref<50000x16xf32, #tpu.memory_space<vmem_shared>>) dst(%arg18 : memref<256x16xf32, #tpu.memory_space<vmem>>)
      %add3A_253 = arith.constant 1 : i32
      %add3A_254 = arith.addi %mul3A_246, %add3A_253 : i32
      %mul3A_255 = arith.constant 256 : i32
      %mul3A_256 = arith.muli %add3A_254, %mul3A_255 : i32
      %dma_start3A_257 = tpu.memref_slice %arg16[%mul3A_256] : memref<9984xi32, #tpu.memory_space<vmem>> -> memref<256xi32, #tpu.memory_space<vmem>>
      %dma_start3A_258 = arith.constant 0 : i32
      %dma_start3A_259 = arith.constant 0 : i32
      %dma_start3A_260 = tpu.memref_slice %arg21[%dma_start3A_258, %dma_start3A_259] : memref<50000x16xf32, #tpu.memory_space<vmem_shared>> -> memref<50000x16xf32, #tpu.memory_space<vmem_shared>>
      tpu.enqueue_indirect_dma source(%dma_start3A_260 : memref<50000x16xf32, #tpu.memory_space<vmem_shared>>) target(%arg19 : memref<256x16xf32, #tpu.memory_space<vmem>>) offsets(%dma_start3A_257 : memref<256xi32, #tpu.memory_space<vmem>>) semaphore(%arg24 : memref<!tpu.dma_semaphore, #tpu.memory_space<semaphore_mem>>)
      %mul3A_261 = arith.constant 256 : i32
      %mul3A_262 = arith.muli %mul3A_246, %mul3A_261 : i32
      "tpu.region"() ({
        %run_scoped3A_284 = tpu.sem_alloc : memref<!tpu.dma_semaphore, #tpu.memory_space<semaphore_mem>>
        %dma_start3A_285 = tpu.memref_slice %arg17[%mul3A_262] : memref<9728xi32, #tpu.memory_space<vmem>> -> memref<256xi32, #tpu.memory_space<vmem>>
        %dma_start3A_286 = arith.constant 0 : i32
        %dma_start3A_287 = arith.constant 0 : i32
        %dma_start3A_288 = tpu.memref_slice %arg22[%dma_start3A_286, %dma_start3A_287] : memref<50184x16xf32, #tpu.memory_space<vmem_shared>> -> memref<50184x16xf32, #tpu.memory_space<vmem_shared>>
        tpu.enqueue_indirect_dma source(%arg18 : memref<256x16xf32, #tpu.memory_space<vmem>>) target(%dma_start3A_288 : memref<50184x16xf32, #tpu.memory_space<vmem_shared>>) offsets(%dma_start3A_285 : memref<256xi32, #tpu.memory_space<vmem>>) semaphore(%run_scoped3A_284 : memref<!tpu.dma_semaphore, #tpu.memory_space<semaphore_mem>>) {add = true}
        %dma_wait3A_289 = tpu.memref_slice %arg17[%mul3A_262] : memref<9728xi32, #tpu.memory_space<vmem>> -> memref<256xi32, #tpu.memory_space<vmem>>
        %dma_wait3A_290 = arith.constant 0 : i32
        %dma_wait3A_291 = arith.constant 0 : i32
        %dma_wait3A_292 = tpu.memref_slice %arg22[%dma_wait3A_290, %dma_wait3A_291] : memref<50184x16xf32, #tpu.memory_space<vmem_shared>> -> memref<50184x16xf32, #tpu.memory_space<vmem_shared>>
        tpu.wait_indirect_dma semaphore(%run_scoped3A_284 : memref<!tpu.dma_semaphore, #tpu.memory_space<semaphore_mem>>) src(%arg18 : memref<256x16xf32, #tpu.memory_space<vmem>>) dst(%dma_wait3A_292 : memref<50184x16xf32, #tpu.memory_space<vmem_shared>>)
        tpu.yield
      }) : () -> ()
      %add3A_263 = arith.constant 1 : i32
      %add3A_264 = arith.addi %mul3A_246, %add3A_263 : i32
      %mul3A_265 = arith.constant 256 : i32
      %mul3A_266 = arith.muli %add3A_264, %mul3A_265 : i32
      %dma_wait3A_267 = tpu.memref_slice %arg16[%mul3A_266] : memref<9984xi32, #tpu.memory_space<vmem>> -> memref<256xi32, #tpu.memory_space<vmem>>
      %dma_wait3A_268 = arith.constant 0 : i32
      %dma_wait3A_269 = arith.constant 0 : i32
      %dma_wait3A_270 = tpu.memref_slice %arg21[%dma_wait3A_268, %dma_wait3A_269] : memref<50000x16xf32, #tpu.memory_space<vmem_shared>> -> memref<50000x16xf32, #tpu.memory_space<vmem_shared>>
      tpu.wait_indirect_dma semaphore(%arg24 : memref<!tpu.dma_semaphore, #tpu.memory_space<semaphore_mem>>) src(%dma_wait3A_270 : memref<50000x16xf32, #tpu.memory_space<vmem_shared>>) dst(%arg19 : memref<256x16xf32, #tpu.memory_space<vmem>>)
      %add3A_271 = arith.constant 2 : i32
      %add3A_272 = arith.addi %mul3A_246, %add3A_271 : i32
      %mul3A_273 = arith.constant 256 : i32
      %mul3A_274 = arith.muli %add3A_272, %mul3A_273 : i32
      %dma_start3A_275 = tpu.memref_slice %arg16[%mul3A_274] : memref<9984xi32, #tpu.memory_space<vmem>> -> memref<256xi32, #tpu.memory_space<vmem>>
      %dma_start3A_276 = arith.constant 0 : i32
      %dma_start3A_277 = arith.constant 0 : i32
      %dma_start3A_278 = tpu.memref_slice %arg21[%dma_start3A_276, %dma_start3A_277] : memref<50000x16xf32, #tpu.memory_space<vmem_shared>> -> memref<50000x16xf32, #tpu.memory_space<vmem_shared>>
      tpu.enqueue_indirect_dma source(%dma_start3A_278 : memref<50000x16xf32, #tpu.memory_space<vmem_shared>>) target(%arg18 : memref<256x16xf32, #tpu.memory_space<vmem>>) offsets(%dma_start3A_275 : memref<256xi32, #tpu.memory_space<vmem>>) semaphore(%arg23 : memref<!tpu.dma_semaphore, #tpu.memory_space<semaphore_mem>>)
      %add3A_279 = arith.constant 1 : i32
      %add3A_280 = arith.addi %mul3A_246, %add3A_279 : i32
      %mul3A_281 = arith.constant 256 : i32
      %mul3A_282 = arith.muli %add3A_280, %mul3A_281 : i32
      "tpu.region"() ({
        %run_scoped3A_284 = tpu.sem_alloc : memref<!tpu.dma_semaphore, #tpu.memory_space<semaphore_mem>>
        %dma_start3A_285 = tpu.memref_slice %arg17[%mul3A_282] : memref<9728xi32, #tpu.memory_space<vmem>> -> memref<256xi32, #tpu.memory_space<vmem>>
        %dma_start3A_286 = arith.constant 0 : i32
        %dma_start3A_287 = arith.constant 0 : i32
        %dma_start3A_288 = tpu.memref_slice %arg22[%dma_start3A_286, %dma_start3A_287] : memref<50184x16xf32, #tpu.memory_space<vmem_shared>> -> memref<50184x16xf32, #tpu.memory_space<vmem_shared>>
        tpu.enqueue_indirect_dma source(%arg19 : memref<256x16xf32, #tpu.memory_space<vmem>>) target(%dma_start3A_288 : memref<50184x16xf32, #tpu.memory_space<vmem_shared>>) offsets(%dma_start3A_285 : memref<256xi32, #tpu.memory_space<vmem>>) semaphore(%run_scoped3A_284 : memref<!tpu.dma_semaphore, #tpu.memory_space<semaphore_mem>>) {add = true}
        %dma_wait3A_289 = tpu.memref_slice %arg17[%mul3A_282] : memref<9728xi32, #tpu.memory_space<vmem>> -> memref<256xi32, #tpu.memory_space<vmem>>
        %dma_wait3A_290 = arith.constant 0 : i32
        %dma_wait3A_291 = arith.constant 0 : i32
        %dma_wait3A_292 = tpu.memref_slice %arg22[%dma_wait3A_290, %dma_wait3A_291] : memref<50184x16xf32, #tpu.memory_space<vmem_shared>> -> memref<50184x16xf32, #tpu.memory_space<vmem_shared>>
        tpu.wait_indirect_dma semaphore(%run_scoped3A_284 : memref<!tpu.dma_semaphore, #tpu.memory_space<semaphore_mem>>) src(%arg19 : memref<256x16xf32, #tpu.memory_space<vmem>>) dst(%dma_wait3A_292 : memref<50184x16xf32, #tpu.memory_space<vmem_shared>>)
        tpu.yield
      }) : () -> ()
      %scan3A_283 = arith.constant 0 : i32
      scf.yield %scan3A_283 : i32
    }
    %scan3A_218 = arith.constant 19 : i32
    %dma_wait3A_219 = arith.constant 9728 : i32
    %dma_wait3A_220 = tpu.memref_slice %arg16[%dma_wait3A_219] : memref<9984xi32, #tpu.memory_space<vmem>> -> memref<256xi32, #tpu.memory_space<vmem>>
    %dma_wait3A_221 = arith.constant 0 : i32
    %dma_wait3A_222 = arith.constant 0 : i32
    %dma_wait3A_223 = tpu.memref_slice %arg21[%dma_wait3A_221, %dma_wait3A_222] : memref<50000x16xf32, #tpu.memory_space<vmem_shared>> -> memref<50000x16xf32, #tpu.memory_space<vmem_shared>>
    tpu.wait_indirect_dma semaphore(%arg23 : memref<!tpu.dma_semaphore, #tpu.memory_space<semaphore_mem>>) src(%dma_wait3A_223 : memref<50000x16xf32, #tpu.memory_space<vmem_shared>>) dst(%arg18 : memref<256x16xf32, #tpu.memory_space<vmem>>)
    %barrier3A_224 = arith.constant 0 : index
    tpu.barrier barrier_id(%barrier3A_224)
    %mul3A_225 = arith.constant 3136 : i32
    %mul3A_226 = arith.muli %arg1, %mul3A_225 : i32
    %run_scoped3A_227 = arith.constant 7 : i32
    "tpu.region"() ({
      %run_scoped3A_243 = tpu.sem_alloc : memref<!tpu.dma_semaphore, #tpu.memory_space<semaphore_mem>>
      %dma_start3A_244 = arith.constant 0 : i32
      %dma_start3A_245 = arith.constant 0 : i32
      %dma_start3A_246 = tpu.memref_slice %arg14[%run_scoped3A_227, %arg0, %dma_start3A_244, %dma_start3A_245] : memref<8x2x50176x16xf32, #tpu.memory_space<hbm>> -> memref<1x1x50176x16xf32, #tpu.memory_space<hbm>>
      %dma_start3A_247 = tpu.memref_squeeze %dma_start3A_246 : memref<1x1x50176x16xf32, #tpu.memory_space<hbm>> -> memref<50176x16xf32, #tpu.memory_space<hbm>>
      %dma_start3A_248 = arith.constant 0 : i32
      %dma_start3A_249 = tpu.memref_slice %dma_start3A_247[%mul3A_226, %dma_start3A_248] : memref<50176x16xf32, #tpu.memory_space<hbm>> -> memref<3136x16xf32, #tpu.memory_space<hbm>>
      %dma_start3A_250 = arith.constant 0 : i32
      %dma_start3A_251 = tpu.memref_slice %arg22[%mul3A_226, %dma_start3A_250] : memref<50184x16xf32, #tpu.memory_space<vmem_shared>> -> memref<3136x16xf32, #tpu.memory_space<vmem_shared>>
      tpu.enqueue_dma source(%dma_start3A_251 : memref<3136x16xf32, #tpu.memory_space<vmem_shared>>) target(%dma_start3A_249 : memref<3136x16xf32, #tpu.memory_space<hbm>>) target_semaphore(%run_scoped3A_243 : memref<!tpu.dma_semaphore, #tpu.memory_space<semaphore_mem>>)
      %dma_wait3A_252 = arith.constant 0 : i32
      %dma_wait3A_253 = arith.constant 0 : i32
      %dma_wait3A_254 = tpu.memref_slice %arg14[%run_scoped3A_227, %arg0, %dma_wait3A_252, %dma_wait3A_253] : memref<8x2x50176x16xf32, #tpu.memory_space<hbm>> -> memref<1x1x50176x16xf32, #tpu.memory_space<hbm>>
      %dma_wait3A_255 = tpu.memref_squeeze %dma_wait3A_254 : memref<1x1x50176x16xf32, #tpu.memory_space<hbm>> -> memref<50176x16xf32, #tpu.memory_space<hbm>>
      %dma_wait3A_256 = arith.constant 0 : i32
      %dma_wait3A_257 = tpu.memref_slice %dma_wait3A_255[%mul3A_226, %dma_wait3A_256] : memref<50176x16xf32, #tpu.memory_space<hbm>> -> memref<3136x16xf32, #tpu.memory_space<hbm>>
      %dma_wait3A_258 = arith.constant 0 : i32
      %dma_wait3A_259 = tpu.memref_slice %arg22[%mul3A_226, %dma_wait3A_258] : memref<50184x16xf32, #tpu.memory_space<vmem_shared>> -> memref<3136x16xf32, #tpu.memory_space<vmem_shared>>
      tpu.wait_dma2 semaphore(%run_scoped3A_243 : memref<!tpu.dma_semaphore, #tpu.memory_space<semaphore_mem>>) src(%dma_wait3A_259 : memref<3136x16xf32, #tpu.memory_space<vmem_shared>>) dst(%dma_wait3A_257 : memref<3136x16xf32, #tpu.memory_space<hbm>>)
      tpu.yield
    }) : () -> ()
    %barrier3A_228 = arith.constant 0 : index
    tpu.barrier barrier_id(%barrier3A_228)
    %mul3A_229 = arith.constant 3136 : i32
    %mul3A_230 = arith.muli %arg1, %mul3A_229 : i32
    "tpu.region"() ({
      %run_scoped3A_243 = tpu.sem_alloc : memref<!tpu.dma_semaphore, #tpu.memory_space<semaphore_mem>>
      %dma_start3A_244 = arith.constant 0 : i32
      %dma_start3A_245 = tpu.memref_slice %arg22[%mul3A_230, %dma_start3A_244] : memref<50184x16xf32, #tpu.memory_space<vmem_shared>> -> memref<3136x16xf32, #tpu.memory_space<vmem_shared>>
      tpu.enqueue_dma source(%arg12 : memref<3136x16xf32, #tpu.memory_space<hbm>>) target(%dma_start3A_245 : memref<3136x16xf32, #tpu.memory_space<vmem_shared>>) target_semaphore(%run_scoped3A_243 : memref<!tpu.dma_semaphore, #tpu.memory_space<semaphore_mem>>)
      %dma_wait3A_246 = arith.constant 0 : i32
      %dma_wait3A_247 = tpu.memref_slice %arg22[%mul3A_230, %dma_wait3A_246] : memref<50184x16xf32, #tpu.memory_space<vmem_shared>> -> memref<3136x16xf32, #tpu.memory_space<vmem_shared>>
      tpu.wait_dma2 semaphore(%run_scoped3A_243 : memref<!tpu.dma_semaphore, #tpu.memory_space<semaphore_mem>>) src(%arg12 : memref<3136x16xf32, #tpu.memory_space<hbm>>) dst(%dma_wait3A_247 : memref<3136x16xf32, #tpu.memory_space<vmem_shared>>)
      tpu.yield
    }) : () -> ()
    "tpu.region"() ({
      %run_scoped3A_243 = tpu.sem_alloc : memref<!tpu.dma_semaphore, #tpu.memory_space<semaphore_mem>>
      %dma_start3A_244 = arith.constant 50176 : i32
      %dma_start3A_245 = arith.constant 0 : i32
      %dma_start3A_246 = tpu.memref_slice %arg22[%dma_start3A_244, %dma_start3A_245] : memref<50184x16xf32, #tpu.memory_space<vmem_shared>> -> memref<8x16xf32, #tpu.memory_space<vmem_shared>>
      %dma_start3A_247 = arith.constant 0 : i32
      %dma_start3A_248 = arith.constant 0 : i32
      %dma_start3A_249 = tpu.memref_slice %arg12[%dma_start3A_247, %dma_start3A_248] : memref<3136x16xf32, #tpu.memory_space<hbm>> -> memref<8x16xf32, #tpu.memory_space<hbm>>
      tpu.enqueue_dma source(%dma_start3A_249 : memref<8x16xf32, #tpu.memory_space<hbm>>) target(%dma_start3A_246 : memref<8x16xf32, #tpu.memory_space<vmem_shared>>) target_semaphore(%run_scoped3A_243 : memref<!tpu.dma_semaphore, #tpu.memory_space<semaphore_mem>>)
      %dma_wait3A_250 = arith.constant 50176 : i32
      %dma_wait3A_251 = arith.constant 0 : i32
      %dma_wait3A_252 = tpu.memref_slice %arg22[%dma_wait3A_250, %dma_wait3A_251] : memref<50184x16xf32, #tpu.memory_space<vmem_shared>> -> memref<8x16xf32, #tpu.memory_space<vmem_shared>>
      %dma_wait3A_253 = arith.constant 0 : i32
      %dma_wait3A_254 = arith.constant 0 : i32
      %dma_wait3A_255 = tpu.memref_slice %arg12[%dma_wait3A_253, %dma_wait3A_254] : memref<3136x16xf32, #tpu.memory_space<hbm>> -> memref<8x16xf32, #tpu.memory_space<hbm>>
      tpu.wait_dma2 semaphore(%run_scoped3A_243 : memref<!tpu.dma_semaphore, #tpu.memory_space<semaphore_mem>>) src(%dma_wait3A_255 : memref<8x16xf32, #tpu.memory_space<hbm>>) dst(%dma_wait3A_252 : memref<8x16xf32, #tpu.memory_space<vmem_shared>>)
      tpu.yield
    }) : () -> ()
    %barrier3A_231 = arith.constant 0 : index
    tpu.barrier barrier_id(%barrier3A_231)
    %scan3A_232 = arith.constant 0 : i32
    %scan3A_233 = arith.constant 0 : i32
    %scan3A_234 = arith.constant 76 : i32
    %scan3A_235 = arith.addi %scan3A_233, %scan3A_234 : i32
    %scan3A_236 = arith.constant 1 : i32
    %scan3A_237 = scf.for %scan3A_243 = %scan3A_233 to %scan3A_235 step %scan3A_236 iter_args(%scan3A_244 = %scan3A_232) -> (i32)  : i32 {
      %mul3A_245 = arith.constant 128 : i32
      %mul3A_246 = arith.muli %scan3A_243, %mul3A_245 : i32
      "tpu.region"() ({
        %run_scoped3A_248 = tpu.sem_alloc : memref<!tpu.dma_semaphore, #tpu.memory_space<semaphore_mem>>
        %dma_start3A_249 = tpu.memref_slice %arg17[%mul3A_246] : memref<9728xi32, #tpu.memory_space<vmem>> -> memref<128xi32, #tpu.memory_space<vmem>>
        %dma_start3A_250 = arith.constant 0 : i32
        %dma_start3A_251 = arith.constant 0 : i32
        %dma_start3A_252 = tpu.memref_slice %arg22[%dma_start3A_250, %dma_start3A_251] : memref<50184x16xf32, #tpu.memory_space<vmem_shared>> -> memref<50184x16xf32, #tpu.memory_space<vmem_shared>>
        tpu.enqueue_indirect_dma source(%arg20 : memref<128x16xf32, #tpu.memory_space<vmem>>) target(%dma_start3A_252 : memref<50184x16xf32, #tpu.memory_space<vmem_shared>>) offsets(%dma_start3A_249 : memref<128xi32, #tpu.memory_space<vmem>>) semaphore(%run_scoped3A_248 : memref<!tpu.dma_semaphore, #tpu.memory_space<semaphore_mem>>) {add = true}
        %dma_wait3A_253 = tpu.memref_slice %arg17[%mul3A_246] : memref<9728xi32, #tpu.memory_space<vmem>> -> memref<128xi32, #tpu.memory_space<vmem>>
        %dma_wait3A_254 = arith.constant 0 : i32
        %dma_wait3A_255 = arith.constant 0 : i32
        %dma_wait3A_256 = tpu.memref_slice %arg22[%dma_wait3A_254, %dma_wait3A_255] : memref<50184x16xf32, #tpu.memory_space<vmem_shared>> -> memref<50184x16xf32, #tpu.memory_space<vmem_shared>>
        tpu.wait_indirect_dma semaphore(%run_scoped3A_248 : memref<!tpu.dma_semaphore, #tpu.memory_space<semaphore_mem>>) src(%arg20 : memref<128x16xf32, #tpu.memory_space<vmem>>) dst(%dma_wait3A_256 : memref<50184x16xf32, #tpu.memory_space<vmem_shared>>)
        tpu.yield
      }) : () -> ()
      %scan3A_247 = arith.constant 0 : i32
      scf.yield %scan3A_247 : i32
    }
    %scan3A_238 = arith.constant 76 : i32
    %barrier3A_239 = arith.constant 0 : index
    tpu.barrier barrier_id(%barrier3A_239)
    %mul3A_240 = arith.constant 3136 : i32
    %mul3A_241 = arith.muli %arg1, %mul3A_240 : i32
    "tpu.region"() ({
      %run_scoped3A_243 = tpu.sem_alloc : memref<!tpu.dma_semaphore, #tpu.memory_space<semaphore_mem>>
      %dma_start3A_244 = arith.constant 0 : i32
      %dma_start3A_245 = arith.constant 0 : i32
      %dma_start3A_246 = tpu.memref_slice %arg15[%arg0, %dma_start3A_244, %dma_start3A_245] : memref<2x50176x16xf32, #tpu.memory_space<hbm>> -> memref<1x50176x16xf32, #tpu.memory_space<hbm>>
      %dma_start3A_247 = tpu.memref_squeeze %dma_start3A_246 : memref<1x50176x16xf32, #tpu.memory_space<hbm>> -> memref<50176x16xf32, #tpu.memory_space<hbm>>
      %dma_start3A_248 = arith.constant 0 : i32
      %dma_start3A_249 = tpu.memref_slice %dma_start3A_247[%mul3A_241, %dma_start3A_248] : memref<50176x16xf32, #tpu.memory_space<hbm>> -> memref<3136x16xf32, #tpu.memory_space<hbm>>
      %dma_start3A_250 = arith.constant 0 : i32
      %dma_start3A_251 = tpu.memref_slice %arg22[%mul3A_241, %dma_start3A_250] : memref<50184x16xf32, #tpu.memory_space<vmem_shared>> -> memref<3136x16xf32, #tpu.memory_space<vmem_shared>>
      tpu.enqueue_dma source(%dma_start3A_251 : memref<3136x16xf32, #tpu.memory_space<vmem_shared>>) target(%dma_start3A_249 : memref<3136x16xf32, #tpu.memory_space<hbm>>) target_semaphore(%run_scoped3A_243 : memref<!tpu.dma_semaphore, #tpu.memory_space<semaphore_mem>>)
      %dma_wait3A_252 = arith.constant 0 : i32
      %dma_wait3A_253 = arith.constant 0 : i32
      %dma_wait3A_254 = tpu.memref_slice %arg15[%arg0, %dma_wait3A_252, %dma_wait3A_253] : memref<2x50176x16xf32, #tpu.memory_space<hbm>> -> memref<1x50176x16xf32, #tpu.memory_space<hbm>>
      %dma_wait3A_255 = tpu.memref_squeeze %dma_wait3A_254 : memref<1x50176x16xf32, #tpu.memory_space<hbm>> -> memref<50176x16xf32, #tpu.memory_space<hbm>>
      %dma_wait3A_256 = arith.constant 0 : i32
      %dma_wait3A_257 = tpu.memref_slice %dma_wait3A_255[%mul3A_241, %dma_wait3A_256] : memref<50176x16xf32, #tpu.memory_space<hbm>> -> memref<3136x16xf32, #tpu.memory_space<hbm>>
      %dma_wait3A_258 = arith.constant 0 : i32
      %dma_wait3A_259 = tpu.memref_slice %arg22[%mul3A_241, %dma_wait3A_258] : memref<50184x16xf32, #tpu.memory_space<vmem_shared>> -> memref<3136x16xf32, #tpu.memory_space<vmem_shared>>
      tpu.wait_dma2 semaphore(%run_scoped3A_243 : memref<!tpu.dma_semaphore, #tpu.memory_space<semaphore_mem>>) src(%dma_wait3A_259 : memref<3136x16xf32, #tpu.memory_space<vmem_shared>>) dst(%dma_wait3A_257 : memref<3136x16xf32, #tpu.memory_space<hbm>>)
      tpu.yield
    }) : () -> ()
    %barrier3A_242 = arith.constant 0 : index
    tpu.barrier barrier_id(%barrier3A_242)
    return
  }
}

#map = affine_map<(d0, d1) -> (0, 0)>
#map1 = affine_map<(d0, d1) -> (0)>
#map2 = affine_map<(d0, d1) -> (0, 0, 0, 0)>
#map3 = affine_map<(d0, d1) -> (0, 0, 0)>
module attributes {stable_mosaic.version = 14 : i64} {
  func.func @body(%arg0: i32, %arg1: i32, %arg2: memref<50000x16xf32, #tpu.memory_space<hbm>>, %arg3: memref<50000x16xf32, #tpu.memory_space<hbm>>, %arg4: memref<50000x16xf32, #tpu.memory_space<hbm>>, %arg5: memref<50000x16xf32, #tpu.memory_space<hbm>>, %arg6: memref<50000x16xf32, #tpu.memory_space<hbm>>, %arg7: memref<50000x16xf32, #tpu.memory_space<hbm>>, %arg8: memref<50000x16xf32, #tpu.memory_space<hbm>>, %arg9: memref<50000x16xf32, #tpu.memory_space<hbm>>, %arg10: memref<311552xi32, #tpu.memory_space<hbm>>, %arg11: memref<311296xi32, #tpu.memory_space<hbm>>, %arg12: memref<3136x16xf32, #tpu.memory_space<hbm>>, %arg13: memref<128x16xf32, #tpu.memory_space<hbm>>, %arg14: memref<8x2x50176x16xf32, #tpu.memory_space<hbm>>, %arg15: memref<2x50176x16xf32, #tpu.memory_space<hbm>>, %arg16: memref<9984xi32, #tpu.memory_space<vmem>>, %arg17: memref<9728xi32, #tpu.memory_space<vmem>>, %arg18: memref<256x16xf32, #tpu.memory_space<vmem>>, %arg19: memref<256x16xf32, #tpu.memory_space<vmem>>, %arg20: memref<128x16xf32, #tpu.memory_space<vmem>>, %arg21: memref<50000x16xf32, #tpu.memory_space<vmem_shared>>, %arg22: memref<50184x16xf32, #tpu.memory_space<vmem_shared>>, %arg23: memref<!tpu.dma_semaphore, #tpu.memory_space<semaphore_mem>>, %arg24: memref<!tpu.dma_semaphore, #tpu.memory_space<semaphore_mem>>) attributes {dimension_semantics = [#tpu.dimension_semantics<core_parallel>, #tpu.dimension_semantics<subcore_parallel>], iteration_bounds = array<i64: 2, 16>, scalar_prefetch = 0 : i64, scratch_operands = 9 : i64, tpu.core_type = #tpu.core_type<sc_vector_subcore>, window_params = [{transform_indices = #map}, {transform_indices = #map}, {transform_indices = #map}, {transform_indices = #map}, {transform_indices = #map}, {transform_indices = #map}, {transform_indices = #map}, {transform_indices = #map}, {transform_indices = #map1}, {transform_indices = #map1}, {transform_indices = #map}, {transform_indices = #map}, {transform_indices = #map2}, {transform_indices = #map3}]} {
    %mul3A = arith.constant 16 : i32
    %mul3A_0 = arith.muli %arg0, %mul3A : i32
    %add3A = arith.addi %mul3A_0, %arg1 : i32
    %mul3A_1 = arith.constant 9728 : i32
    %mul3A_2 = arith.muli %add3A, %mul3A_1 : i32
    "tpu.region"() ({
      %run_scoped3A_243 = tpu.sem_alloc : memref<!tpu.dma_semaphore, #tpu.memory_space<semaphore_mem>>
      %dma_start3A_244 = tpu.memref_slice %arg10[%mul3A_2] : memref<311552xi32, #tpu.memory_space<hbm>> -> memref<9984xi32, #tpu.memory_space<hbm>>
      %dma_start3A_245 = tpu.memref_slice %arg10[%mul3A_2] : memref<311552xi32, #tpu.memory_space<hbm>> -> memref<9984xi32, #tpu.memory_space<hbm>>
      tpu.enqueue_dma source(%dma_start3A_245 : memref<9984xi32, #tpu.memory_space<hbm>>) target(%arg16 : memref<9984xi32, #tpu.memory_space<vmem>>) target_semaphore(%run_scoped3A_243 : memref<!tpu.dma_semaphore, #tpu.memory_space<semaphore_mem>>)
      %dma_wait3A_246 = tpu.memref_slice %arg10[%mul3A_2] : memref<311552xi32, #tpu.memory_space<hbm>> -> memref<9984xi32, #tpu.memory_space<hbm>>
      %dma_wait3A_247 = tpu.memref_slice %arg10[%mul3A_2] : memref<311552xi32, #tpu.memory_space<hbm>> -> memref<9984xi32, #tpu.memory_space<hbm>>
      tpu.wait_dma2 semaphore(%run_scoped3A_243 : memref<!tpu.dma_semaphore, #tpu.memory_space<semaphore_mem>>) src(%dma_wait3A_247 : memref<9984xi32, #tpu.memory_space<hbm>>) dst(%arg16 : memref<9984xi32, #tpu.memory_space<vmem>>)
      tpu.yield
    }) : () -> ()
    "tpu.region"() ({
      %run_scoped3A_243 = tpu.sem_alloc : memref<!tpu.dma_semaphore, #tpu.memory_space<semaphore_mem>>
      %dma_start3A_244 = tpu.memref_slice %arg11[%mul3A_2] : memref<311296xi32, #tpu.memory_space<hbm>> -> memref<9728xi32, #tpu.memory_space<hbm>>
      %dma_start3A_245 = tpu.memref_slice %arg11[%mul3A_2] : memref<311296xi32, #tpu.memory_space<hbm>> -> memref<9728xi32, #tpu.memory_space<hbm>>
      tpu.enqueue_dma source(%dma_start3A_245 : memref<9728xi32, #tpu.memory_space<hbm>>) target(%arg17 : memref<9728xi32, #tpu.memory_space<vmem>>) target_semaphore(%run_scoped3A_243 : memref<!tpu.dma_semaphore, #tpu.memory_space<semaphore_mem>>)
      %dma_wait3A_246 = tpu.memref_slice %arg11[%mul3A_2] : memref<311296xi32, #tpu.memory_space<hbm>> -> memref<9728xi32, #tpu.memory_space<hbm>>
      %dma_wait3A_247 = tpu.memref_slice %arg11[%mul3A_2] : memref<311296xi32, #tpu.memory_space<hbm>> -> memref<9728xi32, #tpu.memory_space<hbm>>
      tpu.wait_dma2 semaphore(%run_scoped3A_243 : memref<!tpu.dma_semaphore, #tpu.memory_space<semaphore_mem>>) src(%dma_wait3A_247 : memref<9728xi32, #tpu.memory_space<hbm>>) dst(%arg17 : memref<9728xi32, #tpu.memory_space<vmem>>)
      tpu.yield
    }) : () -> ()
    "tpu.region"() ({
      %run_scoped3A_243 = tpu.sem_alloc : memref<!tpu.dma_semaphore, #tpu.memory_space<semaphore_mem>>
      tpu.enqueue_dma source(%arg13 : memref<128x16xf32, #tpu.memory_space<hbm>>) target(%arg20 : memref<128x16xf32, #tpu.memory_space<vmem>>) target_semaphore(%run_scoped3A_243 : memref<!tpu.dma_semaphore, #tpu.memory_space<semaphore_mem>>)
      tpu.wait_dma2 semaphore(%run_scoped3A_243 : memref<!tpu.dma_semaphore, #tpu.memory_space<semaphore_mem>>) src(%arg13 : memref<128x16xf32, #tpu.memory_space<hbm>>) dst(%arg20 : memref<128x16xf32, #tpu.memory_space<vmem>>)
      tpu.yield
    }) : () -> ()
    %mul3A_3 = arith.constant 3136 : i32
    %mul3A_4 = arith.muli %arg1, %mul3A_3 : i32
    %min3A = arith.constant 46864 : i32
    %min3A_5 = arith.minsi %mul3A_4, %min3A : i32
    "tpu.region"() ({
      %run_scoped3A_243 = tpu.sem_alloc : memref<!tpu.dma_semaphore, #tpu.memory_space<semaphore_mem>>
      %dma_start3A_244 = arith.constant 0 : i32
      %dma_start3A_245 = tpu.memref_slice %arg21[%min3A_5, %dma_start3A_244] : memref<50000x16xf32, #tpu.memory_space<vmem_shared>> -> memref<3136x16xf32, #tpu.memory_space<vmem_shared>>
      %dma_start3A_246 = arith.constant 0 : i32
      %dma_start3A_247 = tpu.memref_slice %arg2[%min3A_5, %dma_start3A_246] : memref<50000x16xf32, #tpu.memory_space<hbm>> -> memref<3136x16xf32, #tpu.memory_space<hbm>>
      tpu.enqueue_dma source(%dma_start3A_247 : memref<3136x16xf32, #tpu.memory_space<hbm>>) target(%dma_start3A_245 : memref<3136x16xf32, #tpu.memory_space<vmem_shared>>) target_semaphore(%run_scoped3A_243 : memref<!tpu.dma_semaphore, #tpu.memory_space<semaphore_mem>>)
      %dma_wait3A_248 = arith.constant 0 : i32
      %dma_wait3A_249 = tpu.memref_slice %arg21[%min3A_5, %dma_wait3A_248] : memref<50000x16xf32, #tpu.memory_space<vmem_shared>> -> memref<3136x16xf32, #tpu.memory_space<vmem_shared>>
      %dma_wait3A_250 = arith.constant 0 : i32
      %dma_wait3A_251 = tpu.memref_slice %arg2[%min3A_5, %dma_wait3A_250] : memref<50000x16xf32, #tpu.memory_space<hbm>> -> memref<3136x16xf32, #tpu.memory_space<hbm>>
      tpu.wait_dma2 semaphore(%run_scoped3A_243 : memref<!tpu.dma_semaphore, #tpu.memory_space<semaphore_mem>>) src(%dma_wait3A_251 : memref<3136x16xf32, #tpu.memory_space<hbm>>) dst(%dma_wait3A_249 : memref<3136x16xf32, #tpu.memory_space<vmem_shared>>)
      tpu.yield
    }) : () -> ()
    %mul3A_6 = arith.constant 3136 : i32
    %mul3A_7 = arith.muli %arg1, %mul3A_6 : i32
    "tpu.region"() ({
      %run_scoped3A_243 = tpu.sem_alloc : memref<!tpu.dma_semaphore, #tpu.memory_space<semaphore_mem>>
      %dma_start3A_244 = arith.constant 0 : i32
      %dma_start3A_245 = tpu.memref_slice %arg22[%mul3A_7, %dma_start3A_244] : memref<50184x16xf32, #tpu.memory_space<vmem_shared>> -> memref<3136x16xf32, #tpu.memory_space<vmem_shared>>
      tpu.enqueue_dma source(%arg12 : memref<3136x16xf32, #tpu.memory_space<hbm>>) target(%dma_start3A_245 : memref<3136x16xf32, #tpu.memory_space<vmem_shared>>) target_semaphore(%run_scoped3A_243 : memref<!tpu.dma_semaphore, #tpu.memory_space<semaphore_mem>>)
      %dma_wait3A_246 = arith.constant 0 : i32
      %dma_wait3A_247 = tpu.memref_slice %arg22[%mul3A_7, %dma_wait3A_246] : memref<50184x16xf32, #tpu.memory_space<vmem_shared>> -> memref<3136x16xf32, #tpu.memory_space<vmem_shared>>
      tpu.wait_dma2 semaphore(%run_scoped3A_243 : memref<!tpu.dma_semaphore, #tpu.memory_space<semaphore_mem>>) src(%arg12 : memref<3136x16xf32, #tpu.memory_space<hbm>>) dst(%dma_wait3A_247 : memref<3136x16xf32, #tpu.memory_space<vmem_shared>>)
      tpu.yield
    }) : () -> ()
    "tpu.region"() ({
      %run_scoped3A_243 = tpu.sem_alloc : memref<!tpu.dma_semaphore, #tpu.memory_space<semaphore_mem>>
      %dma_start3A_244 = arith.constant 50176 : i32
      %dma_start3A_245 = arith.constant 0 : i32
      %dma_start3A_246 = tpu.memref_slice %arg22[%dma_start3A_244, %dma_start3A_245] : memref<50184x16xf32, #tpu.memory_space<vmem_shared>> -> memref<8x16xf32, #tpu.memory_space<vmem_shared>>
      %dma_start3A_247 = arith.constant 0 : i32
      %dma_start3A_248 = arith.constant 0 : i32
      %dma_start3A_249 = tpu.memref_slice %arg12[%dma_start3A_247, %dma_start3A_248] : memref<3136x16xf32, #tpu.memory_space<hbm>> -> memref<8x16xf32, #tpu.memory_space<hbm>>
      tpu.enqueue_dma source(%dma_start3A_249 : memref<8x16xf32, #tpu.memory_space<hbm>>) target(%dma_start3A_246 : memref<8x16xf32, #tpu.memory_space<vmem_shared>>) target_semaphore(%run_scoped3A_243 : memref<!tpu.dma_semaphore, #tpu.memory_space<semaphore_mem>>)
      %dma_wait3A_250 = arith.constant 50176 : i32
      %dma_wait3A_251 = arith.constant 0 : i32
      %dma_wait3A_252 = tpu.memref_slice %arg22[%dma_wait3A_250, %dma_wait3A_251] : memref<50184x16xf32, #tpu.memory_space<vmem_shared>> -> memref<8x16xf32, #tpu.memory_space<vmem_shared>>
      %dma_wait3A_253 = arith.constant 0 : i32
      %dma_wait3A_254 = arith.constant 0 : i32
      %dma_wait3A_255 = tpu.memref_slice %arg12[%dma_wait3A_253, %dma_wait3A_254] : memref<3136x16xf32, #tpu.memory_space<hbm>> -> memref<8x16xf32, #tpu.memory_space<hbm>>
      tpu.wait_dma2 semaphore(%run_scoped3A_243 : memref<!tpu.dma_semaphore, #tpu.memory_space<semaphore_mem>>) src(%dma_wait3A_255 : memref<8x16xf32, #tpu.memory_space<hbm>>) dst(%dma_wait3A_252 : memref<8x16xf32, #tpu.memory_space<vmem_shared>>)
      tpu.yield
    }) : () -> ()
    %barrier3A = arith.constant 0 : index
    tpu.barrier barrier_id(%barrier3A)
    %dma_start3A = arith.constant 0 : i32
    %dma_start3A_8 = tpu.memref_slice %arg16[%dma_start3A] : memref<9984xi32, #tpu.memory_space<vmem>> -> memref<256xi32, #tpu.memory_space<vmem>>
    %dma_start3A_9 = arith.constant 0 : i32
    %dma_start3A_10 = arith.constant 0 : i32
    %dma_start3A_11 = tpu.memref_slice %arg21[%dma_start3A_9, %dma_start3A_10] : memref<50000x16xf32, #tpu.memory_space<vmem_shared>> -> memref<50000x16xf32, #tpu.memory_space<vmem_shared>>
    tpu.enqueue_indirect_dma source(%dma_start3A_11 : memref<50000x16xf32, #tpu.memory_space<vmem_shared>>) target(%arg18 : memref<256x16xf32, #tpu.memory_space<vmem>>) offsets(%dma_start3A_8 : memref<256xi32, #tpu.memory_space<vmem>>) semaphore(%arg23 : memref<!tpu.dma_semaphore, #tpu.memory_space<semaphore_mem>>)
    %scan3A = arith.constant 0 : i32
    %scan3A_12 = arith.constant 0 : i32
    %scan3A_13 = arith.constant 19 : i32
    %scan3A_14 = arith.addi %scan3A_12, %scan3A_13 : i32
    %scan3A_15 = arith.constant 1 : i32
    %scan3A_16 = scf.for %scan3A_243 = %scan3A_12 to %scan3A_14 step %scan3A_15 iter_args(%scan3A_244 = %scan3A) -> (i32)  : i32 {
      %mul3A_245 = arith.constant 2 : i32
      %mul3A_246 = arith.muli %scan3A_243, %mul3A_245 : i32
      %mul3A_247 = arith.constant 256 : i32
      %mul3A_248 = arith.muli %mul3A_246, %mul3A_247 : i32
      %dma_wait3A_249 = tpu.memref_slice %arg16[%mul3A_248] : memref<9984xi32, #tpu.memory_space<vmem>> -> memref<256xi32, #tpu.memory_space<vmem>>
      %dma_wait3A_250 = arith.constant 0 : i32
      %dma_wait3A_251 = arith.constant 0 : i32
      %dma_wait3A_252 = tpu.memref_slice %arg21[%dma_wait3A_250, %dma_wait3A_251] : memref<50000x16xf32, #tpu.memory_space<vmem_shared>> -> memref<50000x16xf32, #tpu.memory_space<vmem_shared>>
      tpu.wait_indirect_dma semaphore(%arg23 : memref<!tpu.dma_semaphore, #tpu.memory_space<semaphore_mem>>) src(%dma_wait3A_252 : memref<50000x16xf32, #tpu.memory_space<vmem_shared>>) dst(%arg18 : memref<256x16xf32, #tpu.memory_space<vmem>>)
      %add3A_253 = arith.constant 1 : i32
      %add3A_254 = arith.addi %mul3A_246, %add3A_253 : i32
      %mul3A_255 = arith.constant 256 : i32
      %mul3A_256 = arith.muli %add3A_254, %mul3A_255 : i32
      %dma_start3A_257 = tpu.memref_slice %arg16[%mul3A_256] : memref<9984xi32, #tpu.memory_space<vmem>> -> memref<256xi32, #tpu.memory_space<vmem>>
      %dma_start3A_258 = arith.constant 0 : i32
      %dma_start3A_259 = arith.constant 0 : i32
      %dma_start3A_260 = tpu.memref_slice %arg21[%dma_start3A_258, %dma_start3A_259] : memref<50000x16xf32, #tpu.memory_space<vmem_shared>> -> memref<50000x16xf32, #tpu.memory_space<vmem_shared>>
      tpu.enqueue_indirect_dma source(%dma_start3A_260 : memref<50000x16xf32, #tpu.memory_space<vmem_shared>>) target(%arg19 : memref<256x16xf32, #tpu.memory_space<vmem>>) offsets(%dma_start3A_257 : memref<256xi32, #tpu.memory_space<vmem>>) semaphore(%arg24 : memref<!tpu.dma_semaphore, #tpu.memory_space<semaphore_mem>>)
      %mul3A_261 = arith.constant 256 : i32
      %mul3A_262 = arith.muli %mul3A_246, %mul3A_261 : i32
      "tpu.region"() ({
        %run_scoped3A_284 = tpu.sem_alloc : memref<!tpu.dma_semaphore, #tpu.memory_space<semaphore_mem>>
        %dma_start3A_285 = tpu.memref_slice %arg17[%mul3A_262] : memref<9728xi32, #tpu.memory_space<vmem>> -> memref<256xi32, #tpu.memory_space<vmem>>
        %dma_start3A_286 = arith.constant 0 : i32
        %dma_start3A_287 = arith.constant 0 : i32
        %dma_start3A_288 = tpu.memref_slice %arg22[%dma_start3A_286, %dma_start3A_287] : memref<50184x16xf32, #tpu.memory_space<vmem_shared>> -> memref<50184x16xf32, #tpu.memory_space<vmem_shared>>
        tpu.enqueue_indirect_dma source(%arg18 : memref<256x16xf32, #tpu.memory_space<vmem>>) target(%dma_start3A_288 : memref<50184x16xf32, #tpu.memory_space<vmem_shared>>) offsets(%dma_start3A_285 : memref<256xi32, #tpu.memory_space<vmem>>) semaphore(%run_scoped3A_284 : memref<!tpu.dma_semaphore, #tpu.memory_space<semaphore_mem>>) {add = true}
        %dma_wait3A_289 = tpu.memref_slice %arg17[%mul3A_262] : memref<9728xi32, #tpu.memory_space<vmem>> -> memref<256xi32, #tpu.memory_space<vmem>>
        %dma_wait3A_290 = arith.constant 0 : i32
        %dma_wait3A_291 = arith.constant 0 : i32
        %dma_wait3A_292 = tpu.memref_slice %arg22[%dma_wait3A_290, %dma_wait3A_291] : memref<50184x16xf32, #tpu.memory_space<vmem_shared>> -> memref<50184x16xf32, #tpu.memory_space<vmem_shared>>
        tpu.wait_indirect_dma semaphore(%run_scoped3A_284 : memref<!tpu.dma_semaphore, #tpu.memory_space<semaphore_mem>>) src(%arg18 : memref<256x16xf32, #tpu.memory_space<vmem>>) dst(%dma_wait3A_292 : memref<50184x16xf32, #tpu.memory_space<vmem_shared>>)
        tpu.yield
      }) : () -> ()
      %add3A_263 = arith.constant 1 : i32
      %add3A_264 = arith.addi %mul3A_246, %add3A_263 : i32
      %mul3A_265 = arith.constant 256 : i32
      %mul3A_266 = arith.muli %add3A_264, %mul3A_265 : i32
      %dma_wait3A_267 = tpu.memref_slice %arg16[%mul3A_266] : memref<9984xi32, #tpu.memory_space<vmem>> -> memref<256xi32, #tpu.memory_space<vmem>>
      %dma_wait3A_268 = arith.constant 0 : i32
      %dma_wait3A_269 = arith.constant 0 : i32
      %dma_wait3A_270 = tpu.memref_slice %arg21[%dma_wait3A_268, %dma_wait3A_269] : memref<50000x16xf32, #tpu.memory_space<vmem_shared>> -> memref<50000x16xf32, #tpu.memory_space<vmem_shared>>
      tpu.wait_indirect_dma semaphore(%arg24 : memref<!tpu.dma_semaphore, #tpu.memory_space<semaphore_mem>>) src(%dma_wait3A_270 : memref<50000x16xf32, #tpu.memory_space<vmem_shared>>) dst(%arg19 : memref<256x16xf32, #tpu.memory_space<vmem>>)
      %add3A_271 = arith.constant 2 : i32
      %add3A_272 = arith.addi %mul3A_246, %add3A_271 : i32
      %mul3A_273 = arith.constant 256 : i32
      %mul3A_274 = arith.muli %add3A_272, %mul3A_273 : i32
      %dma_start3A_275 = tpu.memref_slice %arg16[%mul3A_274] : memref<9984xi32, #tpu.memory_space<vmem>> -> memref<256xi32, #tpu.memory_space<vmem>>
      %dma_start3A_276 = arith.constant 0 : i32
      %dma_start3A_277 = arith.constant 0 : i32
      %dma_start3A_278 = tpu.memref_slice %arg21[%dma_start3A_276, %dma_start3A_277] : memref<50000x16xf32, #tpu.memory_space<vmem_shared>> -> memref<50000x16xf32, #tpu.memory_space<vmem_shared>>
      tpu.enqueue_indirect_dma source(%dma_start3A_278 : memref<50000x16xf32, #tpu.memory_space<vmem_shared>>) target(%arg18 : memref<256x16xf32, #tpu.memory_space<vmem>>) offsets(%dma_start3A_275 : memref<256xi32, #tpu.memory_space<vmem>>) semaphore(%arg23 : memref<!tpu.dma_semaphore, #tpu.memory_space<semaphore_mem>>)
      %add3A_279 = arith.constant 1 : i32
      %add3A_280 = arith.addi %mul3A_246, %add3A_279 : i32
      %mul3A_281 = arith.constant 256 : i32
      %mul3A_282 = arith.muli %add3A_280, %mul3A_281 : i32
      "tpu.region"() ({
        %run_scoped3A_284 = tpu.sem_alloc : memref<!tpu.dma_semaphore, #tpu.memory_space<semaphore_mem>>
        %dma_start3A_285 = tpu.memref_slice %arg17[%mul3A_282] : memref<9728xi32, #tpu.memory_space<vmem>> -> memref<256xi32, #tpu.memory_space<vmem>>
        %dma_start3A_286 = arith.constant 0 : i32
        %dma_start3A_287 = arith.constant 0 : i32
        %dma_start3A_288 = tpu.memref_slice %arg22[%dma_start3A_286, %dma_start3A_287] : memref<50184x16xf32, #tpu.memory_space<vmem_shared>> -> memref<50184x16xf32, #tpu.memory_space<vmem_shared>>
        tpu.enqueue_indirect_dma source(%arg19 : memref<256x16xf32, #tpu.memory_space<vmem>>) target(%dma_start3A_288 : memref<50184x16xf32, #tpu.memory_space<vmem_shared>>) offsets(%dma_start3A_285 : memref<256xi32, #tpu.memory_space<vmem>>) semaphore(%run_scoped3A_284 : memref<!tpu.dma_semaphore, #tpu.memory_space<semaphore_mem>>) {add = true}
        %dma_wait3A_289 = tpu.memref_slice %arg17[%mul3A_282] : memref<9728xi32, #tpu.memory_space<vmem>> -> memref<256xi32, #tpu.memory_space<vmem>>
        %dma_wait3A_290 = arith.constant 0 : i32
        %dma_wait3A_291 = arith.constant 0 : i32
        %dma_wait3A_292 = tpu.memref_slice %arg22[%dma_wait3A_290, %dma_wait3A_291] : memref<50184x16xf32, #tpu.memory_space<vmem_shared>> -> memref<50184x16xf32, #tpu.memory_space<vmem_shared>>
        tpu.wait_indirect_dma semaphore(%run_scoped3A_284 : memref<!tpu.dma_semaphore, #tpu.memory_space<semaphore_mem>>) src(%arg19 : memref<256x16xf32, #tpu.memory_space<vmem>>) dst(%dma_wait3A_292 : memref<50184x16xf32, #tpu.memory_space<vmem_shared>>)
        tpu.yield
      }) : () -> ()
      %scan3A_283 = arith.constant 0 : i32
      scf.yield %scan3A_283 : i32
    }
    %scan3A_17 = arith.constant 19 : i32
    %dma_wait3A = arith.constant 9728 : i32
    %dma_wait3A_18 = tpu.memref_slice %arg16[%dma_wait3A] : memref<9984xi32, #tpu.memory_space<vmem>> -> memref<256xi32, #tpu.memory_space<vmem>>
    %dma_wait3A_19 = arith.constant 0 : i32
    %dma_wait3A_20 = arith.constant 0 : i32
    %dma_wait3A_21 = tpu.memref_slice %arg21[%dma_wait3A_19, %dma_wait3A_20] : memref<50000x16xf32, #tpu.memory_space<vmem_shared>> -> memref<50000x16xf32, #tpu.memory_space<vmem_shared>>
    tpu.wait_indirect_dma semaphore(%arg23 : memref<!tpu.dma_semaphore, #tpu.memory_space<semaphore_mem>>) src(%dma_wait3A_21 : memref<50000x16xf32, #tpu.memory_space<vmem_shared>>) dst(%arg18 : memref<256x16xf32, #tpu.memory_space<vmem>>)
    %barrier3A_22 = arith.constant 0 : index
    tpu.barrier barrier_id(%barrier3A_22)
    %mul3A_23 = arith.constant 3136 : i32
    %mul3A_24 = arith.muli %arg1, %mul3A_23 : i32
    %run_scoped3A = arith.constant 0 : i32
    "tpu.region"() ({
      %run_scoped3A_243 = tpu.sem_alloc : memref<!tpu.dma_semaphore, #tpu.memory_space<semaphore_mem>>
      %dma_start3A_244 = arith.constant 0 : i32
      %dma_start3A_245 = arith.constant 0 : i32
      %dma_start3A_246 = tpu.memref_slice %arg14[%run_scoped3A, %arg0, %dma_start3A_244, %dma_start3A_245] : memref<8x2x50176x16xf32, #tpu.memory_space<hbm>> -> memref<1x1x50176x16xf32, #tpu.memory_space<hbm>>
      %dma_start3A_247 = tpu.memref_squeeze %dma_start3A_246 : memref<1x1x50176x16xf32, #tpu.memory_space<hbm>> -> memref<50176x16xf32, #tpu.memory_space<hbm>>
      %dma_start3A_248 = arith.constant 0 : i32
      %dma_start3A_249 = tpu.memref_slice %dma_start3A_247[%mul3A_24, %dma_start3A_248] : memref<50176x16xf32, #tpu.memory_space<hbm>> -> memref<3136x16xf32, #tpu.memory_space<hbm>>
      %dma_start3A_250 = arith.constant 0 : i32
      %dma_start3A_251 = tpu.memref_slice %arg22[%mul3A_24, %dma_start3A_250] : memref<50184x16xf32, #tpu.memory_space<vmem_shared>> -> memref<3136x16xf32, #tpu.memory_space<vmem_shared>>
      tpu.enqueue_dma source(%dma_start3A_251 : memref<3136x16xf32, #tpu.memory_space<vmem_shared>>) target(%dma_start3A_249 : memref<3136x16xf32, #tpu.memory_space<hbm>>) target_semaphore(%run_scoped3A_243 : memref<!tpu.dma_semaphore, #tpu.memory_space<semaphore_mem>>)
      %dma_wait3A_252 = arith.constant 0 : i32
      %dma_wait3A_253 = arith.constant 0 : i32
      %dma_wait3A_254 = tpu.memref_slice %arg14[%run_scoped3A, %arg0, %dma_wait3A_252, %dma_wait3A_253] : memref<8x2x50176x16xf32, #tpu.memory_space<hbm>> -> memref<1x1x50176x16xf32, #tpu.memory_space<hbm>>
      %dma_wait3A_255 = tpu.memref_squeeze %dma_wait3A_254 : memref<1x1x50176x16xf32, #tpu.memory_space<hbm>> -> memref<50176x16xf32, #tpu.memory_space<hbm>>
      %dma_wait3A_256 = arith.constant 0 : i32
      %dma_wait3A_257 = tpu.memref_slice %dma_wait3A_255[%mul3A_24, %dma_wait3A_256] : memref<50176x16xf32, #tpu.memory_space<hbm>> -> memref<3136x16xf32, #tpu.memory_space<hbm>>
      %dma_wait3A_258 = arith.constant 0 : i32
      %dma_wait3A_259 = tpu.memref_slice %arg22[%mul3A_24, %dma_wait3A_258] : memref<50184x16xf32, #tpu.memory_space<vmem_shared>> -> memref<3136x16xf32, #tpu.memory_space<vmem_shared>>
      tpu.wait_dma2 semaphore(%run_scoped3A_243 : memref<!tpu.dma_semaphore, #tpu.memory_space<semaphore_mem>>) src(%dma_wait3A_259 : memref<3136x16xf32, #tpu.memory_space<vmem_shared>>) dst(%dma_wait3A_257 : memref<3136x16xf32, #tpu.memory_space<hbm>>)
      tpu.yield
    }) : () -> ()
    %barrier3A_25 = arith.constant 0 : index
    tpu.barrier barrier_id(%barrier3A_25)
    %mul3A_26 = arith.constant 3136 : i32
    %mul3A_27 = arith.muli %arg1, %mul3A_26 : i32
    %min3A_28 = arith.constant 46864 : i32
    %min3A_29 = arith.minsi %mul3A_27, %min3A_28 : i32
    "tpu.region"() ({
      %run_scoped3A_243 = tpu.sem_alloc : memref<!tpu.dma_semaphore, #tpu.memory_space<semaphore_mem>>
      %dma_start3A_244 = arith.constant 0 : i32
      %dma_start3A_245 = tpu.memref_slice %arg21[%min3A_29, %dma_start3A_244] : memref<50000x16xf32, #tpu.memory_space<vmem_shared>> -> memref<3136x16xf32, #tpu.memory_space<vmem_shared>>
      %dma_start3A_246 = arith.constant 0 : i32
      %dma_start3A_247 = tpu.memref_slice %arg3[%min3A_29, %dma_start3A_246] : memref<50000x16xf32, #tpu.memory_space<hbm>> -> memref<3136x16xf32, #tpu.memory_space<hbm>>
      tpu.enqueue_dma source(%dma_start3A_247 : memref<3136x16xf32, #tpu.memory_space<hbm>>) target(%dma_start3A_245 : memref<3136x16xf32, #tpu.memory_space<vmem_shared>>) target_semaphore(%run_scoped3A_243 : memref<!tpu.dma_semaphore, #tpu.memory_space<semaphore_mem>>)
      %dma_wait3A_248 = arith.constant 0 : i32
      %dma_wait3A_249 = tpu.memref_slice %arg21[%min3A_29, %dma_wait3A_248] : memref<50000x16xf32, #tpu.memory_space<vmem_shared>> -> memref<3136x16xf32, #tpu.memory_space<vmem_shared>>
      %dma_wait3A_250 = arith.constant 0 : i32
      %dma_wait3A_251 = tpu.memref_slice %arg3[%min3A_29, %dma_wait3A_250] : memref<50000x16xf32, #tpu.memory_space<hbm>> -> memref<3136x16xf32, #tpu.memory_space<hbm>>
      tpu.wait_dma2 semaphore(%run_scoped3A_243 : memref<!tpu.dma_semaphore, #tpu.memory_space<semaphore_mem>>) src(%dma_wait3A_251 : memref<3136x16xf32, #tpu.memory_space<hbm>>) dst(%dma_wait3A_249 : memref<3136x16xf32, #tpu.memory_space<vmem_shared>>)
      tpu.yield
    }) : () -> ()
    %mul3A_30 = arith.constant 3136 : i32
    %mul3A_31 = arith.muli %arg1, %mul3A_30 : i32
    "tpu.region"() ({
      %run_scoped3A_243 = tpu.sem_alloc : memref<!tpu.dma_semaphore, #tpu.memory_space<semaphore_mem>>
      %dma_start3A_244 = arith.constant 0 : i32
      %dma_start3A_245 = tpu.memref_slice %arg22[%mul3A_31, %dma_start3A_244] : memref<50184x16xf32, #tpu.memory_space<vmem_shared>> -> memref<3136x16xf32, #tpu.memory_space<vmem_shared>>
      tpu.enqueue_dma source(%arg12 : memref<3136x16xf32, #tpu.memory_space<hbm>>) target(%dma_start3A_245 : memref<3136x16xf32, #tpu.memory_space<vmem_shared>>) target_semaphore(%run_scoped3A_243 : memref<!tpu.dma_semaphore, #tpu.memory_space<semaphore_mem>>)
      %dma_wait3A_246 = arith.constant 0 : i32
      %dma_wait3A_247 = tpu.memref_slice %arg22[%mul3A_31, %dma_wait3A_246] : memref<50184x16xf32, #tpu.memory_space<vmem_shared>> -> memref<3136x16xf32, #tpu.memory_space<vmem_shared>>
      tpu.wait_dma2 semaphore(%run_scoped3A_243 : memref<!tpu.dma_semaphore, #tpu.memory_space<semaphore_mem>>) src(%arg12 : memref<3136x16xf32, #tpu.memory_space<hbm>>) dst(%dma_wait3A_247 : memref<3136x16xf32, #tpu.memory_space<vmem_shared>>)
      tpu.yield
    }) : () -> ()
    "tpu.region"() ({
      %run_scoped3A_243 = tpu.sem_alloc : memref<!tpu.dma_semaphore, #tpu.memory_space<semaphore_mem>>
      %dma_start3A_244 = arith.constant 50176 : i32
      %dma_start3A_245 = arith.constant 0 : i32
      %dma_start3A_246 = tpu.memref_slice %arg22[%dma_start3A_244, %dma_start3A_245] : memref<50184x16xf32, #tpu.memory_space<vmem_shared>> -> memref<8x16xf32, #tpu.memory_space<vmem_shared>>
      %dma_start3A_247 = arith.constant 0 : i32
      %dma_start3A_248 = arith.constant 0 : i32
      %dma_start3A_249 = tpu.memref_slice %arg12[%dma_start3A_247, %dma_start3A_248] : memref<3136x16xf32, #tpu.memory_space<hbm>> -> memref<8x16xf32, #tpu.memory_space<hbm>>
      tpu.enqueue_dma source(%dma_start3A_249 : memref<8x16xf32, #tpu.memory_space<hbm>>) target(%dma_start3A_246 : memref<8x16xf32, #tpu.memory_space<vmem_shared>>) target_semaphore(%run_scoped3A_243 : memref<!tpu.dma_semaphore, #tpu.memory_space<semaphore_mem>>)
      %dma_wait3A_250 = arith.constant 50176 : i32
      %dma_wait3A_251 = arith.constant 0 : i32
      %dma_wait3A_252 = tpu.memref_slice %arg22[%dma_wait3A_250, %dma_wait3A_251] : memref<50184x16xf32, #tpu.memory_space<vmem_shared>> -> memref<8x16xf32, #tpu.memory_space<vmem_shared>>
      %dma_wait3A_253 = arith.constant 0 : i32
      %dma_wait3A_254 = arith.constant 0 : i32
      %dma_wait3A_255 = tpu.memref_slice %arg12[%dma_wait3A_253, %dma_wait3A_254] : memref<3136x16xf32, #tpu.memory_space<hbm>> -> memref<8x16xf32, #tpu.memory_space<hbm>>
      tpu.wait_dma2 semaphore(%run_scoped3A_243 : memref<!tpu.dma_semaphore, #tpu.memory_space<semaphore_mem>>) src(%dma_wait3A_255 : memref<8x16xf32, #tpu.memory_space<hbm>>) dst(%dma_wait3A_252 : memref<8x16xf32, #tpu.memory_space<vmem_shared>>)
      tpu.yield
    }) : () -> ()
    %barrier3A_32 = arith.constant 0 : index
    tpu.barrier barrier_id(%barrier3A_32)
    %dma_start3A_33 = arith.constant 0 : i32
    %dma_start3A_34 = tpu.memref_slice %arg16[%dma_start3A_33] : memref<9984xi32, #tpu.memory_space<vmem>> -> memref<256xi32, #tpu.memory_space<vmem>>
    %dma_start3A_35 = arith.constant 0 : i32
    %dma_start3A_36 = arith.constant 0 : i32
    %dma_start3A_37 = tpu.memref_slice %arg21[%dma_start3A_35, %dma_start3A_36] : memref<50000x16xf32, #tpu.memory_space<vmem_shared>> -> memref<50000x16xf32, #tpu.memory_space<vmem_shared>>
    tpu.enqueue_indirect_dma source(%dma_start3A_37 : memref<50000x16xf32, #tpu.memory_space<vmem_shared>>) target(%arg18 : memref<256x16xf32, #tpu.memory_space<vmem>>) offsets(%dma_start3A_34 : memref<256xi32, #tpu.memory_space<vmem>>) semaphore(%arg23 : memref<!tpu.dma_semaphore, #tpu.memory_space<semaphore_mem>>)
    %scan3A_38 = arith.constant 0 : i32
    %scan3A_39 = arith.constant 0 : i32
    %scan3A_40 = arith.constant 19 : i32
    %scan3A_41 = arith.addi %scan3A_39, %scan3A_40 : i32
    %scan3A_42 = arith.constant 1 : i32
    %scan3A_43 = scf.for %scan3A_243 = %scan3A_39 to %scan3A_41 step %scan3A_42 iter_args(%scan3A_244 = %scan3A_38) -> (i32)  : i32 {
      %mul3A_245 = arith.constant 2 : i32
      %mul3A_246 = arith.muli %scan3A_243, %mul3A_245 : i32
      %mul3A_247 = arith.constant 256 : i32
      %mul3A_248 = arith.muli %mul3A_246, %mul3A_247 : i32
      %dma_wait3A_249 = tpu.memref_slice %arg16[%mul3A_248] : memref<9984xi32, #tpu.memory_space<vmem>> -> memref<256xi32, #tpu.memory_space<vmem>>
      %dma_wait3A_250 = arith.constant 0 : i32
      %dma_wait3A_251 = arith.constant 0 : i32
      %dma_wait3A_252 = tpu.memref_slice %arg21[%dma_wait3A_250, %dma_wait3A_251] : memref<50000x16xf32, #tpu.memory_space<vmem_shared>> -> memref<50000x16xf32, #tpu.memory_space<vmem_shared>>
      tpu.wait_indirect_dma semaphore(%arg23 : memref<!tpu.dma_semaphore, #tpu.memory_space<semaphore_mem>>) src(%dma_wait3A_252 : memref<50000x16xf32, #tpu.memory_space<vmem_shared>>) dst(%arg18 : memref<256x16xf32, #tpu.memory_space<vmem>>)
      %add3A_253 = arith.constant 1 : i32
      %add3A_254 = arith.addi %mul3A_246, %add3A_253 : i32
      %mul3A_255 = arith.constant 256 : i32
      %mul3A_256 = arith.muli %add3A_254, %mul3A_255 : i32
      %dma_start3A_257 = tpu.memref_slice %arg16[%mul3A_256] : memref<9984xi32, #tpu.memory_space<vmem>> -> memref<256xi32, #tpu.memory_space<vmem>>
      %dma_start3A_258 = arith.constant 0 : i32
      %dma_start3A_259 = arith.constant 0 : i32
      %dma_start3A_260 = tpu.memref_slice %arg21[%dma_start3A_258, %dma_start3A_259] : memref<50000x16xf32, #tpu.memory_space<vmem_shared>> -> memref<50000x16xf32, #tpu.memory_space<vmem_shared>>
      tpu.enqueue_indirect_dma source(%dma_start3A_260 : memref<50000x16xf32, #tpu.memory_space<vmem_shared>>) target(%arg19 : memref<256x16xf32, #tpu.memory_space<vmem>>) offsets(%dma_start3A_257 : memref<256xi32, #tpu.memory_space<vmem>>) semaphore(%arg24 : memref<!tpu.dma_semaphore, #tpu.memory_space<semaphore_mem>>)
      %mul3A_261 = arith.constant 256 : i32
      %mul3A_262 = arith.muli %mul3A_246, %mul3A_261 : i32
      "tpu.region"() ({
        %run_scoped3A_284 = tpu.sem_alloc : memref<!tpu.dma_semaphore, #tpu.memory_space<semaphore_mem>>
        %dma_start3A_285 = tpu.memref_slice %arg17[%mul3A_262] : memref<9728xi32, #tpu.memory_space<vmem>> -> memref<256xi32, #tpu.memory_space<vmem>>
        %dma_start3A_286 = arith.constant 0 : i32
        %dma_start3A_287 = arith.constant 0 : i32
        %dma_start3A_288 = tpu.memref_slice %arg22[%dma_start3A_286, %dma_start3A_287] : memref<50184x16xf32, #tpu.memory_space<vmem_shared>> -> memref<50184x16xf32, #tpu.memory_space<vmem_shared>>
        tpu.enqueue_indirect_dma source(%arg18 : memref<256x16xf32, #tpu.memory_space<vmem>>) target(%dma_start3A_288 : memref<50184x16xf32, #tpu.memory_space<vmem_shared>>) offsets(%dma_start3A_285 : memref<256xi32, #tpu.memory_space<vmem>>) semaphore(%run_scoped3A_284 : memref<!tpu.dma_semaphore, #tpu.memory_space<semaphore_mem>>) {add = true}
        %dma_wait3A_289 = tpu.memref_slice %arg17[%mul3A_262] : memref<9728xi32, #tpu.memory_space<vmem>> -> memref<256xi32, #tpu.memory_space<vmem>>
        %dma_wait3A_290 = arith.constant 0 : i32
        %dma_wait3A_291 = arith.constant 0 : i32
        %dma_wait3A_292 = tpu.memref_slice %arg22[%dma_wait3A_290, %dma_wait3A_291] : memref<50184x16xf32, #tpu.memory_space<vmem_shared>> -> memref<50184x16xf32, #tpu.memory_space<vmem_shared>>
        tpu.wait_indirect_dma semaphore(%run_scoped3A_284 : memref<!tpu.dma_semaphore, #tpu.memory_space<semaphore_mem>>) src(%arg18 : memref<256x16xf32, #tpu.memory_space<vmem>>) dst(%dma_wait3A_292 : memref<50184x16xf32, #tpu.memory_space<vmem_shared>>)
        tpu.yield
      }) : () -> ()
      %add3A_263 = arith.constant 1 : i32
      %add3A_264 = arith.addi %mul3A_246, %add3A_263 : i32
      %mul3A_265 = arith.constant 256 : i32
      %mul3A_266 = arith.muli %add3A_264, %mul3A_265 : i32
      %dma_wait3A_267 = tpu.memref_slice %arg16[%mul3A_266] : memref<9984xi32, #tpu.memory_space<vmem>> -> memref<256xi32, #tpu.memory_space<vmem>>
      %dma_wait3A_268 = arith.constant 0 : i32
      %dma_wait3A_269 = arith.constant 0 : i32
      %dma_wait3A_270 = tpu.memref_slice %arg21[%dma_wait3A_268, %dma_wait3A_269] : memref<50000x16xf32, #tpu.memory_space<vmem_shared>> -> memref<50000x16xf32, #tpu.memory_space<vmem_shared>>
      tpu.wait_indirect_dma semaphore(%arg24 : memref<!tpu.dma_semaphore, #tpu.memory_space<semaphore_mem>>) src(%dma_wait3A_270 : memref<50000x16xf32, #tpu.memory_space<vmem_shared>>) dst(%arg19 : memref<256x16xf32, #tpu.memory_space<vmem>>)
      %add3A_271 = arith.constant 2 : i32
      %add3A_272 = arith.addi %mul3A_246, %add3A_271 : i32
      %mul3A_273 = arith.constant 256 : i32
      %mul3A_274 = arith.muli %add3A_272, %mul3A_273 : i32
      %dma_start3A_275 = tpu.memref_slice %arg16[%mul3A_274] : memref<9984xi32, #tpu.memory_space<vmem>> -> memref<256xi32, #tpu.memory_space<vmem>>
      %dma_start3A_276 = arith.constant 0 : i32
      %dma_start3A_277 = arith.constant 0 : i32
      %dma_start3A_278 = tpu.memref_slice %arg21[%dma_start3A_276, %dma_start3A_277] : memref<50000x16xf32, #tpu.memory_space<vmem_shared>> -> memref<50000x16xf32, #tpu.memory_space<vmem_shared>>
      tpu.enqueue_indirect_dma source(%dma_start3A_278 : memref<50000x16xf32, #tpu.memory_space<vmem_shared>>) target(%arg18 : memref<256x16xf32, #tpu.memory_space<vmem>>) offsets(%dma_start3A_275 : memref<256xi32, #tpu.memory_space<vmem>>) semaphore(%arg23 : memref<!tpu.dma_semaphore, #tpu.memory_space<semaphore_mem>>)
      %add3A_279 = arith.constant 1 : i32
      %add3A_280 = arith.addi %mul3A_246, %add3A_279 : i32
      %mul3A_281 = arith.constant 256 : i32
      %mul3A_282 = arith.muli %add3A_280, %mul3A_281 : i32
      "tpu.region"() ({
        %run_scoped3A_284 = tpu.sem_alloc : memref<!tpu.dma_semaphore, #tpu.memory_space<semaphore_mem>>
        %dma_start3A_285 = tpu.memref_slice %arg17[%mul3A_282] : memref<9728xi32, #tpu.memory_space<vmem>> -> memref<256xi32, #tpu.memory_space<vmem>>
        %dma_start3A_286 = arith.constant 0 : i32
        %dma_start3A_287 = arith.constant 0 : i32
        %dma_start3A_288 = tpu.memref_slice %arg22[%dma_start3A_286, %dma_start3A_287] : memref<50184x16xf32, #tpu.memory_space<vmem_shared>> -> memref<50184x16xf32, #tpu.memory_space<vmem_shared>>
        tpu.enqueue_indirect_dma source(%arg19 : memref<256x16xf32, #tpu.memory_space<vmem>>) target(%dma_start3A_288 : memref<50184x16xf32, #tpu.memory_space<vmem_shared>>) offsets(%dma_start3A_285 : memref<256xi32, #tpu.memory_space<vmem>>) semaphore(%run_scoped3A_284 : memref<!tpu.dma_semaphore, #tpu.memory_space<semaphore_mem>>) {add = true}
        %dma_wait3A_289 = tpu.memref_slice %arg17[%mul3A_282] : memref<9728xi32, #tpu.memory_space<vmem>> -> memref<256xi32, #tpu.memory_space<vmem>>
        %dma_wait3A_290 = arith.constant 0 : i32
        %dma_wait3A_291 = arith.constant 0 : i32
        %dma_wait3A_292 = tpu.memref_slice %arg22[%dma_wait3A_290, %dma_wait3A_291] : memref<50184x16xf32, #tpu.memory_space<vmem_shared>> -> memref<50184x16xf32, #tpu.memory_space<vmem_shared>>
        tpu.wait_indirect_dma semaphore(%run_scoped3A_284 : memref<!tpu.dma_semaphore, #tpu.memory_space<semaphore_mem>>) src(%arg19 : memref<256x16xf32, #tpu.memory_space<vmem>>) dst(%dma_wait3A_292 : memref<50184x16xf32, #tpu.memory_space<vmem_shared>>)
        tpu.yield
      }) : () -> ()
      %scan3A_283 = arith.constant 0 : i32
      scf.yield %scan3A_283 : i32
    }
    %scan3A_44 = arith.constant 19 : i32
    %dma_wait3A_45 = arith.constant 9728 : i32
    %dma_wait3A_46 = tpu.memref_slice %arg16[%dma_wait3A_45] : memref<9984xi32, #tpu.memory_space<vmem>> -> memref<256xi32, #tpu.memory_space<vmem>>
    %dma_wait3A_47 = arith.constant 0 : i32
    %dma_wait3A_48 = arith.constant 0 : i32
    %dma_wait3A_49 = tpu.memref_slice %arg21[%dma_wait3A_47, %dma_wait3A_48] : memref<50000x16xf32, #tpu.memory_space<vmem_shared>> -> memref<50000x16xf32, #tpu.memory_space<vmem_shared>>
    tpu.wait_indirect_dma semaphore(%arg23 : memref<!tpu.dma_semaphore, #tpu.memory_space<semaphore_mem>>) src(%dma_wait3A_49 : memref<50000x16xf32, #tpu.memory_space<vmem_shared>>) dst(%arg18 : memref<256x16xf32, #tpu.memory_space<vmem>>)
    %barrier3A_50 = arith.constant 0 : index
    tpu.barrier barrier_id(%barrier3A_50)
    %mul3A_51 = arith.constant 3136 : i32
    %mul3A_52 = arith.muli %arg1, %mul3A_51 : i32
    %run_scoped3A_53 = arith.constant 1 : i32
    "tpu.region"() ({
      %run_scoped3A_243 = tpu.sem_alloc : memref<!tpu.dma_semaphore, #tpu.memory_space<semaphore_mem>>
      %dma_start3A_244 = arith.constant 0 : i32
      %dma_start3A_245 = arith.constant 0 : i32
      %dma_start3A_246 = tpu.memref_slice %arg14[%run_scoped3A_53, %arg0, %dma_start3A_244, %dma_start3A_245] : memref<8x2x50176x16xf32, #tpu.memory_space<hbm>> -> memref<1x1x50176x16xf32, #tpu.memory_space<hbm>>
      %dma_start3A_247 = tpu.memref_squeeze %dma_start3A_246 : memref<1x1x50176x16xf32, #tpu.memory_space<hbm>> -> memref<50176x16xf32, #tpu.memory_space<hbm>>
      %dma_start3A_248 = arith.constant 0 : i32
      %dma_start3A_249 = tpu.memref_slice %dma_start3A_247[%mul3A_52, %dma_start3A_248] : memref<50176x16xf32, #tpu.memory_space<hbm>> -> memref<3136x16xf32, #tpu.memory_space<hbm>>
      %dma_start3A_250 = arith.constant 0 : i32
      %dma_start3A_251 = tpu.memref_slice %arg22[%mul3A_52, %dma_start3A_250] : memref<50184x16xf32, #tpu.memory_space<vmem_shared>> -> memref<3136x16xf32, #tpu.memory_space<vmem_shared>>
      tpu.enqueue_dma source(%dma_start3A_251 : memref<3136x16xf32, #tpu.memory_space<vmem_shared>>) target(%dma_start3A_249 : memref<3136x16xf32, #tpu.memory_space<hbm>>) target_semaphore(%run_scoped3A_243 : memref<!tpu.dma_semaphore, #tpu.memory_space<semaphore_mem>>)
      %dma_wait3A_252 = arith.constant 0 : i32
      %dma_wait3A_253 = arith.constant 0 : i32
      %dma_wait3A_254 = tpu.memref_slice %arg14[%run_scoped3A_53, %arg0, %dma_wait3A_252, %dma_wait3A_253] : memref<8x2x50176x16xf32, #tpu.memory_space<hbm>> -> memref<1x1x50176x16xf32, #tpu.memory_space<hbm>>
      %dma_wait3A_255 = tpu.memref_squeeze %dma_wait3A_254 : memref<1x1x50176x16xf32, #tpu.memory_space<hbm>> -> memref<50176x16xf32, #tpu.memory_space<hbm>>
      %dma_wait3A_256 = arith.constant 0 : i32
      %dma_wait3A_257 = tpu.memref_slice %dma_wait3A_255[%mul3A_52, %dma_wait3A_256] : memref<50176x16xf32, #tpu.memory_space<hbm>> -> memref<3136x16xf32, #tpu.memory_space<hbm>>
      %dma_wait3A_258 = arith.constant 0 : i32
      %dma_wait3A_259 = tpu.memref_slice %arg22[%mul3A_52, %dma_wait3A_258] : memref<50184x16xf32, #tpu.memory_space<vmem_shared>> -> memref<3136x16xf32, #tpu.memory_space<vmem_shared>>
      tpu.wait_dma2 semaphore(%run_scoped3A_243 : memref<!tpu.dma_semaphore, #tpu.memory_space<semaphore_mem>>) src(%dma_wait3A_259 : memref<3136x16xf32, #tpu.memory_space<vmem_shared>>) dst(%dma_wait3A_257 : memref<3136x16xf32, #tpu.memory_space<hbm>>)
      tpu.yield
    }) : () -> ()
    %barrier3A_54 = arith.constant 0 : index
    tpu.barrier barrier_id(%barrier3A_54)
    %mul3A_55 = arith.constant 3136 : i32
    %mul3A_56 = arith.muli %arg1, %mul3A_55 : i32
    %min3A_57 = arith.constant 46864 : i32
    %min3A_58 = arith.minsi %mul3A_56, %min3A_57 : i32
    "tpu.region"() ({
      %run_scoped3A_243 = tpu.sem_alloc : memref<!tpu.dma_semaphore, #tpu.memory_space<semaphore_mem>>
      %dma_start3A_244 = arith.constant 0 : i32
      %dma_start3A_245 = tpu.memref_slice %arg21[%min3A_58, %dma_start3A_244] : memref<50000x16xf32, #tpu.memory_space<vmem_shared>> -> memref<3136x16xf32, #tpu.memory_space<vmem_shared>>
      %dma_start3A_246 = arith.constant 0 : i32
      %dma_start3A_247 = tpu.memref_slice %arg4[%min3A_58, %dma_start3A_246] : memref<50000x16xf32, #tpu.memory_space<hbm>> -> memref<3136x16xf32, #tpu.memory_space<hbm>>
      tpu.enqueue_dma source(%dma_start3A_247 : memref<3136x16xf32, #tpu.memory_space<hbm>>) target(%dma_start3A_245 : memref<3136x16xf32, #tpu.memory_space<vmem_shared>>) target_semaphore(%run_scoped3A_243 : memref<!tpu.dma_semaphore, #tpu.memory_space<semaphore_mem>>)
      %dma_wait3A_248 = arith.constant 0 : i32
      %dma_wait3A_249 = tpu.memref_slice %arg21[%min3A_58, %dma_wait3A_248] : memref<50000x16xf32, #tpu.memory_space<vmem_shared>> -> memref<3136x16xf32, #tpu.memory_space<vmem_shared>>
      %dma_wait3A_250 = arith.constant 0 : i32
      %dma_wait3A_251 = tpu.memref_slice %arg4[%min3A_58, %dma_wait3A_250] : memref<50000x16xf32, #tpu.memory_space<hbm>> -> memref<3136x16xf32, #tpu.memory_space<hbm>>
      tpu.wait_dma2 semaphore(%run_scoped3A_243 : memref<!tpu.dma_semaphore, #tpu.memory_space<semaphore_mem>>) src(%dma_wait3A_251 : memref<3136x16xf32, #tpu.memory_space<hbm>>) dst(%dma_wait3A_249 : memref<3136x16xf32, #tpu.memory_space<vmem_shared>>)
      tpu.yield
    }) : () -> ()
    %mul3A_59 = arith.constant 3136 : i32
    %mul3A_60 = arith.muli %arg1, %mul3A_59 : i32
    "tpu.region"() ({
      %run_scoped3A_243 = tpu.sem_alloc : memref<!tpu.dma_semaphore, #tpu.memory_space<semaphore_mem>>
      %dma_start3A_244 = arith.constant 0 : i32
      %dma_start3A_245 = tpu.memref_slice %arg22[%mul3A_60, %dma_start3A_244] : memref<50184x16xf32, #tpu.memory_space<vmem_shared>> -> memref<3136x16xf32, #tpu.memory_space<vmem_shared>>
      tpu.enqueue_dma source(%arg12 : memref<3136x16xf32, #tpu.memory_space<hbm>>) target(%dma_start3A_245 : memref<3136x16xf32, #tpu.memory_space<vmem_shared>>) target_semaphore(%run_scoped3A_243 : memref<!tpu.dma_semaphore, #tpu.memory_space<semaphore_mem>>)
      %dma_wait3A_246 = arith.constant 0 : i32
      %dma_wait3A_247 = tpu.memref_slice %arg22[%mul3A_60, %dma_wait3A_246] : memref<50184x16xf32, #tpu.memory_space<vmem_shared>> -> memref<3136x16xf32, #tpu.memory_space<vmem_shared>>
      tpu.wait_dma2 semaphore(%run_scoped3A_243 : memref<!tpu.dma_semaphore, #tpu.memory_space<semaphore_mem>>) src(%arg12 : memref<3136x16xf32, #tpu.memory_space<hbm>>) dst(%dma_wait3A_247 : memref<3136x16xf32, #tpu.memory_space<vmem_shared>>)
      tpu.yield
    }) : () -> ()
    "tpu.region"() ({
      %run_scoped3A_243 = tpu.sem_alloc : memref<!tpu.dma_semaphore, #tpu.memory_space<semaphore_mem>>
      %dma_start3A_244 = arith.constant 50176 : i32
      %dma_start3A_245 = arith.constant 0 : i32
      %dma_start3A_246 = tpu.memref_slice %arg22[%dma_start3A_244, %dma_start3A_245] : memref<50184x16xf32, #tpu.memory_space<vmem_shared>> -> memref<8x16xf32, #tpu.memory_space<vmem_shared>>
      %dma_start3A_247 = arith.constant 0 : i32
      %dma_start3A_248 = arith.constant 0 : i32
      %dma_start3A_249 = tpu.memref_slice %arg12[%dma_start3A_247, %dma_start3A_248] : memref<3136x16xf32, #tpu.memory_space<hbm>> -> memref<8x16xf32, #tpu.memory_space<hbm>>
      tpu.enqueue_dma source(%dma_start3A_249 : memref<8x16xf32, #tpu.memory_space<hbm>>) target(%dma_start3A_246 : memref<8x16xf32, #tpu.memory_space<vmem_shared>>) target_semaphore(%run_scoped3A_243 : memref<!tpu.dma_semaphore, #tpu.memory_space<semaphore_mem>>)
      %dma_wait3A_250 = arith.constant 50176 : i32
      %dma_wait3A_251 = arith.constant 0 : i32
      %dma_wait3A_252 = tpu.memref_slice %arg22[%dma_wait3A_250, %dma_wait3A_251] : memref<50184x16xf32, #tpu.memory_space<vmem_shared>> -> memref<8x16xf32, #tpu.memory_space<vmem_shared>>
      %dma_wait3A_253 = arith.constant 0 : i32
      %dma_wait3A_254 = arith.constant 0 : i32
      %dma_wait3A_255 = tpu.memref_slice %arg12[%dma_wait3A_253, %dma_wait3A_254] : memref<3136x16xf32, #tpu.memory_space<hbm>> -> memref<8x16xf32, #tpu.memory_space<hbm>>
      tpu.wait_dma2 semaphore(%run_scoped3A_243 : memref<!tpu.dma_semaphore, #tpu.memory_space<semaphore_mem>>) src(%dma_wait3A_255 : memref<8x16xf32, #tpu.memory_space<hbm>>) dst(%dma_wait3A_252 : memref<8x16xf32, #tpu.memory_space<vmem_shared>>)
      tpu.yield
    }) : () -> ()
    %barrier3A_61 = arith.constant 0 : index
    tpu.barrier barrier_id(%barrier3A_61)
    %dma_start3A_62 = arith.constant 0 : i32
    %dma_start3A_63 = tpu.memref_slice %arg16[%dma_start3A_62] : memref<9984xi32, #tpu.memory_space<vmem>> -> memref<256xi32, #tpu.memory_space<vmem>>
    %dma_start3A_64 = arith.constant 0 : i32
    %dma_start3A_65 = arith.constant 0 : i32
    %dma_start3A_66 = tpu.memref_slice %arg21[%dma_start3A_64, %dma_start3A_65] : memref<50000x16xf32, #tpu.memory_space<vmem_shared>> -> memref<50000x16xf32, #tpu.memory_space<vmem_shared>>
    tpu.enqueue_indirect_dma source(%dma_start3A_66 : memref<50000x16xf32, #tpu.memory_space<vmem_shared>>) target(%arg18 : memref<256x16xf32, #tpu.memory_space<vmem>>) offsets(%dma_start3A_63 : memref<256xi32, #tpu.memory_space<vmem>>) semaphore(%arg23 : memref<!tpu.dma_semaphore, #tpu.memory_space<semaphore_mem>>)
    %scan3A_67 = arith.constant 0 : i32
    %scan3A_68 = arith.constant 0 : i32
    %scan3A_69 = arith.constant 19 : i32
    %scan3A_70 = arith.addi %scan3A_68, %scan3A_69 : i32
    %scan3A_71 = arith.constant 1 : i32
    %scan3A_72 = scf.for %scan3A_243 = %scan3A_68 to %scan3A_70 step %scan3A_71 iter_args(%scan3A_244 = %scan3A_67) -> (i32)  : i32 {
      %mul3A_245 = arith.constant 2 : i32
      %mul3A_246 = arith.muli %scan3A_243, %mul3A_245 : i32
      %mul3A_247 = arith.constant 256 : i32
      %mul3A_248 = arith.muli %mul3A_246, %mul3A_247 : i32
      %dma_wait3A_249 = tpu.memref_slice %arg16[%mul3A_248] : memref<9984xi32, #tpu.memory_space<vmem>> -> memref<256xi32, #tpu.memory_space<vmem>>
      %dma_wait3A_250 = arith.constant 0 : i32
      %dma_wait3A_251 = arith.constant 0 : i32
      %dma_wait3A_252 = tpu.memref_slice %arg21[%dma_wait3A_250, %dma_wait3A_251] : memref<50000x16xf32, #tpu.memory_space<vmem_shared>> -> memref<50000x16xf32, #tpu.memory_space<vmem_shared>>
      tpu.wait_indirect_dma semaphore(%arg23 : memref<!tpu.dma_semaphore, #tpu.memory_space<semaphore_mem>>) src(%dma_wait3A_252 : memref<50000x16xf32, #tpu.memory_space<vmem_shared>>) dst(%arg18 : memref<256x16xf32, #tpu.memory_space<vmem>>)
      %add3A_253 = arith.constant 1 : i32
      %add3A_254 = arith.addi %mul3A_246, %add3A_253 : i32
      %mul3A_255 = arith.constant 256 : i32
      %mul3A_256 = arith.muli %add3A_254, %mul3A_255 : i32
      %dma_start3A_257 = tpu.memref_slice %arg16[%mul3A_256] : memref<9984xi32, #tpu.memory_space<vmem>> -> memref<256xi32, #tpu.memory_space<vmem>>
      %dma_start3A_258 = arith.constant 0 : i32
      %dma_start3A_259 = arith.constant 0 : i32
      %dma_start3A_260 = tpu.memref_slice %arg21[%dma_start3A_258, %dma_start3A_259] : memref<50000x16xf32, #tpu.memory_space<vmem_shared>> -> memref<50000x16xf32, #tpu.memory_space<vmem_shared>>
      tpu.enqueue_indirect_dma source(%dma_start3A_260 : memref<50000x16xf32, #tpu.memory_space<vmem_shared>>) target(%arg19 : memref<256x16xf32, #tpu.memory_space<vmem>>) offsets(%dma_start3A_257 : memref<256xi32, #tpu.memory_space<vmem>>) semaphore(%arg24 : memref<!tpu.dma_semaphore, #tpu.memory_space<semaphore_mem>>)
      %mul3A_261 = arith.constant 256 : i32
      %mul3A_262 = arith.muli %mul3A_246, %mul3A_261 : i32
      "tpu.region"() ({
        %run_scoped3A_284 = tpu.sem_alloc : memref<!tpu.dma_semaphore, #tpu.memory_space<semaphore_mem>>
        %dma_start3A_285 = tpu.memref_slice %arg17[%mul3A_262] : memref<9728xi32, #tpu.memory_space<vmem>> -> memref<256xi32, #tpu.memory_space<vmem>>
        %dma_start3A_286 = arith.constant 0 : i32
        %dma_start3A_287 = arith.constant 0 : i32
        %dma_start3A_288 = tpu.memref_slice %arg22[%dma_start3A_286, %dma_start3A_287] : memref<50184x16xf32, #tpu.memory_space<vmem_shared>> -> memref<50184x16xf32, #tpu.memory_space<vmem_shared>>
        tpu.enqueue_indirect_dma source(%arg18 : memref<256x16xf32, #tpu.memory_space<vmem>>) target(%dma_start3A_288 : memref<50184x16xf32, #tpu.memory_space<vmem_shared>>) offsets(%dma_start3A_285 : memref<256xi32, #tpu.memory_space<vmem>>) semaphore(%run_scoped3A_284 : memref<!tpu.dma_semaphore, #tpu.memory_space<semaphore_mem>>) {add = true}
        %dma_wait3A_289 = tpu.memref_slice %arg17[%mul3A_262] : memref<9728xi32, #tpu.memory_space<vmem>> -> memref<256xi32, #tpu.memory_space<vmem>>
        %dma_wait3A_290 = arith.constant 0 : i32
        %dma_wait3A_291 = arith.constant 0 : i32
        %dma_wait3A_292 = tpu.memref_slice %arg22[%dma_wait3A_290, %dma_wait3A_291] : memref<50184x16xf32, #tpu.memory_space<vmem_shared>> -> memref<50184x16xf32, #tpu.memory_space<vmem_shared>>
        tpu.wait_indirect_dma semaphore(%run_scoped3A_284 : memref<!tpu.dma_semaphore, #tpu.memory_space<semaphore_mem>>) src(%arg18 : memref<256x16xf32, #tpu.memory_space<vmem>>) dst(%dma_wait3A_292 : memref<50184x16xf32, #tpu.memory_space<vmem_shared>>)
        tpu.yield
      }) : () -> ()
      %add3A_263 = arith.constant 1 : i32
      %add3A_264 = arith.addi %mul3A_246, %add3A_263 : i32
      %mul3A_265 = arith.constant 256 : i32
      %mul3A_266 = arith.muli %add3A_264, %mul3A_265 : i32
      %dma_wait3A_267 = tpu.memref_slice %arg16[%mul3A_266] : memref<9984xi32, #tpu.memory_space<vmem>> -> memref<256xi32, #tpu.memory_space<vmem>>
      %dma_wait3A_268 = arith.constant 0 : i32
      %dma_wait3A_269 = arith.constant 0 : i32
      %dma_wait3A_270 = tpu.memref_slice %arg21[%dma_wait3A_268, %dma_wait3A_269] : memref<50000x16xf32, #tpu.memory_space<vmem_shared>> -> memref<50000x16xf32, #tpu.memory_space<vmem_shared>>
      tpu.wait_indirect_dma semaphore(%arg24 : memref<!tpu.dma_semaphore, #tpu.memory_space<semaphore_mem>>) src(%dma_wait3A_270 : memref<50000x16xf32, #tpu.memory_space<vmem_shared>>) dst(%arg19 : memref<256x16xf32, #tpu.memory_space<vmem>>)
      %add3A_271 = arith.constant 2 : i32
      %add3A_272 = arith.addi %mul3A_246, %add3A_271 : i32
      %mul3A_273 = arith.constant 256 : i32
      %mul3A_274 = arith.muli %add3A_272, %mul3A_273 : i32
      %dma_start3A_275 = tpu.memref_slice %arg16[%mul3A_274] : memref<9984xi32, #tpu.memory_space<vmem>> -> memref<256xi32, #tpu.memory_space<vmem>>
      %dma_start3A_276 = arith.constant 0 : i32
      %dma_start3A_277 = arith.constant 0 : i32
      %dma_start3A_278 = tpu.memref_slice %arg21[%dma_start3A_276, %dma_start3A_277] : memref<50000x16xf32, #tpu.memory_space<vmem_shared>> -> memref<50000x16xf32, #tpu.memory_space<vmem_shared>>
      tpu.enqueue_indirect_dma source(%dma_start3A_278 : memref<50000x16xf32, #tpu.memory_space<vmem_shared>>) target(%arg18 : memref<256x16xf32, #tpu.memory_space<vmem>>) offsets(%dma_start3A_275 : memref<256xi32, #tpu.memory_space<vmem>>) semaphore(%arg23 : memref<!tpu.dma_semaphore, #tpu.memory_space<semaphore_mem>>)
      %add3A_279 = arith.constant 1 : i32
      %add3A_280 = arith.addi %mul3A_246, %add3A_279 : i32
      %mul3A_281 = arith.constant 256 : i32
      %mul3A_282 = arith.muli %add3A_280, %mul3A_281 : i32
      "tpu.region"() ({
        %run_scoped3A_284 = tpu.sem_alloc : memref<!tpu.dma_semaphore, #tpu.memory_space<semaphore_mem>>
        %dma_start3A_285 = tpu.memref_slice %arg17[%mul3A_282] : memref<9728xi32, #tpu.memory_space<vmem>> -> memref<256xi32, #tpu.memory_space<vmem>>
        %dma_start3A_286 = arith.constant 0 : i32
        %dma_start3A_287 = arith.constant 0 : i32
        %dma_start3A_288 = tpu.memref_slice %arg22[%dma_start3A_286, %dma_start3A_287] : memref<50184x16xf32, #tpu.memory_space<vmem_shared>> -> memref<50184x16xf32, #tpu.memory_space<vmem_shared>>
        tpu.enqueue_indirect_dma source(%arg19 : memref<256x16xf32, #tpu.memory_space<vmem>>) target(%dma_start3A_288 : memref<50184x16xf32, #tpu.memory_space<vmem_shared>>) offsets(%dma_start3A_285 : memref<256xi32, #tpu.memory_space<vmem>>) semaphore(%run_scoped3A_284 : memref<!tpu.dma_semaphore, #tpu.memory_space<semaphore_mem>>) {add = true}
        %dma_wait3A_289 = tpu.memref_slice %arg17[%mul3A_282] : memref<9728xi32, #tpu.memory_space<vmem>> -> memref<256xi32, #tpu.memory_space<vmem>>
        %dma_wait3A_290 = arith.constant 0 : i32
        %dma_wait3A_291 = arith.constant 0 : i32
        %dma_wait3A_292 = tpu.memref_slice %arg22[%dma_wait3A_290, %dma_wait3A_291] : memref<50184x16xf32, #tpu.memory_space<vmem_shared>> -> memref<50184x16xf32, #tpu.memory_space<vmem_shared>>
        tpu.wait_indirect_dma semaphore(%run_scoped3A_284 : memref<!tpu.dma_semaphore, #tpu.memory_space<semaphore_mem>>) src(%arg19 : memref<256x16xf32, #tpu.memory_space<vmem>>) dst(%dma_wait3A_292 : memref<50184x16xf32, #tpu.memory_space<vmem_shared>>)
        tpu.yield
      }) : () -> ()
      %scan3A_283 = arith.constant 0 : i32
      scf.yield %scan3A_283 : i32
    }
    %scan3A_73 = arith.constant 19 : i32
    %dma_wait3A_74 = arith.constant 9728 : i32
    %dma_wait3A_75 = tpu.memref_slice %arg16[%dma_wait3A_74] : memref<9984xi32, #tpu.memory_space<vmem>> -> memref<256xi32, #tpu.memory_space<vmem>>
    %dma_wait3A_76 = arith.constant 0 : i32
    %dma_wait3A_77 = arith.constant 0 : i32
    %dma_wait3A_78 = tpu.memref_slice %arg21[%dma_wait3A_76, %dma_wait3A_77] : memref<50000x16xf32, #tpu.memory_space<vmem_shared>> -> memref<50000x16xf32, #tpu.memory_space<vmem_shared>>
    tpu.wait_indirect_dma semaphore(%arg23 : memref<!tpu.dma_semaphore, #tpu.memory_space<semaphore_mem>>) src(%dma_wait3A_78 : memref<50000x16xf32, #tpu.memory_space<vmem_shared>>) dst(%arg18 : memref<256x16xf32, #tpu.memory_space<vmem>>)
    %barrier3A_79 = arith.constant 0 : index
    tpu.barrier barrier_id(%barrier3A_79)
    %mul3A_80 = arith.constant 3136 : i32
    %mul3A_81 = arith.muli %arg1, %mul3A_80 : i32
    %run_scoped3A_82 = arith.constant 2 : i32
    "tpu.region"() ({
      %run_scoped3A_243 = tpu.sem_alloc : memref<!tpu.dma_semaphore, #tpu.memory_space<semaphore_mem>>
      %dma_start3A_244 = arith.constant 0 : i32
      %dma_start3A_245 = arith.constant 0 : i32
      %dma_start3A_246 = tpu.memref_slice %arg14[%run_scoped3A_82, %arg0, %dma_start3A_244, %dma_start3A_245] : memref<8x2x50176x16xf32, #tpu.memory_space<hbm>> -> memref<1x1x50176x16xf32, #tpu.memory_space<hbm>>
      %dma_start3A_247 = tpu.memref_squeeze %dma_start3A_246 : memref<1x1x50176x16xf32, #tpu.memory_space<hbm>> -> memref<50176x16xf32, #tpu.memory_space<hbm>>
      %dma_start3A_248 = arith.constant 0 : i32
      %dma_start3A_249 = tpu.memref_slice %dma_start3A_247[%mul3A_81, %dma_start3A_248] : memref<50176x16xf32, #tpu.memory_space<hbm>> -> memref<3136x16xf32, #tpu.memory_space<hbm>>
      %dma_start3A_250 = arith.constant 0 : i32
      %dma_start3A_251 = tpu.memref_slice %arg22[%mul3A_81, %dma_start3A_250] : memref<50184x16xf32, #tpu.memory_space<vmem_shared>> -> memref<3136x16xf32, #tpu.memory_space<vmem_shared>>
      tpu.enqueue_dma source(%dma_start3A_251 : memref<3136x16xf32, #tpu.memory_space<vmem_shared>>) target(%dma_start3A_249 : memref<3136x16xf32, #tpu.memory_space<hbm>>) target_semaphore(%run_scoped3A_243 : memref<!tpu.dma_semaphore, #tpu.memory_space<semaphore_mem>>)
      %dma_wait3A_252 = arith.constant 0 : i32
      %dma_wait3A_253 = arith.constant 0 : i32
      %dma_wait3A_254 = tpu.memref_slice %arg14[%run_scoped3A_82, %arg0, %dma_wait3A_252, %dma_wait3A_253] : memref<8x2x50176x16xf32, #tpu.memory_space<hbm>> -> memref<1x1x50176x16xf32, #tpu.memory_space<hbm>>
      %dma_wait3A_255 = tpu.memref_squeeze %dma_wait3A_254 : memref<1x1x50176x16xf32, #tpu.memory_space<hbm>> -> memref<50176x16xf32, #tpu.memory_space<hbm>>
      %dma_wait3A_256 = arith.constant 0 : i32
      %dma_wait3A_257 = tpu.memref_slice %dma_wait3A_255[%mul3A_81, %dma_wait3A_256] : memref<50176x16xf32, #tpu.memory_space<hbm>> -> memref<3136x16xf32, #tpu.memory_space<hbm>>
      %dma_wait3A_258 = arith.constant 0 : i32
      %dma_wait3A_259 = tpu.memref_slice %arg22[%mul3A_81, %dma_wait3A_258] : memref<50184x16xf32, #tpu.memory_space<vmem_shared>> -> memref<3136x16xf32, #tpu.memory_space<vmem_shared>>
      tpu.wait_dma2 semaphore(%run_scoped3A_243 : memref<!tpu.dma_semaphore, #tpu.memory_space<semaphore_mem>>) src(%dma_wait3A_259 : memref<3136x16xf32, #tpu.memory_space<vmem_shared>>) dst(%dma_wait3A_257 : memref<3136x16xf32, #tpu.memory_space<hbm>>)
      tpu.yield
    }) : () -> ()
    %barrier3A_83 = arith.constant 0 : index
    tpu.barrier barrier_id(%barrier3A_83)
    %mul3A_84 = arith.constant 3136 : i32
    %mul3A_85 = arith.muli %arg1, %mul3A_84 : i32
    %min3A_86 = arith.constant 46864 : i32
    %min3A_87 = arith.minsi %mul3A_85, %min3A_86 : i32
    "tpu.region"() ({
      %run_scoped3A_243 = tpu.sem_alloc : memref<!tpu.dma_semaphore, #tpu.memory_space<semaphore_mem>>
      %dma_start3A_244 = arith.constant 0 : i32
      %dma_start3A_245 = tpu.memref_slice %arg21[%min3A_87, %dma_start3A_244] : memref<50000x16xf32, #tpu.memory_space<vmem_shared>> -> memref<3136x16xf32, #tpu.memory_space<vmem_shared>>
      %dma_start3A_246 = arith.constant 0 : i32
      %dma_start3A_247 = tpu.memref_slice %arg5[%min3A_87, %dma_start3A_246] : memref<50000x16xf32, #tpu.memory_space<hbm>> -> memref<3136x16xf32, #tpu.memory_space<hbm>>
      tpu.enqueue_dma source(%dma_start3A_247 : memref<3136x16xf32, #tpu.memory_space<hbm>>) target(%dma_start3A_245 : memref<3136x16xf32, #tpu.memory_space<vmem_shared>>) target_semaphore(%run_scoped3A_243 : memref<!tpu.dma_semaphore, #tpu.memory_space<semaphore_mem>>)
      %dma_wait3A_248 = arith.constant 0 : i32
      %dma_wait3A_249 = tpu.memref_slice %arg21[%min3A_87, %dma_wait3A_248] : memref<50000x16xf32, #tpu.memory_space<vmem_shared>> -> memref<3136x16xf32, #tpu.memory_space<vmem_shared>>
      %dma_wait3A_250 = arith.constant 0 : i32
      %dma_wait3A_251 = tpu.memref_slice %arg5[%min3A_87, %dma_wait3A_250] : memref<50000x16xf32, #tpu.memory_space<hbm>> -> memref<3136x16xf32, #tpu.memory_space<hbm>>
      tpu.wait_dma2 semaphore(%run_scoped3A_243 : memref<!tpu.dma_semaphore, #tpu.memory_space<semaphore_mem>>) src(%dma_wait3A_251 : memref<3136x16xf32, #tpu.memory_space<hbm>>) dst(%dma_wait3A_249 : memref<3136x16xf32, #tpu.memory_space<vmem_shared>>)
      tpu.yield
    }) : () -> ()
    %mul3A_88 = arith.constant 3136 : i32
    %mul3A_89 = arith.muli %arg1, %mul3A_88 : i32
    "tpu.region"() ({
      %run_scoped3A_243 = tpu.sem_alloc : memref<!tpu.dma_semaphore, #tpu.memory_space<semaphore_mem>>
      %dma_start3A_244 = arith.constant 0 : i32
      %dma_start3A_245 = tpu.memref_slice %arg22[%mul3A_89, %dma_start3A_244] : memref<50184x16xf32, #tpu.memory_space<vmem_shared>> -> memref<3136x16xf32, #tpu.memory_space<vmem_shared>>
      tpu.enqueue_dma source(%arg12 : memref<3136x16xf32, #tpu.memory_space<hbm>>) target(%dma_start3A_245 : memref<3136x16xf32, #tpu.memory_space<vmem_shared>>) target_semaphore(%run_scoped3A_243 : memref<!tpu.dma_semaphore, #tpu.memory_space<semaphore_mem>>)
      %dma_wait3A_246 = arith.constant 0 : i32
      %dma_wait3A_247 = tpu.memref_slice %arg22[%mul3A_89, %dma_wait3A_246] : memref<50184x16xf32, #tpu.memory_space<vmem_shared>> -> memref<3136x16xf32, #tpu.memory_space<vmem_shared>>
      tpu.wait_dma2 semaphore(%run_scoped3A_243 : memref<!tpu.dma_semaphore, #tpu.memory_space<semaphore_mem>>) src(%arg12 : memref<3136x16xf32, #tpu.memory_space<hbm>>) dst(%dma_wait3A_247 : memref<3136x16xf32, #tpu.memory_space<vmem_shared>>)
      tpu.yield
    }) : () -> ()
    "tpu.region"() ({
      %run_scoped3A_243 = tpu.sem_alloc : memref<!tpu.dma_semaphore, #tpu.memory_space<semaphore_mem>>
      %dma_start3A_244 = arith.constant 50176 : i32
      %dma_start3A_245 = arith.constant 0 : i32
      %dma_start3A_246 = tpu.memref_slice %arg22[%dma_start3A_244, %dma_start3A_245] : memref<50184x16xf32, #tpu.memory_space<vmem_shared>> -> memref<8x16xf32, #tpu.memory_space<vmem_shared>>
      %dma_start3A_247 = arith.constant 0 : i32
      %dma_start3A_248 = arith.constant 0 : i32
      %dma_start3A_249 = tpu.memref_slice %arg12[%dma_start3A_247, %dma_start3A_248] : memref<3136x16xf32, #tpu.memory_space<hbm>> -> memref<8x16xf32, #tpu.memory_space<hbm>>
      tpu.enqueue_dma source(%dma_start3A_249 : memref<8x16xf32, #tpu.memory_space<hbm>>) target(%dma_start3A_246 : memref<8x16xf32, #tpu.memory_space<vmem_shared>>) target_semaphore(%run_scoped3A_243 : memref<!tpu.dma_semaphore, #tpu.memory_space<semaphore_mem>>)
      %dma_wait3A_250 = arith.constant 50176 : i32
      %dma_wait3A_251 = arith.constant 0 : i32
      %dma_wait3A_252 = tpu.memref_slice %arg22[%dma_wait3A_250, %dma_wait3A_251] : memref<50184x16xf32, #tpu.memory_space<vmem_shared>> -> memref<8x16xf32, #tpu.memory_space<vmem_shared>>
      %dma_wait3A_253 = arith.constant 0 : i32
      %dma_wait3A_254 = arith.constant 0 : i32
      %dma_wait3A_255 = tpu.memref_slice %arg12[%dma_wait3A_253, %dma_wait3A_254] : memref<3136x16xf32, #tpu.memory_space<hbm>> -> memref<8x16xf32, #tpu.memory_space<hbm>>
      tpu.wait_dma2 semaphore(%run_scoped3A_243 : memref<!tpu.dma_semaphore, #tpu.memory_space<semaphore_mem>>) src(%dma_wait3A_255 : memref<8x16xf32, #tpu.memory_space<hbm>>) dst(%dma_wait3A_252 : memref<8x16xf32, #tpu.memory_space<vmem_shared>>)
      tpu.yield
    }) : () -> ()
    %barrier3A_90 = arith.constant 0 : index
    tpu.barrier barrier_id(%barrier3A_90)
    %dma_start3A_91 = arith.constant 0 : i32
    %dma_start3A_92 = tpu.memref_slice %arg16[%dma_start3A_91] : memref<9984xi32, #tpu.memory_space<vmem>> -> memref<256xi32, #tpu.memory_space<vmem>>
    %dma_start3A_93 = arith.constant 0 : i32
    %dma_start3A_94 = arith.constant 0 : i32
    %dma_start3A_95 = tpu.memref_slice %arg21[%dma_start3A_93, %dma_start3A_94] : memref<50000x16xf32, #tpu.memory_space<vmem_shared>> -> memref<50000x16xf32, #tpu.memory_space<vmem_shared>>
    tpu.enqueue_indirect_dma source(%dma_start3A_95 : memref<50000x16xf32, #tpu.memory_space<vmem_shared>>) target(%arg18 : memref<256x16xf32, #tpu.memory_space<vmem>>) offsets(%dma_start3A_92 : memref<256xi32, #tpu.memory_space<vmem>>) semaphore(%arg23 : memref<!tpu.dma_semaphore, #tpu.memory_space<semaphore_mem>>)
    %scan3A_96 = arith.constant 0 : i32
    %scan3A_97 = arith.constant 0 : i32
    %scan3A_98 = arith.constant 19 : i32
    %scan3A_99 = arith.addi %scan3A_97, %scan3A_98 : i32
    %scan3A_100 = arith.constant 1 : i32
    %scan3A_101 = scf.for %scan3A_243 = %scan3A_97 to %scan3A_99 step %scan3A_100 iter_args(%scan3A_244 = %scan3A_96) -> (i32)  : i32 {
      %mul3A_245 = arith.constant 2 : i32
      %mul3A_246 = arith.muli %scan3A_243, %mul3A_245 : i32
      %mul3A_247 = arith.constant 256 : i32
      %mul3A_248 = arith.muli %mul3A_246, %mul3A_247 : i32
      %dma_wait3A_249 = tpu.memref_slice %arg16[%mul3A_248] : memref<9984xi32, #tpu.memory_space<vmem>> -> memref<256xi32, #tpu.memory_space<vmem>>
      %dma_wait3A_250 = arith.constant 0 : i32
      %dma_wait3A_251 = arith.constant 0 : i32
      %dma_wait3A_252 = tpu.memref_slice %arg21[%dma_wait3A_250, %dma_wait3A_251] : memref<50000x16xf32, #tpu.memory_space<vmem_shared>> -> memref<50000x16xf32, #tpu.memory_space<vmem_shared>>
      tpu.wait_indirect_dma semaphore(%arg23 : memref<!tpu.dma_semaphore, #tpu.memory_space<semaphore_mem>>) src(%dma_wait3A_252 : memref<50000x16xf32, #tpu.memory_space<vmem_shared>>) dst(%arg18 : memref<256x16xf32, #tpu.memory_space<vmem>>)
      %add3A_253 = arith.constant 1 : i32
      %add3A_254 = arith.addi %mul3A_246, %add3A_253 : i32
      %mul3A_255 = arith.constant 256 : i32
      %mul3A_256 = arith.muli %add3A_254, %mul3A_255 : i32
      %dma_start3A_257 = tpu.memref_slice %arg16[%mul3A_256] : memref<9984xi32, #tpu.memory_space<vmem>> -> memref<256xi32, #tpu.memory_space<vmem>>
      %dma_start3A_258 = arith.constant 0 : i32
      %dma_start3A_259 = arith.constant 0 : i32
      %dma_start3A_260 = tpu.memref_slice %arg21[%dma_start3A_258, %dma_start3A_259] : memref<50000x16xf32, #tpu.memory_space<vmem_shared>> -> memref<50000x16xf32, #tpu.memory_space<vmem_shared>>
      tpu.enqueue_indirect_dma source(%dma_start3A_260 : memref<50000x16xf32, #tpu.memory_space<vmem_shared>>) target(%arg19 : memref<256x16xf32, #tpu.memory_space<vmem>>) offsets(%dma_start3A_257 : memref<256xi32, #tpu.memory_space<vmem>>) semaphore(%arg24 : memref<!tpu.dma_semaphore, #tpu.memory_space<semaphore_mem>>)
      %mul3A_261 = arith.constant 256 : i32
      %mul3A_262 = arith.muli %mul3A_246, %mul3A_261 : i32
      "tpu.region"() ({
        %run_scoped3A_284 = tpu.sem_alloc : memref<!tpu.dma_semaphore, #tpu.memory_space<semaphore_mem>>
        %dma_start3A_285 = tpu.memref_slice %arg17[%mul3A_262] : memref<9728xi32, #tpu.memory_space<vmem>> -> memref<256xi32, #tpu.memory_space<vmem>>
        %dma_start3A_286 = arith.constant 0 : i32
        %dma_start3A_287 = arith.constant 0 : i32
        %dma_start3A_288 = tpu.memref_slice %arg22[%dma_start3A_286, %dma_start3A_287] : memref<50184x16xf32, #tpu.memory_space<vmem_shared>> -> memref<50184x16xf32, #tpu.memory_space<vmem_shared>>
        tpu.enqueue_indirect_dma source(%arg18 : memref<256x16xf32, #tpu.memory_space<vmem>>) target(%dma_start3A_288 : memref<50184x16xf32, #tpu.memory_space<vmem_shared>>) offsets(%dma_start3A_285 : memref<256xi32, #tpu.memory_space<vmem>>) semaphore(%run_scoped3A_284 : memref<!tpu.dma_semaphore, #tpu.memory_space<semaphore_mem>>) {add = true}
        %dma_wait3A_289 = tpu.memref_slice %arg17[%mul3A_262] : memref<9728xi32, #tpu.memory_space<vmem>> -> memref<256xi32, #tpu.memory_space<vmem>>
        %dma_wait3A_290 = arith.constant 0 : i32
        %dma_wait3A_291 = arith.constant 0 : i32
        %dma_wait3A_292 = tpu.memref_slice %arg22[%dma_wait3A_290, %dma_wait3A_291] : memref<50184x16xf32, #tpu.memory_space<vmem_shared>> -> memref<50184x16xf32, #tpu.memory_space<vmem_shared>>
        tpu.wait_indirect_dma semaphore(%run_scoped3A_284 : memref<!tpu.dma_semaphore, #tpu.memory_space<semaphore_mem>>) src(%arg18 : memref<256x16xf32, #tpu.memory_space<vmem>>) dst(%dma_wait3A_292 : memref<50184x16xf32, #tpu.memory_space<vmem_shared>>)
        tpu.yield
      }) : () -> ()
      %add3A_263 = arith.constant 1 : i32
      %add3A_264 = arith.addi %mul3A_246, %add3A_263 : i32
      %mul3A_265 = arith.constant 256 : i32
      %mul3A_266 = arith.muli %add3A_264, %mul3A_265 : i32
      %dma_wait3A_267 = tpu.memref_slice %arg16[%mul3A_266] : memref<9984xi32, #tpu.memory_space<vmem>> -> memref<256xi32, #tpu.memory_space<vmem>>
      %dma_wait3A_268 = arith.constant 0 : i32
      %dma_wait3A_269 = arith.constant 0 : i32
      %dma_wait3A_270 = tpu.memref_slice %arg21[%dma_wait3A_268, %dma_wait3A_269] : memref<50000x16xf32, #tpu.memory_space<vmem_shared>> -> memref<50000x16xf32, #tpu.memory_space<vmem_shared>>
      tpu.wait_indirect_dma semaphore(%arg24 : memref<!tpu.dma_semaphore, #tpu.memory_space<semaphore_mem>>) src(%dma_wait3A_270 : memref<50000x16xf32, #tpu.memory_space<vmem_shared>>) dst(%arg19 : memref<256x16xf32, #tpu.memory_space<vmem>>)
      %add3A_271 = arith.constant 2 : i32
      %add3A_272 = arith.addi %mul3A_246, %add3A_271 : i32
      %mul3A_273 = arith.constant 256 : i32
      %mul3A_274 = arith.muli %add3A_272, %mul3A_273 : i32
      %dma_start3A_275 = tpu.memref_slice %arg16[%mul3A_274] : memref<9984xi32, #tpu.memory_space<vmem>> -> memref<256xi32, #tpu.memory_space<vmem>>
      %dma_start3A_276 = arith.constant 0 : i32
      %dma_start3A_277 = arith.constant 0 : i32
      %dma_start3A_278 = tpu.memref_slice %arg21[%dma_start3A_276, %dma_start3A_277] : memref<50000x16xf32, #tpu.memory_space<vmem_shared>> -> memref<50000x16xf32, #tpu.memory_space<vmem_shared>>
      tpu.enqueue_indirect_dma source(%dma_start3A_278 : memref<50000x16xf32, #tpu.memory_space<vmem_shared>>) target(%arg18 : memref<256x16xf32, #tpu.memory_space<vmem>>) offsets(%dma_start3A_275 : memref<256xi32, #tpu.memory_space<vmem>>) semaphore(%arg23 : memref<!tpu.dma_semaphore, #tpu.memory_space<semaphore_mem>>)
      %add3A_279 = arith.constant 1 : i32
      %add3A_280 = arith.addi %mul3A_246, %add3A_279 : i32
      %mul3A_281 = arith.constant 256 : i32
      %mul3A_282 = arith.muli %add3A_280, %mul3A_281 : i32
      "tpu.region"() ({
        %run_scoped3A_284 = tpu.sem_alloc : memref<!tpu.dma_semaphore, #tpu.memory_space<semaphore_mem>>
        %dma_start3A_285 = tpu.memref_slice %arg17[%mul3A_282] : memref<9728xi32, #tpu.memory_space<vmem>> -> memref<256xi32, #tpu.memory_space<vmem>>
        %dma_start3A_286 = arith.constant 0 : i32
        %dma_start3A_287 = arith.constant 0 : i32
        %dma_start3A_288 = tpu.memref_slice %arg22[%dma_start3A_286, %dma_start3A_287] : memref<50184x16xf32, #tpu.memory_space<vmem_shared>> -> memref<50184x16xf32, #tpu.memory_space<vmem_shared>>
        tpu.enqueue_indirect_dma source(%arg19 : memref<256x16xf32, #tpu.memory_space<vmem>>) target(%dma_start3A_288 : memref<50184x16xf32, #tpu.memory_space<vmem_shared>>) offsets(%dma_start3A_285 : memref<256xi32, #tpu.memory_space<vmem>>) semaphore(%run_scoped3A_284 : memref<!tpu.dma_semaphore, #tpu.memory_space<semaphore_mem>>) {add = true}
        %dma_wait3A_289 = tpu.memref_slice %arg17[%mul3A_282] : memref<9728xi32, #tpu.memory_space<vmem>> -> memref<256xi32, #tpu.memory_space<vmem>>
        %dma_wait3A_290 = arith.constant 0 : i32
        %dma_wait3A_291 = arith.constant 0 : i32
        %dma_wait3A_292 = tpu.memref_slice %arg22[%dma_wait3A_290, %dma_wait3A_291] : memref<50184x16xf32, #tpu.memory_space<vmem_shared>> -> memref<50184x16xf32, #tpu.memory_space<vmem_shared>>
        tpu.wait_indirect_dma semaphore(%run_scoped3A_284 : memref<!tpu.dma_semaphore, #tpu.memory_space<semaphore_mem>>) src(%arg19 : memref<256x16xf32, #tpu.memory_space<vmem>>) dst(%dma_wait3A_292 : memref<50184x16xf32, #tpu.memory_space<vmem_shared>>)
        tpu.yield
      }) : () -> ()
      %scan3A_283 = arith.constant 0 : i32
      scf.yield %scan3A_283 : i32
    }
    %scan3A_102 = arith.constant 19 : i32
    %dma_wait3A_103 = arith.constant 9728 : i32
    %dma_wait3A_104 = tpu.memref_slice %arg16[%dma_wait3A_103] : memref<9984xi32, #tpu.memory_space<vmem>> -> memref<256xi32, #tpu.memory_space<vmem>>
    %dma_wait3A_105 = arith.constant 0 : i32
    %dma_wait3A_106 = arith.constant 0 : i32
    %dma_wait3A_107 = tpu.memref_slice %arg21[%dma_wait3A_105, %dma_wait3A_106] : memref<50000x16xf32, #tpu.memory_space<vmem_shared>> -> memref<50000x16xf32, #tpu.memory_space<vmem_shared>>
    tpu.wait_indirect_dma semaphore(%arg23 : memref<!tpu.dma_semaphore, #tpu.memory_space<semaphore_mem>>) src(%dma_wait3A_107 : memref<50000x16xf32, #tpu.memory_space<vmem_shared>>) dst(%arg18 : memref<256x16xf32, #tpu.memory_space<vmem>>)
    %barrier3A_108 = arith.constant 0 : index
    tpu.barrier barrier_id(%barrier3A_108)
    %mul3A_109 = arith.constant 3136 : i32
    %mul3A_110 = arith.muli %arg1, %mul3A_109 : i32
    %run_scoped3A_111 = arith.constant 3 : i32
    "tpu.region"() ({
      %run_scoped3A_243 = tpu.sem_alloc : memref<!tpu.dma_semaphore, #tpu.memory_space<semaphore_mem>>
      %dma_start3A_244 = arith.constant 0 : i32
      %dma_start3A_245 = arith.constant 0 : i32
      %dma_start3A_246 = tpu.memref_slice %arg14[%run_scoped3A_111, %arg0, %dma_start3A_244, %dma_start3A_245] : memref<8x2x50176x16xf32, #tpu.memory_space<hbm>> -> memref<1x1x50176x16xf32, #tpu.memory_space<hbm>>
      %dma_start3A_247 = tpu.memref_squeeze %dma_start3A_246 : memref<1x1x50176x16xf32, #tpu.memory_space<hbm>> -> memref<50176x16xf32, #tpu.memory_space<hbm>>
      %dma_start3A_248 = arith.constant 0 : i32
      %dma_start3A_249 = tpu.memref_slice %dma_start3A_247[%mul3A_110, %dma_start3A_248] : memref<50176x16xf32, #tpu.memory_space<hbm>> -> memref<3136x16xf32, #tpu.memory_space<hbm>>
      %dma_start3A_250 = arith.constant 0 : i32
      %dma_start3A_251 = tpu.memref_slice %arg22[%mul3A_110, %dma_start3A_250] : memref<50184x16xf32, #tpu.memory_space<vmem_shared>> -> memref<3136x16xf32, #tpu.memory_space<vmem_shared>>
      tpu.enqueue_dma source(%dma_start3A_251 : memref<3136x16xf32, #tpu.memory_space<vmem_shared>>) target(%dma_start3A_249 : memref<3136x16xf32, #tpu.memory_space<hbm>>) target_semaphore(%run_scoped3A_243 : memref<!tpu.dma_semaphore, #tpu.memory_space<semaphore_mem>>)
      %dma_wait3A_252 = arith.constant 0 : i32
      %dma_wait3A_253 = arith.constant 0 : i32
      %dma_wait3A_254 = tpu.memref_slice %arg14[%run_scoped3A_111, %arg0, %dma_wait3A_252, %dma_wait3A_253] : memref<8x2x50176x16xf32, #tpu.memory_space<hbm>> -> memref<1x1x50176x16xf32, #tpu.memory_space<hbm>>
      %dma_wait3A_255 = tpu.memref_squeeze %dma_wait3A_254 : memref<1x1x50176x16xf32, #tpu.memory_space<hbm>> -> memref<50176x16xf32, #tpu.memory_space<hbm>>
      %dma_wait3A_256 = arith.constant 0 : i32
      %dma_wait3A_257 = tpu.memref_slice %dma_wait3A_255[%mul3A_110, %dma_wait3A_256] : memref<50176x16xf32, #tpu.memory_space<hbm>> -> memref<3136x16xf32, #tpu.memory_space<hbm>>
      %dma_wait3A_258 = arith.constant 0 : i32
      %dma_wait3A_259 = tpu.memref_slice %arg22[%mul3A_110, %dma_wait3A_258] : memref<50184x16xf32, #tpu.memory_space<vmem_shared>> -> memref<3136x16xf32, #tpu.memory_space<vmem_shared>>
      tpu.wait_dma2 semaphore(%run_scoped3A_243 : memref<!tpu.dma_semaphore, #tpu.memory_space<semaphore_mem>>) src(%dma_wait3A_259 : memref<3136x16xf32, #tpu.memory_space<vmem_shared>>) dst(%dma_wait3A_257 : memref<3136x16xf32, #tpu.memory_space<hbm>>)
      tpu.yield
    }) : () -> ()
    %barrier3A_112 = arith.constant 0 : index
    tpu.barrier barrier_id(%barrier3A_112)
    %mul3A_113 = arith.constant 3136 : i32
    %mul3A_114 = arith.muli %arg1, %mul3A_113 : i32
    %min3A_115 = arith.constant 46864 : i32
    %min3A_116 = arith.minsi %mul3A_114, %min3A_115 : i32
    "tpu.region"() ({
      %run_scoped3A_243 = tpu.sem_alloc : memref<!tpu.dma_semaphore, #tpu.memory_space<semaphore_mem>>
      %dma_start3A_244 = arith.constant 0 : i32
      %dma_start3A_245 = tpu.memref_slice %arg21[%min3A_116, %dma_start3A_244] : memref<50000x16xf32, #tpu.memory_space<vmem_shared>> -> memref<3136x16xf32, #tpu.memory_space<vmem_shared>>
      %dma_start3A_246 = arith.constant 0 : i32
      %dma_start3A_247 = tpu.memref_slice %arg6[%min3A_116, %dma_start3A_246] : memref<50000x16xf32, #tpu.memory_space<hbm>> -> memref<3136x16xf32, #tpu.memory_space<hbm>>
      tpu.enqueue_dma source(%dma_start3A_247 : memref<3136x16xf32, #tpu.memory_space<hbm>>) target(%dma_start3A_245 : memref<3136x16xf32, #tpu.memory_space<vmem_shared>>) target_semaphore(%run_scoped3A_243 : memref<!tpu.dma_semaphore, #tpu.memory_space<semaphore_mem>>)
      %dma_wait3A_248 = arith.constant 0 : i32
      %dma_wait3A_249 = tpu.memref_slice %arg21[%min3A_116, %dma_wait3A_248] : memref<50000x16xf32, #tpu.memory_space<vmem_shared>> -> memref<3136x16xf32, #tpu.memory_space<vmem_shared>>
      %dma_wait3A_250 = arith.constant 0 : i32
      %dma_wait3A_251 = tpu.memref_slice %arg6[%min3A_116, %dma_wait3A_250] : memref<50000x16xf32, #tpu.memory_space<hbm>> -> memref<3136x16xf32, #tpu.memory_space<hbm>>
      tpu.wait_dma2 semaphore(%run_scoped3A_243 : memref<!tpu.dma_semaphore, #tpu.memory_space<semaphore_mem>>) src(%dma_wait3A_251 : memref<3136x16xf32, #tpu.memory_space<hbm>>) dst(%dma_wait3A_249 : memref<3136x16xf32, #tpu.memory_space<vmem_shared>>)
      tpu.yield
    }) : () -> ()
    %mul3A_117 = arith.constant 3136 : i32
    %mul3A_118 = arith.muli %arg1, %mul3A_117 : i32
    "tpu.region"() ({
      %run_scoped3A_243 = tpu.sem_alloc : memref<!tpu.dma_semaphore, #tpu.memory_space<semaphore_mem>>
      %dma_start3A_244 = arith.constant 0 : i32
      %dma_start3A_245 = tpu.memref_slice %arg22[%mul3A_118, %dma_start3A_244] : memref<50184x16xf32, #tpu.memory_space<vmem_shared>> -> memref<3136x16xf32, #tpu.memory_space<vmem_shared>>
      tpu.enqueue_dma source(%arg12 : memref<3136x16xf32, #tpu.memory_space<hbm>>) target(%dma_start3A_245 : memref<3136x16xf32, #tpu.memory_space<vmem_shared>>) target_semaphore(%run_scoped3A_243 : memref<!tpu.dma_semaphore, #tpu.memory_space<semaphore_mem>>)
      %dma_wait3A_246 = arith.constant 0 : i32
      %dma_wait3A_247 = tpu.memref_slice %arg22[%mul3A_118, %dma_wait3A_246] : memref<50184x16xf32, #tpu.memory_space<vmem_shared>> -> memref<3136x16xf32, #tpu.memory_space<vmem_shared>>
      tpu.wait_dma2 semaphore(%run_scoped3A_243 : memref<!tpu.dma_semaphore, #tpu.memory_space<semaphore_mem>>) src(%arg12 : memref<3136x16xf32, #tpu.memory_space<hbm>>) dst(%dma_wait3A_247 : memref<3136x16xf32, #tpu.memory_space<vmem_shared>>)
      tpu.yield
    }) : () -> ()
    "tpu.region"() ({
      %run_scoped3A_243 = tpu.sem_alloc : memref<!tpu.dma_semaphore, #tpu.memory_space<semaphore_mem>>
      %dma_start3A_244 = arith.constant 50176 : i32
      %dma_start3A_245 = arith.constant 0 : i32
      %dma_start3A_246 = tpu.memref_slice %arg22[%dma_start3A_244, %dma_start3A_245] : memref<50184x16xf32, #tpu.memory_space<vmem_shared>> -> memref<8x16xf32, #tpu.memory_space<vmem_shared>>
      %dma_start3A_247 = arith.constant 0 : i32
      %dma_start3A_248 = arith.constant 0 : i32
      %dma_start3A_249 = tpu.memref_slice %arg12[%dma_start3A_247, %dma_start3A_248] : memref<3136x16xf32, #tpu.memory_space<hbm>> -> memref<8x16xf32, #tpu.memory_space<hbm>>
      tpu.enqueue_dma source(%dma_start3A_249 : memref<8x16xf32, #tpu.memory_space<hbm>>) target(%dma_start3A_246 : memref<8x16xf32, #tpu.memory_space<vmem_shared>>) target_semaphore(%run_scoped3A_243 : memref<!tpu.dma_semaphore, #tpu.memory_space<semaphore_mem>>)
      %dma_wait3A_250 = arith.constant 50176 : i32
      %dma_wait3A_251 = arith.constant 0 : i32
      %dma_wait3A_252 = tpu.memref_slice %arg22[%dma_wait3A_250, %dma_wait3A_251] : memref<50184x16xf32, #tpu.memory_space<vmem_shared>> -> memref<8x16xf32, #tpu.memory_space<vmem_shared>>
      %dma_wait3A_253 = arith.constant 0 : i32
      %dma_wait3A_254 = arith.constant 0 : i32
      %dma_wait3A_255 = tpu.memref_slice %arg12[%dma_wait3A_253, %dma_wait3A_254] : memref<3136x16xf32, #tpu.memory_space<hbm>> -> memref<8x16xf32, #tpu.memory_space<hbm>>
      tpu.wait_dma2 semaphore(%run_scoped3A_243 : memref<!tpu.dma_semaphore, #tpu.memory_space<semaphore_mem>>) src(%dma_wait3A_255 : memref<8x16xf32, #tpu.memory_space<hbm>>) dst(%dma_wait3A_252 : memref<8x16xf32, #tpu.memory_space<vmem_shared>>)
      tpu.yield
    }) : () -> ()
    %barrier3A_119 = arith.constant 0 : index
    tpu.barrier barrier_id(%barrier3A_119)
    %dma_start3A_120 = arith.constant 0 : i32
    %dma_start3A_121 = tpu.memref_slice %arg16[%dma_start3A_120] : memref<9984xi32, #tpu.memory_space<vmem>> -> memref<256xi32, #tpu.memory_space<vmem>>
    %dma_start3A_122 = arith.constant 0 : i32
    %dma_start3A_123 = arith.constant 0 : i32
    %dma_start3A_124 = tpu.memref_slice %arg21[%dma_start3A_122, %dma_start3A_123] : memref<50000x16xf32, #tpu.memory_space<vmem_shared>> -> memref<50000x16xf32, #tpu.memory_space<vmem_shared>>
    tpu.enqueue_indirect_dma source(%dma_start3A_124 : memref<50000x16xf32, #tpu.memory_space<vmem_shared>>) target(%arg18 : memref<256x16xf32, #tpu.memory_space<vmem>>) offsets(%dma_start3A_121 : memref<256xi32, #tpu.memory_space<vmem>>) semaphore(%arg23 : memref<!tpu.dma_semaphore, #tpu.memory_space<semaphore_mem>>)
    %scan3A_125 = arith.constant 0 : i32
    %scan3A_126 = arith.constant 0 : i32
    %scan3A_127 = arith.constant 19 : i32
    %scan3A_128 = arith.addi %scan3A_126, %scan3A_127 : i32
    %scan3A_129 = arith.constant 1 : i32
    %scan3A_130 = scf.for %scan3A_243 = %scan3A_126 to %scan3A_128 step %scan3A_129 iter_args(%scan3A_244 = %scan3A_125) -> (i32)  : i32 {
      %mul3A_245 = arith.constant 2 : i32
      %mul3A_246 = arith.muli %scan3A_243, %mul3A_245 : i32
      %mul3A_247 = arith.constant 256 : i32
      %mul3A_248 = arith.muli %mul3A_246, %mul3A_247 : i32
      %dma_wait3A_249 = tpu.memref_slice %arg16[%mul3A_248] : memref<9984xi32, #tpu.memory_space<vmem>> -> memref<256xi32, #tpu.memory_space<vmem>>
      %dma_wait3A_250 = arith.constant 0 : i32
      %dma_wait3A_251 = arith.constant 0 : i32
      %dma_wait3A_252 = tpu.memref_slice %arg21[%dma_wait3A_250, %dma_wait3A_251] : memref<50000x16xf32, #tpu.memory_space<vmem_shared>> -> memref<50000x16xf32, #tpu.memory_space<vmem_shared>>
      tpu.wait_indirect_dma semaphore(%arg23 : memref<!tpu.dma_semaphore, #tpu.memory_space<semaphore_mem>>) src(%dma_wait3A_252 : memref<50000x16xf32, #tpu.memory_space<vmem_shared>>) dst(%arg18 : memref<256x16xf32, #tpu.memory_space<vmem>>)
      %add3A_253 = arith.constant 1 : i32
      %add3A_254 = arith.addi %mul3A_246, %add3A_253 : i32
      %mul3A_255 = arith.constant 256 : i32
      %mul3A_256 = arith.muli %add3A_254, %mul3A_255 : i32
      %dma_start3A_257 = tpu.memref_slice %arg16[%mul3A_256] : memref<9984xi32, #tpu.memory_space<vmem>> -> memref<256xi32, #tpu.memory_space<vmem>>
      %dma_start3A_258 = arith.constant 0 : i32
      %dma_start3A_259 = arith.constant 0 : i32
      %dma_start3A_260 = tpu.memref_slice %arg21[%dma_start3A_258, %dma_start3A_259] : memref<50000x16xf32, #tpu.memory_space<vmem_shared>> -> memref<50000x16xf32, #tpu.memory_space<vmem_shared>>
      tpu.enqueue_indirect_dma source(%dma_start3A_260 : memref<50000x16xf32, #tpu.memory_space<vmem_shared>>) target(%arg19 : memref<256x16xf32, #tpu.memory_space<vmem>>) offsets(%dma_start3A_257 : memref<256xi32, #tpu.memory_space<vmem>>) semaphore(%arg24 : memref<!tpu.dma_semaphore, #tpu.memory_space<semaphore_mem>>)
      %mul3A_261 = arith.constant 256 : i32
      %mul3A_262 = arith.muli %mul3A_246, %mul3A_261 : i32
      "tpu.region"() ({
        %run_scoped3A_284 = tpu.sem_alloc : memref<!tpu.dma_semaphore, #tpu.memory_space<semaphore_mem>>
        %dma_start3A_285 = tpu.memref_slice %arg17[%mul3A_262] : memref<9728xi32, #tpu.memory_space<vmem>> -> memref<256xi32, #tpu.memory_space<vmem>>
        %dma_start3A_286 = arith.constant 0 : i32
        %dma_start3A_287 = arith.constant 0 : i32
        %dma_start3A_288 = tpu.memref_slice %arg22[%dma_start3A_286, %dma_start3A_287] : memref<50184x16xf32, #tpu.memory_space<vmem_shared>> -> memref<50184x16xf32, #tpu.memory_space<vmem_shared>>
        tpu.enqueue_indirect_dma source(%arg18 : memref<256x16xf32, #tpu.memory_space<vmem>>) target(%dma_start3A_288 : memref<50184x16xf32, #tpu.memory_space<vmem_shared>>) offsets(%dma_start3A_285 : memref<256xi32, #tpu.memory_space<vmem>>) semaphore(%run_scoped3A_284 : memref<!tpu.dma_semaphore, #tpu.memory_space<semaphore_mem>>) {add = true}
        %dma_wait3A_289 = tpu.memref_slice %arg17[%mul3A_262] : memref<9728xi32, #tpu.memory_space<vmem>> -> memref<256xi32, #tpu.memory_space<vmem>>
        %dma_wait3A_290 = arith.constant 0 : i32
        %dma_wait3A_291 = arith.constant 0 : i32
        %dma_wait3A_292 = tpu.memref_slice %arg22[%dma_wait3A_290, %dma_wait3A_291] : memref<50184x16xf32, #tpu.memory_space<vmem_shared>> -> memref<50184x16xf32, #tpu.memory_space<vmem_shared>>
        tpu.wait_indirect_dma semaphore(%run_scoped3A_284 : memref<!tpu.dma_semaphore, #tpu.memory_space<semaphore_mem>>) src(%arg18 : memref<256x16xf32, #tpu.memory_space<vmem>>) dst(%dma_wait3A_292 : memref<50184x16xf32, #tpu.memory_space<vmem_shared>>)
        tpu.yield
      }) : () -> ()
      %add3A_263 = arith.constant 1 : i32
      %add3A_264 = arith.addi %mul3A_246, %add3A_263 : i32
      %mul3A_265 = arith.constant 256 : i32
      %mul3A_266 = arith.muli %add3A_264, %mul3A_265 : i32
      %dma_wait3A_267 = tpu.memref_slice %arg16[%mul3A_266] : memref<9984xi32, #tpu.memory_space<vmem>> -> memref<256xi32, #tpu.memory_space<vmem>>
      %dma_wait3A_268 = arith.constant 0 : i32
      %dma_wait3A_269 = arith.constant 0 : i32
      %dma_wait3A_270 = tpu.memref_slice %arg21[%dma_wait3A_268, %dma_wait3A_269] : memref<50000x16xf32, #tpu.memory_space<vmem_shared>> -> memref<50000x16xf32, #tpu.memory_space<vmem_shared>>
      tpu.wait_indirect_dma semaphore(%arg24 : memref<!tpu.dma_semaphore, #tpu.memory_space<semaphore_mem>>) src(%dma_wait3A_270 : memref<50000x16xf32, #tpu.memory_space<vmem_shared>>) dst(%arg19 : memref<256x16xf32, #tpu.memory_space<vmem>>)
      %add3A_271 = arith.constant 2 : i32
      %add3A_272 = arith.addi %mul3A_246, %add3A_271 : i32
      %mul3A_273 = arith.constant 256 : i32
      %mul3A_274 = arith.muli %add3A_272, %mul3A_273 : i32
      %dma_start3A_275 = tpu.memref_slice %arg16[%mul3A_274] : memref<9984xi32, #tpu.memory_space<vmem>> -> memref<256xi32, #tpu.memory_space<vmem>>
      %dma_start3A_276 = arith.constant 0 : i32
      %dma_start3A_277 = arith.constant 0 : i32
      %dma_start3A_278 = tpu.memref_slice %arg21[%dma_start3A_276, %dma_start3A_277] : memref<50000x16xf32, #tpu.memory_space<vmem_shared>> -> memref<50000x16xf32, #tpu.memory_space<vmem_shared>>
      tpu.enqueue_indirect_dma source(%dma_start3A_278 : memref<50000x16xf32, #tpu.memory_space<vmem_shared>>) target(%arg18 : memref<256x16xf32, #tpu.memory_space<vmem>>) offsets(%dma_start3A_275 : memref<256xi32, #tpu.memory_space<vmem>>) semaphore(%arg23 : memref<!tpu.dma_semaphore, #tpu.memory_space<semaphore_mem>>)
      %add3A_279 = arith.constant 1 : i32
      %add3A_280 = arith.addi %mul3A_246, %add3A_279 : i32
      %mul3A_281 = arith.constant 256 : i32
      %mul3A_282 = arith.muli %add3A_280, %mul3A_281 : i32
      "tpu.region"() ({
        %run_scoped3A_284 = tpu.sem_alloc : memref<!tpu.dma_semaphore, #tpu.memory_space<semaphore_mem>>
        %dma_start3A_285 = tpu.memref_slice %arg17[%mul3A_282] : memref<9728xi32, #tpu.memory_space<vmem>> -> memref<256xi32, #tpu.memory_space<vmem>>
        %dma_start3A_286 = arith.constant 0 : i32
        %dma_start3A_287 = arith.constant 0 : i32
        %dma_start3A_288 = tpu.memref_slice %arg22[%dma_start3A_286, %dma_start3A_287] : memref<50184x16xf32, #tpu.memory_space<vmem_shared>> -> memref<50184x16xf32, #tpu.memory_space<vmem_shared>>
        tpu.enqueue_indirect_dma source(%arg19 : memref<256x16xf32, #tpu.memory_space<vmem>>) target(%dma_start3A_288 : memref<50184x16xf32, #tpu.memory_space<vmem_shared>>) offsets(%dma_start3A_285 : memref<256xi32, #tpu.memory_space<vmem>>) semaphore(%run_scoped3A_284 : memref<!tpu.dma_semaphore, #tpu.memory_space<semaphore_mem>>) {add = true}
        %dma_wait3A_289 = tpu.memref_slice %arg17[%mul3A_282] : memref<9728xi32, #tpu.memory_space<vmem>> -> memref<256xi32, #tpu.memory_space<vmem>>
        %dma_wait3A_290 = arith.constant 0 : i32
        %dma_wait3A_291 = arith.constant 0 : i32
        %dma_wait3A_292 = tpu.memref_slice %arg22[%dma_wait3A_290, %dma_wait3A_291] : memref<50184x16xf32, #tpu.memory_space<vmem_shared>> -> memref<50184x16xf32, #tpu.memory_space<vmem_shared>>
        tpu.wait_indirect_dma semaphore(%run_scoped3A_284 : memref<!tpu.dma_semaphore, #tpu.memory_space<semaphore_mem>>) src(%arg19 : memref<256x16xf32, #tpu.memory_space<vmem>>) dst(%dma_wait3A_292 : memref<50184x16xf32, #tpu.memory_space<vmem_shared>>)
        tpu.yield
      }) : () -> ()
      %scan3A_283 = arith.constant 0 : i32
      scf.yield %scan3A_283 : i32
    }
    %scan3A_131 = arith.constant 19 : i32
    %dma_wait3A_132 = arith.constant 9728 : i32
    %dma_wait3A_133 = tpu.memref_slice %arg16[%dma_wait3A_132] : memref<9984xi32, #tpu.memory_space<vmem>> -> memref<256xi32, #tpu.memory_space<vmem>>
    %dma_wait3A_134 = arith.constant 0 : i32
    %dma_wait3A_135 = arith.constant 0 : i32
    %dma_wait3A_136 = tpu.memref_slice %arg21[%dma_wait3A_134, %dma_wait3A_135] : memref<50000x16xf32, #tpu.memory_space<vmem_shared>> -> memref<50000x16xf32, #tpu.memory_space<vmem_shared>>
    tpu.wait_indirect_dma semaphore(%arg23 : memref<!tpu.dma_semaphore, #tpu.memory_space<semaphore_mem>>) src(%dma_wait3A_136 : memref<50000x16xf32, #tpu.memory_space<vmem_shared>>) dst(%arg18 : memref<256x16xf32, #tpu.memory_space<vmem>>)
    %barrier3A_137 = arith.constant 0 : index
    tpu.barrier barrier_id(%barrier3A_137)
    %mul3A_138 = arith.constant 3136 : i32
    %mul3A_139 = arith.muli %arg1, %mul3A_138 : i32
    %run_scoped3A_140 = arith.constant 4 : i32
    "tpu.region"() ({
      %run_scoped3A_243 = tpu.sem_alloc : memref<!tpu.dma_semaphore, #tpu.memory_space<semaphore_mem>>
      %dma_start3A_244 = arith.constant 0 : i32
      %dma_start3A_245 = arith.constant 0 : i32
      %dma_start3A_246 = tpu.memref_slice %arg14[%run_scoped3A_140, %arg0, %dma_start3A_244, %dma_start3A_245] : memref<8x2x50176x16xf32, #tpu.memory_space<hbm>> -> memref<1x1x50176x16xf32, #tpu.memory_space<hbm>>
      %dma_start3A_247 = tpu.memref_squeeze %dma_start3A_246 : memref<1x1x50176x16xf32, #tpu.memory_space<hbm>> -> memref<50176x16xf32, #tpu.memory_space<hbm>>
      %dma_start3A_248 = arith.constant 0 : i32
      %dma_start3A_249 = tpu.memref_slice %dma_start3A_247[%mul3A_139, %dma_start3A_248] : memref<50176x16xf32, #tpu.memory_space<hbm>> -> memref<3136x16xf32, #tpu.memory_space<hbm>>
      %dma_start3A_250 = arith.constant 0 : i32
      %dma_start3A_251 = tpu.memref_slice %arg22[%mul3A_139, %dma_start3A_250] : memref<50184x16xf32, #tpu.memory_space<vmem_shared>> -> memref<3136x16xf32, #tpu.memory_space<vmem_shared>>
      tpu.enqueue_dma source(%dma_start3A_251 : memref<3136x16xf32, #tpu.memory_space<vmem_shared>>) target(%dma_start3A_249 : memref<3136x16xf32, #tpu.memory_space<hbm>>) target_semaphore(%run_scoped3A_243 : memref<!tpu.dma_semaphore, #tpu.memory_space<semaphore_mem>>)
      %dma_wait3A_252 = arith.constant 0 : i32
      %dma_wait3A_253 = arith.constant 0 : i32
      %dma_wait3A_254 = tpu.memref_slice %arg14[%run_scoped3A_140, %arg0, %dma_wait3A_252, %dma_wait3A_253] : memref<8x2x50176x16xf32, #tpu.memory_space<hbm>> -> memref<1x1x50176x16xf32, #tpu.memory_space<hbm>>
      %dma_wait3A_255 = tpu.memref_squeeze %dma_wait3A_254 : memref<1x1x50176x16xf32, #tpu.memory_space<hbm>> -> memref<50176x16xf32, #tpu.memory_space<hbm>>
      %dma_wait3A_256 = arith.constant 0 : i32
      %dma_wait3A_257 = tpu.memref_slice %dma_wait3A_255[%mul3A_139, %dma_wait3A_256] : memref<50176x16xf32, #tpu.memory_space<hbm>> -> memref<3136x16xf32, #tpu.memory_space<hbm>>
      %dma_wait3A_258 = arith.constant 0 : i32
      %dma_wait3A_259 = tpu.memref_slice %arg22[%mul3A_139, %dma_wait3A_258] : memref<50184x16xf32, #tpu.memory_space<vmem_shared>> -> memref<3136x16xf32, #tpu.memory_space<vmem_shared>>
      tpu.wait_dma2 semaphore(%run_scoped3A_243 : memref<!tpu.dma_semaphore, #tpu.memory_space<semaphore_mem>>) src(%dma_wait3A_259 : memref<3136x16xf32, #tpu.memory_space<vmem_shared>>) dst(%dma_wait3A_257 : memref<3136x16xf32, #tpu.memory_space<hbm>>)
      tpu.yield
    }) : () -> ()
    %barrier3A_141 = arith.constant 0 : index
    tpu.barrier barrier_id(%barrier3A_141)
    %mul3A_142 = arith.constant 3136 : i32
    %mul3A_143 = arith.muli %arg1, %mul3A_142 : i32
    %min3A_144 = arith.constant 46864 : i32
    %min3A_145 = arith.minsi %mul3A_143, %min3A_144 : i32
    "tpu.region"() ({
      %run_scoped3A_243 = tpu.sem_alloc : memref<!tpu.dma_semaphore, #tpu.memory_space<semaphore_mem>>
      %dma_start3A_244 = arith.constant 0 : i32
      %dma_start3A_245 = tpu.memref_slice %arg21[%min3A_145, %dma_start3A_244] : memref<50000x16xf32, #tpu.memory_space<vmem_shared>> -> memref<3136x16xf32, #tpu.memory_space<vmem_shared>>
      %dma_start3A_246 = arith.constant 0 : i32
      %dma_start3A_247 = tpu.memref_slice %arg7[%min3A_145, %dma_start3A_246] : memref<50000x16xf32, #tpu.memory_space<hbm>> -> memref<3136x16xf32, #tpu.memory_space<hbm>>
      tpu.enqueue_dma source(%dma_start3A_247 : memref<3136x16xf32, #tpu.memory_space<hbm>>) target(%dma_start3A_245 : memref<3136x16xf32, #tpu.memory_space<vmem_shared>>) target_semaphore(%run_scoped3A_243 : memref<!tpu.dma_semaphore, #tpu.memory_space<semaphore_mem>>)
      %dma_wait3A_248 = arith.constant 0 : i32
      %dma_wait3A_249 = tpu.memref_slice %arg21[%min3A_145, %dma_wait3A_248] : memref<50000x16xf32, #tpu.memory_space<vmem_shared>> -> memref<3136x16xf32, #tpu.memory_space<vmem_shared>>
      %dma_wait3A_250 = arith.constant 0 : i32
      %dma_wait3A_251 = tpu.memref_slice %arg7[%min3A_145, %dma_wait3A_250] : memref<50000x16xf32, #tpu.memory_space<hbm>> -> memref<3136x16xf32, #tpu.memory_space<hbm>>
      tpu.wait_dma2 semaphore(%run_scoped3A_243 : memref<!tpu.dma_semaphore, #tpu.memory_space<semaphore_mem>>) src(%dma_wait3A_251 : memref<3136x16xf32, #tpu.memory_space<hbm>>) dst(%dma_wait3A_249 : memref<3136x16xf32, #tpu.memory_space<vmem_shared>>)
      tpu.yield
    }) : () -> ()
    %mul3A_146 = arith.constant 3136 : i32
    %mul3A_147 = arith.muli %arg1, %mul3A_146 : i32
    "tpu.region"() ({
      %run_scoped3A_243 = tpu.sem_alloc : memref<!tpu.dma_semaphore, #tpu.memory_space<semaphore_mem>>
      %dma_start3A_244 = arith.constant 0 : i32
      %dma_start3A_245 = tpu.memref_slice %arg22[%mul3A_147, %dma_start3A_244] : memref<50184x16xf32, #tpu.memory_space<vmem_shared>> -> memref<3136x16xf32, #tpu.memory_space<vmem_shared>>
      tpu.enqueue_dma source(%arg12 : memref<3136x16xf32, #tpu.memory_space<hbm>>) target(%dma_start3A_245 : memref<3136x16xf32, #tpu.memory_space<vmem_shared>>) target_semaphore(%run_scoped3A_243 : memref<!tpu.dma_semaphore, #tpu.memory_space<semaphore_mem>>)
      %dma_wait3A_246 = arith.constant 0 : i32
      %dma_wait3A_247 = tpu.memref_slice %arg22[%mul3A_147, %dma_wait3A_246] : memref<50184x16xf32, #tpu.memory_space<vmem_shared>> -> memref<3136x16xf32, #tpu.memory_space<vmem_shared>>
      tpu.wait_dma2 semaphore(%run_scoped3A_243 : memref<!tpu.dma_semaphore, #tpu.memory_space<semaphore_mem>>) src(%arg12 : memref<3136x16xf32, #tpu.memory_space<hbm>>) dst(%dma_wait3A_247 : memref<3136x16xf32, #tpu.memory_space<vmem_shared>>)
      tpu.yield
    }) : () -> ()
    "tpu.region"() ({
      %run_scoped3A_243 = tpu.sem_alloc : memref<!tpu.dma_semaphore, #tpu.memory_space<semaphore_mem>>
      %dma_start3A_244 = arith.constant 50176 : i32
      %dma_start3A_245 = arith.constant 0 : i32
      %dma_start3A_246 = tpu.memref_slice %arg22[%dma_start3A_244, %dma_start3A_245] : memref<50184x16xf32, #tpu.memory_space<vmem_shared>> -> memref<8x16xf32, #tpu.memory_space<vmem_shared>>
      %dma_start3A_247 = arith.constant 0 : i32
      %dma_start3A_248 = arith.constant 0 : i32
      %dma_start3A_249 = tpu.memref_slice %arg12[%dma_start3A_247, %dma_start3A_248] : memref<3136x16xf32, #tpu.memory_space<hbm>> -> memref<8x16xf32, #tpu.memory_space<hbm>>
      tpu.enqueue_dma source(%dma_start3A_249 : memref<8x16xf32, #tpu.memory_space<hbm>>) target(%dma_start3A_246 : memref<8x16xf32, #tpu.memory_space<vmem_shared>>) target_semaphore(%run_scoped3A_243 : memref<!tpu.dma_semaphore, #tpu.memory_space<semaphore_mem>>)
      %dma_wait3A_250 = arith.constant 50176 : i32
      %dma_wait3A_251 = arith.constant 0 : i32
      %dma_wait3A_252 = tpu.memref_slice %arg22[%dma_wait3A_250, %dma_wait3A_251] : memref<50184x16xf32, #tpu.memory_space<vmem_shared>> -> memref<8x16xf32, #tpu.memory_space<vmem_shared>>
      %dma_wait3A_253 = arith.constant 0 : i32
      %dma_wait3A_254 = arith.constant 0 : i32
      %dma_wait3A_255 = tpu.memref_slice %arg12[%dma_wait3A_253, %dma_wait3A_254] : memref<3136x16xf32, #tpu.memory_space<hbm>> -> memref<8x16xf32, #tpu.memory_space<hbm>>
      tpu.wait_dma2 semaphore(%run_scoped3A_243 : memref<!tpu.dma_semaphore, #tpu.memory_space<semaphore_mem>>) src(%dma_wait3A_255 : memref<8x16xf32, #tpu.memory_space<hbm>>) dst(%dma_wait3A_252 : memref<8x16xf32, #tpu.memory_space<vmem_shared>>)
      tpu.yield
    }) : () -> ()
    %barrier3A_148 = arith.constant 0 : index
    tpu.barrier barrier_id(%barrier3A_148)
    %dma_start3A_149 = arith.constant 0 : i32
    %dma_start3A_150 = tpu.memref_slice %arg16[%dma_start3A_149] : memref<9984xi32, #tpu.memory_space<vmem>> -> memref<256xi32, #tpu.memory_space<vmem>>
    %dma_start3A_151 = arith.constant 0 : i32
    %dma_start3A_152 = arith.constant 0 : i32
    %dma_start3A_153 = tpu.memref_slice %arg21[%dma_start3A_151, %dma_start3A_152] : memref<50000x16xf32, #tpu.memory_space<vmem_shared>> -> memref<50000x16xf32, #tpu.memory_space<vmem_shared>>
    tpu.enqueue_indirect_dma source(%dma_start3A_153 : memref<50000x16xf32, #tpu.memory_space<vmem_shared>>) target(%arg18 : memref<256x16xf32, #tpu.memory_space<vmem>>) offsets(%dma_start3A_150 : memref<256xi32, #tpu.memory_space<vmem>>) semaphore(%arg23 : memref<!tpu.dma_semaphore, #tpu.memory_space<semaphore_mem>>)
    %scan3A_154 = arith.constant 0 : i32
    %scan3A_155 = arith.constant 0 : i32
    %scan3A_156 = arith.constant 19 : i32
    %scan3A_157 = arith.addi %scan3A_155, %scan3A_156 : i32
    %scan3A_158 = arith.constant 1 : i32
    %scan3A_159 = scf.for %scan3A_243 = %scan3A_155 to %scan3A_157 step %scan3A_158 iter_args(%scan3A_244 = %scan3A_154) -> (i32)  : i32 {
      %mul3A_245 = arith.constant 2 : i32
      %mul3A_246 = arith.muli %scan3A_243, %mul3A_245 : i32
      %mul3A_247 = arith.constant 256 : i32
      %mul3A_248 = arith.muli %mul3A_246, %mul3A_247 : i32
      %dma_wait3A_249 = tpu.memref_slice %arg16[%mul3A_248] : memref<9984xi32, #tpu.memory_space<vmem>> -> memref<256xi32, #tpu.memory_space<vmem>>
      %dma_wait3A_250 = arith.constant 0 : i32
      %dma_wait3A_251 = arith.constant 0 : i32
      %dma_wait3A_252 = tpu.memref_slice %arg21[%dma_wait3A_250, %dma_wait3A_251] : memref<50000x16xf32, #tpu.memory_space<vmem_shared>> -> memref<50000x16xf32, #tpu.memory_space<vmem_shared>>
      tpu.wait_indirect_dma semaphore(%arg23 : memref<!tpu.dma_semaphore, #tpu.memory_space<semaphore_mem>>) src(%dma_wait3A_252 : memref<50000x16xf32, #tpu.memory_space<vmem_shared>>) dst(%arg18 : memref<256x16xf32, #tpu.memory_space<vmem>>)
      %add3A_253 = arith.constant 1 : i32
      %add3A_254 = arith.addi %mul3A_246, %add3A_253 : i32
      %mul3A_255 = arith.constant 256 : i32
      %mul3A_256 = arith.muli %add3A_254, %mul3A_255 : i32
      %dma_start3A_257 = tpu.memref_slice %arg16[%mul3A_256] : memref<9984xi32, #tpu.memory_space<vmem>> -> memref<256xi32, #tpu.memory_space<vmem>>
      %dma_start3A_258 = arith.constant 0 : i32
      %dma_start3A_259 = arith.constant 0 : i32
      %dma_start3A_260 = tpu.memref_slice %arg21[%dma_start3A_258, %dma_start3A_259] : memref<50000x16xf32, #tpu.memory_space<vmem_shared>> -> memref<50000x16xf32, #tpu.memory_space<vmem_shared>>
      tpu.enqueue_indirect_dma source(%dma_start3A_260 : memref<50000x16xf32, #tpu.memory_space<vmem_shared>>) target(%arg19 : memref<256x16xf32, #tpu.memory_space<vmem>>) offsets(%dma_start3A_257 : memref<256xi32, #tpu.memory_space<vmem>>) semaphore(%arg24 : memref<!tpu.dma_semaphore, #tpu.memory_space<semaphore_mem>>)
      %mul3A_261 = arith.constant 256 : i32
      %mul3A_262 = arith.muli %mul3A_246, %mul3A_261 : i32
      "tpu.region"() ({
        %run_scoped3A_284 = tpu.sem_alloc : memref<!tpu.dma_semaphore, #tpu.memory_space<semaphore_mem>>
        %dma_start3A_285 = tpu.memref_slice %arg17[%mul3A_262] : memref<9728xi32, #tpu.memory_space<vmem>> -> memref<256xi32, #tpu.memory_space<vmem>>
        %dma_start3A_286 = arith.constant 0 : i32
        %dma_start3A_287 = arith.constant 0 : i32
        %dma_start3A_288 = tpu.memref_slice %arg22[%dma_start3A_286, %dma_start3A_287] : memref<50184x16xf32, #tpu.memory_space<vmem_shared>> -> memref<50184x16xf32, #tpu.memory_space<vmem_shared>>
        tpu.enqueue_indirect_dma source(%arg18 : memref<256x16xf32, #tpu.memory_space<vmem>>) target(%dma_start3A_288 : memref<50184x16xf32, #tpu.memory_space<vmem_shared>>) offsets(%dma_start3A_285 : memref<256xi32, #tpu.memory_space<vmem>>) semaphore(%run_scoped3A_284 : memref<!tpu.dma_semaphore, #tpu.memory_space<semaphore_mem>>) {add = true}
        %dma_wait3A_289 = tpu.memref_slice %arg17[%mul3A_262] : memref<9728xi32, #tpu.memory_space<vmem>> -> memref<256xi32, #tpu.memory_space<vmem>>
        %dma_wait3A_290 = arith.constant 0 : i32
        %dma_wait3A_291 = arith.constant 0 : i32
        %dma_wait3A_292 = tpu.memref_slice %arg22[%dma_wait3A_290, %dma_wait3A_291] : memref<50184x16xf32, #tpu.memory_space<vmem_shared>> -> memref<50184x16xf32, #tpu.memory_space<vmem_shared>>
        tpu.wait_indirect_dma semaphore(%run_scoped3A_284 : memref<!tpu.dma_semaphore, #tpu.memory_space<semaphore_mem>>) src(%arg18 : memref<256x16xf32, #tpu.memory_space<vmem>>) dst(%dma_wait3A_292 : memref<50184x16xf32, #tpu.memory_space<vmem_shared>>)
        tpu.yield
      }) : () -> ()
      %add3A_263 = arith.constant 1 : i32
      %add3A_264 = arith.addi %mul3A_246, %add3A_263 : i32
      %mul3A_265 = arith.constant 256 : i32
      %mul3A_266 = arith.muli %add3A_264, %mul3A_265 : i32
      %dma_wait3A_267 = tpu.memref_slice %arg16[%mul3A_266] : memref<9984xi32, #tpu.memory_space<vmem>> -> memref<256xi32, #tpu.memory_space<vmem>>
      %dma_wait3A_268 = arith.constant 0 : i32
      %dma_wait3A_269 = arith.constant 0 : i32
      %dma_wait3A_270 = tpu.memref_slice %arg21[%dma_wait3A_268, %dma_wait3A_269] : memref<50000x16xf32, #tpu.memory_space<vmem_shared>> -> memref<50000x16xf32, #tpu.memory_space<vmem_shared>>
      tpu.wait_indirect_dma semaphore(%arg24 : memref<!tpu.dma_semaphore, #tpu.memory_space<semaphore_mem>>) src(%dma_wait3A_270 : memref<50000x16xf32, #tpu.memory_space<vmem_shared>>) dst(%arg19 : memref<256x16xf32, #tpu.memory_space<vmem>>)
      %add3A_271 = arith.constant 2 : i32
      %add3A_272 = arith.addi %mul3A_246, %add3A_271 : i32
      %mul3A_273 = arith.constant 256 : i32
      %mul3A_274 = arith.muli %add3A_272, %mul3A_273 : i32
      %dma_start3A_275 = tpu.memref_slice %arg16[%mul3A_274] : memref<9984xi32, #tpu.memory_space<vmem>> -> memref<256xi32, #tpu.memory_space<vmem>>
      %dma_start3A_276 = arith.constant 0 : i32
      %dma_start3A_277 = arith.constant 0 : i32
      %dma_start3A_278 = tpu.memref_slice %arg21[%dma_start3A_276, %dma_start3A_277] : memref<50000x16xf32, #tpu.memory_space<vmem_shared>> -> memref<50000x16xf32, #tpu.memory_space<vmem_shared>>
      tpu.enqueue_indirect_dma source(%dma_start3A_278 : memref<50000x16xf32, #tpu.memory_space<vmem_shared>>) target(%arg18 : memref<256x16xf32, #tpu.memory_space<vmem>>) offsets(%dma_start3A_275 : memref<256xi32, #tpu.memory_space<vmem>>) semaphore(%arg23 : memref<!tpu.dma_semaphore, #tpu.memory_space<semaphore_mem>>)
      %add3A_279 = arith.constant 1 : i32
      %add3A_280 = arith.addi %mul3A_246, %add3A_279 : i32
      %mul3A_281 = arith.constant 256 : i32
      %mul3A_282 = arith.muli %add3A_280, %mul3A_281 : i32
      "tpu.region"() ({
        %run_scoped3A_284 = tpu.sem_alloc : memref<!tpu.dma_semaphore, #tpu.memory_space<semaphore_mem>>
        %dma_start3A_285 = tpu.memref_slice %arg17[%mul3A_282] : memref<9728xi32, #tpu.memory_space<vmem>> -> memref<256xi32, #tpu.memory_space<vmem>>
        %dma_start3A_286 = arith.constant 0 : i32
        %dma_start3A_287 = arith.constant 0 : i32
        %dma_start3A_288 = tpu.memref_slice %arg22[%dma_start3A_286, %dma_start3A_287] : memref<50184x16xf32, #tpu.memory_space<vmem_shared>> -> memref<50184x16xf32, #tpu.memory_space<vmem_shared>>
        tpu.enqueue_indirect_dma source(%arg19 : memref<256x16xf32, #tpu.memory_space<vmem>>) target(%dma_start3A_288 : memref<50184x16xf32, #tpu.memory_space<vmem_shared>>) offsets(%dma_start3A_285 : memref<256xi32, #tpu.memory_space<vmem>>) semaphore(%run_scoped3A_284 : memref<!tpu.dma_semaphore, #tpu.memory_space<semaphore_mem>>) {add = true}
        %dma_wait3A_289 = tpu.memref_slice %arg17[%mul3A_282] : memref<9728xi32, #tpu.memory_space<vmem>> -> memref<256xi32, #tpu.memory_space<vmem>>
        %dma_wait3A_290 = arith.constant 0 : i32
        %dma_wait3A_291 = arith.constant 0 : i32
        %dma_wait3A_292 = tpu.memref_slice %arg22[%dma_wait3A_290, %dma_wait3A_291] : memref<50184x16xf32, #tpu.memory_space<vmem_shared>> -> memref<50184x16xf32, #tpu.memory_space<vmem_shared>>
        tpu.wait_indirect_dma semaphore(%run_scoped3A_284 : memref<!tpu.dma_semaphore, #tpu.memory_space<semaphore_mem>>) src(%arg19 : memref<256x16xf32, #tpu.memory_space<vmem>>) dst(%dma_wait3A_292 : memref<50184x16xf32, #tpu.memory_space<vmem_shared>>)
        tpu.yield
      }) : () -> ()
      %scan3A_283 = arith.constant 0 : i32
      scf.yield %scan3A_283 : i32
    }
    %scan3A_160 = arith.constant 19 : i32
    %dma_wait3A_161 = arith.constant 9728 : i32
    %dma_wait3A_162 = tpu.memref_slice %arg16[%dma_wait3A_161] : memref<9984xi32, #tpu.memory_space<vmem>> -> memref<256xi32, #tpu.memory_space<vmem>>
    %dma_wait3A_163 = arith.constant 0 : i32
    %dma_wait3A_164 = arith.constant 0 : i32
    %dma_wait3A_165 = tpu.memref_slice %arg21[%dma_wait3A_163, %dma_wait3A_164] : memref<50000x16xf32, #tpu.memory_space<vmem_shared>> -> memref<50000x16xf32, #tpu.memory_space<vmem_shared>>
    tpu.wait_indirect_dma semaphore(%arg23 : memref<!tpu.dma_semaphore, #tpu.memory_space<semaphore_mem>>) src(%dma_wait3A_165 : memref<50000x16xf32, #tpu.memory_space<vmem_shared>>) dst(%arg18 : memref<256x16xf32, #tpu.memory_space<vmem>>)
    %barrier3A_166 = arith.constant 0 : index
    tpu.barrier barrier_id(%barrier3A_166)
    %mul3A_167 = arith.constant 3136 : i32
    %mul3A_168 = arith.muli %arg1, %mul3A_167 : i32
    %run_scoped3A_169 = arith.constant 5 : i32
    "tpu.region"() ({
      %run_scoped3A_243 = tpu.sem_alloc : memref<!tpu.dma_semaphore, #tpu.memory_space<semaphore_mem>>
      %dma_start3A_244 = arith.constant 0 : i32
      %dma_start3A_245 = arith.constant 0 : i32
      %dma_start3A_246 = tpu.memref_slice %arg14[%run_scoped3A_169, %arg0, %dma_start3A_244, %dma_start3A_245] : memref<8x2x50176x16xf32, #tpu.memory_space<hbm>> -> memref<1x1x50176x16xf32, #tpu.memory_space<hbm>>
      %dma_start3A_247 = tpu.memref_squeeze %dma_start3A_246 : memref<1x1x50176x16xf32, #tpu.memory_space<hbm>> -> memref<50176x16xf32, #tpu.memory_space<hbm>>
      %dma_start3A_248 = arith.constant 0 : i32
      %dma_start3A_249 = tpu.memref_slice %dma_start3A_247[%mul3A_168, %dma_start3A_248] : memref<50176x16xf32, #tpu.memory_space<hbm>> -> memref<3136x16xf32, #tpu.memory_space<hbm>>
      %dma_start3A_250 = arith.constant 0 : i32
      %dma_start3A_251 = tpu.memref_slice %arg22[%mul3A_168, %dma_start3A_250] : memref<50184x16xf32, #tpu.memory_space<vmem_shared>> -> memref<3136x16xf32, #tpu.memory_space<vmem_shared>>
      tpu.enqueue_dma source(%dma_start3A_251 : memref<3136x16xf32, #tpu.memory_space<vmem_shared>>) target(%dma_start3A_249 : memref<3136x16xf32, #tpu.memory_space<hbm>>) target_semaphore(%run_scoped3A_243 : memref<!tpu.dma_semaphore, #tpu.memory_space<semaphore_mem>>)
      %dma_wait3A_252 = arith.constant 0 : i32
      %dma_wait3A_253 = arith.constant 0 : i32
      %dma_wait3A_254 = tpu.memref_slice %arg14[%run_scoped3A_169, %arg0, %dma_wait3A_252, %dma_wait3A_253] : memref<8x2x50176x16xf32, #tpu.memory_space<hbm>> -> memref<1x1x50176x16xf32, #tpu.memory_space<hbm>>
      %dma_wait3A_255 = tpu.memref_squeeze %dma_wait3A_254 : memref<1x1x50176x16xf32, #tpu.memory_space<hbm>> -> memref<50176x16xf32, #tpu.memory_space<hbm>>
      %dma_wait3A_256 = arith.constant 0 : i32
      %dma_wait3A_257 = tpu.memref_slice %dma_wait3A_255[%mul3A_168, %dma_wait3A_256] : memref<50176x16xf32, #tpu.memory_space<hbm>> -> memref<3136x16xf32, #tpu.memory_space<hbm>>
      %dma_wait3A_258 = arith.constant 0 : i32
      %dma_wait3A_259 = tpu.memref_slice %arg22[%mul3A_168, %dma_wait3A_258] : memref<50184x16xf32, #tpu.memory_space<vmem_shared>> -> memref<3136x16xf32, #tpu.memory_space<vmem_shared>>
      tpu.wait_dma2 semaphore(%run_scoped3A_243 : memref<!tpu.dma_semaphore, #tpu.memory_space<semaphore_mem>>) src(%dma_wait3A_259 : memref<3136x16xf32, #tpu.memory_space<vmem_shared>>) dst(%dma_wait3A_257 : memref<3136x16xf32, #tpu.memory_space<hbm>>)
      tpu.yield
    }) : () -> ()
    %barrier3A_170 = arith.constant 0 : index
    tpu.barrier barrier_id(%barrier3A_170)
    %mul3A_171 = arith.constant 3136 : i32
    %mul3A_172 = arith.muli %arg1, %mul3A_171 : i32
    %min3A_173 = arith.constant 46864 : i32
    %min3A_174 = arith.minsi %mul3A_172, %min3A_173 : i32
    "tpu.region"() ({
      %run_scoped3A_243 = tpu.sem_alloc : memref<!tpu.dma_semaphore, #tpu.memory_space<semaphore_mem>>
      %dma_start3A_244 = arith.constant 0 : i32
      %dma_start3A_245 = tpu.memref_slice %arg21[%min3A_174, %dma_start3A_244] : memref<50000x16xf32, #tpu.memory_space<vmem_shared>> -> memref<3136x16xf32, #tpu.memory_space<vmem_shared>>
      %dma_start3A_246 = arith.constant 0 : i32
      %dma_start3A_247 = tpu.memref_slice %arg8[%min3A_174, %dma_start3A_246] : memref<50000x16xf32, #tpu.memory_space<hbm>> -> memref<3136x16xf32, #tpu.memory_space<hbm>>
      tpu.enqueue_dma source(%dma_start3A_247 : memref<3136x16xf32, #tpu.memory_space<hbm>>) target(%dma_start3A_245 : memref<3136x16xf32, #tpu.memory_space<vmem_shared>>) target_semaphore(%run_scoped3A_243 : memref<!tpu.dma_semaphore, #tpu.memory_space<semaphore_mem>>)
      %dma_wait3A_248 = arith.constant 0 : i32
      %dma_wait3A_249 = tpu.memref_slice %arg21[%min3A_174, %dma_wait3A_248] : memref<50000x16xf32, #tpu.memory_space<vmem_shared>> -> memref<3136x16xf32, #tpu.memory_space<vmem_shared>>
      %dma_wait3A_250 = arith.constant 0 : i32
      %dma_wait3A_251 = tpu.memref_slice %arg8[%min3A_174, %dma_wait3A_250] : memref<50000x16xf32, #tpu.memory_space<hbm>> -> memref<3136x16xf32, #tpu.memory_space<hbm>>
      tpu.wait_dma2 semaphore(%run_scoped3A_243 : memref<!tpu.dma_semaphore, #tpu.memory_space<semaphore_mem>>) src(%dma_wait3A_251 : memref<3136x16xf32, #tpu.memory_space<hbm>>) dst(%dma_wait3A_249 : memref<3136x16xf32, #tpu.memory_space<vmem_shared>>)
      tpu.yield
    }) : () -> ()
    %mul3A_175 = arith.constant 3136 : i32
    %mul3A_176 = arith.muli %arg1, %mul3A_175 : i32
    "tpu.region"() ({
      %run_scoped3A_243 = tpu.sem_alloc : memref<!tpu.dma_semaphore, #tpu.memory_space<semaphore_mem>>
      %dma_start3A_244 = arith.constant 0 : i32
      %dma_start3A_245 = tpu.memref_slice %arg22[%mul3A_176, %dma_start3A_244] : memref<50184x16xf32, #tpu.memory_space<vmem_shared>> -> memref<3136x16xf32, #tpu.memory_space<vmem_shared>>
      tpu.enqueue_dma source(%arg12 : memref<3136x16xf32, #tpu.memory_space<hbm>>) target(%dma_start3A_245 : memref<3136x16xf32, #tpu.memory_space<vmem_shared>>) target_semaphore(%run_scoped3A_243 : memref<!tpu.dma_semaphore, #tpu.memory_space<semaphore_mem>>)
      %dma_wait3A_246 = arith.constant 0 : i32
      %dma_wait3A_247 = tpu.memref_slice %arg22[%mul3A_176, %dma_wait3A_246] : memref<50184x16xf32, #tpu.memory_space<vmem_shared>> -> memref<3136x16xf32, #tpu.memory_space<vmem_shared>>
      tpu.wait_dma2 semaphore(%run_scoped3A_243 : memref<!tpu.dma_semaphore, #tpu.memory_space<semaphore_mem>>) src(%arg12 : memref<3136x16xf32, #tpu.memory_space<hbm>>) dst(%dma_wait3A_247 : memref<3136x16xf32, #tpu.memory_space<vmem_shared>>)
      tpu.yield
    }) : () -> ()
    "tpu.region"() ({
      %run_scoped3A_243 = tpu.sem_alloc : memref<!tpu.dma_semaphore, #tpu.memory_space<semaphore_mem>>
      %dma_start3A_244 = arith.constant 50176 : i32
      %dma_start3A_245 = arith.constant 0 : i32
      %dma_start3A_246 = tpu.memref_slice %arg22[%dma_start3A_244, %dma_start3A_245] : memref<50184x16xf32, #tpu.memory_space<vmem_shared>> -> memref<8x16xf32, #tpu.memory_space<vmem_shared>>
      %dma_start3A_247 = arith.constant 0 : i32
      %dma_start3A_248 = arith.constant 0 : i32
      %dma_start3A_249 = tpu.memref_slice %arg12[%dma_start3A_247, %dma_start3A_248] : memref<3136x16xf32, #tpu.memory_space<hbm>> -> memref<8x16xf32, #tpu.memory_space<hbm>>
      tpu.enqueue_dma source(%dma_start3A_249 : memref<8x16xf32, #tpu.memory_space<hbm>>) target(%dma_start3A_246 : memref<8x16xf32, #tpu.memory_space<vmem_shared>>) target_semaphore(%run_scoped3A_243 : memref<!tpu.dma_semaphore, #tpu.memory_space<semaphore_mem>>)
      %dma_wait3A_250 = arith.constant 50176 : i32
      %dma_wait3A_251 = arith.constant 0 : i32
      %dma_wait3A_252 = tpu.memref_slice %arg22[%dma_wait3A_250, %dma_wait3A_251] : memref<50184x16xf32, #tpu.memory_space<vmem_shared>> -> memref<8x16xf32, #tpu.memory_space<vmem_shared>>
      %dma_wait3A_253 = arith.constant 0 : i32
      %dma_wait3A_254 = arith.constant 0 : i32
      %dma_wait3A_255 = tpu.memref_slice %arg12[%dma_wait3A_253, %dma_wait3A_254] : memref<3136x16xf32, #tpu.memory_space<hbm>> -> memref<8x16xf32, #tpu.memory_space<hbm>>
      tpu.wait_dma2 semaphore(%run_scoped3A_243 : memref<!tpu.dma_semaphore, #tpu.memory_space<semaphore_mem>>) src(%dma_wait3A_255 : memref<8x16xf32, #tpu.memory_space<hbm>>) dst(%dma_wait3A_252 : memref<8x16xf32, #tpu.memory_space<vmem_shared>>)
      tpu.yield
    }) : () -> ()
    %barrier3A_177 = arith.constant 0 : index
    tpu.barrier barrier_id(%barrier3A_177)
    %dma_start3A_178 = arith.constant 0 : i32
    %dma_start3A_179 = tpu.memref_slice %arg16[%dma_start3A_178] : memref<9984xi32, #tpu.memory_space<vmem>> -> memref<256xi32, #tpu.memory_space<vmem>>
    %dma_start3A_180 = arith.constant 0 : i32
    %dma_start3A_181 = arith.constant 0 : i32
    %dma_start3A_182 = tpu.memref_slice %arg21[%dma_start3A_180, %dma_start3A_181] : memref<50000x16xf32, #tpu.memory_space<vmem_shared>> -> memref<50000x16xf32, #tpu.memory_space<vmem_shared>>
    tpu.enqueue_indirect_dma source(%dma_start3A_182 : memref<50000x16xf32, #tpu.memory_space<vmem_shared>>) target(%arg18 : memref<256x16xf32, #tpu.memory_space<vmem>>) offsets(%dma_start3A_179 : memref<256xi32, #tpu.memory_space<vmem>>) semaphore(%arg23 : memref<!tpu.dma_semaphore, #tpu.memory_space<semaphore_mem>>)
    %scan3A_183 = arith.constant 0 : i32
    %scan3A_184 = arith.constant 0 : i32
    %scan3A_185 = arith.constant 19 : i32
    %scan3A_186 = arith.addi %scan3A_184, %scan3A_185 : i32
    %scan3A_187 = arith.constant 1 : i32
    %scan3A_188 = scf.for %scan3A_243 = %scan3A_184 to %scan3A_186 step %scan3A_187 iter_args(%scan3A_244 = %scan3A_183) -> (i32)  : i32 {
      %mul3A_245 = arith.constant 2 : i32
      %mul3A_246 = arith.muli %scan3A_243, %mul3A_245 : i32
      %mul3A_247 = arith.constant 256 : i32
      %mul3A_248 = arith.muli %mul3A_246, %mul3A_247 : i32
      %dma_wait3A_249 = tpu.memref_slice %arg16[%mul3A_248] : memref<9984xi32, #tpu.memory_space<vmem>> -> memref<256xi32, #tpu.memory_space<vmem>>
      %dma_wait3A_250 = arith.constant 0 : i32
      %dma_wait3A_251 = arith.constant 0 : i32
      %dma_wait3A_252 = tpu.memref_slice %arg21[%dma_wait3A_250, %dma_wait3A_251] : memref<50000x16xf32, #tpu.memory_space<vmem_shared>> -> memref<50000x16xf32, #tpu.memory_space<vmem_shared>>
      tpu.wait_indirect_dma semaphore(%arg23 : memref<!tpu.dma_semaphore, #tpu.memory_space<semaphore_mem>>) src(%dma_wait3A_252 : memref<50000x16xf32, #tpu.memory_space<vmem_shared>>) dst(%arg18 : memref<256x16xf32, #tpu.memory_space<vmem>>)
      %add3A_253 = arith.constant 1 : i32
      %add3A_254 = arith.addi %mul3A_246, %add3A_253 : i32
      %mul3A_255 = arith.constant 256 : i32
      %mul3A_256 = arith.muli %add3A_254, %mul3A_255 : i32
      %dma_start3A_257 = tpu.memref_slice %arg16[%mul3A_256] : memref<9984xi32, #tpu.memory_space<vmem>> -> memref<256xi32, #tpu.memory_space<vmem>>
      %dma_start3A_258 = arith.constant 0 : i32
      %dma_start3A_259 = arith.constant 0 : i32
      %dma_start3A_260 = tpu.memref_slice %arg21[%dma_start3A_258, %dma_start3A_259] : memref<50000x16xf32, #tpu.memory_space<vmem_shared>> -> memref<50000x16xf32, #tpu.memory_space<vmem_shared>>
      tpu.enqueue_indirect_dma source(%dma_start3A_260 : memref<50000x16xf32, #tpu.memory_space<vmem_shared>>) target(%arg19 : memref<256x16xf32, #tpu.memory_space<vmem>>) offsets(%dma_start3A_257 : memref<256xi32, #tpu.memory_space<vmem>>) semaphore(%arg24 : memref<!tpu.dma_semaphore, #tpu.memory_space<semaphore_mem>>)
      %mul3A_261 = arith.constant 256 : i32
      %mul3A_262 = arith.muli %mul3A_246, %mul3A_261 : i32
      "tpu.region"() ({
        %run_scoped3A_284 = tpu.sem_alloc : memref<!tpu.dma_semaphore, #tpu.memory_space<semaphore_mem>>
        %dma_start3A_285 = tpu.memref_slice %arg17[%mul3A_262] : memref<9728xi32, #tpu.memory_space<vmem>> -> memref<256xi32, #tpu.memory_space<vmem>>
        %dma_start3A_286 = arith.constant 0 : i32
        %dma_start3A_287 = arith.constant 0 : i32
        %dma_start3A_288 = tpu.memref_slice %arg22[%dma_start3A_286, %dma_start3A_287] : memref<50184x16xf32, #tpu.memory_space<vmem_shared>> -> memref<50184x16xf32, #tpu.memory_space<vmem_shared>>
        tpu.enqueue_indirect_dma source(%arg18 : memref<256x16xf32, #tpu.memory_space<vmem>>) target(%dma_start3A_288 : memref<50184x16xf32, #tpu.memory_space<vmem_shared>>) offsets(%dma_start3A_285 : memref<256xi32, #tpu.memory_space<vmem>>) semaphore(%run_scoped3A_284 : memref<!tpu.dma_semaphore, #tpu.memory_space<semaphore_mem>>) {add = true}
        %dma_wait3A_289 = tpu.memref_slice %arg17[%mul3A_262] : memref<9728xi32, #tpu.memory_space<vmem>> -> memref<256xi32, #tpu.memory_space<vmem>>
        %dma_wait3A_290 = arith.constant 0 : i32
        %dma_wait3A_291 = arith.constant 0 : i32
        %dma_wait3A_292 = tpu.memref_slice %arg22[%dma_wait3A_290, %dma_wait3A_291] : memref<50184x16xf32, #tpu.memory_space<vmem_shared>> -> memref<50184x16xf32, #tpu.memory_space<vmem_shared>>
        tpu.wait_indirect_dma semaphore(%run_scoped3A_284 : memref<!tpu.dma_semaphore, #tpu.memory_space<semaphore_mem>>) src(%arg18 : memref<256x16xf32, #tpu.memory_space<vmem>>) dst(%dma_wait3A_292 : memref<50184x16xf32, #tpu.memory_space<vmem_shared>>)
        tpu.yield
      }) : () -> ()
      %add3A_263 = arith.constant 1 : i32
      %add3A_264 = arith.addi %mul3A_246, %add3A_263 : i32
      %mul3A_265 = arith.constant 256 : i32
      %mul3A_266 = arith.muli %add3A_264, %mul3A_265 : i32
      %dma_wait3A_267 = tpu.memref_slice %arg16[%mul3A_266] : memref<9984xi32, #tpu.memory_space<vmem>> -> memref<256xi32, #tpu.memory_space<vmem>>
      %dma_wait3A_268 = arith.constant 0 : i32
      %dma_wait3A_269 = arith.constant 0 : i32
      %dma_wait3A_270 = tpu.memref_slice %arg21[%dma_wait3A_268, %dma_wait3A_269] : memref<50000x16xf32, #tpu.memory_space<vmem_shared>> -> memref<50000x16xf32, #tpu.memory_space<vmem_shared>>
      tpu.wait_indirect_dma semaphore(%arg24 : memref<!tpu.dma_semaphore, #tpu.memory_space<semaphore_mem>>) src(%dma_wait3A_270 : memref<50000x16xf32, #tpu.memory_space<vmem_shared>>) dst(%arg19 : memref<256x16xf32, #tpu.memory_space<vmem>>)
      %add3A_271 = arith.constant 2 : i32
      %add3A_272 = arith.addi %mul3A_246, %add3A_271 : i32
      %mul3A_273 = arith.constant 256 : i32
      %mul3A_274 = arith.muli %add3A_272, %mul3A_273 : i32
      %dma_start3A_275 = tpu.memref_slice %arg16[%mul3A_274] : memref<9984xi32, #tpu.memory_space<vmem>> -> memref<256xi32, #tpu.memory_space<vmem>>
      %dma_start3A_276 = arith.constant 0 : i32
      %dma_start3A_277 = arith.constant 0 : i32
      %dma_start3A_278 = tpu.memref_slice %arg21[%dma_start3A_276, %dma_start3A_277] : memref<50000x16xf32, #tpu.memory_space<vmem_shared>> -> memref<50000x16xf32, #tpu.memory_space<vmem_shared>>
      tpu.enqueue_indirect_dma source(%dma_start3A_278 : memref<50000x16xf32, #tpu.memory_space<vmem_shared>>) target(%arg18 : memref<256x16xf32, #tpu.memory_space<vmem>>) offsets(%dma_start3A_275 : memref<256xi32, #tpu.memory_space<vmem>>) semaphore(%arg23 : memref<!tpu.dma_semaphore, #tpu.memory_space<semaphore_mem>>)
      %add3A_279 = arith.constant 1 : i32
      %add3A_280 = arith.addi %mul3A_246, %add3A_279 : i32
      %mul3A_281 = arith.constant 256 : i32
      %mul3A_282 = arith.muli %add3A_280, %mul3A_281 : i32
      "tpu.region"() ({
        %run_scoped3A_284 = tpu.sem_alloc : memref<!tpu.dma_semaphore, #tpu.memory_space<semaphore_mem>>
        %dma_start3A_285 = tpu.memref_slice %arg17[%mul3A_282] : memref<9728xi32, #tpu.memory_space<vmem>> -> memref<256xi32, #tpu.memory_space<vmem>>
        %dma_start3A_286 = arith.constant 0 : i32
        %dma_start3A_287 = arith.constant 0 : i32
        %dma_start3A_288 = tpu.memref_slice %arg22[%dma_start3A_286, %dma_start3A_287] : memref<50184x16xf32, #tpu.memory_space<vmem_shared>> -> memref<50184x16xf32, #tpu.memory_space<vmem_shared>>
        tpu.enqueue_indirect_dma source(%arg19 : memref<256x16xf32, #tpu.memory_space<vmem>>) target(%dma_start3A_288 : memref<50184x16xf32, #tpu.memory_space<vmem_shared>>) offsets(%dma_start3A_285 : memref<256xi32, #tpu.memory_space<vmem>>) semaphore(%run_scoped3A_284 : memref<!tpu.dma_semaphore, #tpu.memory_space<semaphore_mem>>) {add = true}
        %dma_wait3A_289 = tpu.memref_slice %arg17[%mul3A_282] : memref<9728xi32, #tpu.memory_space<vmem>> -> memref<256xi32, #tpu.memory_space<vmem>>
        %dma_wait3A_290 = arith.constant 0 : i32
        %dma_wait3A_291 = arith.constant 0 : i32
        %dma_wait3A_292 = tpu.memref_slice %arg22[%dma_wait3A_290, %dma_wait3A_291] : memref<50184x16xf32, #tpu.memory_space<vmem_shared>> -> memref<50184x16xf32, #tpu.memory_space<vmem_shared>>
        tpu.wait_indirect_dma semaphore(%run_scoped3A_284 : memref<!tpu.dma_semaphore, #tpu.memory_space<semaphore_mem>>) src(%arg19 : memref<256x16xf32, #tpu.memory_space<vmem>>) dst(%dma_wait3A_292 : memref<50184x16xf32, #tpu.memory_space<vmem_shared>>)
        tpu.yield
      }) : () -> ()
      %scan3A_283 = arith.constant 0 : i32
      scf.yield %scan3A_283 : i32
    }
    %scan3A_189 = arith.constant 19 : i32
    %dma_wait3A_190 = arith.constant 9728 : i32
    %dma_wait3A_191 = tpu.memref_slice %arg16[%dma_wait3A_190] : memref<9984xi32, #tpu.memory_space<vmem>> -> memref<256xi32, #tpu.memory_space<vmem>>
    %dma_wait3A_192 = arith.constant 0 : i32
    %dma_wait3A_193 = arith.constant 0 : i32
    %dma_wait3A_194 = tpu.memref_slice %arg21[%dma_wait3A_192, %dma_wait3A_193] : memref<50000x16xf32, #tpu.memory_space<vmem_shared>> -> memref<50000x16xf32, #tpu.memory_space<vmem_shared>>
    tpu.wait_indirect_dma semaphore(%arg23 : memref<!tpu.dma_semaphore, #tpu.memory_space<semaphore_mem>>) src(%dma_wait3A_194 : memref<50000x16xf32, #tpu.memory_space<vmem_shared>>) dst(%arg18 : memref<256x16xf32, #tpu.memory_space<vmem>>)
    %barrier3A_195 = arith.constant 0 : index
    tpu.barrier barrier_id(%barrier3A_195)
    %mul3A_196 = arith.constant 3136 : i32
    %mul3A_197 = arith.muli %arg1, %mul3A_196 : i32
    %run_scoped3A_198 = arith.constant 6 : i32
    "tpu.region"() ({
      %run_scoped3A_243 = tpu.sem_alloc : memref<!tpu.dma_semaphore, #tpu.memory_space<semaphore_mem>>
      %dma_start3A_244 = arith.constant 0 : i32
      %dma_start3A_245 = arith.constant 0 : i32
      %dma_start3A_246 = tpu.memref_slice %arg14[%run_scoped3A_198, %arg0, %dma_start3A_244, %dma_start3A_245] : memref<8x2x50176x16xf32, #tpu.memory_space<hbm>> -> memref<1x1x50176x16xf32, #tpu.memory_space<hbm>>
      %dma_start3A_247 = tpu.memref_squeeze %dma_start3A_246 : memref<1x1x50176x16xf32, #tpu.memory_space<hbm>> -> memref<50176x16xf32, #tpu.memory_space<hbm>>
      %dma_start3A_248 = arith.constant 0 : i32
      %dma_start3A_249 = tpu.memref_slice %dma_start3A_247[%mul3A_197, %dma_start3A_248] : memref<50176x16xf32, #tpu.memory_space<hbm>> -> memref<3136x16xf32, #tpu.memory_space<hbm>>
      %dma_start3A_250 = arith.constant 0 : i32
      %dma_start3A_251 = tpu.memref_slice %arg22[%mul3A_197, %dma_start3A_250] : memref<50184x16xf32, #tpu.memory_space<vmem_shared>> -> memref<3136x16xf32, #tpu.memory_space<vmem_shared>>
      tpu.enqueue_dma source(%dma_start3A_251 : memref<3136x16xf32, #tpu.memory_space<vmem_shared>>) target(%dma_start3A_249 : memref<3136x16xf32, #tpu.memory_space<hbm>>) target_semaphore(%run_scoped3A_243 : memref<!tpu.dma_semaphore, #tpu.memory_space<semaphore_mem>>)
      %dma_wait3A_252 = arith.constant 0 : i32
      %dma_wait3A_253 = arith.constant 0 : i32
      %dma_wait3A_254 = tpu.memref_slice %arg14[%run_scoped3A_198, %arg0, %dma_wait3A_252, %dma_wait3A_253] : memref<8x2x50176x16xf32, #tpu.memory_space<hbm>> -> memref<1x1x50176x16xf32, #tpu.memory_space<hbm>>
      %dma_wait3A_255 = tpu.memref_squeeze %dma_wait3A_254 : memref<1x1x50176x16xf32, #tpu.memory_space<hbm>> -> memref<50176x16xf32, #tpu.memory_space<hbm>>
      %dma_wait3A_256 = arith.constant 0 : i32
      %dma_wait3A_257 = tpu.memref_slice %dma_wait3A_255[%mul3A_197, %dma_wait3A_256] : memref<50176x16xf32, #tpu.memory_space<hbm>> -> memref<3136x16xf32, #tpu.memory_space<hbm>>
      %dma_wait3A_258 = arith.constant 0 : i32
      %dma_wait3A_259 = tpu.memref_slice %arg22[%mul3A_197, %dma_wait3A_258] : memref<50184x16xf32, #tpu.memory_space<vmem_shared>> -> memref<3136x16xf32, #tpu.memory_space<vmem_shared>>
      tpu.wait_dma2 semaphore(%run_scoped3A_243 : memref<!tpu.dma_semaphore, #tpu.memory_space<semaphore_mem>>) src(%dma_wait3A_259 : memref<3136x16xf32, #tpu.memory_space<vmem_shared>>) dst(%dma_wait3A_257 : memref<3136x16xf32, #tpu.memory_space<hbm>>)
      tpu.yield
    }) : () -> ()
    %barrier3A_199 = arith.constant 0 : index
    tpu.barrier barrier_id(%barrier3A_199)
    %mul3A_200 = arith.constant 3136 : i32
    %mul3A_201 = arith.muli %arg1, %mul3A_200 : i32
    %min3A_202 = arith.constant 46864 : i32
    %min3A_203 = arith.minsi %mul3A_201, %min3A_202 : i32
    "tpu.region"() ({
      %run_scoped3A_243 = tpu.sem_alloc : memref<!tpu.dma_semaphore, #tpu.memory_space<semaphore_mem>>
      %dma_start3A_244 = arith.constant 0 : i32
      %dma_start3A_245 = tpu.memref_slice %arg21[%min3A_203, %dma_start3A_244] : memref<50000x16xf32, #tpu.memory_space<vmem_shared>> -> memref<3136x16xf32, #tpu.memory_space<vmem_shared>>
      %dma_start3A_246 = arith.constant 0 : i32
      %dma_start3A_247 = tpu.memref_slice %arg9[%min3A_203, %dma_start3A_246] : memref<50000x16xf32, #tpu.memory_space<hbm>> -> memref<3136x16xf32, #tpu.memory_space<hbm>>
      tpu.enqueue_dma source(%dma_start3A_247 : memref<3136x16xf32, #tpu.memory_space<hbm>>) target(%dma_start3A_245 : memref<3136x16xf32, #tpu.memory_space<vmem_shared>>) target_semaphore(%run_scoped3A_243 : memref<!tpu.dma_semaphore, #tpu.memory_space<semaphore_mem>>)
      %dma_wait3A_248 = arith.constant 0 : i32
      %dma_wait3A_249 = tpu.memref_slice %arg21[%min3A_203, %dma_wait3A_248] : memref<50000x16xf32, #tpu.memory_space<vmem_shared>> -> memref<3136x16xf32, #tpu.memory_space<vmem_shared>>
      %dma_wait3A_250 = arith.constant 0 : i32
      %dma_wait3A_251 = tpu.memref_slice %arg9[%min3A_203, %dma_wait3A_250] : memref<50000x16xf32, #tpu.memory_space<hbm>> -> memref<3136x16xf32, #tpu.memory_space<hbm>>
      tpu.wait_dma2 semaphore(%run_scoped3A_243 : memref<!tpu.dma_semaphore, #tpu.memory_space<semaphore_mem>>) src(%dma_wait3A_251 : memref<3136x16xf32, #tpu.memory_space<hbm>>) dst(%dma_wait3A_249 : memref<3136x16xf32, #tpu.memory_space<vmem_shared>>)
      tpu.yield
    }) : () -> ()
    %mul3A_204 = arith.constant 3136 : i32
    %mul3A_205 = arith.muli %arg1, %mul3A_204 : i32
    "tpu.region"() ({
      %run_scoped3A_243 = tpu.sem_alloc : memref<!tpu.dma_semaphore, #tpu.memory_space<semaphore_mem>>
      %dma_start3A_244 = arith.constant 0 : i32
      %dma_start3A_245 = tpu.memref_slice %arg22[%mul3A_205, %dma_start3A_244] : memref<50184x16xf32, #tpu.memory_space<vmem_shared>> -> memref<3136x16xf32, #tpu.memory_space<vmem_shared>>
      tpu.enqueue_dma source(%arg12 : memref<3136x16xf32, #tpu.memory_space<hbm>>) target(%dma_start3A_245 : memref<3136x16xf32, #tpu.memory_space<vmem_shared>>) target_semaphore(%run_scoped3A_243 : memref<!tpu.dma_semaphore, #tpu.memory_space<semaphore_mem>>)
      %dma_wait3A_246 = arith.constant 0 : i32
      %dma_wait3A_247 = tpu.memref_slice %arg22[%mul3A_205, %dma_wait3A_246] : memref<50184x16xf32, #tpu.memory_space<vmem_shared>> -> memref<3136x16xf32, #tpu.memory_space<vmem_shared>>
      tpu.wait_dma2 semaphore(%run_scoped3A_243 : memref<!tpu.dma_semaphore, #tpu.memory_space<semaphore_mem>>) src(%arg12 : memref<3136x16xf32, #tpu.memory_space<hbm>>) dst(%dma_wait3A_247 : memref<3136x16xf32, #tpu.memory_space<vmem_shared>>)
      tpu.yield
    }) : () -> ()
    "tpu.region"() ({
      %run_scoped3A_243 = tpu.sem_alloc : memref<!tpu.dma_semaphore, #tpu.memory_space<semaphore_mem>>
      %dma_start3A_244 = arith.constant 50176 : i32
      %dma_start3A_245 = arith.constant 0 : i32
      %dma_start3A_246 = tpu.memref_slice %arg22[%dma_start3A_244, %dma_start3A_245] : memref<50184x16xf32, #tpu.memory_space<vmem_shared>> -> memref<8x16xf32, #tpu.memory_space<vmem_shared>>
      %dma_start3A_247 = arith.constant 0 : i32
      %dma_start3A_248 = arith.constant 0 : i32
      %dma_start3A_249 = tpu.memref_slice %arg12[%dma_start3A_247, %dma_start3A_248] : memref<3136x16xf32, #tpu.memory_space<hbm>> -> memref<8x16xf32, #tpu.memory_space<hbm>>
      tpu.enqueue_dma source(%dma_start3A_249 : memref<8x16xf32, #tpu.memory_space<hbm>>) target(%dma_start3A_246 : memref<8x16xf32, #tpu.memory_space<vmem_shared>>) target_semaphore(%run_scoped3A_243 : memref<!tpu.dma_semaphore, #tpu.memory_space<semaphore_mem>>)
      %dma_wait3A_250 = arith.constant 50176 : i32
      %dma_wait3A_251 = arith.constant 0 : i32
      %dma_wait3A_252 = tpu.memref_slice %arg22[%dma_wait3A_250, %dma_wait3A_251] : memref<50184x16xf32, #tpu.memory_space<vmem_shared>> -> memref<8x16xf32, #tpu.memory_space<vmem_shared>>
      %dma_wait3A_253 = arith.constant 0 : i32
      %dma_wait3A_254 = arith.constant 0 : i32
      %dma_wait3A_255 = tpu.memref_slice %arg12[%dma_wait3A_253, %dma_wait3A_254] : memref<3136x16xf32, #tpu.memory_space<hbm>> -> memref<8x16xf32, #tpu.memory_space<hbm>>
      tpu.wait_dma2 semaphore(%run_scoped3A_243 : memref<!tpu.dma_semaphore, #tpu.memory_space<semaphore_mem>>) src(%dma_wait3A_255 : memref<8x16xf32, #tpu.memory_space<hbm>>) dst(%dma_wait3A_252 : memref<8x16xf32, #tpu.memory_space<vmem_shared>>)
      tpu.yield
    }) : () -> ()
    %barrier3A_206 = arith.constant 0 : index
    tpu.barrier barrier_id(%barrier3A_206)
    %dma_start3A_207 = arith.constant 0 : i32
    %dma_start3A_208 = tpu.memref_slice %arg16[%dma_start3A_207] : memref<9984xi32, #tpu.memory_space<vmem>> -> memref<256xi32, #tpu.memory_space<vmem>>
    %dma_start3A_209 = arith.constant 0 : i32
    %dma_start3A_210 = arith.constant 0 : i32
    %dma_start3A_211 = tpu.memref_slice %arg21[%dma_start3A_209, %dma_start3A_210] : memref<50000x16xf32, #tpu.memory_space<vmem_shared>> -> memref<50000x16xf32, #tpu.memory_space<vmem_shared>>
    tpu.enqueue_indirect_dma source(%dma_start3A_211 : memref<50000x16xf32, #tpu.memory_space<vmem_shared>>) target(%arg18 : memref<256x16xf32, #tpu.memory_space<vmem>>) offsets(%dma_start3A_208 : memref<256xi32, #tpu.memory_space<vmem>>) semaphore(%arg23 : memref<!tpu.dma_semaphore, #tpu.memory_space<semaphore_mem>>)
    %scan3A_212 = arith.constant 0 : i32
    %scan3A_213 = arith.constant 0 : i32
    %scan3A_214 = arith.constant 19 : i32
    %scan3A_215 = arith.addi %scan3A_213, %scan3A_214 : i32
    %scan3A_216 = arith.constant 1 : i32
    %scan3A_217 = scf.for %scan3A_243 = %scan3A_213 to %scan3A_215 step %scan3A_216 iter_args(%scan3A_244 = %scan3A_212) -> (i32)  : i32 {
      %mul3A_245 = arith.constant 2 : i32
      %mul3A_246 = arith.muli %scan3A_243, %mul3A_245 : i32
      %mul3A_247 = arith.constant 256 : i32
      %mul3A_248 = arith.muli %mul3A_246, %mul3A_247 : i32
      %dma_wait3A_249 = tpu.memref_slice %arg16[%mul3A_248] : memref<9984xi32, #tpu.memory_space<vmem>> -> memref<256xi32, #tpu.memory_space<vmem>>
      %dma_wait3A_250 = arith.constant 0 : i32
      %dma_wait3A_251 = arith.constant 0 : i32
      %dma_wait3A_252 = tpu.memref_slice %arg21[%dma_wait3A_250, %dma_wait3A_251] : memref<50000x16xf32, #tpu.memory_space<vmem_shared>> -> memref<50000x16xf32, #tpu.memory_space<vmem_shared>>
      tpu.wait_indirect_dma semaphore(%arg23 : memref<!tpu.dma_semaphore, #tpu.memory_space<semaphore_mem>>) src(%dma_wait3A_252 : memref<50000x16xf32, #tpu.memory_space<vmem_shared>>) dst(%arg18 : memref<256x16xf32, #tpu.memory_space<vmem>>)
      %add3A_253 = arith.constant 1 : i32
      %add3A_254 = arith.addi %mul3A_246, %add3A_253 : i32
      %mul3A_255 = arith.constant 256 : i32
      %mul3A_256 = arith.muli %add3A_254, %mul3A_255 : i32
      %dma_start3A_257 = tpu.memref_slice %arg16[%mul3A_256] : memref<9984xi32, #tpu.memory_space<vmem>> -> memref<256xi32, #tpu.memory_space<vmem>>
      %dma_start3A_258 = arith.constant 0 : i32
      %dma_start3A_259 = arith.constant 0 : i32
      %dma_start3A_260 = tpu.memref_slice %arg21[%dma_start3A_258, %dma_start3A_259] : memref<50000x16xf32, #tpu.memory_space<vmem_shared>> -> memref<50000x16xf32, #tpu.memory_space<vmem_shared>>
      tpu.enqueue_indirect_dma source(%dma_start3A_260 : memref<50000x16xf32, #tpu.memory_space<vmem_shared>>) target(%arg19 : memref<256x16xf32, #tpu.memory_space<vmem>>) offsets(%dma_start3A_257 : memref<256xi32, #tpu.memory_space<vmem>>) semaphore(%arg24 : memref<!tpu.dma_semaphore, #tpu.memory_space<semaphore_mem>>)
      %mul3A_261 = arith.constant 256 : i32
      %mul3A_262 = arith.muli %mul3A_246, %mul3A_261 : i32
      "tpu.region"() ({
        %run_scoped3A_284 = tpu.sem_alloc : memref<!tpu.dma_semaphore, #tpu.memory_space<semaphore_mem>>
        %dma_start3A_285 = tpu.memref_slice %arg17[%mul3A_262] : memref<9728xi32, #tpu.memory_space<vmem>> -> memref<256xi32, #tpu.memory_space<vmem>>
        %dma_start3A_286 = arith.constant 0 : i32
        %dma_start3A_287 = arith.constant 0 : i32
        %dma_start3A_288 = tpu.memref_slice %arg22[%dma_start3A_286, %dma_start3A_287] : memref<50184x16xf32, #tpu.memory_space<vmem_shared>> -> memref<50184x16xf32, #tpu.memory_space<vmem_shared>>
        tpu.enqueue_indirect_dma source(%arg18 : memref<256x16xf32, #tpu.memory_space<vmem>>) target(%dma_start3A_288 : memref<50184x16xf32, #tpu.memory_space<vmem_shared>>) offsets(%dma_start3A_285 : memref<256xi32, #tpu.memory_space<vmem>>) semaphore(%run_scoped3A_284 : memref<!tpu.dma_semaphore, #tpu.memory_space<semaphore_mem>>) {add = true}
        %dma_wait3A_289 = tpu.memref_slice %arg17[%mul3A_262] : memref<9728xi32, #tpu.memory_space<vmem>> -> memref<256xi32, #tpu.memory_space<vmem>>
        %dma_wait3A_290 = arith.constant 0 : i32
        %dma_wait3A_291 = arith.constant 0 : i32
        %dma_wait3A_292 = tpu.memref_slice %arg22[%dma_wait3A_290, %dma_wait3A_291] : memref<50184x16xf32, #tpu.memory_space<vmem_shared>> -> memref<50184x16xf32, #tpu.memory_space<vmem_shared>>
        tpu.wait_indirect_dma semaphore(%run_scoped3A_284 : memref<!tpu.dma_semaphore, #tpu.memory_space<semaphore_mem>>) src(%arg18 : memref<256x16xf32, #tpu.memory_space<vmem>>) dst(%dma_wait3A_292 : memref<50184x16xf32, #tpu.memory_space<vmem_shared>>)
        tpu.yield
      }) : () -> ()
      %add3A_263 = arith.constant 1 : i32
      %add3A_264 = arith.addi %mul3A_246, %add3A_263 : i32
      %mul3A_265 = arith.constant 256 : i32
      %mul3A_266 = arith.muli %add3A_264, %mul3A_265 : i32
      %dma_wait3A_267 = tpu.memref_slice %arg16[%mul3A_266] : memref<9984xi32, #tpu.memory_space<vmem>> -> memref<256xi32, #tpu.memory_space<vmem>>
      %dma_wait3A_268 = arith.constant 0 : i32
      %dma_wait3A_269 = arith.constant 0 : i32
      %dma_wait3A_270 = tpu.memref_slice %arg21[%dma_wait3A_268, %dma_wait3A_269] : memref<50000x16xf32, #tpu.memory_space<vmem_shared>> -> memref<50000x16xf32, #tpu.memory_space<vmem_shared>>
      tpu.wait_indirect_dma semaphore(%arg24 : memref<!tpu.dma_semaphore, #tpu.memory_space<semaphore_mem>>) src(%dma_wait3A_270 : memref<50000x16xf32, #tpu.memory_space<vmem_shared>>) dst(%arg19 : memref<256x16xf32, #tpu.memory_space<vmem>>)
      %add3A_271 = arith.constant 2 : i32
      %add3A_272 = arith.addi %mul3A_246, %add3A_271 : i32
      %mul3A_273 = arith.constant 256 : i32
      %mul3A_274 = arith.muli %add3A_272, %mul3A_273 : i32
      %dma_start3A_275 = tpu.memref_slice %arg16[%mul3A_274] : memref<9984xi32, #tpu.memory_space<vmem>> -> memref<256xi32, #tpu.memory_space<vmem>>
      %dma_start3A_276 = arith.constant 0 : i32
      %dma_start3A_277 = arith.constant 0 : i32
      %dma_start3A_278 = tpu.memref_slice %arg21[%dma_start3A_276, %dma_start3A_277] : memref<50000x16xf32, #tpu.memory_space<vmem_shared>> -> memref<50000x16xf32, #tpu.memory_space<vmem_shared>>
      tpu.enqueue_indirect_dma source(%dma_start3A_278 : memref<50000x16xf32, #tpu.memory_space<vmem_shared>>) target(%arg18 : memref<256x16xf32, #tpu.memory_space<vmem>>) offsets(%dma_start3A_275 : memref<256xi32, #tpu.memory_space<vmem>>) semaphore(%arg23 : memref<!tpu.dma_semaphore, #tpu.memory_space<semaphore_mem>>)
      %add3A_279 = arith.constant 1 : i32
      %add3A_280 = arith.addi %mul3A_246, %add3A_279 : i32
      %mul3A_281 = arith.constant 256 : i32
      %mul3A_282 = arith.muli %add3A_280, %mul3A_281 : i32
      "tpu.region"() ({
        %run_scoped3A_284 = tpu.sem_alloc : memref<!tpu.dma_semaphore, #tpu.memory_space<semaphore_mem>>
        %dma_start3A_285 = tpu.memref_slice %arg17[%mul3A_282] : memref<9728xi32, #tpu.memory_space<vmem>> -> memref<256xi32, #tpu.memory_space<vmem>>
        %dma_start3A_286 = arith.constant 0 : i32
        %dma_start3A_287 = arith.constant 0 : i32
        %dma_start3A_288 = tpu.memref_slice %arg22[%dma_start3A_286, %dma_start3A_287] : memref<50184x16xf32, #tpu.memory_space<vmem_shared>> -> memref<50184x16xf32, #tpu.memory_space<vmem_shared>>
        tpu.enqueue_indirect_dma source(%arg19 : memref<256x16xf32, #tpu.memory_space<vmem>>) target(%dma_start3A_288 : memref<50184x16xf32, #tpu.memory_space<vmem_shared>>) offsets(%dma_start3A_285 : memref<256xi32, #tpu.memory_space<vmem>>) semaphore(%run_scoped3A_284 : memref<!tpu.dma_semaphore, #tpu.memory_space<semaphore_mem>>) {add = true}
        %dma_wait3A_289 = tpu.memref_slice %arg17[%mul3A_282] : memref<9728xi32, #tpu.memory_space<vmem>> -> memref<256xi32, #tpu.memory_space<vmem>>
        %dma_wait3A_290 = arith.constant 0 : i32
        %dma_wait3A_291 = arith.constant 0 : i32
        %dma_wait3A_292 = tpu.memref_slice %arg22[%dma_wait3A_290, %dma_wait3A_291] : memref<50184x16xf32, #tpu.memory_space<vmem_shared>> -> memref<50184x16xf32, #tpu.memory_space<vmem_shared>>
        tpu.wait_indirect_dma semaphore(%run_scoped3A_284 : memref<!tpu.dma_semaphore, #tpu.memory_space<semaphore_mem>>) src(%arg19 : memref<256x16xf32, #tpu.memory_space<vmem>>) dst(%dma_wait3A_292 : memref<50184x16xf32, #tpu.memory_space<vmem_shared>>)
        tpu.yield
      }) : () -> ()
      %scan3A_283 = arith.constant 0 : i32
      scf.yield %scan3A_283 : i32
    }
    %scan3A_218 = arith.constant 19 : i32
    %dma_wait3A_219 = arith.constant 9728 : i32
    %dma_wait3A_220 = tpu.memref_slice %arg16[%dma_wait3A_219] : memref<9984xi32, #tpu.memory_space<vmem>> -> memref<256xi32, #tpu.memory_space<vmem>>
    %dma_wait3A_221 = arith.constant 0 : i32
    %dma_wait3A_222 = arith.constant 0 : i32
    %dma_wait3A_223 = tpu.memref_slice %arg21[%dma_wait3A_221, %dma_wait3A_222] : memref<50000x16xf32, #tpu.memory_space<vmem_shared>> -> memref<50000x16xf32, #tpu.memory_space<vmem_shared>>
    tpu.wait_indirect_dma semaphore(%arg23 : memref<!tpu.dma_semaphore, #tpu.memory_space<semaphore_mem>>) src(%dma_wait3A_223 : memref<50000x16xf32, #tpu.memory_space<vmem_shared>>) dst(%arg18 : memref<256x16xf32, #tpu.memory_space<vmem>>)
    %barrier3A_224 = arith.constant 0 : index
    tpu.barrier barrier_id(%barrier3A_224)
    %mul3A_225 = arith.constant 3136 : i32
    %mul3A_226 = arith.muli %arg1, %mul3A_225 : i32
    %run_scoped3A_227 = arith.constant 7 : i32
    "tpu.region"() ({
      %run_scoped3A_243 = tpu.sem_alloc : memref<!tpu.dma_semaphore, #tpu.memory_space<semaphore_mem>>
      %dma_start3A_244 = arith.constant 0 : i32
      %dma_start3A_245 = arith.constant 0 : i32
      %dma_start3A_246 = tpu.memref_slice %arg14[%run_scoped3A_227, %arg0, %dma_start3A_244, %dma_start3A_245] : memref<8x2x50176x16xf32, #tpu.memory_space<hbm>> -> memref<1x1x50176x16xf32, #tpu.memory_space<hbm>>
      %dma_start3A_247 = tpu.memref_squeeze %dma_start3A_246 : memref<1x1x50176x16xf32, #tpu.memory_space<hbm>> -> memref<50176x16xf32, #tpu.memory_space<hbm>>
      %dma_start3A_248 = arith.constant 0 : i32
      %dma_start3A_249 = tpu.memref_slice %dma_start3A_247[%mul3A_226, %dma_start3A_248] : memref<50176x16xf32, #tpu.memory_space<hbm>> -> memref<3136x16xf32, #tpu.memory_space<hbm>>
      %dma_start3A_250 = arith.constant 0 : i32
      %dma_start3A_251 = tpu.memref_slice %arg22[%mul3A_226, %dma_start3A_250] : memref<50184x16xf32, #tpu.memory_space<vmem_shared>> -> memref<3136x16xf32, #tpu.memory_space<vmem_shared>>
      tpu.enqueue_dma source(%dma_start3A_251 : memref<3136x16xf32, #tpu.memory_space<vmem_shared>>) target(%dma_start3A_249 : memref<3136x16xf32, #tpu.memory_space<hbm>>) target_semaphore(%run_scoped3A_243 : memref<!tpu.dma_semaphore, #tpu.memory_space<semaphore_mem>>)
      %dma_wait3A_252 = arith.constant 0 : i32
      %dma_wait3A_253 = arith.constant 0 : i32
      %dma_wait3A_254 = tpu.memref_slice %arg14[%run_scoped3A_227, %arg0, %dma_wait3A_252, %dma_wait3A_253] : memref<8x2x50176x16xf32, #tpu.memory_space<hbm>> -> memref<1x1x50176x16xf32, #tpu.memory_space<hbm>>
      %dma_wait3A_255 = tpu.memref_squeeze %dma_wait3A_254 : memref<1x1x50176x16xf32, #tpu.memory_space<hbm>> -> memref<50176x16xf32, #tpu.memory_space<hbm>>
      %dma_wait3A_256 = arith.constant 0 : i32
      %dma_wait3A_257 = tpu.memref_slice %dma_wait3A_255[%mul3A_226, %dma_wait3A_256] : memref<50176x16xf32, #tpu.memory_space<hbm>> -> memref<3136x16xf32, #tpu.memory_space<hbm>>
      %dma_wait3A_258 = arith.constant 0 : i32
      %dma_wait3A_259 = tpu.memref_slice %arg22[%mul3A_226, %dma_wait3A_258] : memref<50184x16xf32, #tpu.memory_space<vmem_shared>> -> memref<3136x16xf32, #tpu.memory_space<vmem_shared>>
      tpu.wait_dma2 semaphore(%run_scoped3A_243 : memref<!tpu.dma_semaphore, #tpu.memory_space<semaphore_mem>>) src(%dma_wait3A_259 : memref<3136x16xf32, #tpu.memory_space<vmem_shared>>) dst(%dma_wait3A_257 : memref<3136x16xf32, #tpu.memory_space<hbm>>)
      tpu.yield
    }) : () -> ()
    %barrier3A_228 = arith.constant 0 : index
    tpu.barrier barrier_id(%barrier3A_228)
    %mul3A_229 = arith.constant 3136 : i32
    %mul3A_230 = arith.muli %arg1, %mul3A_229 : i32
    "tpu.region"() ({
      %run_scoped3A_243 = tpu.sem_alloc : memref<!tpu.dma_semaphore, #tpu.memory_space<semaphore_mem>>
      %dma_start3A_244 = arith.constant 0 : i32
      %dma_start3A_245 = tpu.memref_slice %arg22[%mul3A_230, %dma_start3A_244] : memref<50184x16xf32, #tpu.memory_space<vmem_shared>> -> memref<3136x16xf32, #tpu.memory_space<vmem_shared>>
      tpu.enqueue_dma source(%arg12 : memref<3136x16xf32, #tpu.memory_space<hbm>>) target(%dma_start3A_245 : memref<3136x16xf32, #tpu.memory_space<vmem_shared>>) target_semaphore(%run_scoped3A_243 : memref<!tpu.dma_semaphore, #tpu.memory_space<semaphore_mem>>)
      %dma_wait3A_246 = arith.constant 0 : i32
      %dma_wait3A_247 = tpu.memref_slice %arg22[%mul3A_230, %dma_wait3A_246] : memref<50184x16xf32, #tpu.memory_space<vmem_shared>> -> memref<3136x16xf32, #tpu.memory_space<vmem_shared>>
      tpu.wait_dma2 semaphore(%run_scoped3A_243 : memref<!tpu.dma_semaphore, #tpu.memory_space<semaphore_mem>>) src(%arg12 : memref<3136x16xf32, #tpu.memory_space<hbm>>) dst(%dma_wait3A_247 : memref<3136x16xf32, #tpu.memory_space<vmem_shared>>)
      tpu.yield
    }) : () -> ()
    "tpu.region"() ({
      %run_scoped3A_243 = tpu.sem_alloc : memref<!tpu.dma_semaphore, #tpu.memory_space<semaphore_mem>>
      %dma_start3A_244 = arith.constant 50176 : i32
      %dma_start3A_245 = arith.constant 0 : i32
      %dma_start3A_246 = tpu.memref_slice %arg22[%dma_start3A_244, %dma_start3A_245] : memref<50184x16xf32, #tpu.memory_space<vmem_shared>> -> memref<8x16xf32, #tpu.memory_space<vmem_shared>>
      %dma_start3A_247 = arith.constant 0 : i32
      %dma_start3A_248 = arith.constant 0 : i32
      %dma_start3A_249 = tpu.memref_slice %arg12[%dma_start3A_247, %dma_start3A_248] : memref<3136x16xf32, #tpu.memory_space<hbm>> -> memref<8x16xf32, #tpu.memory_space<hbm>>
      tpu.enqueue_dma source(%dma_start3A_249 : memref<8x16xf32, #tpu.memory_space<hbm>>) target(%dma_start3A_246 : memref<8x16xf32, #tpu.memory_space<vmem_shared>>) target_semaphore(%run_scoped3A_243 : memref<!tpu.dma_semaphore, #tpu.memory_space<semaphore_mem>>)
      %dma_wait3A_250 = arith.constant 50176 : i32
      %dma_wait3A_251 = arith.constant 0 : i32
      %dma_wait3A_252 = tpu.memref_slice %arg22[%dma_wait3A_250, %dma_wait3A_251] : memref<50184x16xf32, #tpu.memory_space<vmem_shared>> -> memref<8x16xf32, #tpu.memory_space<vmem_shared>>
      %dma_wait3A_253 = arith.constant 0 : i32
      %dma_wait3A_254 = arith.constant 0 : i32
      %dma_wait3A_255 = tpu.memref_slice %arg12[%dma_wait3A_253, %dma_wait3A_254] : memref<3136x16xf32, #tpu.memory_space<hbm>> -> memref<8x16xf32, #tpu.memory_space<hbm>>
      tpu.wait_dma2 semaphore(%run_scoped3A_243 : memref<!tpu.dma_semaphore, #tpu.memory_space<semaphore_mem>>) src(%dma_wait3A_255 : memref<8x16xf32, #tpu.memory_space<hbm>>) dst(%dma_wait3A_252 : memref<8x16xf32, #tpu.memory_space<vmem_shared>>)
      tpu.yield
    }) : () -> ()
    %barrier3A_231 = arith.constant 0 : index
    tpu.barrier barrier_id(%barrier3A_231)
    %scan3A_232 = arith.constant 0 : i32
    %scan3A_233 = arith.constant 0 : i32
    %scan3A_234 = arith.constant 76 : i32
    %scan3A_235 = arith.addi %scan3A_233, %scan3A_234 : i32
    %scan3A_236 = arith.constant 1 : i32
    %scan3A_237 = scf.for %scan3A_243 = %scan3A_233 to %scan3A_235 step %scan3A_236 iter_args(%scan3A_244 = %scan3A_232) -> (i32)  : i32 {
      %mul3A_245 = arith.constant 128 : i32
      %mul3A_246 = arith.muli %scan3A_243, %mul3A_245 : i32
      "tpu.region"() ({
        %run_scoped3A_248 = tpu.sem_alloc : memref<!tpu.dma_semaphore, #tpu.memory_space<semaphore_mem>>
        %dma_start3A_249 = tpu.memref_slice %arg17[%mul3A_246] : memref<9728xi32, #tpu.memory_space<vmem>> -> memref<128xi32, #tpu.memory_space<vmem>>
        %dma_start3A_250 = arith.constant 0 : i32
        %dma_start3A_251 = arith.constant 0 : i32
        %dma_start3A_252 = tpu.memref_slice %arg22[%dma_start3A_250, %dma_start3A_251] : memref<50184x16xf32, #tpu.memory_space<vmem_shared>> -> memref<50184x16xf32, #tpu.memory_space<vmem_shared>>
        tpu.enqueue_indirect_dma source(%arg20 : memref<128x16xf32, #tpu.memory_space<vmem>>) target(%dma_start3A_252 : memref<50184x16xf32, #tpu.memory_space<vmem_shared>>) offsets(%dma_start3A_249 : memref<128xi32, #tpu.memory_space<vmem>>) semaphore(%run_scoped3A_248 : memref<!tpu.dma_semaphore, #tpu.memory_space<semaphore_mem>>) {add = true}
        %dma_wait3A_253 = tpu.memref_slice %arg17[%mul3A_246] : memref<9728xi32, #tpu.memory_space<vmem>> -> memref<128xi32, #tpu.memory_space<vmem>>
        %dma_wait3A_254 = arith.constant 0 : i32
        %dma_wait3A_255 = arith.constant 0 : i32
        %dma_wait3A_256 = tpu.memref_slice %arg22[%dma_wait3A_254, %dma_wait3A_255] : memref<50184x16xf32, #tpu.memory_space<vmem_shared>> -> memref<50184x16xf32, #tpu.memory_space<vmem_shared>>
        tpu.wait_indirect_dma semaphore(%run_scoped3A_248 : memref<!tpu.dma_semaphore, #tpu.memory_space<semaphore_mem>>) src(%arg20 : memref<128x16xf32, #tpu.memory_space<vmem>>) dst(%dma_wait3A_256 : memref<50184x16xf32, #tpu.memory_space<vmem_shared>>)
        tpu.yield
      }) : () -> ()
      %scan3A_247 = arith.constant 0 : i32
      scf.yield %scan3A_247 : i32
    }
    %scan3A_238 = arith.constant 76 : i32
    %barrier3A_239 = arith.constant 0 : index
    tpu.barrier barrier_id(%barrier3A_239)
    %mul3A_240 = arith.constant 3136 : i32
    %mul3A_241 = arith.muli %arg1, %mul3A_240 : i32
    "tpu.region"() ({
      %run_scoped3A_243 = tpu.sem_alloc : memref<!tpu.dma_semaphore, #tpu.memory_space<semaphore_mem>>
      %dma_start3A_244 = arith.constant 0 : i32
      %dma_start3A_245 = arith.constant 0 : i32
      %dma_start3A_246 = tpu.memref_slice %arg15[%arg0, %dma_start3A_244, %dma_start3A_245] : memref<2x50176x16xf32, #tpu.memory_space<hbm>> -> memref<1x50176x16xf32, #tpu.memory_space<hbm>>
      %dma_start3A_247 = tpu.memref_squeeze %dma_start3A_246 : memref<1x50176x16xf32, #tpu.memory_space<hbm>> -> memref<50176x16xf32, #tpu.memory_space<hbm>>
      %dma_start3A_248 = arith.constant 0 : i32
      %dma_start3A_249 = tpu.memref_slice %dma_start3A_247[%mul3A_241, %dma_start3A_248] : memref<50176x16xf32, #tpu.memory_space<hbm>> -> memref<3136x16xf32, #tpu.memory_space<hbm>>
      %dma_start3A_250 = arith.constant 0 : i32
      %dma_start3A_251 = tpu.memref_slice %arg22[%mul3A_241, %dma_start3A_250] : memref<50184x16xf32, #tpu.memory_space<vmem_shared>> -> memref<3136x16xf32, #tpu.memory_space<vmem_shared>>
      tpu.enqueue_dma source(%dma_start3A_251 : memref<3136x16xf32, #tpu.memory_space<vmem_shared>>) target(%dma_start3A_249 : memref<3136x16xf32, #tpu.memory_space<hbm>>) target_semaphore(%run_scoped3A_243 : memref<!tpu.dma_semaphore, #tpu.memory_space<semaphore_mem>>)
      %dma_wait3A_252 = arith.constant 0 : i32
      %dma_wait3A_253 = arith.constant 0 : i32
      %dma_wait3A_254 = tpu.memref_slice %arg15[%arg0, %dma_wait3A_252, %dma_wait3A_253] : memref<2x50176x16xf32, #tpu.memory_space<hbm>> -> memref<1x50176x16xf32, #tpu.memory_space<hbm>>
      %dma_wait3A_255 = tpu.memref_squeeze %dma_wait3A_254 : memref<1x50176x16xf32, #tpu.memory_space<hbm>> -> memref<50176x16xf32, #tpu.memory_space<hbm>>
      %dma_wait3A_256 = arith.constant 0 : i32
      %dma_wait3A_257 = tpu.memref_slice %dma_wait3A_255[%mul3A_241, %dma_wait3A_256] : memref<50176x16xf32, #tpu.memory_space<hbm>> -> memref<3136x16xf32, #tpu.memory_space<hbm>>
      %dma_wait3A_258 = arith.constant 0 : i32
      %dma_wait3A_259 = tpu.memref_slice %arg22[%mul3A_241, %dma_wait3A_258] : memref<50184x16xf32, #tpu.memory_space<vmem_shared>> -> memref<3136x16xf32, #tpu.memory_space<vmem_shared>>
      tpu.wait_dma2 semaphore(%run_scoped3A_243 : memref<!tpu.dma_semaphore, #tpu.memory_space<semaphore_mem>>) src(%dma_wait3A_259 : memref<3136x16xf32, #tpu.memory_space<vmem_shared>>) dst(%dma_wait3A_257 : memref<3136x16xf32, #tpu.memory_space<hbm>>)
      tpu.yield
    }) : () -> ()
    %barrier3A_242 = arith.constant 0 : index
    tpu.barrier barrier_id(%barrier3A_242)
    return
  }
}

module attributes {stable_mosaic.version = 14 : i64} {
  func.func @kern(%arg0: i32, %arg1: memref<400x128xf32, #tpu.memory_space<vmem>>, %arg2: memref<128x128xf32, #tpu.memory_space<vmem>>, %arg3: memref<1x128xf32, #tpu.memory_space<vmem>>, %arg4: memref<400x16xf32, #tpu.memory_space<vmem>>, %arg5: memref<400x16xf32, #tpu.memory_space<vmem>>, %arg6: memref<400x16xf32, #tpu.memory_space<vmem>>, %arg7: memref<400x16xf32, #tpu.memory_space<vmem>>, %arg8: memref<400x16xf32, #tpu.memory_space<vmem>>, %arg9: memref<400x16xf32, #tpu.memory_space<vmem>>, %arg10: memref<400x16xf32, #tpu.memory_space<vmem>>, %arg11: memref<400x16xf32, #tpu.memory_space<vmem>>) attributes {dimension_semantics = [#tpu.dimension_semantics<arbitrary>], iteration_bounds = array<i64: 125>, scalar_prefetch = 0 : i64, scratch_operands = 0 : i64, tpu.core_type = #tpu.core_type<tc>, window_params = [{transform_indices = @transform_0, window_bounds = array<i64: 400, 128>}, {pipeline_mode = #tpu.pipeline_mode<synchronous>, transform_indices = @transform_1, window_bounds = array<i64: 128, 128>}, {pipeline_mode = #tpu.pipeline_mode<synchronous>, transform_indices = @transform_2, window_bounds = array<i64: 1, 128>}, {transform_indices = @transform_3, window_bounds = array<i64: 400, 16>}, {transform_indices = @transform_4, window_bounds = array<i64: 400, 16>}, {transform_indices = @transform_5, window_bounds = array<i64: 400, 16>}, {transform_indices = @transform_6, window_bounds = array<i64: 400, 16>}, {transform_indices = @transform_7, window_bounds = array<i64: 400, 16>}, {transform_indices = @transform_8, window_bounds = array<i64: 400, 16>}, {transform_indices = @transform_9, window_bounds = array<i64: 400, 16>}, {transform_indices = @transform_10, window_bounds = array<i64: 400, 16>}]} {
    %get3A = arith.constant 0 : index
    %get3A_0 = arith.constant 0 : index
    %get3A_1 = vector.load %arg1[%get3A, %get3A_0] : memref<400x128xf32, #tpu.memory_space<vmem>>, vector<400x128xf32>
    %get3A_2 = arith.constant 0 : index
    %get3A_3 = arith.constant 0 : index
    %get3A_4 = vector.load %arg2[%get3A_2, %get3A_3] : memref<128x128xf32, #tpu.memory_space<vmem>>, vector<128x128xf32>
    %dot_general3A = arith.constant dense<0.000000e+00> : vector<400x128xf32>
    %dot_general3A_5 = tpu.matmul %get3A_1, %get3A_4, %dot_general3A {dimension_numbers = #tpu.dot_dimension_numbers<[1], [0], [0], [1], [0, 0, 1, 1], [], []>, transpose_lhs_hint = false} : vector<400x128xf32>, vector<128x128xf32>, vector<400x128xf32> -> vector<400x128xf32>
    %get3A_6 = arith.constant 0 : index
    %get3A_7 = arith.constant 0 : index
    %get3A_8 = vector.load %arg3[%get3A_6, %get3A_7] : memref<1x128xf32, #tpu.memory_space<vmem>>, vector<1x128xf32>
    %add3A = vector.broadcast %get3A_8 : vector<1x128xf32> to vector<400x128xf32>
    %add3A_9 = arith.addf %dot_general3A_5, %add3A : vector<400x128xf32>
    %slice3A = vector.extract_strided_slice %add3A_9 {offsets = [0, 0], sizes = [400, 16], strides = [1, 1]} : vector<400x128xf32> to vector<400x16xf32>
    %swap3A = arith.constant 0 : index
    %swap3A_10 = arith.constant 0 : index
    %swap3A_11 = vector.load %arg4[%swap3A, %swap3A_10] : memref<400x16xf32, #tpu.memory_space<vmem>>, vector<400x16xf32>
    tpu.vector_store %arg4[%swap3A, %swap3A_10], %slice3A {strides = array<i32>} : memref<400x16xf32, #tpu.memory_space<vmem>>, vector<400x16xf32>,
    %slice3A_12 = vector.extract_strided_slice %add3A_9 {offsets = [0, 16], sizes = [400, 16], strides = [1, 1]} : vector<400x128xf32> to vector<400x16xf32>
    %swap3A_13 = arith.constant 0 : index
    %swap3A_14 = arith.constant 0 : index
    %swap3A_15 = vector.load %arg5[%swap3A_13, %swap3A_14] : memref<400x16xf32, #tpu.memory_space<vmem>>, vector<400x16xf32>
    tpu.vector_store %arg5[%swap3A_13, %swap3A_14], %slice3A_12 {strides = array<i32>} : memref<400x16xf32, #tpu.memory_space<vmem>>, vector<400x16xf32>,
    %slice3A_16 = vector.extract_strided_slice %add3A_9 {offsets = [0, 32], sizes = [400, 16], strides = [1, 1]} : vector<400x128xf32> to vector<400x16xf32>
    %swap3A_17 = arith.constant 0 : index
    %swap3A_18 = arith.constant 0 : index
    %swap3A_19 = vector.load %arg6[%swap3A_17, %swap3A_18] : memref<400x16xf32, #tpu.memory_space<vmem>>, vector<400x16xf32>
    tpu.vector_store %arg6[%swap3A_17, %swap3A_18], %slice3A_16 {strides = array<i32>} : memref<400x16xf32, #tpu.memory_space<vmem>>, vector<400x16xf32>,
    %slice3A_20 = vector.extract_strided_slice %add3A_9 {offsets = [0, 48], sizes = [400, 16], strides = [1, 1]} : vector<400x128xf32> to vector<400x16xf32>
    %swap3A_21 = arith.constant 0 : index
    %swap3A_22 = arith.constant 0 : index
    %swap3A_23 = vector.load %arg7[%swap3A_21, %swap3A_22] : memref<400x16xf32, #tpu.memory_space<vmem>>, vector<400x16xf32>
    tpu.vector_store %arg7[%swap3A_21, %swap3A_22], %slice3A_20 {strides = array<i32>} : memref<400x16xf32, #tpu.memory_space<vmem>>, vector<400x16xf32>,
    %slice3A_24 = vector.extract_strided_slice %add3A_9 {offsets = [0, 64], sizes = [400, 16], strides = [1, 1]} : vector<400x128xf32> to vector<400x16xf32>
    %swap3A_25 = arith.constant 0 : index
    %swap3A_26 = arith.constant 0 : index
    %swap3A_27 = vector.load %arg8[%swap3A_25, %swap3A_26] : memref<400x16xf32, #tpu.memory_space<vmem>>, vector<400x16xf32>
    tpu.vector_store %arg8[%swap3A_25, %swap3A_26], %slice3A_24 {strides = array<i32>} : memref<400x16xf32, #tpu.memory_space<vmem>>, vector<400x16xf32>,
    %slice3A_28 = vector.extract_strided_slice %add3A_9 {offsets = [0, 80], sizes = [400, 16], strides = [1, 1]} : vector<400x128xf32> to vector<400x16xf32>
    %swap3A_29 = arith.constant 0 : index
    %swap3A_30 = arith.constant 0 : index
    %swap3A_31 = vector.load %arg9[%swap3A_29, %swap3A_30] : memref<400x16xf32, #tpu.memory_space<vmem>>, vector<400x16xf32>
    tpu.vector_store %arg9[%swap3A_29, %swap3A_30], %slice3A_28 {strides = array<i32>} : memref<400x16xf32, #tpu.memory_space<vmem>>, vector<400x16xf32>,
    %slice3A_32 = vector.extract_strided_slice %add3A_9 {offsets = [0, 96], sizes = [400, 16], strides = [1, 1]} : vector<400x128xf32> to vector<400x16xf32>
    %swap3A_33 = arith.constant 0 : index
    %swap3A_34 = arith.constant 0 : index
    %swap3A_35 = vector.load %arg10[%swap3A_33, %swap3A_34] : memref<400x16xf32, #tpu.memory_space<vmem>>, vector<400x16xf32>
    tpu.vector_store %arg10[%swap3A_33, %swap3A_34], %slice3A_32 {strides = array<i32>} : memref<400x16xf32, #tpu.memory_space<vmem>>, vector<400x16xf32>,
    %slice3A_36 = vector.extract_strided_slice %add3A_9 {offsets = [0, 112], sizes = [400, 16], strides = [1, 1]} : vector<400x128xf32> to vector<400x16xf32>
    %swap3A_37 = arith.constant 0 : index
    %swap3A_38 = arith.constant 0 : index
    %swap3A_39 = vector.load %arg11[%swap3A_37, %swap3A_38] : memref<400x16xf32, #tpu.memory_space<vmem>>, vector<400x16xf32>
    tpu.vector_store %arg11[%swap3A_37, %swap3A_38], %slice3A_36 {strides = array<i32>} : memref<400x16xf32, #tpu.memory_space<vmem>>, vector<400x16xf32>,
    return
  }
  func.func @transform_0(%arg0: i32) -> (i32, i32) {
    %c0_i32 = arith.constant 0 : i32
    %c0_i32_0 = arith.constant 0 : i32
    return %arg0, %c0_i32 : i32, i32
  }
  func.func @transform_1(%arg0: i32) -> (i32, i32) {
    %c0_i32 = arith.constant 0 : i32
    %c0_i32_0 = arith.constant 0 : i32
    %c0_i32_1 = arith.constant 0 : i32
    return %c0_i32, %c0_i32_0 : i32, i32
  }
  func.func @transform_2(%arg0: i32) -> (i32, i32) {
    %c0_i32 = arith.constant 0 : i32
    %c0_i32_0 = arith.constant 0 : i32
    %c0_i32_1 = arith.constant 0 : i32
    return %c0_i32, %c0_i32_0 : i32, i32
  }
  func.func @transform_3(%arg0: i32) -> (i32, i32) {
    %c0_i32 = arith.constant 0 : i32
    %c0_i32_0 = arith.constant 0 : i32
    return %arg0, %c0_i32 : i32, i32
  }
  func.func @transform_4(%arg0: i32) -> (i32, i32) {
    %c0_i32 = arith.constant 0 : i32
    %c0_i32_0 = arith.constant 0 : i32
    return %arg0, %c0_i32 : i32, i32
  }
  func.func @transform_5(%arg0: i32) -> (i32, i32) {
    %c0_i32 = arith.constant 0 : i32
    %c0_i32_0 = arith.constant 0 : i32
    return %arg0, %c0_i32 : i32, i32
  }
  func.func @transform_6(%arg0: i32) -> (i32, i32) {
    %c0_i32 = arith.constant 0 : i32
    %c0_i32_0 = arith.constant 0 : i32
    return %arg0, %c0_i32 : i32, i32
  }
  func.func @transform_7(%arg0: i32) -> (i32, i32) {
    %c0_i32 = arith.constant 0 : i32
    %c0_i32_0 = arith.constant 0 : i32
    return %arg0, %c0_i32 : i32, i32
  }
  func.func @transform_8(%arg0: i32) -> (i32, i32) {
    %c0_i32 = arith.constant 0 : i32
    %c0_i32_0 = arith.constant 0 : i32
    return %arg0, %c0_i32 : i32, i32
  }
  func.func @transform_9(%arg0: i32) -> (i32, i32) {
    %c0_i32 = arith.constant 0 : i32
    %c0_i32_0 = arith.constant 0 : i32
    return %arg0, %c0_i32 : i32, i32
  }
  func.func @transform_10(%arg0: i32) -> (i32, i32) {
    %c0_i32 = arith.constant 0 : i32
    %c0_i32_0 = arith.constant 0 : i32
    return %arg0, %c0_i32 : i32, i32
  }
}

module attributes {stable_mosaic.version = 14 : i64} {
  func.func @kern(%arg0: i32, %arg1: memref<8x2x392x16xf32, #tpu.memory_space<vmem>>, %arg2: memref<2x392x16xf32, #tpu.memory_space<vmem>>, %arg3: memref<128x128xf32, #tpu.memory_space<vmem>>, %arg4: memref<1x128xf32, #tpu.memory_space<vmem>>, %arg5: memref<392x16xf32, #tpu.memory_space<vmem>>, %arg6: memref<392x16xf32, #tpu.memory_space<vmem>>, %arg7: memref<392x16xf32, #tpu.memory_space<vmem>>, %arg8: memref<392x16xf32, #tpu.memory_space<vmem>>, %arg9: memref<392x16xf32, #tpu.memory_space<vmem>>, %arg10: memref<392x16xf32, #tpu.memory_space<vmem>>, %arg11: memref<392x16xf32, #tpu.memory_space<vmem>>, %arg12: memref<392x16xf32, #tpu.memory_space<vmem>>) attributes {dimension_semantics = [#tpu.dimension_semantics<arbitrary>], iteration_bounds = array<i64: 128>, scalar_prefetch = 0 : i64, scratch_operands = 0 : i64, tpu.core_type = #tpu.core_type<tc>, window_params = [{transform_indices = @transform_0, window_bounds = array<i64: 8, 2, 392, 16>}, {transform_indices = @transform_1, window_bounds = array<i64: 2, 392, 16>}, {pipeline_mode = #tpu.pipeline_mode<synchronous>, transform_indices = @transform_2, window_bounds = array<i64: 128, 128>}, {pipeline_mode = #tpu.pipeline_mode<synchronous>, transform_indices = @transform_3, window_bounds = array<i64: 1, 128>}, {transform_indices = @transform_4, window_bounds = array<i64: 392, 16>}, {transform_indices = @transform_5, window_bounds = array<i64: 392, 16>}, {transform_indices = @transform_6, window_bounds = array<i64: 392, 16>}, {transform_indices = @transform_7, window_bounds = array<i64: 392, 16>}, {transform_indices = @transform_8, window_bounds = array<i64: 392, 16>}, {transform_indices = @transform_9, window_bounds = array<i64: 392, 16>}, {transform_indices = @transform_10, window_bounds = array<i64: 392, 16>}, {transform_indices = @transform_11, window_bounds = array<i64: 392, 16>}]} {
    %get3A = arith.constant 0 : index
    %get3A_0 = arith.constant 0 : index
    %get3A_1 = arith.constant 0 : index
    %get3A_2 = arith.constant 0 : index
    %get3A_3 = vector.load %arg1[%get3A, %get3A_0, %get3A_1, %get3A_2] : memref<8x2x392x16xf32, #tpu.memory_space<vmem>>, vector<1x1x392x16xf32>
    %get3A_4 = vector.shape_cast %get3A_3 : vector<1x1x392x16xf32> to vector<392x16xf32>
    %get3A_5 = arith.constant 0 : index
    %get3A_6 = arith.constant 1 : index
    %get3A_7 = arith.constant 0 : index
    %get3A_8 = arith.constant 0 : index
    %get3A_9 = vector.load %arg1[%get3A_5, %get3A_6, %get3A_7, %get3A_8] : memref<8x2x392x16xf32, #tpu.memory_space<vmem>>, vector<1x1x392x16xf32>
    %get3A_10 = vector.shape_cast %get3A_9 : vector<1x1x392x16xf32> to vector<392x16xf32>
    %add3A = arith.addf %get3A_4, %get3A_10 : vector<392x16xf32>
    %get3A_11 = arith.constant 1 : index
    %get3A_12 = arith.constant 0 : index
    %get3A_13 = arith.constant 0 : index
    %get3A_14 = arith.constant 0 : index
    %get3A_15 = vector.load %arg1[%get3A_11, %get3A_12, %get3A_13, %get3A_14] : memref<8x2x392x16xf32, #tpu.memory_space<vmem>>, vector<1x1x392x16xf32>
    %get3A_16 = vector.shape_cast %get3A_15 : vector<1x1x392x16xf32> to vector<392x16xf32>
    %get3A_17 = arith.constant 1 : index
    %get3A_18 = arith.constant 1 : index
    %get3A_19 = arith.constant 0 : index
    %get3A_20 = arith.constant 0 : index
    %get3A_21 = vector.load %arg1[%get3A_17, %get3A_18, %get3A_19, %get3A_20] : memref<8x2x392x16xf32, #tpu.memory_space<vmem>>, vector<1x1x392x16xf32>
    %get3A_22 = vector.shape_cast %get3A_21 : vector<1x1x392x16xf32> to vector<392x16xf32>
    %add3A_23 = arith.addf %get3A_16, %get3A_22 : vector<392x16xf32>
    %get3A_24 = arith.constant 2 : index
    %get3A_25 = arith.constant 0 : index
    %get3A_26 = arith.constant 0 : index
    %get3A_27 = arith.constant 0 : index
    %get3A_28 = vector.load %arg1[%get3A_24, %get3A_25, %get3A_26, %get3A_27] : memref<8x2x392x16xf32, #tpu.memory_space<vmem>>, vector<1x1x392x16xf32>
    %get3A_29 = vector.shape_cast %get3A_28 : vector<1x1x392x16xf32> to vector<392x16xf32>
    %get3A_30 = arith.constant 2 : index
    %get3A_31 = arith.constant 1 : index
    %get3A_32 = arith.constant 0 : index
    %get3A_33 = arith.constant 0 : index
    %get3A_34 = vector.load %arg1[%get3A_30, %get3A_31, %get3A_32, %get3A_33] : memref<8x2x392x16xf32, #tpu.memory_space<vmem>>, vector<1x1x392x16xf32>
    %get3A_35 = vector.shape_cast %get3A_34 : vector<1x1x392x16xf32> to vector<392x16xf32>
    %add3A_36 = arith.addf %get3A_29, %get3A_35 : vector<392x16xf32>
    %get3A_37 = arith.constant 3 : index
    %get3A_38 = arith.constant 0 : index
    %get3A_39 = arith.constant 0 : index
    %get3A_40 = arith.constant 0 : index
    %get3A_41 = vector.load %arg1[%get3A_37, %get3A_38, %get3A_39, %get3A_40] : memref<8x2x392x16xf32, #tpu.memory_space<vmem>>, vector<1x1x392x16xf32>
    %get3A_42 = vector.shape_cast %get3A_41 : vector<1x1x392x16xf32> to vector<392x16xf32>
    %get3A_43 = arith.constant 3 : index
    %get3A_44 = arith.constant 1 : index
    %get3A_45 = arith.constant 0 : index
    %get3A_46 = arith.constant 0 : index
    %get3A_47 = vector.load %arg1[%get3A_43, %get3A_44, %get3A_45, %get3A_46] : memref<8x2x392x16xf32, #tpu.memory_space<vmem>>, vector<1x1x392x16xf32>
    %get3A_48 = vector.shape_cast %get3A_47 : vector<1x1x392x16xf32> to vector<392x16xf32>
    %add3A_49 = arith.addf %get3A_42, %get3A_48 : vector<392x16xf32>
    %get3A_50 = arith.constant 4 : index
    %get3A_51 = arith.constant 0 : index
    %get3A_52 = arith.constant 0 : index
    %get3A_53 = arith.constant 0 : index
    %get3A_54 = vector.load %arg1[%get3A_50, %get3A_51, %get3A_52, %get3A_53] : memref<8x2x392x16xf32, #tpu.memory_space<vmem>>, vector<1x1x392x16xf32>
    %get3A_55 = vector.shape_cast %get3A_54 : vector<1x1x392x16xf32> to vector<392x16xf32>
    %get3A_56 = arith.constant 4 : index
    %get3A_57 = arith.constant 1 : index
    %get3A_58 = arith.constant 0 : index
    %get3A_59 = arith.constant 0 : index
    %get3A_60 = vector.load %arg1[%get3A_56, %get3A_57, %get3A_58, %get3A_59] : memref<8x2x392x16xf32, #tpu.memory_space<vmem>>, vector<1x1x392x16xf32>
    %get3A_61 = vector.shape_cast %get3A_60 : vector<1x1x392x16xf32> to vector<392x16xf32>
    %add3A_62 = arith.addf %get3A_55, %get3A_61 : vector<392x16xf32>
    %get3A_63 = arith.constant 5 : index
    %get3A_64 = arith.constant 0 : index
    %get3A_65 = arith.constant 0 : index
    %get3A_66 = arith.constant 0 : index
    %get3A_67 = vector.load %arg1[%get3A_63, %get3A_64, %get3A_65, %get3A_66] : memref<8x2x392x16xf32, #tpu.memory_space<vmem>>, vector<1x1x392x16xf32>
    %get3A_68 = vector.shape_cast %get3A_67 : vector<1x1x392x16xf32> to vector<392x16xf32>
    %get3A_69 = arith.constant 5 : index
    %get3A_70 = arith.constant 1 : index
    %get3A_71 = arith.constant 0 : index
    %get3A_72 = arith.constant 0 : index
    %get3A_73 = vector.load %arg1[%get3A_69, %get3A_70, %get3A_71, %get3A_72] : memref<8x2x392x16xf32, #tpu.memory_space<vmem>>, vector<1x1x392x16xf32>
    %get3A_74 = vector.shape_cast %get3A_73 : vector<1x1x392x16xf32> to vector<392x16xf32>
    %add3A_75 = arith.addf %get3A_68, %get3A_74 : vector<392x16xf32>
    %get3A_76 = arith.constant 6 : index
    %get3A_77 = arith.constant 0 : index
    %get3A_78 = arith.constant 0 : index
    %get3A_79 = arith.constant 0 : index
    %get3A_80 = vector.load %arg1[%get3A_76, %get3A_77, %get3A_78, %get3A_79] : memref<8x2x392x16xf32, #tpu.memory_space<vmem>>, vector<1x1x392x16xf32>
    %get3A_81 = vector.shape_cast %get3A_80 : vector<1x1x392x16xf32> to vector<392x16xf32>
    %get3A_82 = arith.constant 6 : index
    %get3A_83 = arith.constant 1 : index
    %get3A_84 = arith.constant 0 : index
    %get3A_85 = arith.constant 0 : index
    %get3A_86 = vector.load %arg1[%get3A_82, %get3A_83, %get3A_84, %get3A_85] : memref<8x2x392x16xf32, #tpu.memory_space<vmem>>, vector<1x1x392x16xf32>
    %get3A_87 = vector.shape_cast %get3A_86 : vector<1x1x392x16xf32> to vector<392x16xf32>
    %add3A_88 = arith.addf %get3A_81, %get3A_87 : vector<392x16xf32>
    %get3A_89 = arith.constant 7 : index
    %get3A_90 = arith.constant 0 : index
    %get3A_91 = arith.constant 0 : index
    %get3A_92 = arith.constant 0 : index
    %get3A_93 = vector.load %arg1[%get3A_89, %get3A_90, %get3A_91, %get3A_92] : memref<8x2x392x16xf32, #tpu.memory_space<vmem>>, vector<1x1x392x16xf32>
    %get3A_94 = vector.shape_cast %get3A_93 : vector<1x1x392x16xf32> to vector<392x16xf32>
    %get3A_95 = arith.constant 7 : index
    %get3A_96 = arith.constant 1 : index
    %get3A_97 = arith.constant 0 : index
    %get3A_98 = arith.constant 0 : index
    %get3A_99 = vector.load %arg1[%get3A_95, %get3A_96, %get3A_97, %get3A_98] : memref<8x2x392x16xf32, #tpu.memory_space<vmem>>, vector<1x1x392x16xf32>
    %get3A_100 = vector.shape_cast %get3A_99 : vector<1x1x392x16xf32> to vector<392x16xf32>
    %add3A_101 = arith.addf %get3A_94, %get3A_100 : vector<392x16xf32>
    %concatenate3A = tpu.concatenate %add3A, %add3A_23, %add3A_36, %add3A_49, %add3A_62, %add3A_75, %add3A_88, %add3A_101 in 1 : vector<392x16xf32>, vector<392x16xf32>, vector<392x16xf32>, vector<392x16xf32>, vector<392x16xf32>, vector<392x16xf32>, vector<392x16xf32>, vector<392x16xf32> -> vector<392x128xf32>
    %get3A_102 = arith.constant 0 : index
    %get3A_103 = arith.constant 0 : index
    %get3A_104 = arith.constant 0 : index
    %get3A_105 = vector.load %arg2[%get3A_102, %get3A_103, %get3A_104] : memref<2x392x16xf32, #tpu.memory_space<vmem>>, vector<1x392x16xf32>
    %get3A_106 = vector.shape_cast %get3A_105 : vector<1x392x16xf32> to vector<392x16xf32>
    %get3A_107 = arith.constant 1 : index
    %get3A_108 = arith.constant 0 : index
    %get3A_109 = arith.constant 0 : index
    %get3A_110 = vector.load %arg2[%get3A_107, %get3A_108, %get3A_109] : memref<2x392x16xf32, #tpu.memory_space<vmem>>, vector<1x392x16xf32>
    %get3A_111 = vector.shape_cast %get3A_110 : vector<1x392x16xf32> to vector<392x16xf32>
    %add3A_112 = arith.addf %get3A_106, %get3A_111 : vector<392x16xf32>
    %slice3A = vector.extract_strided_slice %add3A_112 {offsets = [0, 0], sizes = [392, 1], strides = [1, 1]} : vector<392x16xf32> to vector<392x1xf32>
    %max3A = arith.constant 1.000000e+00 : f32
    %max3A_113 = vector.broadcast %max3A : f32 to vector<392x1xf32>
    %max3A_114 = arith.maximumf %slice3A, %max3A_113 : vector<392x1xf32>
    %div3A = vector.broadcast %max3A_114 : vector<392x1xf32> to vector<392x128xf32>
    %div3A_115 = arith.divf %concatenate3A, %div3A : vector<392x128xf32>
    %ge3A = arith.constant 0.000000e+00 : f32
    %ge3A_116 = vector.broadcast %ge3A : f32 to vector<392x128xf32>
    %ge3A_117 = arith.cmpf oge, %div3A_115, %ge3A_116 : vector<392x128xf32>
    %mul3A = arith.constant 0.00999999977 : f32
    %mul3A_118 = vector.broadcast %mul3A : f32 to vector<392x128xf32>
    %mul3A_119 = arith.mulf %mul3A_118, %div3A_115 : vector<392x128xf32>
    %select_n3A = arith.select %ge3A_117, %div3A_115, %mul3A_119 : vector<392x128xi1>, vector<392x128xf32>
    %get3A_120 = arith.constant 0 : index
    %get3A_121 = arith.constant 0 : index
    %get3A_122 = vector.load %arg3[%get3A_120, %get3A_121] : memref<128x128xf32, #tpu.memory_space<vmem>>, vector<128x128xf32>
    %dot_general3A = arith.constant dense<0.000000e+00> : vector<392x128xf32>
    %dot_general3A_123 = tpu.matmul %select_n3A, %get3A_122, %dot_general3A {dimension_numbers = #tpu.dot_dimension_numbers<[1], [0], [0], [1], [0, 0, 1, 1], [], []>, transpose_lhs_hint = false} : vector<392x128xf32>, vector<128x128xf32>, vector<392x128xf32> -> vector<392x128xf32>
    %get3A_124 = arith.constant 0 : index
    %get3A_125 = arith.constant 0 : index
    %get3A_126 = vector.load %arg4[%get3A_124, %get3A_125] : memref<1x128xf32, #tpu.memory_space<vmem>>, vector<1x128xf32>
    %add3A_127 = vector.broadcast %get3A_126 : vector<1x128xf32> to vector<392x128xf32>
    %add3A_128 = arith.addf %dot_general3A_123, %add3A_127 : vector<392x128xf32>
    %slice3A_129 = vector.extract_strided_slice %add3A_128 {offsets = [0, 0], sizes = [392, 16], strides = [1, 1]} : vector<392x128xf32> to vector<392x16xf32>
    %swap3A = arith.constant 0 : index
    %swap3A_130 = arith.constant 0 : index
    %swap3A_131 = vector.load %arg5[%swap3A, %swap3A_130] : memref<392x16xf32, #tpu.memory_space<vmem>>, vector<392x16xf32>
    tpu.vector_store %arg5[%swap3A, %swap3A_130], %slice3A_129 {strides = array<i32>} : memref<392x16xf32, #tpu.memory_space<vmem>>, vector<392x16xf32>,
    %slice3A_132 = vector.extract_strided_slice %add3A_128 {offsets = [0, 16], sizes = [392, 16], strides = [1, 1]} : vector<392x128xf32> to vector<392x16xf32>
    %swap3A_133 = arith.constant 0 : index
    %swap3A_134 = arith.constant 0 : index
    %swap3A_135 = vector.load %arg6[%swap3A_133, %swap3A_134] : memref<392x16xf32, #tpu.memory_space<vmem>>, vector<392x16xf32>
    tpu.vector_store %arg6[%swap3A_133, %swap3A_134], %slice3A_132 {strides = array<i32>} : memref<392x16xf32, #tpu.memory_space<vmem>>, vector<392x16xf32>,
    %slice3A_136 = vector.extract_strided_slice %add3A_128 {offsets = [0, 32], sizes = [392, 16], strides = [1, 1]} : vector<392x128xf32> to vector<392x16xf32>
    %swap3A_137 = arith.constant 0 : index
    %swap3A_138 = arith.constant 0 : index
    %swap3A_139 = vector.load %arg7[%swap3A_137, %swap3A_138] : memref<392x16xf32, #tpu.memory_space<vmem>>, vector<392x16xf32>
    tpu.vector_store %arg7[%swap3A_137, %swap3A_138], %slice3A_136 {strides = array<i32>} : memref<392x16xf32, #tpu.memory_space<vmem>>, vector<392x16xf32>,
    %slice3A_140 = vector.extract_strided_slice %add3A_128 {offsets = [0, 48], sizes = [392, 16], strides = [1, 1]} : vector<392x128xf32> to vector<392x16xf32>
    %swap3A_141 = arith.constant 0 : index
    %swap3A_142 = arith.constant 0 : index
    %swap3A_143 = vector.load %arg8[%swap3A_141, %swap3A_142] : memref<392x16xf32, #tpu.memory_space<vmem>>, vector<392x16xf32>
    tpu.vector_store %arg8[%swap3A_141, %swap3A_142], %slice3A_140 {strides = array<i32>} : memref<392x16xf32, #tpu.memory_space<vmem>>, vector<392x16xf32>,
    %slice3A_144 = vector.extract_strided_slice %add3A_128 {offsets = [0, 64], sizes = [392, 16], strides = [1, 1]} : vector<392x128xf32> to vector<392x16xf32>
    %swap3A_145 = arith.constant 0 : index
    %swap3A_146 = arith.constant 0 : index
    %swap3A_147 = vector.load %arg9[%swap3A_145, %swap3A_146] : memref<392x16xf32, #tpu.memory_space<vmem>>, vector<392x16xf32>
    tpu.vector_store %arg9[%swap3A_145, %swap3A_146], %slice3A_144 {strides = array<i32>} : memref<392x16xf32, #tpu.memory_space<vmem>>, vector<392x16xf32>,
    %slice3A_148 = vector.extract_strided_slice %add3A_128 {offsets = [0, 80], sizes = [392, 16], strides = [1, 1]} : vector<392x128xf32> to vector<392x16xf32>
    %swap3A_149 = arith.constant 0 : index
    %swap3A_150 = arith.constant 0 : index
    %swap3A_151 = vector.load %arg10[%swap3A_149, %swap3A_150] : memref<392x16xf32, #tpu.memory_space<vmem>>, vector<392x16xf32>
    tpu.vector_store %arg10[%swap3A_149, %swap3A_150], %slice3A_148 {strides = array<i32>} : memref<392x16xf32, #tpu.memory_space<vmem>>, vector<392x16xf32>,
    %slice3A_152 = vector.extract_strided_slice %add3A_128 {offsets = [0, 96], sizes = [392, 16], strides = [1, 1]} : vector<392x128xf32> to vector<392x16xf32>
    %swap3A_153 = arith.constant 0 : index
    %swap3A_154 = arith.constant 0 : index
    %swap3A_155 = vector.load %arg11[%swap3A_153, %swap3A_154] : memref<392x16xf32, #tpu.memory_space<vmem>>, vector<392x16xf32>
    tpu.vector_store %arg11[%swap3A_153, %swap3A_154], %slice3A_152 {strides = array<i32>} : memref<392x16xf32, #tpu.memory_space<vmem>>, vector<392x16xf32>,
    %slice3A_156 = vector.extract_strided_slice %add3A_128 {offsets = [0, 112], sizes = [392, 16], strides = [1, 1]} : vector<392x128xf32> to vector<392x16xf32>
    %swap3A_157 = arith.constant 0 : index
    %swap3A_158 = arith.constant 0 : index
    %swap3A_159 = vector.load %arg12[%swap3A_157, %swap3A_158] : memref<392x16xf32, #tpu.memory_space<vmem>>, vector<392x16xf32>
    tpu.vector_store %arg12[%swap3A_157, %swap3A_158], %slice3A_156 {strides = array<i32>} : memref<392x16xf32, #tpu.memory_space<vmem>>, vector<392x16xf32>,
    return
  }
  func.func @transform_0(%arg0: i32) -> (i32, i32, i32, i32) {
    %c0_i32 = arith.constant 0 : i32
    %c0_i32_0 = arith.constant 0 : i32
    %c0_i32_1 = arith.constant 0 : i32
    %c0_i32_2 = arith.constant 0 : i32
    return %c0_i32, %c0_i32_0, %arg0, %c0_i32_1 : i32, i32, i32, i32
  }
  func.func @transform_1(%arg0: i32) -> (i32, i32, i32) {
    %c0_i32 = arith.constant 0 : i32
    %c0_i32_0 = arith.constant 0 : i32
    %c0_i32_1 = arith.constant 0 : i32
    return %c0_i32, %arg0, %c0_i32_0 : i32, i32, i32
  }
  func.func @transform_2(%arg0: i32) -> (i32, i32) {
    %c0_i32 = arith.constant 0 : i32
    %c0_i32_0 = arith.constant 0 : i32
    %c0_i32_1 = arith.constant 0 : i32
    return %c0_i32, %c0_i32_0 : i32, i32
  }
  func.func @transform_3(%arg0: i32) -> (i32, i32) {
    %c0_i32 = arith.constant 0 : i32
    %c0_i32_0 = arith.constant 0 : i32
    %c0_i32_1 = arith.constant 0 : i32
    return %c0_i32, %c0_i32_0 : i32, i32
  }
  func.func @transform_4(%arg0: i32) -> (i32, i32) {
    %c0_i32 = arith.constant 0 : i32
    %c0_i32_0 = arith.constant 0 : i32
    return %arg0, %c0_i32 : i32, i32
  }
  func.func @transform_5(%arg0: i32) -> (i32, i32) {
    %c0_i32 = arith.constant 0 : i32
    %c0_i32_0 = arith.constant 0 : i32
    return %arg0, %c0_i32 : i32, i32
  }
  func.func @transform_6(%arg0: i32) -> (i32, i32) {
    %c0_i32 = arith.constant 0 : i32
    %c0_i32_0 = arith.constant 0 : i32
    return %arg0, %c0_i32 : i32, i32
  }
  func.func @transform_7(%arg0: i32) -> (i32, i32) {
    %c0_i32 = arith.constant 0 : i32
    %c0_i32_0 = arith.constant 0 : i32
    return %arg0, %c0_i32 : i32, i32
  }
  func.func @transform_8(%arg0: i32) -> (i32, i32) {
    %c0_i32 = arith.constant 0 : i32
    %c0_i32_0 = arith.constant 0 : i32
    return %arg0, %c0_i32 : i32, i32
  }
  func.func @transform_9(%arg0: i32) -> (i32, i32) {
    %c0_i32 = arith.constant 0 : i32
    %c0_i32_0 = arith.constant 0 : i32
    return %arg0, %c0_i32 : i32, i32
  }
  func.func @transform_10(%arg0: i32) -> (i32, i32) {
    %c0_i32 = arith.constant 0 : i32
    %c0_i32_0 = arith.constant 0 : i32
    return %arg0, %c0_i32 : i32, i32
  }
  func.func @transform_11(%arg0: i32) -> (i32, i32) {
    %c0_i32 = arith.constant 0 : i32
    %c0_i32_0 = arith.constant 0 : i32
    return %arg0, %c0_i32 : i32, i32
  }
}

module attributes {stable_mosaic.version = 14 : i64} {
  func.func @kern(%arg0: i32, %arg1: memref<8x2x392x16xf32, #tpu.memory_space<vmem>>, %arg2: memref<2x392x16xf32, #tpu.memory_space<vmem>>, %arg3: memref<128x8xf32, #tpu.memory_space<vmem>>, %arg4: memref<1x8xf32, #tpu.memory_space<vmem>>, %arg5: memref<392x8xf32, #tpu.memory_space<vmem>>) attributes {dimension_semantics = [#tpu.dimension_semantics<arbitrary>], iteration_bounds = array<i64: 128>, scalar_prefetch = 0 : i64, scratch_operands = 0 : i64, tpu.core_type = #tpu.core_type<tc>, window_params = [{transform_indices = @transform_0, window_bounds = array<i64: 8, 2, 392, 16>}, {transform_indices = @transform_1, window_bounds = array<i64: 2, 392, 16>}, {pipeline_mode = #tpu.pipeline_mode<synchronous>, transform_indices = @transform_2, window_bounds = array<i64: 128, 8>}, {pipeline_mode = #tpu.pipeline_mode<synchronous>, transform_indices = @transform_3, window_bounds = array<i64: 1, 8>}, {transform_indices = @transform_4, window_bounds = array<i64: 392, 8>}]} {
    %get3A = arith.constant 0 : index
    %get3A_0 = arith.constant 0 : index
    %get3A_1 = arith.constant 0 : index
    %get3A_2 = arith.constant 0 : index
    %get3A_3 = vector.load %arg1[%get3A, %get3A_0, %get3A_1, %get3A_2] : memref<8x2x392x16xf32, #tpu.memory_space<vmem>>, vector<1x1x392x16xf32>
    %get3A_4 = vector.shape_cast %get3A_3 : vector<1x1x392x16xf32> to vector<392x16xf32>
    %get3A_5 = arith.constant 0 : index
    %get3A_6 = arith.constant 1 : index
    %get3A_7 = arith.constant 0 : index
    %get3A_8 = arith.constant 0 : index
    %get3A_9 = vector.load %arg1[%get3A_5, %get3A_6, %get3A_7, %get3A_8] : memref<8x2x392x16xf32, #tpu.memory_space<vmem>>, vector<1x1x392x16xf32>
    %get3A_10 = vector.shape_cast %get3A_9 : vector<1x1x392x16xf32> to vector<392x16xf32>
    %add3A = arith.addf %get3A_4, %get3A_10 : vector<392x16xf32>
    %get3A_11 = arith.constant 1 : index
    %get3A_12 = arith.constant 0 : index
    %get3A_13 = arith.constant 0 : index
    %get3A_14 = arith.constant 0 : index
    %get3A_15 = vector.load %arg1[%get3A_11, %get3A_12, %get3A_13, %get3A_14] : memref<8x2x392x16xf32, #tpu.memory_space<vmem>>, vector<1x1x392x16xf32>
    %get3A_16 = vector.shape_cast %get3A_15 : vector<1x1x392x16xf32> to vector<392x16xf32>
    %get3A_17 = arith.constant 1 : index
    %get3A_18 = arith.constant 1 : index
    %get3A_19 = arith.constant 0 : index
    %get3A_20 = arith.constant 0 : index
    %get3A_21 = vector.load %arg1[%get3A_17, %get3A_18, %get3A_19, %get3A_20] : memref<8x2x392x16xf32, #tpu.memory_space<vmem>>, vector<1x1x392x16xf32>
    %get3A_22 = vector.shape_cast %get3A_21 : vector<1x1x392x16xf32> to vector<392x16xf32>
    %add3A_23 = arith.addf %get3A_16, %get3A_22 : vector<392x16xf32>
    %get3A_24 = arith.constant 2 : index
    %get3A_25 = arith.constant 0 : index
    %get3A_26 = arith.constant 0 : index
    %get3A_27 = arith.constant 0 : index
    %get3A_28 = vector.load %arg1[%get3A_24, %get3A_25, %get3A_26, %get3A_27] : memref<8x2x392x16xf32, #tpu.memory_space<vmem>>, vector<1x1x392x16xf32>
    %get3A_29 = vector.shape_cast %get3A_28 : vector<1x1x392x16xf32> to vector<392x16xf32>
    %get3A_30 = arith.constant 2 : index
    %get3A_31 = arith.constant 1 : index
    %get3A_32 = arith.constant 0 : index
    %get3A_33 = arith.constant 0 : index
    %get3A_34 = vector.load %arg1[%get3A_30, %get3A_31, %get3A_32, %get3A_33] : memref<8x2x392x16xf32, #tpu.memory_space<vmem>>, vector<1x1x392x16xf32>
    %get3A_35 = vector.shape_cast %get3A_34 : vector<1x1x392x16xf32> to vector<392x16xf32>
    %add3A_36 = arith.addf %get3A_29, %get3A_35 : vector<392x16xf32>
    %get3A_37 = arith.constant 3 : index
    %get3A_38 = arith.constant 0 : index
    %get3A_39 = arith.constant 0 : index
    %get3A_40 = arith.constant 0 : index
    %get3A_41 = vector.load %arg1[%get3A_37, %get3A_38, %get3A_39, %get3A_40] : memref<8x2x392x16xf32, #tpu.memory_space<vmem>>, vector<1x1x392x16xf32>
    %get3A_42 = vector.shape_cast %get3A_41 : vector<1x1x392x16xf32> to vector<392x16xf32>
    %get3A_43 = arith.constant 3 : index
    %get3A_44 = arith.constant 1 : index
    %get3A_45 = arith.constant 0 : index
    %get3A_46 = arith.constant 0 : index
    %get3A_47 = vector.load %arg1[%get3A_43, %get3A_44, %get3A_45, %get3A_46] : memref<8x2x392x16xf32, #tpu.memory_space<vmem>>, vector<1x1x392x16xf32>
    %get3A_48 = vector.shape_cast %get3A_47 : vector<1x1x392x16xf32> to vector<392x16xf32>
    %add3A_49 = arith.addf %get3A_42, %get3A_48 : vector<392x16xf32>
    %get3A_50 = arith.constant 4 : index
    %get3A_51 = arith.constant 0 : index
    %get3A_52 = arith.constant 0 : index
    %get3A_53 = arith.constant 0 : index
    %get3A_54 = vector.load %arg1[%get3A_50, %get3A_51, %get3A_52, %get3A_53] : memref<8x2x392x16xf32, #tpu.memory_space<vmem>>, vector<1x1x392x16xf32>
    %get3A_55 = vector.shape_cast %get3A_54 : vector<1x1x392x16xf32> to vector<392x16xf32>
    %get3A_56 = arith.constant 4 : index
    %get3A_57 = arith.constant 1 : index
    %get3A_58 = arith.constant 0 : index
    %get3A_59 = arith.constant 0 : index
    %get3A_60 = vector.load %arg1[%get3A_56, %get3A_57, %get3A_58, %get3A_59] : memref<8x2x392x16xf32, #tpu.memory_space<vmem>>, vector<1x1x392x16xf32>
    %get3A_61 = vector.shape_cast %get3A_60 : vector<1x1x392x16xf32> to vector<392x16xf32>
    %add3A_62 = arith.addf %get3A_55, %get3A_61 : vector<392x16xf32>
    %get3A_63 = arith.constant 5 : index
    %get3A_64 = arith.constant 0 : index
    %get3A_65 = arith.constant 0 : index
    %get3A_66 = arith.constant 0 : index
    %get3A_67 = vector.load %arg1[%get3A_63, %get3A_64, %get3A_65, %get3A_66] : memref<8x2x392x16xf32, #tpu.memory_space<vmem>>, vector<1x1x392x16xf32>
    %get3A_68 = vector.shape_cast %get3A_67 : vector<1x1x392x16xf32> to vector<392x16xf32>
    %get3A_69 = arith.constant 5 : index
    %get3A_70 = arith.constant 1 : index
    %get3A_71 = arith.constant 0 : index
    %get3A_72 = arith.constant 0 : index
    %get3A_73 = vector.load %arg1[%get3A_69, %get3A_70, %get3A_71, %get3A_72] : memref<8x2x392x16xf32, #tpu.memory_space<vmem>>, vector<1x1x392x16xf32>
    %get3A_74 = vector.shape_cast %get3A_73 : vector<1x1x392x16xf32> to vector<392x16xf32>
    %add3A_75 = arith.addf %get3A_68, %get3A_74 : vector<392x16xf32>
    %get3A_76 = arith.constant 6 : index
    %get3A_77 = arith.constant 0 : index
    %get3A_78 = arith.constant 0 : index
    %get3A_79 = arith.constant 0 : index
    %get3A_80 = vector.load %arg1[%get3A_76, %get3A_77, %get3A_78, %get3A_79] : memref<8x2x392x16xf32, #tpu.memory_space<vmem>>, vector<1x1x392x16xf32>
    %get3A_81 = vector.shape_cast %get3A_80 : vector<1x1x392x16xf32> to vector<392x16xf32>
    %get3A_82 = arith.constant 6 : index
    %get3A_83 = arith.constant 1 : index
    %get3A_84 = arith.constant 0 : index
    %get3A_85 = arith.constant 0 : index
    %get3A_86 = vector.load %arg1[%get3A_82, %get3A_83, %get3A_84, %get3A_85] : memref<8x2x392x16xf32, #tpu.memory_space<vmem>>, vector<1x1x392x16xf32>
    %get3A_87 = vector.shape_cast %get3A_86 : vector<1x1x392x16xf32> to vector<392x16xf32>
    %add3A_88 = arith.addf %get3A_81, %get3A_87 : vector<392x16xf32>
    %get3A_89 = arith.constant 7 : index
    %get3A_90 = arith.constant 0 : index
    %get3A_91 = arith.constant 0 : index
    %get3A_92 = arith.constant 0 : index
    %get3A_93 = vector.load %arg1[%get3A_89, %get3A_90, %get3A_91, %get3A_92] : memref<8x2x392x16xf32, #tpu.memory_space<vmem>>, vector<1x1x392x16xf32>
    %get3A_94 = vector.shape_cast %get3A_93 : vector<1x1x392x16xf32> to vector<392x16xf32>
    %get3A_95 = arith.constant 7 : index
    %get3A_96 = arith.constant 1 : index
    %get3A_97 = arith.constant 0 : index
    %get3A_98 = arith.constant 0 : index
    %get3A_99 = vector.load %arg1[%get3A_95, %get3A_96, %get3A_97, %get3A_98] : memref<8x2x392x16xf32, #tpu.memory_space<vmem>>, vector<1x1x392x16xf32>
    %get3A_100 = vector.shape_cast %get3A_99 : vector<1x1x392x16xf32> to vector<392x16xf32>
    %add3A_101 = arith.addf %get3A_94, %get3A_100 : vector<392x16xf32>
    %concatenate3A = tpu.concatenate %add3A, %add3A_23, %add3A_36, %add3A_49, %add3A_62, %add3A_75, %add3A_88, %add3A_101 in 1 : vector<392x16xf32>, vector<392x16xf32>, vector<392x16xf32>, vector<392x16xf32>, vector<392x16xf32>, vector<392x16xf32>, vector<392x16xf32>, vector<392x16xf32> -> vector<392x128xf32>
    %get3A_102 = arith.constant 0 : index
    %get3A_103 = arith.constant 0 : index
    %get3A_104 = arith.constant 0 : index
    %get3A_105 = vector.load %arg2[%get3A_102, %get3A_103, %get3A_104] : memref<2x392x16xf32, #tpu.memory_space<vmem>>, vector<1x392x16xf32>
    %get3A_106 = vector.shape_cast %get3A_105 : vector<1x392x16xf32> to vector<392x16xf32>
    %get3A_107 = arith.constant 1 : index
    %get3A_108 = arith.constant 0 : index
    %get3A_109 = arith.constant 0 : index
    %get3A_110 = vector.load %arg2[%get3A_107, %get3A_108, %get3A_109] : memref<2x392x16xf32, #tpu.memory_space<vmem>>, vector<1x392x16xf32>
    %get3A_111 = vector.shape_cast %get3A_110 : vector<1x392x16xf32> to vector<392x16xf32>
    %add3A_112 = arith.addf %get3A_106, %get3A_111 : vector<392x16xf32>
    %slice3A = vector.extract_strided_slice %add3A_112 {offsets = [0, 0], sizes = [392, 1], strides = [1, 1]} : vector<392x16xf32> to vector<392x1xf32>
    %max3A = arith.constant 1.000000e+00 : f32
    %max3A_113 = vector.broadcast %max3A : f32 to vector<392x1xf32>
    %max3A_114 = arith.maximumf %slice3A, %max3A_113 : vector<392x1xf32>
    %div3A = vector.broadcast %max3A_114 : vector<392x1xf32> to vector<392x128xf32>
    %div3A_115 = arith.divf %concatenate3A, %div3A : vector<392x128xf32>
    %get3A_116 = arith.constant 0 : index
    %get3A_117 = arith.constant 0 : index
    %get3A_118 = vector.load %arg3[%get3A_116, %get3A_117] : memref<128x8xf32, #tpu.memory_space<vmem>>, vector<128x8xf32>
    %dot_general3A = arith.constant dense<0.000000e+00> : vector<392x8xf32>
    %dot_general3A_119 = tpu.matmul %div3A_115, %get3A_118, %dot_general3A {dimension_numbers = #tpu.dot_dimension_numbers<[1], [0], [0], [1], [0, 0, 1, 1], [], []>, transpose_lhs_hint = false} : vector<392x128xf32>, vector<128x8xf32>, vector<392x8xf32> -> vector<392x8xf32>
    %get3A_120 = arith.constant 0 : index
    %get3A_121 = arith.constant 0 : index
    %get3A_122 = vector.load %arg4[%get3A_120, %get3A_121] : memref<1x8xf32, #tpu.memory_space<vmem>>, vector<1x8xf32>
    %add3A_123 = vector.broadcast %get3A_122 : vector<1x8xf32> to vector<392x8xf32>
    %add3A_124 = arith.addf %dot_general3A_119, %add3A_123 : vector<392x8xf32>
    %swap3A = arith.constant 0 : index
    %swap3A_125 = arith.constant 0 : index
    %swap3A_126 = vector.load %arg5[%swap3A, %swap3A_125] : memref<392x8xf32, #tpu.memory_space<vmem>>, vector<392x8xf32>
    tpu.vector_store %arg5[%swap3A, %swap3A_125], %add3A_124 {strides = array<i32>} : memref<392x8xf32, #tpu.memory_space<vmem>>, vector<392x8xf32>,
    return
  }
  func.func @transform_0(%arg0: i32) -> (i32, i32, i32, i32) {
    %c0_i32 = arith.constant 0 : i32
    %c0_i32_0 = arith.constant 0 : i32
    %c0_i32_1 = arith.constant 0 : i32
    %c0_i32_2 = arith.constant 0 : i32
    return %c0_i32, %c0_i32_0, %arg0, %c0_i32_1 : i32, i32, i32, i32
  }
  func.func @transform_1(%arg0: i32) -> (i32, i32, i32) {
    %c0_i32 = arith.constant 0 : i32
    %c0_i32_0 = arith.constant 0 : i32
    %c0_i32_1 = arith.constant 0 : i32
    return %c0_i32, %arg0, %c0_i32_0 : i32, i32, i32
  }
  func.func @transform_2(%arg0: i32) -> (i32, i32) {
    %c0_i32 = arith.constant 0 : i32
    %c0_i32_0 = arith.constant 0 : i32
    %c0_i32_1 = arith.constant 0 : i32
    return %c0_i32, %c0_i32_0 : i32, i32
  }
  func.func @transform_3(%arg0: i32) -> (i32, i32) {
    %c0_i32 = arith.constant 0 : i32
    %c0_i32_0 = arith.constant 0 : i32
    %c0_i32_1 = arith.constant 0 : i32
    return %c0_i32, %c0_i32_0 : i32, i32
  }
  func.func @transform_4(%arg0: i32) -> (i32, i32) {
    %c0_i32 = arith.constant 0 : i32
    %c0_i32_0 = arith.constant 0 : i32
    return %arg0, %c0_i32 : i32, i32
  }
}

</mosaic_0001>

<sc_bundles>
// kernel: kernel.10.cloned.1.call-start
scs
__scs_entry_jumppad:
0x0: {  	(pc) =	sbr.rel $0x88, $3  }
0x1: {  	(tag) =	ssettag $0x0;
	lr =	simm.s32 $0x1  }
0x2: {  	[smem:$0x3F98] =	sst lr;
	_ =	strace $0xD0000000  }
0x3: {  	_ = 	snop  }
0x4: {  	_ = 	snop  }
0x5: {  	_ = 	snop  }
0x6: {  	_ = 	snop  }
0x7: {  	_ = 	snop  }
__scs_overlays_trampoline_lowered:
0x8: {  	[smem:$0x3FA7] =	sst s0  }
0x9: {  	[smem:$0x3FA8] =	sst s1  }
0xa: {  	[smem:$0x3FA9] =	sst s2  }
0xb: {  	[smem:$0x3FAA] =	sst s3  }
0xc: {  	[smem:$0x3FAB] =	sst s4  }
0xd: {  	[smem:$0x3FAC] =	sst s5  }
0xe: {  	[smem:$0x3FAD] =	sst s6  }
0xf: {  	[smem:$0x3FAE] =	sst s7  }
0x10: {  	[smem:$0x3FAF] =	sst s8  }
0x11: {  	[smem:$0x3FB0] =	sst s9;
	s0 =	simm.s32 @!p0 $0x0  }
0x12: {  	s1 =	sld [smem:$0x3F96];
	s0 =	simm.s32 @p0 $0x1  }
0x13: {  	[smem:$0x3FB1] =	sst s0;
	s0 =	simm.s32 @!p1 $0x0  }
0x14: {  	s2 =	sld [smem:$0x3F95];
	s0 =	simm.s32 @p1 $0x1  }
0x15: {  	[smem:$0x3FB2] =	sst s0;
	s0 =	simm.s32 @!p2 $0x0  }
0x16: {  	s3 =	sld [smem:$0x3FDB];
	s0 =	simm.s32 @p2 $0x1  }
0x17: {  	s4 =	simm.s32 $0x1BF5;
	[smem:$0x3FB4] =	sst s0  }
0x18: {  	s0 =	sld [smem:$0x3F97];
	_ =	swait.ge [sflag:s4], $0x0  }
0x19: {  	s7 =	sld [smem:$0x3F98]  }
0x1a: {  	s8 =	sadd.s32 $0xFFFFE003, lr  }
0x1b: {  	s9 =	sadd.s32 $0xFFFFFEF7, lr;
	s5 =	simm.s32 $0xFFFFFFFF;
	p2 =	slt.u32 s8, $0xFFFFF086  }
0x1c: {  	p1 =	slt.u32 s9, $0xF7A;
	s5 =	simm.s32 @!p2 $0x0  }
0x1d: {  	s5 =	simm.s32 @p1 $0x1;
	p0 =	seq.s32 s7, s2  }
0x1e: {  	s7 =	smul.u32 @!p0 $0xF7A, s2;
	p2 =	seq.s32 @!p0 s5, $0x0  }
0x1f: {  	s9 =	smul.u32 $0xF7A, s1;
	s8 =	simm.s32 @!p0 $0x1BF5;
	p2 =	por !p2, p0  }
0x20: {  	[sflag:s8] =	ssyncset.s32 @!p0 $0xFFFFF086;
	s6 =	sadd.s32 @!p0 s3, s7;
	s7 =	simm.s32 @!p0 $0x108  }
0x21: {  	s3 =	sadd.s32 s3, s9;
	s6 =	sadd.s32 @!p0 $0x88, s6;
	s7 =	simm.s32 @p2 $0x1082  }
0x22: {  	[simem:s7], [sflag:s8] =	dma.local @!p0 [hbm:s6], $0xF7A  }
0x23: {  	s9 =	sor.u32 $0xD0000000, s2;
	s6 =	simm.s32 $0x108;
	_ =	swait.ge @!p0 [sflag:s8], $0x0  }
0x24: {  	s3 =	sadd.s32 $0x88, s3;
	s6 =	simm.s32 @!p1 $0x1082;
	[sflag:s4] =	ssyncset.s32 $0xFFFFF086  }
0x25: {  	[simem:s6], [sflag:s4] =	dma.local [hbm:s3], $0xF7A  }
0x26: {  	[smem:$0x3F98] =	sst s1;
	(tag) =	ssettag s2;
	_ =	strace s9  }
0x27: {  	s1 =	sld [smem:$0x3FA8]  }
0x28: {  	s2 =	sld [smem:$0x3FA9]  }
0x29: {  	s4 =	sld [smem:$0x3FAB]  }
0x2a: {  	p0 =	seq.s32 s5, $0x0;
	s5 =	sld [smem:$0x3FAC]  }
0x2b: {  	s6 =	sld [smem:$0x3FAD]  }
0x2c: {  	s7 =	sld [smem:$0x3FAE]  }
0x2d: {  	s3 =	simm.s32 $0x108;
	s8 =	sld [smem:$0x3FAF]  }
0x2e: {  	s3 =	simm.s32 @!p0 $0x1082;
	s9 =	sld [smem:$0x3FB0]  }
0x2f: {  	lr =	sadd.s32 s0, s3;
	s0 =	sld [smem:$0x3FA7]  }
0x30: {  	s3 =	sld [smem:$0x3FAA]  }
0x31: {  	[smem:$0x3FB3] =	sst s10  }
0x32: {  	s10 =	sld [smem:$0x3FB1];
	_ =	sdelay $0x3  }
0x33: {  	p0 =	seq.s32 s10, $0x1;
	s10 =	sld [smem:$0x3FB3];
	_ =	sdelay $0x3  }
0x34: {  	[smem:$0x3FB3] =	sst s10  }
0x35: {  	s10 =	sld [smem:$0x3FB2];
	_ =	sdelay $0x3  }
0x36: {  	p1 =	seq.s32 s10, $0x1;
	s10 =	sld [smem:$0x3FB3];
	_ =	sdelay $0x3  }
0x37: {  	[smem:$0x3FB3] =	sst s10  }
0x38: {  	s10 =	sld [smem:$0x3FB4]  }
0x39: {  	_ = 	snop;
	(pc) =	sbr.ind lr, $3  }
0x3a: {  	_ = 	snop  }
0x3b: {  	_ = 	snop  }
0x3c: {  	p2 =	seq.s32 s10, $0x1;
	s10 =	sld [smem:$0x3FB3]  }
0x3d: {  	_ =	shalt  }
0x3e: {  	_ =	shalt  }
0x3f: {  	_ =	shalt  }
0x40: {  	_ =	shalt  }
0x41: {  	_ =	shalt  }
0x42: {  	_ =	shalt  }
0x43: {  	_ =	shalt  }
0x44: {  	_ =	shalt  }
0x45: {  	_ =	shalt  }
0x46: {  	_ =	shalt  }
0x47: {  	_ =	shalt  }
0x48: {  	_ =	shalt  }
0x49: {  	_ =	shalt  }
0x4a: {  	_ =	shalt  }
0x4b: {  	_ =	shalt  }
0x4c: {  	_ =	shalt  }
0x4d: {  	_ =	shalt  }
0x4e: {  	_ =	shalt  }
0x4f: {  	_ =	shalt  }
0x50: {  	_ =	shalt  }
0x51: {  	_ =	shalt  }
0x52: {  	_ =	shalt  }
0x53: {  	_ =	shalt  }
0x54: {  	_ =	shalt  }
0x55: {  	_ =	shalt  }
0x56: {  	_ =	shalt  }
0x57: {  	_ =	shalt  }
0x58: {  	_ =	shalt  }
0x59: {  	_ =	shalt  }
0x5a: {  	_ =	shalt  }
0x5b: {  	_ =	shalt  }
0x5c: {  	_ =	shalt  }
0x5d: {  	_ =	shalt  }
0x5e: {  	_ =	shalt  }
0x5f: {  	_ =	shalt  }
0x60: {  	_ =	shalt  }
0x61: {  	_ =	shalt  }
0x62: {  	_ =	shalt  }
0x63: {  	_ =	shalt  }
0x64: {  	_ =	shalt  }
0x65: {  	_ =	shalt  }
0x66: {  	_ =	shalt  }
0x67: {  	_ =	shalt  }
0x68: {  	_ =	shalt  }
0x69: {  	_ =	shalt  }
0x6a: {  	_ =	shalt  }
0x6b: {  	_ =	shalt  }
0x6c: {  	_ =	shalt  }
0x6d: {  	_ =	shalt  }
0x6e: {  	_ =	shalt  }
0x6f: {  	_ =	shalt  }
0x70: {  	_ =	shalt  }
0x71: {  	_ =	shalt  }
0x72: {  	_ =	shalt  }
0x73: {  	_ =	shalt  }
0x74: {  	_ =	shalt  }
0x75: {  	_ =	shalt  }
0x76: {  	_ =	shalt  }
0x77: {  	_ =	shalt  }
0x78: {  	_ =	shalt  }
0x79: {  	_ =	shalt  }
0x7a: {  	_ =	shalt  }
0x7b: {  	_ =	shalt  }
0x7c: {  	_ =	shalt  }
0x7d: {  	_ =	shalt  }
0x7e: {  	_ =	shalt  }
0x7f: {  	_ =	shalt  }
0x80: {  	_ =	shalt  }
0x81: {  	_ =	shalt  }
0x82: {  	_ =	shalt  }
0x83: {  	_ =	shalt  }
0x84: {  	_ =	shalt  }
0x85: {  	_ =	shalt  }
0x86: {  	_ =	shalt  }
0x87: {  	_ =	shalt  }
.Lfunc_end0:
.L_simem_size_0:
called_computation.1_lowered:
.L_overlay_start_0:
0x88: {  	s2 =	sld [smem:$0x3FD9]  }
0x89: {  	s3 =	sld [smem:$0x3FFE];
	_ =	sdelay $0x1  }
0x8a: {  	s1 =	srdreg.scid  }
0x8b: {  	s0 =	sand.u32 $0x1, s1  }
0x8c: {  	s16 =	sshll.u32 s0, $0xA;
	s2 =	sadd.s32 s3, s2  }
0x8d: {  	s2 =	sadd.s32 s2, s16  }
0x8e: {  	[smem:$0x3FBF] =	sst s2  }
0x8f: {  	_ = 	snop  }
0x90: {  	(tm) =	ssettm $0x1  }
0x91: {  	s17 =	sld [smem:$0x3FFB];
	_ =	sdelay $0x3  }
0x92: {  	_ =	strace s17  }
0x93: {  	s2 =	sld [smem:$0x3FFC];
	_ =	sdelay $0x3  }
0x94: {  	_ =	strace s2  }
0x95: {  	s2 =	sld [smem:$0x3FFD];
	_ =	sdelay $0x3  }
0x96: {  	_ =	strace s2  }
0x97: {  	_ =	strace $0x8FFFFFFF  }
0x98: {  	s18 =	sld [smem:$0x3FDB];
	_ =	sdelay $0x1  }
0x99: {  	s19 =	simm.s32 $_scs_section_size  }
0x9a: {  	s4 =	simm.s32 $_size__tile_overlayer_lowered;
	s5 =	simm.s32 $_tile_overlayer_lowered  }
0x9b: {  	s22 =	simm.s32 $0x1BFF;
	s21 =	sshll.u32 s5, $0x1;
	s2 =	sadd.s32 s19, s18  }
0x9c: {  	s6 =	simm.s32 $0x0;
	s20 =	sshll.u32 s4, $0x1;
	s4 =	sadd.s32 s21, s2  }
0x9d: {  	[timem:s6], [sflag:s22] =	dma.local [hbm:s4], s20  }
0x9e: {  	_ =	swait.ge [sflag:s22], s20  }
0x9f: {  	s3 =	ssub.s32 $0x0, s20;
	[sflag:s22] =	ssyncset.done $0x0  }
0xa0: {  	[sflag:s22] =	ssyncadd.s32 s3;
	_ =	sdelay $0x1  }
0xa1: {  	s23 =	simm.s32 $0x1B8B  }
0xa2: {  	_ =	swait.ge [sflag:s23], $0x1  }
0xa3: {  	[sflag:s23] =	ssyncset.done $0x0  }
0xa4: {  	s25 =	simm.s32 $0x1B8E;
	s24 =	sld [smem:$0x3FFE];
	[sflag:s23] =	ssyncadd.s32 $0xFFFFFFFF  }
0xa5: {  	s26 =	simm.s32 $execute0_lowered;
	[smem:$0x3FD2] =	sst s25  }
0xa6: {  	s4 =	sshll.u32 s26, $0x1;
	_ =	strace $0x80000049;
	[dreg:$0x1] =	wrdreg $0xFFFFFFFF  }
0xa7: {  	s28 =	simm.s32 $_size_execute0_lowered;
	s2 =	sadd.s32 s2, s4;
	[dreg:$0x0] =	wrdreg $0x0  }
0xa8: {  	s4 =	sshll.u32 s28, $0x1;
	[dreg:$0x2] =	wrdreg s2  }
0xa9: {  	[dreg:$0x3] =	wrdreg s4  }
0xaa: {  	[dreg:$0x4] =	wrdreg $0xC0  }
0xab: {  	_ =	task [dreg:s6], $0x5FFFF  }
0xac: {  	[dreg:$0x1] =	wrdreg $0xFFFFFFFF  }
0xad: {  	[dreg:$0x0] =	wrdreg $0x60  }
0xae: {  	[dreg:$0x2] =	wrdreg s24  }
0xaf: {  	[dreg:$0x3] =	wrdreg $0x75000  }
0xb0: {  	[dreg:$0x4] =	wrdreg $0x138500  }
0xb1: {  	[dreg:$0x5] =	wrdreg $0x9  }
0xb2: {  	_ =	task.clear_ibuf [dreg:s6], $0x6FFFF;
	_ =	strace $0x90000049  }
0xb3: {  	s29 =	simm.s32 $0x9;
	_ =	strace $0x8000004B  }
0xb4: {  	_ =	swait.ge [sflag:s29], $0x1  }
0xb5: {  	[sflag:s29] =	ssyncadd.s32 $0xFFFFFFFF  }
0xb6: {  	_ =	strace $0x9000004B  }
0xb7: {  	_ =	sfence  }
0xb8: {  	s30 =	sld [smem:$0x0];
	_ =	sdelay $0x2  }
0xb9: {  	s31 =	sshll.u32 s1, $0xD;
	s1 =	sshrl.u32 s1, $0x2  }
0xba: {  	s3 =	sand.u32 $0x4000, s31;
	s1 =	sadd.s32 s1, s30  }
0xbb: {  	s0 =	sor.u32 s3, s0;
	s1 =	sshll.u32 s1, $0x11  }
0xbc: {  	s0 =	sor.u32 s1, s0  }
0xbd: {  	s0 =	sadd.s32 $0x8F2B, s0  }
0xbe: {  	[sflag:s0] =	ssyncadd.remote.s32 $0x1  }
0xbf: {  	_ =	sfence.sel $0xFFFF  }
0xc0: {  	[dreg:$0x0] =	wrdreg $0xFFFFFFFF;
	(pc) =	sbr.abs _section_cstart, $3  }
0xc1: {  	[dreg:$0x1] =	wrdreg $0xFFFFFFFF  }
0xc2: {  	_ =	task.clear_ibuf [dreg:s6], $0x2FFFF;
	_ =	strace $0x9FFFFFFF  }
0xc3: {  	(tm) =	ssettm $0x7FFFFFFF  }
tec
execute0_lowered:
.L_overlay_start_1:
0x0: {  	(tag) =	ssettag $0x1  }
0x1: {  	s0 =	rddreg [dreg:$0x0];
	s1 =	srdreg.scid  }
0x2: {  	s2 =	rddreg [dreg:$0x1];
	s11 =	stileid.u32  }
0x3: {  	s3 =	rddreg [dreg:$0x2];
	s4 =	simm.s32 $0x0;
	s31 =	simm.s32 $0x3  }
0x4: {  	s1 =	sand.u32 $0x1, s1;
	s5 =	smul.u32 $0xC40, s11;
	[smem:$0x7FF] =	sst s4  }
0x5: {  	s12 =	sadd.s32 $0xC0E00, s0;
	s15 =	smul.u32 $0xC400, s11;
	s30 =	sadd.s32 $0xC4000, s3  }
0x6: {  	s6 =	sshll.u32 s1, $0x4;
	_ =	strace $0x8000004A;
	s8 =	smul.u32 $0xC4000, s1  }
0x7: {  	s1 =	ssub.s32 $0x2, s1;
	[dreg:$0x4] =	wrdreg s12;
	s6 =	sor.u32 s11, s6  }
0x8: {  	s7 =	smin.u32 s5, $0xB710;
	s5 =	sadd.s32 $0xBF400, s0;
	s22 =	sadd.s32 s15, s3  }
0x9: {  	s11 =	simm.s32 $0x0;
	s9 =	smul.u32 $0x4C0, s6;
	s10 =	sshll.u32 s7, $0x1  }
0xa: {  	s8 =	sshrl.u32 s8, $0x3;
	s7 =	sshll.u32 s7, $0x4;
	[dreg:$0xb] =	wrdreg s22  }
0xb: {  	s6 =	sadd.s32 s10, s0;
	s10 =	sshrl.u32 s1, $0x1;
	s7 =	sadd.s32 s7, s2  }
0xc: {  	s9 =	sadd.s32 s9, s0;
	s0 =	sadd.s32 s8, s0;
	s1 =	ssub.s32 s1, s10  }
0xd: {  	s14 =	sadd.s32 $0x53C00, s6;
	s17 =	sadd.s32 $0x3B400, s6;
	s19 =	sadd.s32 $0x22C00, s6  }
0xe: {  	[dreg:$0xa] =	wrdreg s7;
	s8 =	sshrl.u32 s15, $0x3;
	s28 =	sadd.s32 $0x6C400, s6  }
0xf: {  	s10 =	simm.s32 $0x80;
	s12 =	sadd.s32 $0x27A000, s9;
	s13 =	sadd.s32 $0x283A00, s9  }
0x10: {  	[dreg:$0x7] =	wrdreg s14;
	s16 =	sadd.s32 $0xD9800, s0;
	s18 =	sadd.s32 $0x10A800, s0  }
0x11: {  	[dreg:$0x8] =	wrdreg s17;
	s20 =	sadd.s32 $0x13B800, s0;
	s21 =	sadd.s32 $0x16C800, s0  }
0x12: {  	[dreg:$0x9] =	wrdreg s19;
	s23 =	sadd.s32 $0x19D800, s0;
	s14 =	sadd.s32 $0x1FF800, s0  }
0x13: {  	s15 =	sadd.s32 $0x230800, s0;
	s29 =	smax.u32 s1, $0x1;
	[dreg:$0x5] =	wrdreg s12  }
0x14: {  	s1 =	simm.s32 $0x6D00;
	[dreg:$0x6] =	wrdreg s13;
	s9 =	sadd.s32 s8, s16  }
0x15: {  	s13 =	sadd.s32 $0x1CE800, s0;
	s24 =	sadd.s32 s8, s18;
	[dreg:$0xc] =	wrdreg s9  }
0x16: {  	s0 =	sadd.s32 $0x28D200, s0;
	s7 =	sadd.s32 s8, s20;
	[dreg:$0xd] =	wrdreg s24  }
0x17: {  	s25 =	sadd.s32 s8, s21;
	s26 =	sadd.s32 s8, s23;
	[dreg:$0xe] =	wrdreg s7  }
0x18: {  	s20 =	sadd.s32 s8, s14;
	s21 =	sadd.s32 s8, s15;
	[dreg:$0xf] =	wrdreg s25  }
0x19: {  	s23 =	sadd.s32 $0xA400, s6;
	[dreg:$0x10] =	wrdreg s26;
	s19 =	sadd.s32 s8, s13  }
0x1a: {  	s22 =	sadd.s32 s8, s0;
	s24 =	sadd.s32 $0xC1000, s6;
	s25 =	sadd.s32 $0x9D400, s6  }
0x1b: {  	s26 =	sadd.s32 $0x84C00, s6;
	s0 =	simm.s32 $0x100;
	s6 =	simm.s32 $0x4D00  }
0x1c: {  	s7 =	simm.s32 $0x1;
	s8 =	simm.s32 $0x5D00;
	s9 =	simm.s32 $0x2  }
.LBB2_1:
0x1d: {  	s12 =	rddreg [dreg:$0x5]  }
0x1e: {  	[tilespmem:s4], [sflag:$0x3] =	stream.linear.gather [hbm4b:s12+s4], $0x2700, $0x38;
	[tilespmem:$0x1FC58] =	vst v63  }
0x1f: {  	_ =	swait.ge [sflag:s31], $0x2700  }
0x20: {  	[sflag:s31] =	ssyncset.done $0x0  }
0x21: {  	s13 =	simm.s32 $0x2700;
	s18 =	rddreg [dreg:$0x6];
	[sflag:s31] =	ssyncadd.s32 $0xFFFFD900  }
0x22: {  	[tilespmem:s13], [sflag:$0x3] =	stream.linear.gather [hbm4b:s18+s4], $0x2600, $0x38;
	[tilespmem:$0x1FC58] =	vst v63  }
0x23: {  	_ =	swait.ge [sflag:s31], $0x2600  }
0x24: {  	[sflag:s31] =	ssyncset.done $0x0  }
0x25: {  	s14 =	stileid.u32;
	s13 =	rddreg [dreg:$0x4];
	[sflag:s31] =	ssyncadd.s32 $0xFFFFDA00  }
0x26: {  	[tilespmem:s1], [sflag:$0x3] =	stream.linear.gather [hbm4b:s13+s4], $0x800, $0x38;
	[tilespmem:$0x1FC58] =	vst v63  }
0x27: {  	s12 =	sshll.u32 s14, $0x6;
	_ =	swait.ge [sflag:s31], $0x800  }
0x28: {  	s12 =	sor.u32 $0x1C03, s12;
	[sflag:s31] =	ssyncset.done $0x0;
	s15 =	rddreg [dreg:$0xa]  }
0x29: {  	s16 =	rddreg [dreg:$0x7];
	[sflag:s31] =	ssyncadd.s32 $0xFFFFF800;
	s15 =	sshrl.u32 s15, $0x3  }
0x2a: {  	[spmem:s15], [sflag:s12] =	dma.local [hbm:s16], $0x1880  }
0x2b: {  	_ =	swait.ge [sflag:s31], $0x1880  }
0x2c: {  	[sflag:s31] =	ssyncset.done $0x0;
	s17 =	rddreg [dreg:$0xb]  }
0x2d: {  	[sflag:s31] =	ssyncadd.s32 $0xFFFFE780;
	s13 =	sshrl.u32 s17, $0x3  }
0x2e: {  	[spmem:s13], [sflag:s12] =	dma.local [hbm:s5], $0x1880  }
0x2f: {  	_ =	swait.ge [sflag:s31], $0x1880  }
0x30: {  	[sflag:s31] =	ssyncset.done $0x0  }
0x31: {  	s14 =	sshrl.u32 s30, $0x3;
	[sflag:s31] =	ssyncadd.s32 $0xFFFFE780  }
0x32: {  	[spmem:s14], [sflag:s12] =	dma.local [hbm:s5], $0x10  }
0x33: {  	_ =	swait.ge [sflag:s31], $0x10  }
0x34: {  	[sflag:s31] =	ssyncset.done $0x0  }
0x35: {  	[sflag:s31] =	ssyncadd.s32 $0xFFFFFFF0  }
0x36: {  	[bflag:$0x0] =	sbarrier.arrive $0xFFFF  }
0x37: {  	[tilespmem:s6], [sflag:$0x1] =	stream.indirect.gather [spmem:s2], $0x10, s4, s0, $0xb8;
	[tilespmem:$0x1FC58] =	vst v63  }
0x38: {  	_ =	swait.ge [sflag:s7], $0x1000  }
0x39: {  	[sflag:s7] =	ssyncset.done $0x0  }
0x3a: {  	s16 =	simm.s32 $0x100;
	[sflag:s7] =	ssyncadd.s32 $0xFFFFF000  }
0x3b: {  	[tilespmem:s8], [sflag:$0x2] =	stream.indirect.gather [spmem:s2], $0x10, s16, s0, $0xb8;
	[tilespmem:$0x1FC58] =	vst v63  }
0x3c: {  	s18 =	simm.s32 $0x2700  }
0x3d: {  	[spmem:s3] =	stream.indirect.scatter.add.f32 [tilespmem:s6], [sflag:$0x3], $0x10, s18, s0, $0xb8;
	[tilespmem:$0x1FC58] =	vst v63  }
0x3e: {  	_ =	swait.ge [sflag:s31], $0x1000  }
0x3f: {  	[sflag:s31] =	ssyncset.done $0x0  }
0x40: {  	[sflag:s31] =	ssyncadd.s32 $0xFFFFF000  }
0x41: {  	_ =	swait.ge [sflag:s9], $0x1000  }
0x42: {  	[sflag:s9] =	ssyncset.done $0x0  }
0x43: {  	s17 =	simm.s32 $0x200;
	[sflag:s9] =	ssyncadd.s32 $0xFFFFF000  }
0x44: {  	[tilespmem:s6], [sflag:$0x1] =	stream.indirect.gather [spmem:s2], $0x10, s17, s0, $0xb8;
	[tilespmem:$0x1FC58] =	vst v63  }
0x45: {  	s18 =	simm.s32 $0x2800  }
0x46: {  	[spmem:s3] =	stream.indirect.scatter.add.f32 [tilespmem:s8], [sflag:$0x3], $0x10, s18, s0, $0xb8;
	[tilespmem:$0x1FC58] =	vst v63  }
0x47: {  	_ =	swait.ge [sflag:s31], $0x1000  }
0x48: {  	s16 =	simm.s32 $0x800;
	[sflag:s31] =	ssyncset.done $0x0  }
.LBB2_2:
0x49: {  	p0 =	sne.s32 s16, $0x9000  }
0x4a: {  	[sflag:s31] =	ssyncadd.s32 $0xFFFFF000;
	s17 =	smov.u32 s16;
	s16 =	sadd.s32 $0x800, s16  }
0x4b: {  	_ = 	snop  }
0x4c: {  	_ =	swait.ge [sflag:s7], $0x1000  }
0x4d: {  	s17 =	sshra.s32 s17, $0x2;
	[sflag:s7] =	ssyncset.done $0x0  }
0x4e: {  	s18 =	sadd.s32 $0x100, s17;
	[sflag:s7] =	ssyncadd.s32 $0xFFFFF000  }
0x4f: {  	[tilespmem:s8], [sflag:$0x2] =	stream.indirect.gather [spmem:s2], $0x10, s18, s0, $0xb8;
	[tilespmem:$0x1FC58] =	vst v63  }
0x50: {  	s18 =	sadd.s32 $0x2700, s17  }
0x51: {  	[spmem:s3] =	stream.indirect.scatter.add.f32 [tilespmem:s6], [sflag:$0x3], $0x10, s18, s0, $0xb8;
	[tilespmem:$0x1FC58] =	vst v63  }
0x52: {  	_ =	swait.ge [sflag:s31], $0x1000  }
0x53: {  	[sflag:s31] =	ssyncset.done $0x0  }
0x54: {  	[sflag:s31] =	ssyncadd.s32 $0xFFFFF000  }
0x55: {  	_ =	swait.ge [sflag:s9], $0x1000  }
0x56: {  	[sflag:s9] =	ssyncset.done $0x0  }
0x57: {  	s18 =	sadd.s32 $0x200, s17;
	[sflag:s9] =	ssyncadd.s32 $0xFFFFF000  }
0x58: {  	[tilespmem:s6], [sflag:$0x1] =	stream.indirect.gather [spmem:s2], $0x10, s18, s0, $0xb8;
	[tilespmem:$0x1FC58] =	vst v63  }
.Ltmp0:
0x59: {  	_ = 	snop;
	(pc) =	sbr.rel @p0 .LBB2_2-.Ltmp0, $4  }
0x5a: {  	s17 =	sadd.s32 $0x2800, s17  }
0x5b: {  	[spmem:s3] =	stream.indirect.scatter.add.f32 [tilespmem:s8], [sflag:$0x3], $0x10, s17, s0, $0xb8;
	[tilespmem:$0x1FC58] =	vst v63  }
0x5c: {  	_ =	swait.ge [sflag:s31], $0x1000  }
0x5d: {  	[sflag:s31] =	ssyncset.done $0x0  }
0x5e: {  	[sflag:s31] =	ssyncadd.s32 $0xFFFFF000  }
0x5f: {  	_ =	swait.ge [sflag:s7], $0x1000  }
0x60: {  	[sflag:s7] =	ssyncset.done $0x0  }
0x61: {  	[sflag:s7] =	ssyncadd.s32 $0xFFFFF000  }
0x62: {  	[bflag:$0x0] =	sbarrier.arrive $0xFFFF  }
0x63: {  	s16 =	rddreg [dreg:$0xc]  }
0x64: {  	[hbm:s16], [sflag:s12] =	dma.local [spmem:s13], $0x1880  }
0x65: {  	_ =	swait.ge [sflag:s31], $0x1880  }
0x66: {  	[sflag:s31] =	ssyncset.done $0x0  }
0x67: {  	[sflag:s31] =	ssyncadd.s32 $0xFFFFE780  }
0x68: {  	[bflag:$0x0] =	sbarrier.arrive $0xFFFF  }
0x69: {  	s17 =	rddreg [dreg:$0x8]  }
0x6a: {  	[spmem:s15], [sflag:s12] =	dma.local [hbm:s17], $0x1880  }
0x6b: {  	_ =	swait.ge [sflag:s31], $0x1880  }
0x6c: {  	[sflag:s31] =	ssyncset.done $0x0  }
0x6d: {  	[sflag:s31] =	ssyncadd.s32 $0xFFFFE780  }
0x6e: {  	[spmem:s13], [sflag:s12] =	dma.local [hbm:s5], $0x1880  }
0x6f: {  	_ =	swait.ge [sflag:s31], $0x1880  }
0x70: {  	[sflag:s31] =	ssyncset.done $0x0  }
0x71: {  	[sflag:s31] =	ssyncadd.s32 $0xFFFFE780  }
0x72: {  	[spmem:s14], [sflag:s12] =	dma.local [hbm:s5], $0x10  }
0x73: {  	_ =	swait.ge [sflag:s31], $0x10  }
0x74: {  	[sflag:s31] =	ssyncset.done $0x0  }
0x75: {  	[sflag:s31] =	ssyncadd.s32 $0xFFFFFFF0  }
0x76: {  	s18 =	simm.s32 $0x0;
	[bflag:$0x0] =	sbarrier.arrive $0xFFFF  }
0x77: {  	[tilespmem:s6], [sflag:$0x1] =	stream.indirect.gather [spmem:s2], $0x10, s18, s0, $0xb8;
	[tilespmem:$0x1FC58] =	vst v63  }
0x78: {  	_ =	swait.ge [sflag:s7], $0x1000  }
0x79: {  	[sflag:s7] =	ssyncset.done $0x0  }
0x7a: {  	s17 =	simm.s32 $0x100;
	[sflag:s7] =	ssyncadd.s32 $0xFFFFF000  }
0x7b: {  	[tilespmem:s8], [sflag:$0x2] =	stream.indirect.gather [spmem:s2], $0x10, s17, s0, $0xb8;
	[tilespmem:$0x1FC58] =	vst v63  }
0x7c: {  	s18 =	simm.s32 $0x2700  }
0x7d: {  	[spmem:s3] =	stream.indirect.scatter.add.f32 [tilespmem:s6], [sflag:$0x3], $0x10, s18, s0, $0xb8;
	[tilespmem:$0x1FC58] =	vst v63  }
0x7e: {  	_ =	swait.ge [sflag:s31], $0x1000  }
0x7f: {  	[sflag:s31] =	ssyncset.done $0x0  }
0x80: {  	[sflag:s31] =	ssyncadd.s32 $0xFFFFF000  }
0x81: {  	_ =	swait.ge [sflag:s9], $0x1000  }
0x82: {  	[sflag:s9] =	ssyncset.done $0x0  }
0x83: {  	s17 =	simm.s32 $0x200;
	[sflag:s9] =	ssyncadd.s32 $0xFFFFF000  }
0x84: {  	[tilespmem:s6], [sflag:$0x1] =	stream.indirect.gather [spmem:s2], $0x10, s17, s0, $0xb8;
	[tilespmem:$0x1FC58] =	vst v63  }
0x85: {  	s18 =	simm.s32 $0x2800  }
0x86: {  	[spmem:s3] =	stream.indirect.scatter.add.f32 [tilespmem:s8], [sflag:$0x3], $0x10, s18, s0, $0xb8;
	[tilespmem:$0x1FC58] =	vst v63  }
0x87: {  	_ =	swait.ge [sflag:s31], $0x1000  }
0x88: {  	s16 =	simm.s32 $0x800;
	[sflag:s31] =	ssyncset.done $0x0  }
.LBB2_4:
0x89: {  	p0 =	sne.s32 s16, $0x9000  }
0x8a: {  	[sflag:s31] =	ssyncadd.s32 $0xFFFFF000;
	s17 =	smov.u32 s16;
	s16 =	sadd.s32 $0x800, s16  }
0x8b: {  	_ = 	snop  }
0x8c: {  	_ =	swait.ge [sflag:s7], $0x1000  }
0x8d: {  	s17 =	sshra.s32 s17, $0x2;
	[sflag:s7] =	ssyncset.done $0x0  }
0x8e: {  	s18 =	sadd.s32 $0x100, s17;
	[sflag:s7] =	ssyncadd.s32 $0xFFFFF000  }
0x8f: {  	[tilespmem:s8], [sflag:$0x2] =	stream.indirect.gather [spmem:s2], $0x10, s18, s0, $0xb8;
	[tilespmem:$0x1FC58] =	vst v63  }
0x90: {  	s18 =	sadd.s32 $0x2700, s17  }
0x91: {  	[spmem:s3] =	stream.indirect.scatter.add.f32 [tilespmem:s6], [sflag:$0x3], $0x10, s18, s0, $0xb8;
	[tilespmem:$0x1FC58] =	vst v63  }
0x92: {  	_ =	swait.ge [sflag:s31], $0x1000  }
0x93: {  	[sflag:s31] =	ssyncset.done $0x0  }
0x94: {  	[sflag:s31] =	ssyncadd.s32 $0xFFFFF000  }
0x95: {  	_ =	swait.ge [sflag:s9], $0x1000  }
0x96: {  	[sflag:s9] =	ssyncset.done $0x0  }
0x97: {  	s18 =	sadd.s32 $0x200, s17;
	[sflag:s9] =	ssyncadd.s32 $0xFFFFF000  }
0x98: {  	[tilespmem:s6], [sflag:$0x1] =	stream.indirect.gather [spmem:s2], $0x10, s18, s0, $0xb8;
	[tilespmem:$0x1FC58] =	vst v63  }
.Ltmp1:
0x99: {  	_ = 	snop;
	(pc) =	sbr.rel @p0 .LBB2_4-.Ltmp1, $4  }
0x9a: {  	s17 =	sadd.s32 $0x2800, s17  }
0x9b: {  	[spmem:s3] =	stream.indirect.scatter.add.f32 [tilespmem:s8], [sflag:$0x3], $0x10, s17, s0, $0xb8;
	[tilespmem:$0x1FC58] =	vst v63  }
0x9c: {  	_ =	swait.ge [sflag:s31], $0x1000  }
0x9d: {  	[sflag:s31] =	ssyncset.done $0x0  }
0x9e: {  	[sflag:s31] =	ssyncadd.s32 $0xFFFFF000  }
0x9f: {  	_ =	swait.ge [sflag:s7], $0x1000  }
0xa0: {  	[sflag:s7] =	ssyncset.done $0x0  }
0xa1: {  	[sflag:s7] =	ssyncadd.s32 $0xFFFFF000  }
0xa2: {  	[bflag:$0x0] =	sbarrier.arrive $0xFFFF  }
0xa3: {  	s16 =	rddreg [dreg:$0xd]  }
0xa4: {  	[hbm:s16], [sflag:s12] =	dma.local [spmem:s13], $0x1880  }
0xa5: {  	_ =	swait.ge [sflag:s31], $0x1880  }
0xa6: {  	[sflag:s31] =	ssyncset.done $0x0  }
0xa7: {  	[sflag:s31] =	ssyncadd.s32 $0xFFFFE780  }
0xa8: {  	[bflag:$0x0] =	sbarrier.arrive $0xFFFF  }
0xa9: {  	s17 =	rddreg [dreg:$0x9]  }
0xaa: {  	[spmem:s15], [sflag:s12] =	dma.local [hbm:s17], $0x1880  }
0xab: {  	_ =	swait.ge [sflag:s31], $0x1880  }
0xac: {  	[sflag:s31] =	ssyncset.done $0x0  }
0xad: {  	[sflag:s31] =	ssyncadd.s32 $0xFFFFE780  }
0xae: {  	[spmem:s13], [sflag:s12] =	dma.local [hbm:s5], $0x1880  }
0xaf: {  	_ =	swait.ge [sflag:s31], $0x1880  }
0xb0: {  	[sflag:s31] =	ssyncset.done $0x0  }
0xb1: {  	[sflag:s31] =	ssyncadd.s32 $0xFFFFE780  }
0xb2: {  	[spmem:s14], [sflag:s12] =	dma.local [hbm:s5], $0x10  }
0xb3: {  	_ =	swait.ge [sflag:s31], $0x10  }
0xb4: {  	[sflag:s31] =	ssyncset.done $0x0  }
0xb5: {  	[sflag:s31] =	ssyncadd.s32 $0xFFFFFFF0  }
0xb6: {  	s18 =	simm.s32 $0x0;
	[bflag:$0x0] =	sbarrier.arrive $0xFFFF  }
0xb7: {  	[tilespmem:s6], [sflag:$0x1] =	stream.indirect.gather [spmem:s2], $0x10, s18, s0, $0xb8;
	[tilespmem:$0x1FC58] =	vst v63  }
0xb8: {  	_ =	swait.ge [sflag:s7], $0x1000  }
0xb9: {  	[sflag:s7] =	ssyncset.done $0x0  }
0xba: {  	s17 =	simm.s32 $0x100;
	[sflag:s7] =	ssyncadd.s32 $0xFFFFF000  }
0xbb: {  	[tilespmem:s8], [sflag:$0x2] =	stream.indirect.gather [spmem:s2], $0x10, s17, s0, $0xb8;
	[tilespmem:$0x1FC58] =	vst v63  }
0xbc: {  	s18 =	simm.s32 $0x2700  }
0xbd: {  	[spmem:s3] =	stream.indirect.scatter.add.f32 [tilespmem:s6], [sflag:$0x3], $0x10, s18, s0, $0xb8;
	[tilespmem:$0x1FC58] =	vst v63  }
0xbe: {  	_ =	swait.ge [sflag:s31], $0x1000  }
0xbf: {  	[sflag:s31] =	ssyncset.done $0x0  }
0xc0: {  	[sflag:s31] =	ssyncadd.s32 $0xFFFFF000  }
0xc1: {  	_ =	swait.ge [sflag:s9], $0x1000  }
0xc2: {  	[sflag:s9] =	ssyncset.done $0x0  }
0xc3: {  	s17 =	simm.s32 $0x200;
	[sflag:s9] =	ssyncadd.s32 $0xFFFFF000  }
0xc4: {  	[tilespmem:s6], [sflag:$0x1] =	stream.indirect.gather [spmem:s2], $0x10, s17, s0, $0xb8;
	[tilespmem:$0x1FC58] =	vst v63  }
0xc5: {  	s18 =	simm.s32 $0x2800  }
0xc6: {  	[spmem:s3] =	stream.indirect.scatter.add.f32 [tilespmem:s8], [sflag:$0x3], $0x10, s18, s0, $0xb8;
	[tilespmem:$0x1FC58] =	vst v63  }
0xc7: {  	_ =	swait.ge [sflag:s31], $0x1000  }
0xc8: {  	s16 =	simm.s32 $0x800;
	[sflag:s31] =	ssyncset.done $0x0  }
.LBB2_6:
0xc9: {  	p0 =	sne.s32 s16, $0x9000  }
0xca: {  	[sflag:s31] =	ssyncadd.s32 $0xFFFFF000;
	s17 =	smov.u32 s16;
	s16 =	sadd.s32 $0x800, s16  }
0xcb: {  	_ = 	snop  }
0xcc: {  	_ =	swait.ge [sflag:s7], $0x1000  }
0xcd: {  	s17 =	sshra.s32 s17, $0x2;
	[sflag:s7] =	ssyncset.done $0x0  }
0xce: {  	s18 =	sadd.s32 $0x100, s17;
	[sflag:s7] =	ssyncadd.s32 $0xFFFFF000  }
0xcf: {  	[tilespmem:s8], [sflag:$0x2] =	stream.indirect.gather [spmem:s2], $0x10, s18, s0, $0xb8;
	[tilespmem:$0x1FC58] =	vst v63  }
0xd0: {  	s18 =	sadd.s32 $0x2700, s17  }
0xd1: {  	[spmem:s3] =	stream.indirect.scatter.add.f32 [tilespmem:s6], [sflag:$0x3], $0x10, s18, s0, $0xb8;
	[tilespmem:$0x1FC58] =	vst v63  }
0xd2: {  	_ =	swait.ge [sflag:s31], $0x1000  }
0xd3: {  	[sflag:s31] =	ssyncset.done $0x0  }
0xd4: {  	[sflag:s31] =	ssyncadd.s32 $0xFFFFF000  }
0xd5: {  	_ =	swait.ge [sflag:s9], $0x1000  }
0xd6: {  	[sflag:s9] =	ssyncset.done $0x0  }
0xd7: {  	s18 =	sadd.s32 $0x200, s17;
	[sflag:s9] =	ssyncadd.s32 $0xFFFFF000  }
0xd8: {  	[tilespmem:s6], [sflag:$0x1] =	stream.indirect.gather [spmem:s2], $0x10, s18, s0, $0xb8;
	[tilespmem:$0x1FC58] =	vst v63  }
.Ltmp2:
0xd9: {  	_ = 	snop;
	(pc) =	sbr.rel @p0 .LBB2_6-.Ltmp2, $4  }
0xda: {  	s17 =	sadd.s32 $0x2800, s17  }
0xdb: {  	[spmem:s3] =	stream.indirect.scatter.add.f32 [tilespmem:s8], [sflag:$0x3], $0x10, s17, s0, $0xb8;
	[tilespmem:$0x1FC58] =	vst v63  }
0xdc: {  	_ =	swait.ge [sflag:s31], $0x1000  }
0xdd: {  	[sflag:s31] =	ssyncset.done $0x0  }
0xde: {  	[sflag:s31] =	ssyncadd.s32 $0xFFFFF000  }
0xdf: {  	_ =	swait.ge [sflag:s7], $0x1000  }
0xe0: {  	[sflag:s7] =	ssyncset.done $0x0  }
0xe1: {  	[sflag:s7] =	ssyncadd.s32 $0xFFFFF000  }
0xe2: {  	[bflag:$0x0] =	sbarrier.arrive $0xFFFF  }
0xe3: {  	s16 =	rddreg [dreg:$0xe]  }
0xe4: {  	[hbm:s16], [sflag:s12] =	dma.local [spmem:s13], $0x1880  }
0xe5: {  	_ =	swait.ge [sflag:s31], $0x1880  }
0xe6: {  	[sflag:s31] =	ssyncset.done $0x0  }
0xe7: {  	[sflag:s31] =	ssyncadd.s32 $0xFFFFE780  }
0xe8: {  	[bflag:$0x0] =	sbarrier.arrive $0xFFFF  }
0xe9: {  	[spmem:s15], [sflag:s12] =	dma.local [hbm:s23], $0x1880  }
0xea: {  	_ =	swait.ge [sflag:s31], $0x1880  }
0xeb: {  	[sflag:s31] =	ssyncset.done $0x0  }
0xec: {  	[sflag:s31] =	ssyncadd.s32 $0xFFFFE780  }
0xed: {  	[spmem:s13], [sflag:s12] =	dma.local [hbm:s5], $0x1880  }
0xee: {  	_ =	swait.ge [sflag:s31], $0x1880  }
0xef: {  	[sflag:s31] =	ssyncset.done $0x0  }
0xf0: {  	[sflag:s31] =	ssyncadd.s32 $0xFFFFE780  }
0xf1: {  	[spmem:s14], [sflag:s12] =	dma.local [hbm:s5], $0x10  }
0xf2: {  	_ =	swait.ge [sflag:s31], $0x10  }
0xf3: {  	[sflag:s31] =	ssyncset.done $0x0  }
0xf4: {  	[sflag:s31] =	ssyncadd.s32 $0xFFFFFFF0  }
0xf5: {  	s18 =	simm.s32 $0x0;
	[bflag:$0x0] =	sbarrier.arrive $0xFFFF  }
0xf6: {  	[tilespmem:s6], [sflag:$0x1] =	stream.indirect.gather [spmem:s2], $0x10, s18, s0, $0xb8;
	[tilespmem:$0x1FC58] =	vst v63  }
0xf7: {  	_ =	swait.ge [sflag:s7], $0x1000  }
0xf8: {  	[sflag:s7] =	ssyncset.done $0x0  }
0xf9: {  	s17 =	simm.s32 $0x100;
	[sflag:s7] =	ssyncadd.s32 $0xFFFFF000  }
0xfa: {  	[tilespmem:s8], [sflag:$0x2] =	stream.indirect.gather [spmem:s2], $0x10, s17, s0, $0xb8;
	[tilespmem:$0x1FC58] =	vst v63  }
0xfb: {  	s18 =	simm.s32 $0x2700  }
0xfc: {  	[spmem:s3] =	stream.indirect.scatter.add.f32 [tilespmem:s6], [sflag:$0x3], $0x10, s18, s0, $0xb8;
	[tilespmem:$0x1FC58] =	vst v63  }
0xfd: {  	_ =	swait.ge [sflag:s31], $0x1000  }
0xfe: {  	[sflag:s31] =	ssyncset.done $0x0  }
0xff: {  	[sflag:s31] =	ssyncadd.s32 $0xFFFFF000  }
0x100: {  	_ =	swait.ge [sflag:s9], $0x1000  }
0x101: {  	[sflag:s9] =	ssyncset.done $0x0  }
0x102: {  	s17 =	simm.s32 $0x200;
	[sflag:s9] =	ssyncadd.s32 $0xFFFFF000  }
0x103: {  	[tilespmem:s6], [sflag:$0x1] =	stream.indirect.gather [spmem:s2], $0x10, s17, s0, $0xb8;
	[tilespmem:$0x1FC58] =	vst v63  }
0x104: {  	s18 =	simm.s32 $0x2800  }
0x105: {  	[spmem:s3] =	stream.indirect.scatter.add.f32 [tilespmem:s8], [sflag:$0x3], $0x10, s18, s0, $0xb8;
	[tilespmem:$0x1FC58] =	vst v63  }
0x106: {  	_ =	swait.ge [sflag:s31], $0x1000  }
0x107: {  	s16 =	simm.s32 $0x800;
	[sflag:s31] =	ssyncset.done $0x0  }
.LBB2_8:
0x108: {  	p0 =	sne.s32 s16, $0x9000  }
0x109: {  	[sflag:s31] =	ssyncadd.s32 $0xFFFFF000;
	s17 =	smov.u32 s16;
	s16 =	sadd.s32 $0x800, s16  }
0x10a: {  	_ = 	snop  }
0x10b: {  	_ =	swait.ge [sflag:s7], $0x1000  }
0x10c: {  	s17 =	sshra.s32 s17, $0x2;
	[sflag:s7] =	ssyncset.done $0x0  }
0x10d: {  	s18 =	sadd.s32 $0x100, s17;
	[sflag:s7] =	ssyncadd.s32 $0xFFFFF000  }
0x10e: {  	[tilespmem:s8], [sflag:$0x2] =	stream.indirect.gather [spmem:s2], $0x10, s18, s0, $0xb8;
	[tilespmem:$0x1FC58] =	vst v63  }
0x10f: {  	s18 =	sadd.s32 $0x2700, s17  }
0x110: {  	[spmem:s3] =	stream.indirect.scatter.add.f32 [tilespmem:s6], [sflag:$0x3], $0x10, s18, s0, $0xb8;
	[tilespmem:$0x1FC58] =	vst v63  }
0x111: {  	_ =	swait.ge [sflag:s31], $0x1000  }
0x112: {  	[sflag:s31] =	ssyncset.done $0x0  }
0x113: {  	[sflag:s31] =	ssyncadd.s32 $0xFFFFF000  }
0x114: {  	_ =	swait.ge [sflag:s9], $0x1000  }
0x115: {  	[sflag:s9] =	ssyncset.done $0x0  }
0x116: {  	s18 =	sadd.s32 $0x200, s17;
	[sflag:s9] =	ssyncadd.s32 $0xFFFFF000  }
0x117: {  	[tilespmem:s6], [sflag:$0x1] =	stream.indirect.gather [spmem:s2], $0x10, s18, s0, $0xb8;
	[tilespmem:$0x1FC58] =	vst v63  }
.Ltmp3:
0x118: {  	_ = 	snop;
	(pc) =	sbr.rel @p0 .LBB2_8-.Ltmp3, $4  }
0x119: {  	s17 =	sadd.s32 $0x2800, s17  }
0x11a: {  	[spmem:s3] =	stream.indirect.scatter.add.f32 [tilespmem:s8], [sflag:$0x3], $0x10, s17, s0, $0xb8;
	[tilespmem:$0x1FC58] =	vst v63  }
0x11b: {  	_ =	swait.ge [sflag:s31], $0x1000  }
0x11c: {  	[sflag:s31] =	ssyncset.done $0x0  }
0x11d: {  	[sflag:s31] =	ssyncadd.s32 $0xFFFFF000  }
0x11e: {  	_ =	swait.ge [sflag:s7], $0x1000  }
0x11f: {  	[sflag:s7] =	ssyncset.done $0x0  }
0x120: {  	[sflag:s7] =	ssyncadd.s32 $0xFFFFF000  }
0x121: {  	[bflag:$0x0] =	sbarrier.arrive $0xFFFF  }
0x122: {  	s16 =	rddreg [dreg:$0xf]  }
0x123: {  	[hbm:s16], [sflag:s12] =	dma.local [spmem:s13], $0x1880  }
0x124: {  	_ =	swait.ge [sflag:s31], $0x1880  }
0x125: {  	[sflag:s31] =	ssyncset.done $0x0  }
0x126: {  	[sflag:s31] =	ssyncadd.s32 $0xFFFFE780  }
0x127: {  	[bflag:$0x0] =	sbarrier.arrive $0xFFFF  }
0x128: {  	[spmem:s15], [sflag:s12] =	dma.local [hbm:s24], $0x1880  }
0x129: {  	_ =	swait.ge [sflag:s31], $0x1880  }
0x12a: {  	[sflag:s31] =	ssyncset.done $0x0  }
0x12b: {  	[sflag:s31] =	ssyncadd.s32 $0xFFFFE780  }
0x12c: {  	[spmem:s13], [sflag:s12] =	dma.local [hbm:s5], $0x1880  }
0x12d: {  	_ =	swait.ge [sflag:s31], $0x1880  }
0x12e: {  	[sflag:s31] =	ssyncset.done $0x0  }
0x12f: {  	[sflag:s31] =	ssyncadd.s32 $0xFFFFE780  }
0x130: {  	[spmem:s14], [sflag:s12] =	dma.local [hbm:s5], $0x10  }
0x131: {  	_ =	swait.ge [sflag:s31], $0x10  }
0x132: {  	[sflag:s31] =	ssyncset.done $0x0  }
0x133: {  	[sflag:s31] =	ssyncadd.s32 $0xFFFFFFF0  }
0x134: {  	s18 =	simm.s32 $0x0;
	[bflag:$0x0] =	sbarrier.arrive $0xFFFF  }
0x135: {  	[tilespmem:s6], [sflag:$0x1] =	stream.indirect.gather [spmem:s2], $0x10, s18, s0, $0xb8;
	[tilespmem:$0x1FC58] =	vst v63  }
0x136: {  	_ =	swait.ge [sflag:s7], $0x1000  }
0x137: {  	[sflag:s7] =	ssyncset.done $0x0  }
0x138: {  	s17 =	simm.s32 $0x100;
	[sflag:s7] =	ssyncadd.s32 $0xFFFFF000  }
0x139: {  	[tilespmem:s8], [sflag:$0x2] =	stream.indirect.gather [spmem:s2], $0x10, s17, s0, $0xb8;
	[tilespmem:$0x1FC58] =	vst v63  }
0x13a: {  	s18 =	simm.s32 $0x2700  }
0x13b: {  	[spmem:s3] =	stream.indirect.scatter.add.f32 [tilespmem:s6], [sflag:$0x3], $0x10, s18, s0, $0xb8;
	[tilespmem:$0x1FC58] =	vst v63  }
0x13c: {  	_ =	swait.ge [sflag:s31], $0x1000  }
0x13d: {  	[sflag:s31] =	ssyncset.done $0x0  }
0x13e: {  	[sflag:s31] =	ssyncadd.s32 $0xFFFFF000  }
0x13f: {  	_ =	swait.ge [sflag:s9], $0x1000  }
0x140: {  	[sflag:s9] =	ssyncset.done $0x0  }
0x141: {  	s17 =	simm.s32 $0x200;
	[sflag:s9] =	ssyncadd.s32 $0xFFFFF000  }
0x142: {  	[tilespmem:s6], [sflag:$0x1] =	stream.indirect.gather [spmem:s2], $0x10, s17, s0, $0xb8;
	[tilespmem:$0x1FC58] =	vst v63  }
0x143: {  	s18 =	simm.s32 $0x2800  }
0x144: {  	[spmem:s3] =	stream.indirect.scatter.add.f32 [tilespmem:s8], [sflag:$0x3], $0x10, s18, s0, $0xb8;
	[tilespmem:$0x1FC58] =	vst v63  }
0x145: {  	_ =	swait.ge [sflag:s31], $0x1000  }
0x146: {  	s16 =	simm.s32 $0x800;
	[sflag:s31] =	ssyncset.done $0x0  }
.LBB2_10:
0x147: {  	p0 =	sne.s32 s16, $0x9000  }
0x148: {  	[sflag:s31] =	ssyncadd.s32 $0xFFFFF000;
	s17 =	smov.u32 s16;
	s16 =	sadd.s32 $0x800, s16  }
0x149: {  	_ = 	snop  }
0x14a: {  	_ =	swait.ge [sflag:s7], $0x1000  }
0x14b: {  	s17 =	sshra.s32 s17, $0x2;
	[sflag:s7] =	ssyncset.done $0x0  }
0x14c: {  	s18 =	sadd.s32 $0x100, s17;
	[sflag:s7] =	ssyncadd.s32 $0xFFFFF000  }
0x14d: {  	[tilespmem:s8], [sflag:$0x2] =	stream.indirect.gather [spmem:s2], $0x10, s18, s0, $0xb8;
	[tilespmem:$0x1FC58] =	vst v63  }
0x14e: {  	s18 =	sadd.s32 $0x2700, s17  }
0x14f: {  	[spmem:s3] =	stream.indirect.scatter.add.f32 [tilespmem:s6], [sflag:$0x3], $0x10, s18, s0, $0xb8;
	[tilespmem:$0x1FC58] =	vst v63  }
0x150: {  	_ =	swait.ge [sflag:s31], $0x1000  }
0x151: {  	[sflag:s31] =	ssyncset.done $0x0  }
0x152: {  	[sflag:s31] =	ssyncadd.s32 $0xFFFFF000  }
0x153: {  	_ =	swait.ge [sflag:s9], $0x1000  }
0x154: {  	[sflag:s9] =	ssyncset.done $0x0  }
0x155: {  	s18 =	sadd.s32 $0x200, s17;
	[sflag:s9] =	ssyncadd.s32 $0xFFFFF000  }
0x156: {  	[tilespmem:s6], [sflag:$0x1] =	stream.indirect.gather [spmem:s2], $0x10, s18, s0, $0xb8;
	[tilespmem:$0x1FC58] =	vst v63  }
.Ltmp4:
0x157: {  	_ = 	snop;
	(pc) =	sbr.rel @p0 .LBB2_10-.Ltmp4, $4  }
0x158: {  	s17 =	sadd.s32 $0x2800, s17  }
0x159: {  	[spmem:s3] =	stream.indirect.scatter.add.f32 [tilespmem:s8], [sflag:$0x3], $0x10, s17, s0, $0xb8;
	[tilespmem:$0x1FC58] =	vst v63  }
0x15a: {  	_ =	swait.ge [sflag:s31], $0x1000  }
0x15b: {  	[sflag:s31] =	ssyncset.done $0x0  }
0x15c: {  	[sflag:s31] =	ssyncadd.s32 $0xFFFFF000  }
0x15d: {  	_ =	swait.ge [sflag:s7], $0x1000  }
0x15e: {  	[sflag:s7] =	ssyncset.done $0x0  }
0x15f: {  	[sflag:s7] =	ssyncadd.s32 $0xFFFFF000  }
0x160: {  	[bflag:$0x0] =	sbarrier.arrive $0xFFFF  }
0x161: {  	s16 =	rddreg [dreg:$0x10]  }
0x162: {  	[hbm:s16], [sflag:s12] =	dma.local [spmem:s13], $0x1880  }
0x163: {  	_ =	swait.ge [sflag:s31], $0x1880  }
0x164: {  	[sflag:s31] =	ssyncset.done $0x0  }
0x165: {  	[sflag:s31] =	ssyncadd.s32 $0xFFFFE780  }
0x166: {  	[bflag:$0x0] =	sbarrier.arrive $0xFFFF  }
0x167: {  	[spmem:s15], [sflag:s12] =	dma.local [hbm:s25], $0x1880  }
0x168: {  	_ =	swait.ge [sflag:s31], $0x1880  }
0x169: {  	[sflag:s31] =	ssyncset.done $0x0  }
0x16a: {  	[sflag:s31] =	ssyncadd.s32 $0xFFFFE780  }
0x16b: {  	[spmem:s13], [sflag:s12] =	dma.local [hbm:s5], $0x1880  }
0x16c: {  	_ =	swait.ge [sflag:s31], $0x1880  }
0x16d: {  	[sflag:s31] =	ssyncset.done $0x0  }
0x16e: {  	[sflag:s31] =	ssyncadd.s32 $0xFFFFE780  }
0x16f: {  	[spmem:s14], [sflag:s12] =	dma.local [hbm:s5], $0x10  }
0x170: {  	_ =	swait.ge [sflag:s31], $0x10  }
0x171: {  	[sflag:s31] =	ssyncset.done $0x0  }
0x172: {  	[sflag:s31] =	ssyncadd.s32 $0xFFFFFFF0  }
0x173: {  	s18 =	simm.s32 $0x0;
	[bflag:$0x0] =	sbarrier.arrive $0xFFFF  }
0x174: {  	[tilespmem:s6], [sflag:$0x1] =	stream.indirect.gather [spmem:s2], $0x10, s18, s0, $0xb8;
	[tilespmem:$0x1FC58] =	vst v63  }
0x175: {  	_ =	swait.ge [sflag:s7], $0x1000  }
0x176: {  	[sflag:s7] =	ssyncset.done $0x0  }
0x177: {  	s17 =	simm.s32 $0x100;
	[sflag:s7] =	ssyncadd.s32 $0xFFFFF000  }
0x178: {  	[tilespmem:s8], [sflag:$0x2] =	stream.indirect.gather [spmem:s2], $0x10, s17, s0, $0xb8;
	[tilespmem:$0x1FC58] =	vst v63  }
0x179: {  	s18 =	simm.s32 $0x2700  }
0x17a: {  	[spmem:s3] =	stream.indirect.scatter.add.f32 [tilespmem:s6], [sflag:$0x3], $0x10, s18, s0, $0xb8;
	[tilespmem:$0x1FC58] =	vst v63  }
0x17b: {  	_ =	swait.ge [sflag:s31], $0x1000  }
0x17c: {  	[sflag:s31] =	ssyncset.done $0x0  }
0x17d: {  	[sflag:s31] =	ssyncadd.s32 $0xFFFFF000  }
0x17e: {  	_ =	swait.ge [sflag:s9], $0x1000  }
0x17f: {  	[sflag:s9] =	ssyncset.done $0x0  }
0x180: {  	s17 =	simm.s32 $0x200;
	[sflag:s9] =	ssyncadd.s32 $0xFFFFF000  }
0x181: {  	[tilespmem:s6], [sflag:$0x1] =	stream.indirect.gather [spmem:s2], $0x10, s17, s0, $0xb8;
	[tilespmem:$0x1FC58] =	vst v63  }
0x182: {  	s18 =	simm.s32 $0x2800  }
0x183: {  	[spmem:s3] =	stream.indirect.scatter.add.f32 [tilespmem:s8], [sflag:$0x3], $0x10, s18, s0, $0xb8;
	[tilespmem:$0x1FC58] =	vst v63  }
0x184: {  	_ =	swait.ge [sflag:s31], $0x1000  }
0x185: {  	s16 =	simm.s32 $0x800;
	[sflag:s31] =	ssyncset.done $0x0  }
.LBB2_12:
0x186: {  	p0 =	sne.s32 s16, $0x9000  }
0x187: {  	[sflag:s31] =	ssyncadd.s32 $0xFFFFF000;
	s17 =	smov.u32 s16;
	s16 =	sadd.s32 $0x800, s16  }
0x188: {  	_ = 	snop  }
0x189: {  	_ =	swait.ge [sflag:s7], $0x1000  }
0x18a: {  	s17 =	sshra.s32 s17, $0x2;
	[sflag:s7] =	ssyncset.done $0x0  }
0x18b: {  	s18 =	sadd.s32 $0x100, s17;
	[sflag:s7] =	ssyncadd.s32 $0xFFFFF000  }
0x18c: {  	[tilespmem:s8], [sflag:$0x2] =	stream.indirect.gather [spmem:s2], $0x10, s18, s0, $0xb8;
	[tilespmem:$0x1FC58] =	vst v63  }
0x18d: {  	s18 =	sadd.s32 $0x2700, s17  }
0x18e: {  	[spmem:s3] =	stream.indirect.scatter.add.f32 [tilespmem:s6], [sflag:$0x3], $0x10, s18, s0, $0xb8;
	[tilespmem:$0x1FC58] =	vst v63  }
0x18f: {  	_ =	swait.ge [sflag:s31], $0x1000  }
0x190: {  	[sflag:s31] =	ssyncset.done $0x0  }
0x191: {  	[sflag:s31] =	ssyncadd.s32 $0xFFFFF000  }
0x192: {  	_ =	swait.ge [sflag:s9], $0x1000  }
0x193: {  	[sflag:s9] =	ssyncset.done $0x0  }
0x194: {  	s18 =	sadd.s32 $0x200, s17;
	[sflag:s9] =	ssyncadd.s32 $0xFFFFF000  }
0x195: {  	[tilespmem:s6], [sflag:$0x1] =	stream.indirect.gather [spmem:s2], $0x10, s18, s0, $0xb8;
	[tilespmem:$0x1FC58] =	vst v63  }
.Ltmp5:
0x196: {  	_ = 	snop;
	(pc) =	sbr.rel @p0 .LBB2_12-.Ltmp5, $4  }
0x197: {  	s17 =	sadd.s32 $0x2800, s17  }
0x198: {  	[spmem:s3] =	stream.indirect.scatter.add.f32 [tilespmem:s8], [sflag:$0x3], $0x10, s17, s0, $0xb8;
	[tilespmem:$0x1FC58] =	vst v63  }
0x199: {  	_ =	swait.ge [sflag:s31], $0x1000  }
0x19a: {  	[sflag:s31] =	ssyncset.done $0x0  }
0x19b: {  	[sflag:s31] =	ssyncadd.s32 $0xFFFFF000  }
0x19c: {  	_ =	swait.ge [sflag:s7], $0x1000  }
0x19d: {  	[sflag:s7] =	ssyncset.done $0x0  }
0x19e: {  	[sflag:s7] =	ssyncadd.s32 $0xFFFFF000  }
0x19f: {  	[bflag:$0x0] =	sbarrier.arrive $0xFFFF  }
0x1a0: {  	[hbm:s19], [sflag:s12] =	dma.local [spmem:s13], $0x1880  }
0x1a1: {  	_ =	swait.ge [sflag:s31], $0x1880  }
0x1a2: {  	[sflag:s31] =	ssyncset.done $0x0  }
0x1a3: {  	[sflag:s31] =	ssyncadd.s32 $0xFFFFE780  }
0x1a4: {  	[bflag:$0x0] =	sbarrier.arrive $0xFFFF  }
0x1a5: {  	[spmem:s15], [sflag:s12] =	dma.local [hbm:s26], $0x1880  }
0x1a6: {  	_ =	swait.ge [sflag:s31], $0x1880  }
0x1a7: {  	[sflag:s31] =	ssyncset.done $0x0  }
0x1a8: {  	[sflag:s31] =	ssyncadd.s32 $0xFFFFE780  }
0x1a9: {  	[spmem:s13], [sflag:s12] =	dma.local [hbm:s5], $0x1880  }
0x1aa: {  	_ =	swait.ge [sflag:s31], $0x1880  }
0x1ab: {  	[sflag:s31] =	ssyncset.done $0x0  }
0x1ac: {  	[sflag:s31] =	ssyncadd.s32 $0xFFFFE780  }
0x1ad: {  	[spmem:s14], [sflag:s12] =	dma.local [hbm:s5], $0x10  }
0x1ae: {  	_ =	swait.ge [sflag:s31], $0x10  }
0x1af: {  	[sflag:s31] =	ssyncset.done $0x0  }
0x1b0: {  	[sflag:s31] =	ssyncadd.s32 $0xFFFFFFF0  }
0x1b1: {  	s16 =	simm.s32 $0x0;
	[bflag:$0x0] =	sbarrier.arrive $0xFFFF  }
0x1b2: {  	[tilespmem:s6], [sflag:$0x1] =	stream.indirect.gather [spmem:s2], $0x10, s16, s0, $0xb8;
	[tilespmem:$0x1FC58] =	vst v63  }
0x1b3: {  	_ =	swait.ge [sflag:s7], $0x1000  }
0x1b4: {  	[sflag:s7] =	ssyncset.done $0x0  }
0x1b5: {  	s17 =	simm.s32 $0x100;
	[sflag:s7] =	ssyncadd.s32 $0xFFFFF000  }
0x1b6: {  	[tilespmem:s8], [sflag:$0x2] =	stream.indirect.gather [spmem:s2], $0x10, s17, s0, $0xb8;
	[tilespmem:$0x1FC58] =	vst v63  }
0x1b7: {  	s18 =	simm.s32 $0x2700  }
0x1b8: {  	[spmem:s3] =	stream.indirect.scatter.add.f32 [tilespmem:s6], [sflag:$0x3], $0x10, s18, s0, $0xb8;
	[tilespmem:$0x1FC58] =	vst v63  }
0x1b9: {  	_ =	swait.ge [sflag:s31], $0x1000  }
0x1ba: {  	[sflag:s31] =	ssyncset.done $0x0  }
0x1bb: {  	[sflag:s31] =	ssyncadd.s32 $0xFFFFF000  }
0x1bc: {  	_ =	swait.ge [sflag:s9], $0x1000  }
0x1bd: {  	[sflag:s9] =	ssyncset.done $0x0  }
0x1be: {  	s17 =	simm.s32 $0x200;
	[sflag:s9] =	ssyncadd.s32 $0xFFFFF000  }
0x1bf: {  	[tilespmem:s6], [sflag:$0x1] =	stream.indirect.gather [spmem:s2], $0x10, s17, s0, $0xb8;
	[tilespmem:$0x1FC58] =	vst v63  }
0x1c0: {  	s18 =	simm.s32 $0x2800  }
0x1c1: {  	[spmem:s3] =	stream.indirect.scatter.add.f32 [tilespmem:s8], [sflag:$0x3], $0x10, s18, s0, $0xb8;
	[tilespmem:$0x1FC58] =	vst v63  }
0x1c2: {  	_ =	swait.ge [sflag:s31], $0x1000  }
0x1c3: {  	s16 =	simm.s32 $0x800;
	[sflag:s31] =	ssyncset.done $0x0  }
.LBB2_14:
0x1c4: {  	p0 =	sne.s32 s16, $0x9000  }
0x1c5: {  	[sflag:s31] =	ssyncadd.s32 $0xFFFFF000;
	s17 =	smov.u32 s16;
	s16 =	sadd.s32 $0x800, s16  }
0x1c6: {  	_ = 	snop  }
0x1c7: {  	_ =	swait.ge [sflag:s7], $0x1000  }
0x1c8: {  	s17 =	sshra.s32 s17, $0x2;
	[sflag:s7] =	ssyncset.done $0x0  }
0x1c9: {  	s18 =	sadd.s32 $0x100, s17;
	[sflag:s7] =	ssyncadd.s32 $0xFFFFF000  }
0x1ca: {  	[tilespmem:s8], [sflag:$0x2] =	stream.indirect.gather [spmem:s2], $0x10, s18, s0, $0xb8;
	[tilespmem:$0x1FC58] =	vst v63  }
0x1cb: {  	s18 =	sadd.s32 $0x2700, s17  }
0x1cc: {  	[spmem:s3] =	stream.indirect.scatter.add.f32 [tilespmem:s6], [sflag:$0x3], $0x10, s18, s0, $0xb8;
	[tilespmem:$0x1FC58] =	vst v63  }
0x1cd: {  	_ =	swait.ge [sflag:s31], $0x1000  }
0x1ce: {  	[sflag:s31] =	ssyncset.done $0x0  }
0x1cf: {  	[sflag:s31] =	ssyncadd.s32 $0xFFFFF000  }
0x1d0: {  	_ =	swait.ge [sflag:s9], $0x1000  }
0x1d1: {  	[sflag:s9] =	ssyncset.done $0x0  }
0x1d2: {  	s18 =	sadd.s32 $0x200, s17;
	[sflag:s9] =	ssyncadd.s32 $0xFFFFF000  }
0x1d3: {  	[tilespmem:s6], [sflag:$0x1] =	stream.indirect.gather [spmem:s2], $0x10, s18, s0, $0xb8;
	[tilespmem:$0x1FC58] =	vst v63  }
.Ltmp6:
0x1d4: {  	_ = 	snop;
	(pc) =	sbr.rel @p0 .LBB2_14-.Ltmp6, $4  }
0x1d5: {  	s17 =	sadd.s32 $0x2800, s17  }
0x1d6: {  	[spmem:s3] =	stream.indirect.scatter.add.f32 [tilespmem:s8], [sflag:$0x3], $0x10, s17, s0, $0xb8;
	[tilespmem:$0x1FC58] =	vst v63  }
0x1d7: {  	_ =	swait.ge [sflag:s31], $0x1000  }
0x1d8: {  	[sflag:s31] =	ssyncset.done $0x0  }
0x1d9: {  	[sflag:s31] =	ssyncadd.s32 $0xFFFFF000  }
0x1da: {  	_ =	swait.ge [sflag:s7], $0x1000  }
0x1db: {  	[sflag:s7] =	ssyncset.done $0x0  }
0x1dc: {  	[sflag:s7] =	ssyncadd.s32 $0xFFFFF000  }
0x1dd: {  	[bflag:$0x0] =	sbarrier.arrive $0xFFFF  }
0x1de: {  	[hbm:s20], [sflag:s12] =	dma.local [spmem:s13], $0x1880  }
0x1df: {  	_ =	swait.ge [sflag:s31], $0x1880  }
0x1e0: {  	[sflag:s31] =	ssyncset.done $0x0  }
0x1e1: {  	[sflag:s31] =	ssyncadd.s32 $0xFFFFE780  }
0x1e2: {  	[bflag:$0x0] =	sbarrier.arrive $0xFFFF  }
0x1e3: {  	[spmem:s15], [sflag:s12] =	dma.local [hbm:s28], $0x1880  }
0x1e4: {  	_ =	swait.ge [sflag:s31], $0x1880  }
0x1e5: {  	[sflag:s31] =	ssyncset.done $0x0  }
0x1e6: {  	[sflag:s31] =	ssyncadd.s32 $0xFFFFE780  }
0x1e7: {  	[spmem:s13], [sflag:s12] =	dma.local [hbm:s5], $0x1880  }
0x1e8: {  	_ =	swait.ge [sflag:s31], $0x1880  }
0x1e9: {  	[sflag:s31] =	ssyncset.done $0x0  }
0x1ea: {  	[sflag:s31] =	ssyncadd.s32 $0xFFFFE780  }
0x1eb: {  	[spmem:s14], [sflag:s12] =	dma.local [hbm:s5], $0x10  }
0x1ec: {  	_ =	swait.ge [sflag:s31], $0x10  }
0x1ed: {  	[sflag:s31] =	ssyncset.done $0x0  }
0x1ee: {  	[sflag:s31] =	ssyncadd.s32 $0xFFFFFFF0  }
0x1ef: {  	s17 =	simm.s32 $0x0;
	[bflag:$0x0] =	sbarrier.arrive $0xFFFF  }
0x1f0: {  	[tilespmem:s6], [sflag:$0x1] =	stream.indirect.gather [spmem:s2], $0x10, s17, s0, $0xb8;
	[tilespmem:$0x1FC58] =	vst v63  }
0x1f1: {  	_ =	swait.ge [sflag:s7], $0x1000  }
0x1f2: {  	[sflag:s7] =	ssyncset.done $0x0  }
0x1f3: {  	s18 =	simm.s32 $0x100;
	[sflag:s7] =	ssyncadd.s32 $0xFFFFF000  }
0x1f4: {  	[tilespmem:s8], [sflag:$0x2] =	stream.indirect.gather [spmem:s2], $0x10, s18, s0, $0xb8;
	[tilespmem:$0x1FC58] =	vst v63  }
0x1f5: {  	s16 =	simm.s32 $0x2700  }
0x1f6: {  	[spmem:s3] =	stream.indirect.scatter.add.f32 [tilespmem:s6], [sflag:$0x3], $0x10, s16, s0, $0xb8;
	[tilespmem:$0x1FC58] =	vst v63  }
0x1f7: {  	_ =	swait.ge [sflag:s31], $0x1000  }
0x1f8: {  	[sflag:s31] =	ssyncset.done $0x0  }
0x1f9: {  	[sflag:s31] =	ssyncadd.s32 $0xFFFFF000  }
0x1fa: {  	_ =	swait.ge [sflag:s9], $0x1000  }
0x1fb: {  	[sflag:s9] =	ssyncset.done $0x0  }
0x1fc: {  	s17 =	simm.s32 $0x200;
	[sflag:s9] =	ssyncadd.s32 $0xFFFFF000  }
0x1fd: {  	[tilespmem:s6], [sflag:$0x1] =	stream.indirect.gather [spmem:s2], $0x10, s17, s0, $0xb8;
	[tilespmem:$0x1FC58] =	vst v63  }
0x1fe: {  	s18 =	simm.s32 $0x2800  }
0x1ff: {  	[spmem:s3] =	stream.indirect.scatter.add.f32 [tilespmem:s8], [sflag:$0x3], $0x10, s18, s0, $0xb8;
	[tilespmem:$0x1FC58] =	vst v63  }
0x200: {  	_ =	swait.ge [sflag:s31], $0x1000  }
0x201: {  	s15 =	simm.s32 $0x800;
	[sflag:s31] =	ssyncset.done $0x0  }
.LBB2_16:
0x202: {  	p0 =	sne.s32 s15, $0x9000  }
0x203: {  	[sflag:s31] =	ssyncadd.s32 $0xFFFFF000;
	s16 =	smov.u32 s15;
	s15 =	sadd.s32 $0x800, s15  }
0x204: {  	_ = 	snop  }
0x205: {  	_ =	swait.ge [sflag:s7], $0x1000  }
0x206: {  	s16 =	sshra.s32 s16, $0x2;
	[sflag:s7] =	ssyncset.done $0x0  }
0x207: {  	s17 =	sadd.s32 $0x100, s16;
	[sflag:s7] =	ssyncadd.s32 $0xFFFFF000  }
0x208: {  	[tilespmem:s8], [sflag:$0x2] =	stream.indirect.gather [spmem:s2], $0x10, s17, s0, $0xb8;
	[tilespmem:$0x1FC58] =	vst v63  }
0x209: {  	s17 =	sadd.s32 $0x2700, s16  }
0x20a: {  	[spmem:s3] =	stream.indirect.scatter.add.f32 [tilespmem:s6], [sflag:$0x3], $0x10, s17, s0, $0xb8;
	[tilespmem:$0x1FC58] =	vst v63  }
0x20b: {  	_ =	swait.ge [sflag:s31], $0x1000  }
0x20c: {  	[sflag:s31] =	ssyncset.done $0x0  }
0x20d: {  	[sflag:s31] =	ssyncadd.s32 $0xFFFFF000  }
0x20e: {  	_ =	swait.ge [sflag:s9], $0x1000  }
0x20f: {  	[sflag:s9] =	ssyncset.done $0x0  }
0x210: {  	s17 =	sadd.s32 $0x200, s16;
	[sflag:s9] =	ssyncadd.s32 $0xFFFFF000  }
0x211: {  	[tilespmem:s6], [sflag:$0x1] =	stream.indirect.gather [spmem:s2], $0x10, s17, s0, $0xb8;
	[tilespmem:$0x1FC58] =	vst v63  }
.Ltmp7:
0x212: {  	_ = 	snop;
	(pc) =	sbr.rel @p0 .LBB2_16-.Ltmp7, $4  }
0x213: {  	s16 =	sadd.s32 $0x2800, s16  }
0x214: {  	[spmem:s3] =	stream.indirect.scatter.add.f32 [tilespmem:s8], [sflag:$0x3], $0x10, s16, s0, $0xb8;
	[tilespmem:$0x1FC58] =	vst v63  }
0x215: {  	_ =	swait.ge [sflag:s31], $0x1000  }
0x216: {  	[sflag:s31] =	ssyncset.done $0x0  }
0x217: {  	[sflag:s31] =	ssyncadd.s32 $0xFFFFF000  }
0x218: {  	_ =	swait.ge [sflag:s7], $0x1000  }
0x219: {  	[sflag:s7] =	ssyncset.done $0x0  }
0x21a: {  	[sflag:s7] =	ssyncadd.s32 $0xFFFFF000  }
0x21b: {  	[bflag:$0x0] =	sbarrier.arrive $0xFFFF  }
0x21c: {  	[hbm:s21], [sflag:s12] =	dma.local [spmem:s13], $0x1880  }
0x21d: {  	_ =	swait.ge [sflag:s31], $0x1880  }
0x21e: {  	[sflag:s31] =	ssyncset.done $0x0  }
0x21f: {  	[sflag:s31] =	ssyncadd.s32 $0xFFFFE780  }
0x220: {  	[bflag:$0x0] =	sbarrier.arrive $0xFFFF  }
0x221: {  	[spmem:s13], [sflag:s12] =	dma.local [hbm:s5], $0x1880  }
0x222: {  	_ =	swait.ge [sflag:s31], $0x1880  }
0x223: {  	[sflag:s31] =	ssyncset.done $0x0  }
0x224: {  	[sflag:s31] =	ssyncadd.s32 $0xFFFFE780  }
0x225: {  	[spmem:s14], [sflag:s12] =	dma.local [hbm:s5], $0x10  }
0x226: {  	_ =	swait.ge [sflag:s31], $0x10  }
0x227: {  	[sflag:s31] =	ssyncset.done $0x0  }
0x228: {  	[sflag:s31] =	ssyncadd.s32 $0xFFFFFFF0  }
0x229: {  	s18 =	simm.s32 $0x2700;
	[bflag:$0x0] =	sbarrier.arrive $0xFFFF  }
0x22a: {  	[spmem:s3] =	stream.indirect.scatter.add.f32 [tilespmem:s1], [sflag:$0x3], $0x10, s18, s10, $0xb8;
	[tilespmem:$0x1FC58] =	vst v63  }
0x22b: {  	s14 =	simm.s32 $0x200;
	_ =	swait.ge [sflag:s31], $0x800  }
.LBB2_18:
0x22c: {  	s15 =	sshra.s32 s14, $0x2;
	[sflag:s31] =	ssyncset.done $0x0;
	p0 =	sne.s32 s14, $0x9600  }
.Ltmp8:
0x22d: {  	s15 =	sadd.s32 $0x2700, s15;
	[sflag:s31] =	ssyncadd.s32 $0xFFFFF800;
	(pc) =	sbr.rel @p0 .LBB2_18-.Ltmp8, $3  }
0x22e: {  	[spmem:s3] =	stream.indirect.scatter.add.f32 [tilespmem:s1], [sflag:$0x3], $0x10, s15, s10, $0xb8;
	[tilespmem:$0x1FC58] =	vst v63  }
0x22f: {  	s14 =	sadd.s32 $0x200, s14;
	_ =	sdelay $0x1  }
0x230: {  	_ =	swait.ge [sflag:s31], $0x800  }
0x231: {  	[sflag:s31] =	ssyncset.done $0x0  }
0x232: {  	s11 =	sadd.s32 $0x1, s11;
	[sflag:s31] =	ssyncadd.s32 $0xFFFFF800  }
0x233: {  	p0 =	sne.s32 s11, s29;
	[bflag:$0x0] =	sbarrier.arrive $0xFFFF  }
0x234: {  	[hbm:s22], [sflag:s12] =	dma.local [spmem:s13], $0x1880  }
.Ltmp9:
0x235: {  	_ =	swait.ge [sflag:s31], $0x1880;
	(pc) =	sbr.rel @p0 .LBB2_1-.Ltmp9, $3  }
0x236: {  	[sflag:s31] =	ssyncset.done $0x0  }
0x237: {  	[sflag:s31] =	ssyncadd.s32 $0xFFFFE780  }
0x238: {  	[bflag:$0x0] =	sbarrier.arrive $0xFFFF;
	_ =	sdelay $0x1  }
0x239: {  	_ =	sfence.sel $0x180000  }
0x23a: {  	[bflag:$0x0] =	sbarrier.arrive $0xFFFF  }
0x23b: {  	_ =	strace $0x9000004A  }
0x23c: {  	s0 =	stileid.u32;
	[bflag:$0x2] =	sbarrier.arrive $0xFFFF  }
0x23d: {  	p0 =	sne.s32 s0, $0x0;
	s0 =	rddreg [dreg:$0x3]  }
0x23e: {  	s0 =	sadd.s32 @!p0 $0x100000, s0  }
0x23f: {  	[sflag:s0] =	ssyncadd.tile.s32 @!p0 $0x1;
	_ =	shalt  }
.Lfunc_end2:
_tile_overlayer_lowered:
.L_overlay_start_2:
0x240: {  	(tag) =	ssettag $0x2  }
0x241: {  	s0 =	rddreg [dreg:$0x0];
	s2 =	stileid.u32  }
0x242: {  	s1 =	rddreg [dreg:$0x1];
	p0 =	sne.s32 s2, $0x0  }
0x243: {  	s3 =	rddreg [dreg:$0x2];
	[bflag:$0x3] =	sbarrier.arrive $0xFFFF;
	s2 =	simm.s32 @!p0 $0x1C03  }
0x244: {  	[timem:s3], [sflag:s2] =	dma.local @!p0 [hbm:s0], s1  }
0x245: {  	s0 =	simm.s32 @!p0 $0x3  }
0x246: {  	_ =	swait.ge @!p0 [sflag:s0], s1  }
0x247: {  	s1 =	ssub.s32 @!p0 $0x0, s1;
	[sflag:s0] =	ssyncset.done @!p0 $0x0  }
0x248: {  	[sflag:s0] =	ssyncadd.s32 @!p0 s1  }
0x249: {  	[bflag:$0x3] =	sbarrier.arrive $0xFFFF  }
0x24a: {  	_ =	shalt  }

// kernel: kernel.7.cloned.1.call-start
scs
__scs_entry_jumppad:
0x0: {  	(pc) =	sbr.rel $0x88, $3  }
0x1: {  	(tag) =	ssettag $0x0;
	lr =	simm.s32 $0x1  }
0x2: {  	[smem:$0x3F98] =	sst lr;
	_ =	strace $0xD0000000  }
0x3: {  	_ = 	snop  }
0x4: {  	_ = 	snop  }
0x5: {  	_ = 	snop  }
0x6: {  	_ = 	snop  }
0x7: {  	_ = 	snop  }
__scs_overlays_trampoline_lowered:
0x8: {  	[smem:$0x3FA7] =	sst s0  }
0x9: {  	[smem:$0x3FA8] =	sst s1  }
0xa: {  	[smem:$0x3FA9] =	sst s2  }
0xb: {  	[smem:$0x3FAA] =	sst s3  }
0xc: {  	[smem:$0x3FAB] =	sst s4  }
0xd: {  	[smem:$0x3FAC] =	sst s5  }
0xe: {  	[smem:$0x3FAD] =	sst s6  }
0xf: {  	[smem:$0x3FAE] =	sst s7  }
0x10: {  	[smem:$0x3FAF] =	sst s8  }
0x11: {  	[smem:$0x3FB0] =	sst s9;
	s0 =	simm.s32 @!p0 $0x0  }
0x12: {  	s1 =	sld [smem:$0x3F96];
	s0 =	simm.s32 @p0 $0x1  }
0x13: {  	[smem:$0x3FB1] =	sst s0;
	s0 =	simm.s32 @!p1 $0x0  }
0x14: {  	s2 =	sld [smem:$0x3F95];
	s0 =	simm.s32 @p1 $0x1  }
0x15: {  	[smem:$0x3FB2] =	sst s0;
	s0 =	simm.s32 @!p2 $0x0  }
0x16: {  	s3 =	sld [smem:$0x3FDB];
	s0 =	simm.s32 @p2 $0x1  }
0x17: {  	s4 =	simm.s32 $0x1BF5;
	[smem:$0x3FB4] =	sst s0  }
0x18: {  	s0 =	sld [smem:$0x3F97];
	_ =	swait.ge [sflag:s4], $0x0  }
0x19: {  	s7 =	sld [smem:$0x3F98]  }
0x1a: {  	s8 =	sadd.s32 $0xFFFFE003, lr  }
0x1b: {  	s9 =	sadd.s32 $0xFFFFFEF7, lr;
	s5 =	simm.s32 $0xFFFFFFFF;
	p2 =	slt.u32 s8, $0xFFFFF086  }
0x1c: {  	p1 =	slt.u32 s9, $0xF7A;
	s5 =	simm.s32 @!p2 $0x0  }
0x1d: {  	s5 =	simm.s32 @p1 $0x1;
	p0 =	seq.s32 s7, s2  }
0x1e: {  	s7 =	smul.u32 @!p0 $0xF7A, s2;
	p2 =	seq.s32 @!p0 s5, $0x0  }
0x1f: {  	s9 =	smul.u32 $0xF7A, s1;
	s8 =	simm.s32 @!p0 $0x1BF5;
	p2 =	por !p2, p0  }
0x20: {  	[sflag:s8] =	ssyncset.s32 @!p0 $0xFFFFF086;
	s6 =	sadd.s32 @!p0 s3, s7;
	s7 =	simm.s32 @!p0 $0x108  }
0x21: {  	s3 =	sadd.s32 s3, s9;
	s6 =	sadd.s32 @!p0 $0x88, s6;
	s7 =	simm.s32 @p2 $0x1082  }
0x22: {  	[simem:s7], [sflag:s8] =	dma.local @!p0 [hbm:s6], $0xF7A  }
0x23: {  	s9 =	sor.u32 $0xD0000000, s2;
	s6 =	simm.s32 $0x108;
	_ =	swait.ge @!p0 [sflag:s8], $0x0  }
0x24: {  	s3 =	sadd.s32 $0x88, s3;
	s6 =	simm.s32 @!p1 $0x1082;
	[sflag:s4] =	ssyncset.s32 $0xFFFFF086  }
0x25: {  	[simem:s6], [sflag:s4] =	dma.local [hbm:s3], $0xF7A  }
0x26: {  	[smem:$0x3F98] =	sst s1;
	(tag) =	ssettag s2;
	_ =	strace s9  }
0x27: {  	s1 =	sld [smem:$0x3FA8]  }
0x28: {  	s2 =	sld [smem:$0x3FA9]  }
0x29: {  	s4 =	sld [smem:$0x3FAB]  }
0x2a: {  	p0 =	seq.s32 s5, $0x0;
	s5 =	sld [smem:$0x3FAC]  }
0x2b: {  	s6 =	sld [smem:$0x3FAD]  }
0x2c: {  	s7 =	sld [smem:$0x3FAE]  }
0x2d: {  	s3 =	simm.s32 $0x108;
	s8 =	sld [smem:$0x3FAF]  }
0x2e: {  	s3 =	simm.s32 @!p0 $0x1082;
	s9 =	sld [smem:$0x3FB0]  }
0x2f: {  	lr =	sadd.s32 s0, s3;
	s0 =	sld [smem:$0x3FA7]  }
0x30: {  	s3 =	sld [smem:$0x3FAA]  }
0x31: {  	[smem:$0x3FB3] =	sst s10  }
0x32: {  	s10 =	sld [smem:$0x3FB1];
	_ =	sdelay $0x3  }
0x33: {  	p0 =	seq.s32 s10, $0x1;
	s10 =	sld [smem:$0x3FB3];
	_ =	sdelay $0x3  }
0x34: {  	[smem:$0x3FB3] =	sst s10  }
0x35: {  	s10 =	sld [smem:$0x3FB2];
	_ =	sdelay $0x3  }
0x36: {  	p1 =	seq.s32 s10, $0x1;
	s10 =	sld [smem:$0x3FB3];
	_ =	sdelay $0x3  }
0x37: {  	[smem:$0x3FB3] =	sst s10  }
0x38: {  	s10 =	sld [smem:$0x3FB4]  }
0x39: {  	_ = 	snop;
	(pc) =	sbr.ind lr, $3  }
0x3a: {  	_ = 	snop  }
0x3b: {  	_ = 	snop  }
0x3c: {  	p2 =	seq.s32 s10, $0x1;
	s10 =	sld [smem:$0x3FB3]  }
0x3d: {  	_ =	shalt  }
0x3e: {  	_ =	shalt  }
0x3f: {  	_ =	shalt  }
0x40: {  	_ =	shalt  }
0x41: {  	_ =	shalt  }
0x42: {  	_ =	shalt  }
0x43: {  	_ =	shalt  }
0x44: {  	_ =	shalt  }
0x45: {  	_ =	shalt  }
0x46: {  	_ =	shalt  }
0x47: {  	_ =	shalt  }
0x48: {  	_ =	shalt  }
0x49: {  	_ =	shalt  }
0x4a: {  	_ =	shalt  }
0x4b: {  	_ =	shalt  }
0x4c: {  	_ =	shalt  }
0x4d: {  	_ =	shalt  }
0x4e: {  	_ =	shalt  }
0x4f: {  	_ =	shalt  }
0x50: {  	_ =	shalt  }
0x51: {  	_ =	shalt  }
0x52: {  	_ =	shalt  }
0x53: {  	_ =	shalt  }
0x54: {  	_ =	shalt  }
0x55: {  	_ =	shalt  }
0x56: {  	_ =	shalt  }
0x57: {  	_ =	shalt  }
0x58: {  	_ =	shalt  }
0x59: {  	_ =	shalt  }
0x5a: {  	_ =	shalt  }
0x5b: {  	_ =	shalt  }
0x5c: {  	_ =	shalt  }
0x5d: {  	_ =	shalt  }
0x5e: {  	_ =	shalt  }
0x5f: {  	_ =	shalt  }
0x60: {  	_ =	shalt  }
0x61: {  	_ =	shalt  }
0x62: {  	_ =	shalt  }
0x63: {  	_ =	shalt  }
0x64: {  	_ =	shalt  }
0x65: {  	_ =	shalt  }
0x66: {  	_ =	shalt  }
0x67: {  	_ =	shalt  }
0x68: {  	_ =	shalt  }
0x69: {  	_ =	shalt  }
0x6a: {  	_ =	shalt  }
0x6b: {  	_ =	shalt  }
0x6c: {  	_ =	shalt  }
0x6d: {  	_ =	shalt  }
0x6e: {  	_ =	shalt  }
0x6f: {  	_ =	shalt  }
0x70: {  	_ =	shalt  }
0x71: {  	_ =	shalt  }
0x72: {  	_ =	shalt  }
0x73: {  	_ =	shalt  }
0x74: {  	_ =	shalt  }
0x75: {  	_ =	shalt  }
0x76: {  	_ =	shalt  }
0x77: {  	_ =	shalt  }
0x78: {  	_ =	shalt  }
0x79: {  	_ =	shalt  }
0x7a: {  	_ =	shalt  }
0x7b: {  	_ =	shalt  }
0x7c: {  	_ =	shalt  }
0x7d: {  	_ =	shalt  }
0x7e: {  	_ =	shalt  }
0x7f: {  	_ =	shalt  }
0x80: {  	_ =	shalt  }
0x81: {  	_ =	shalt  }
0x82: {  	_ =	shalt  }
0x83: {  	_ =	shalt  }
0x84: {  	_ =	shalt  }
0x85: {  	_ =	shalt  }
0x86: {  	_ =	shalt  }
0x87: {  	_ =	shalt  }
.Lfunc_end0:
.L_simem_size_0:
called_computation_lowered:
.L_overlay_start_0:
0x88: {  	s2 =	sld [smem:$0x3FD9]  }
0x89: {  	s3 =	sld [smem:$0x3FFE];
	_ =	sdelay $0x1  }
0x8a: {  	s1 =	srdreg.scid  }
0x8b: {  	s0 =	sand.u32 $0x1, s1  }
0x8c: {  	s17 =	sshll.u32 s0, $0xA;
	s2 =	sadd.s32 s3, s2  }
0x8d: {  	s2 =	sadd.s32 s2, s17  }
0x8e: {  	[smem:$0x3FBF] =	sst s2  }
0x8f: {  	_ = 	snop  }
0x90: {  	s2 =	sld [smem:$0x3FD0];
	(tm) =	ssettm $0x1  }
0x91: {  	s18 =	sld [smem:$0x3FFB];
	_ =	sdelay $0x3  }
0x92: {  	_ =	strace s18  }
0x93: {  	s3 =	sld [smem:$0x3FFC];
	_ =	sdelay $0x3  }
0x94: {  	_ =	strace s3  }
0x95: {  	s3 =	sld [smem:$0x3FFD];
	_ =	sdelay $0x3  }
0x96: {  	_ =	strace s3  }
0x97: {  	_ =	strace $0x8FFFFFFF  }
0x98: {  	s19 =	sld [smem:$0x3FDB];
	_ =	sdelay $0x1  }
0x99: {  	s4 =	simm.s32 $_scs_section_size  }
0x9a: {  	s5 =	simm.s32 $_size__tile_overlayer_lowered;
	s6 =	simm.s32 $_tile_overlayer_lowered  }
0x9b: {  	s22 =	simm.s32 $0x1BFF;
	s21 =	sshll.u32 s6, $0x1;
	s3 =	sadd.s32 s4, s19  }
0x9c: {  	s7 =	simm.s32 $0x0;
	s20 =	sshll.u32 s5, $0x1;
	s5 =	sadd.s32 s21, s3  }
0x9d: {  	[timem:s7], [sflag:s22] =	dma.local [hbm:s5], s20  }
0x9e: {  	_ =	swait.ge [sflag:s22], s20  }
0x9f: {  	s4 =	ssub.s32 $0x0, s20;
	[sflag:s22] =	ssyncset.done $0x0  }
0xa0: {  	[sflag:s22] =	ssyncadd.s32 s4;
	_ =	sdelay $0x1  }
0xa1: {  	s23 =	simm.s32 $0x1B8B  }
0xa2: {  	_ =	swait.ge [sflag:s23], $0x1  }
0xa3: {  	[sflag:s23] =	ssyncset.done $0x0  }
0xa4: {  	s25 =	simm.s32 $0x1B8E;
	s24 =	sld [smem:$0x3FFE];
	[sflag:s23] =	ssyncadd.s32 $0xFFFFFFFF  }
0xa5: {  	s26 =	simm.s32 $execute0_lowered;
	[smem:$0x3FD2] =	sst s25  }
0xa6: {  	s5 =	sshll.u32 s26, $0x1;
	_ =	strace $0x80000046;
	[dreg:$0x1] =	wrdreg $0xFFFFFFFF  }
0xa7: {  	s28 =	simm.s32 $_size_execute0_lowered;
	s3 =	sadd.s32 s3, s5;
	[dreg:$0x0] =	wrdreg $0x0  }
0xa8: {  	s5 =	sshll.u32 s28, $0x1;
	[dreg:$0x2] =	wrdreg s3  }
0xa9: {  	[dreg:$0x3] =	wrdreg s5  }
0xaa: {  	[dreg:$0x4] =	wrdreg $0xC0  }
0xab: {  	_ =	task [dreg:s7], $0x5FFFF  }
0xac: {  	[dreg:$0x1] =	wrdreg $0xFFFFFFFF  }
0xad: {  	[dreg:$0x0] =	wrdreg $0x60  }
0xae: {  	[dreg:$0x2] =	wrdreg s24  }
0xaf: {  	[dreg:$0x3] =	wrdreg s2  }
0xb0: {  	[dreg:$0x4] =	wrdreg $0x75000  }
0xb1: {  	[dreg:$0x5] =	wrdreg $0x138500  }
0xb2: {  	[dreg:$0x6] =	wrdreg $0x9  }
0xb3: {  	_ =	task.clear_ibuf [dreg:s7], $0x7FFFF;
	_ =	strace $0x90000046  }
0xb4: {  	s29 =	simm.s32 $0x9;
	_ =	strace $0x80000048  }
0xb5: {  	_ =	swait.ge [sflag:s29], $0x1  }
0xb6: {  	[sflag:s29] =	ssyncadd.s32 $0xFFFFFFFF  }
0xb7: {  	_ =	strace $0x90000048  }
0xb8: {  	_ =	sfence  }
0xb9: {  	s30 =	sld [smem:$0x0];
	_ =	sdelay $0x2  }
0xba: {  	s31 =	sshll.u32 s1, $0xD;
	s1 =	sshrl.u32 s1, $0x2  }
0xbb: {  	s3 =	sand.u32 $0x4000, s31;
	s1 =	sadd.s32 s1, s30  }
0xbc: {  	s0 =	sor.u32 s3, s0;
	s1 =	sshll.u32 s1, $0x11  }
0xbd: {  	s0 =	sor.u32 s1, s0  }
0xbe: {  	s0 =	sadd.s32 $0x8F2B, s0  }
0xbf: {  	[sflag:s0] =	ssyncadd.remote.s32 $0x1  }
0xc0: {  	_ =	sfence.sel $0xFFFF  }
0xc1: {  	[dreg:$0x0] =	wrdreg $0xFFFFFFFF;
	(pc) =	sbr.abs _section_cstart, $3  }
0xc2: {  	[dreg:$0x1] =	wrdreg $0xFFFFFFFF  }
0xc3: {  	_ =	task.clear_ibuf [dreg:s7], $0x2FFFF;
	_ =	strace $0x9FFFFFFF  }
0xc4: {  	(tm) =	ssettm $0x7FFFFFFF  }
0xc5: {  	_ =	shalt  }
tec
execute0_lowered:
.L_overlay_start_1:
0x0: {  	(tag) =	ssettag $0x1  }
0x1: {  	s0 =	rddreg [dreg:$0x0]  }
0x2: {  	s1 =	rddreg [dreg:$0x1];
	s3 =	srdreg.scid  }
0x3: {  	s2 =	rddreg [dreg:$0x2];
	s13 =	stileid.u32  }
0x4: {  	s4 =	simm.s32 $0x0;
	s5 =	sand.u32 $0x1, s3;
	s3 =	rddreg [dreg:$0x3]  }
0x5: {  	s31 =	simm.s32 $0x3;
	s6 =	smul.u32 $0xC40, s13;
	[smem:$0x7FF] =	sst s4  }
0x6: {  	s14 =	sadd.s32 $0xC0E00, s0;
	s26 =	smul.u32 $0xC400, s13;
	s7 =	sshll.u32 s5, $0x4  }
0x7: {  	_ =	strace $0x80000047;
	s9 =	smul.u32 $0xC4000, s5;
	s11 =	ssub.s32 $0x2, s5  }
0x8: {  	s5 =	sadd.s32 $0xBF400, s0;
	[dreg:$0x5] =	wrdreg s14;
	s30 =	sadd.s32 $0xC4000, s3  }
0x9: {  	s7 =	sor.u32 s13, s7;
	s6 =	smin.u32 s6, $0xB710;
	s12 =	sshrl.u32 s11, $0x1  }
0xa: {  	s13 =	sadd.s32 s26, s3;
	s7 =	smul.u32 $0x4C0, s7;
	s8 =	sshll.u32 s6, $0x1  }
0xb: {  	s9 =	sshrl.u32 s9, $0x3;
	s25 =	sshll.u32 s6, $0x4;
	[dreg:$0xa] =	wrdreg s13  }
0xc: {  	s6 =	sshrl.u32 s26, $0x3;
	s8 =	sadd.s32 s8, s0;
	s10 =	sadd.s32 s7, s0  }
0xd: {  	s0 =	sadd.s32 s9, s0;
	s9 =	ssub.s32 s11, s12;
	s1 =	sadd.s32 s1, s7  }
0xe: {  	s12 =	sadd.s32 $0x9D400, s8;
	s15 =	sadd.s32 $0x84C00, s8;
	s17 =	sadd.s32 $0x6C400, s8  }
0xf: {  	s28 =	sadd.s32 $0x625400, s8;
	s7 =	simm.s32 $0x1;
	[dreg:$0x6] =	wrdreg s1  }
0x10: {  	s11 =	sadd.s32 $0xB5C00, s10;
	s1 =	sadd.s32 s25, s2;
	[dreg:$0x9] =	wrdreg s12  }
0x11: {  	s14 =	sadd.s32 $0xC1000, s0;
	[dreg:$0xb] =	wrdreg s15;
	s16 =	sadd.s32 $0xF2000, s0  }
0x12: {  	[dreg:$0xc] =	wrdreg s17;
	s18 =	sadd.s32 $0x123000, s0;
	s19 =	sadd.s32 $0x154000, s0  }
0x13: {  	s20 =	sadd.s32 $0x185000, s0;
	s21 =	sadd.s32 $0x1B6000, s0;
	s22 =	sadd.s32 $0x1E7000, s0  }
0x14: {  	s15 =	sadd.s32 $0x218000, s0;
	s0 =	sadd.s32 $0x249000, s0;
	s29 =	smax.u32 s9, $0x1  }
0x15: {  	s9 =	simm.s32 $0x2;
	s10 =	simm.s32 $0x80;
	[dreg:$0x7] =	wrdreg s11  }
0x16: {  	[dreg:$0x8] =	wrdreg s1;
	s1 =	sadd.s32 s6, s14;
	s23 =	sadd.s32 s6, s16  }
0x17: {  	s24 =	sadd.s32 s6, s18;
	s25 =	sadd.s32 s6, s19;
	[dreg:$0xd] =	wrdreg s1  }
0x18: {  	s26 =	sadd.s32 s6, s20;
	s19 =	sadd.s32 s6, s21;
	[dreg:$0xe] =	wrdreg s23  }
0x19: {  	s20 =	sadd.s32 s6, s22;
	s21 =	sadd.s32 s6, s15;
	[dreg:$0xf] =	wrdreg s24  }
0x1a: {  	s22 =	sadd.s32 s6, s0;
	s0 =	simm.s32 $0x100;
	[dreg:$0x10] =	wrdreg s25  }
0x1b: {  	s6 =	simm.s32 $0x4D00;
	s11 =	simm.s32 $0x0;
	[dreg:$0x11] =	wrdreg s26  }
0x1c: {  	s23 =	sadd.s32 $0x53C00, s8;
	s24 =	sadd.s32 $0x3B400, s8;
	s25 =	sadd.s32 $0x22C00, s8  }
0x1d: {  	s26 =	sadd.s32 $0xA400, s8;
	s1 =	simm.s32 $0x6D00;
	s8 =	simm.s32 $0x5D00  }
.LBB2_1:
0x1e: {  	s12 =	rddreg [dreg:$0x6]  }
0x1f: {  	[tilespmem:s4], [sflag:$0x3] =	stream.linear.gather [hbm4b:s12+s4], $0x2700, $0x38;
	[tilespmem:$0x1FC58] =	vst v63  }
0x20: {  	_ =	swait.ge [sflag:s31], $0x2700  }
0x21: {  	[sflag:s31] =	ssyncset.done $0x0  }
0x22: {  	s13 =	simm.s32 $0x2700;
	s18 =	rddreg [dreg:$0x7];
	[sflag:s31] =	ssyncadd.s32 $0xFFFFD900  }
0x23: {  	[tilespmem:s13], [sflag:$0x3] =	stream.linear.gather [hbm4b:s18+s4], $0x2600, $0x38;
	[tilespmem:$0x1FC58] =	vst v63  }
0x24: {  	_ =	swait.ge [sflag:s31], $0x2600  }
0x25: {  	[sflag:s31] =	ssyncset.done $0x0  }
0x26: {  	s14 =	stileid.u32;
	s13 =	rddreg [dreg:$0x5];
	[sflag:s31] =	ssyncadd.s32 $0xFFFFDA00  }
0x27: {  	[tilespmem:s1], [sflag:$0x3] =	stream.linear.gather [hbm4b:s13+s4], $0x800, $0x38;
	[tilespmem:$0x1FC58] =	vst v63  }
0x28: {  	s12 =	sshll.u32 s14, $0x6;
	_ =	swait.ge [sflag:s31], $0x800  }
0x29: {  	s12 =	sor.u32 $0x1C03, s12;
	[sflag:s31] =	ssyncset.done $0x0;
	s15 =	rddreg [dreg:$0x8]  }
0x2a: {  	s16 =	rddreg [dreg:$0x9];
	[sflag:s31] =	ssyncadd.s32 $0xFFFFF800;
	s15 =	sshrl.u32 s15, $0x3  }
0x2b: {  	[spmem:s15], [sflag:s12] =	dma.local [hbm:s16], $0x1880  }
0x2c: {  	_ =	swait.ge [sflag:s31], $0x1880  }
0x2d: {  	[sflag:s31] =	ssyncset.done $0x0;
	s17 =	rddreg [dreg:$0xa]  }
0x2e: {  	[sflag:s31] =	ssyncadd.s32 $0xFFFFE780;
	s13 =	sshrl.u32 s17, $0x3  }
0x2f: {  	[spmem:s13], [sflag:s12] =	dma.local [hbm:s5], $0x1880  }
0x30: {  	_ =	swait.ge [sflag:s31], $0x1880  }
0x31: {  	[sflag:s31] =	ssyncset.done $0x0  }
0x32: {  	s14 =	sshrl.u32 s30, $0x3;
	[sflag:s31] =	ssyncadd.s32 $0xFFFFE780  }
0x33: {  	[spmem:s14], [sflag:s12] =	dma.local [hbm:s5], $0x10  }
0x34: {  	_ =	swait.ge [sflag:s31], $0x10  }
0x35: {  	[sflag:s31] =	ssyncset.done $0x0  }
0x36: {  	[sflag:s31] =	ssyncadd.s32 $0xFFFFFFF0  }
0x37: {  	[bflag:$0x0] =	sbarrier.arrive $0xFFFF  }
0x38: {  	[tilespmem:s6], [sflag:$0x1] =	stream.indirect.gather [spmem:s2], $0x10, s4, s0, $0xb8;
	[tilespmem:$0x1FC58] =	vst v63  }
0x39: {  	_ =	swait.ge [sflag:s7], $0x1000  }
0x3a: {  	[sflag:s7] =	ssyncset.done $0x0  }
0x3b: {  	s16 =	simm.s32 $0x100;
	[sflag:s7] =	ssyncadd.s32 $0xFFFFF000  }
0x3c: {  	[tilespmem:s8], [sflag:$0x2] =	stream.indirect.gather [spmem:s2], $0x10, s16, s0, $0xb8;
	[tilespmem:$0x1FC58] =	vst v63  }
0x3d: {  	s18 =	simm.s32 $0x2700  }
0x3e: {  	[spmem:s3] =	stream.indirect.scatter.add.f32 [tilespmem:s6], [sflag:$0x3], $0x10, s18, s0, $0xb8;
	[tilespmem:$0x1FC58] =	vst v63  }
0x3f: {  	_ =	swait.ge [sflag:s31], $0x1000  }
0x40: {  	[sflag:s31] =	ssyncset.done $0x0  }
0x41: {  	[sflag:s31] =	ssyncadd.s32 $0xFFFFF000  }
0x42: {  	_ =	swait.ge [sflag:s9], $0x1000  }
0x43: {  	[sflag:s9] =	ssyncset.done $0x0  }
0x44: {  	s17 =	simm.s32 $0x200;
	[sflag:s9] =	ssyncadd.s32 $0xFFFFF000  }
0x45: {  	[tilespmem:s6], [sflag:$0x1] =	stream.indirect.gather [spmem:s2], $0x10, s17, s0, $0xb8;
	[tilespmem:$0x1FC58] =	vst v63  }
0x46: {  	s18 =	simm.s32 $0x2800  }
0x47: {  	[spmem:s3] =	stream.indirect.scatter.add.f32 [tilespmem:s8], [sflag:$0x3], $0x10, s18, s0, $0xb8;
	[tilespmem:$0x1FC58] =	vst v63  }
0x48: {  	_ =	swait.ge [sflag:s31], $0x1000  }
0x49: {  	s16 =	simm.s32 $0x800;
	[sflag:s31] =	ssyncset.done $0x0  }
.LBB2_2:
0x4a: {  	p0 =	sne.s32 s16, $0x9000  }
0x4b: {  	[sflag:s31] =	ssyncadd.s32 $0xFFFFF000;
	s17 =	smov.u32 s16;
	s16 =	sadd.s32 $0x800, s16  }
0x4c: {  	_ = 	snop  }
0x4d: {  	_ =	swait.ge [sflag:s7], $0x1000  }
0x4e: {  	s17 =	sshra.s32 s17, $0x2;
	[sflag:s7] =	ssyncset.done $0x0  }
0x4f: {  	s18 =	sadd.s32 $0x100, s17;
	[sflag:s7] =	ssyncadd.s32 $0xFFFFF000  }
0x50: {  	[tilespmem:s8], [sflag:$0x2] =	stream.indirect.gather [spmem:s2], $0x10, s18, s0, $0xb8;
	[tilespmem:$0x1FC58] =	vst v63  }
0x51: {  	s18 =	sadd.s32 $0x2700, s17  }
0x52: {  	[spmem:s3] =	stream.indirect.scatter.add.f32 [tilespmem:s6], [sflag:$0x3], $0x10, s18, s0, $0xb8;
	[tilespmem:$0x1FC58] =	vst v63  }
0x53: {  	_ =	swait.ge [sflag:s31], $0x1000  }
0x54: {  	[sflag:s31] =	ssyncset.done $0x0  }
0x55: {  	[sflag:s31] =	ssyncadd.s32 $0xFFFFF000  }
0x56: {  	_ =	swait.ge [sflag:s9], $0x1000  }
0x57: {  	[sflag:s9] =	ssyncset.done $0x0  }
0x58: {  	s18 =	sadd.s32 $0x200, s17;
	[sflag:s9] =	ssyncadd.s32 $0xFFFFF000  }
0x59: {  	[tilespmem:s6], [sflag:$0x1] =	stream.indirect.gather [spmem:s2], $0x10, s18, s0, $0xb8;
	[tilespmem:$0x1FC58] =	vst v63  }
.Ltmp0:
0x5a: {  	_ = 	snop;
	(pc) =	sbr.rel @p0 .LBB2_2-.Ltmp0, $4  }
0x5b: {  	s17 =	sadd.s32 $0x2800, s17  }
0x5c: {  	[spmem:s3] =	stream.indirect.scatter.add.f32 [tilespmem:s8], [sflag:$0x3], $0x10, s17, s0, $0xb8;
	[tilespmem:$0x1FC58] =	vst v63  }
0x5d: {  	_ =	swait.ge [sflag:s31], $0x1000  }
0x5e: {  	[sflag:s31] =	ssyncset.done $0x0  }
0x5f: {  	[sflag:s31] =	ssyncadd.s32 $0xFFFFF000  }
0x60: {  	_ =	swait.ge [sflag:s7], $0x1000  }
0x61: {  	[sflag:s7] =	ssyncset.done $0x0  }
0x62: {  	[sflag:s7] =	ssyncadd.s32 $0xFFFFF000  }
0x63: {  	[bflag:$0x0] =	sbarrier.arrive $0xFFFF  }
0x64: {  	s16 =	rddreg [dreg:$0xd]  }
0x65: {  	[hbm:s16], [sflag:s12] =	dma.local [spmem:s13], $0x1880  }
0x66: {  	_ =	swait.ge [sflag:s31], $0x1880  }
0x67: {  	[sflag:s31] =	ssyncset.done $0x0  }
0x68: {  	[sflag:s31] =	ssyncadd.s32 $0xFFFFE780  }
0x69: {  	[bflag:$0x0] =	sbarrier.arrive $0xFFFF  }
0x6a: {  	s17 =	rddreg [dreg:$0xb]  }
0x6b: {  	[spmem:s15], [sflag:s12] =	dma.local [hbm:s17], $0x1880  }
0x6c: {  	_ =	swait.ge [sflag:s31], $0x1880  }
0x6d: {  	[sflag:s31] =	ssyncset.done $0x0  }
0x6e: {  	[sflag:s31] =	ssyncadd.s32 $0xFFFFE780  }
0x6f: {  	[spmem:s13], [sflag:s12] =	dma.local [hbm:s5], $0x1880  }
0x70: {  	_ =	swait.ge [sflag:s31], $0x1880  }
0x71: {  	[sflag:s31] =	ssyncset.done $0x0  }
0x72: {  	[sflag:s31] =	ssyncadd.s32 $0xFFFFE780  }
0x73: {  	[spmem:s14], [sflag:s12] =	dma.local [hbm:s5], $0x10  }
0x74: {  	_ =	swait.ge [sflag:s31], $0x10  }
0x75: {  	[sflag:s31] =	ssyncset.done $0x0  }
0x76: {  	[sflag:s31] =	ssyncadd.s32 $0xFFFFFFF0  }
0x77: {  	s18 =	simm.s32 $0x0;
	[bflag:$0x0] =	sbarrier.arrive $0xFFFF  }
0x78: {  	[tilespmem:s6], [sflag:$0x1] =	stream.indirect.gather [spmem:s2], $0x10, s18, s0, $0xb8;
	[tilespmem:$0x1FC58] =	vst v63  }
0x79: {  	_ =	swait.ge [sflag:s7], $0x1000  }
0x7a: {  	[sflag:s7] =	ssyncset.done $0x0  }
0x7b: {  	s17 =	simm.s32 $0x100;
	[sflag:s7] =	ssyncadd.s32 $0xFFFFF000  }
0x7c: {  	[tilespmem:s8], [sflag:$0x2] =	stream.indirect.gather [spmem:s2], $0x10, s17, s0, $0xb8;
	[tilespmem:$0x1FC58] =	vst v63  }
0x7d: {  	s18 =	simm.s32 $0x2700  }
0x7e: {  	[spmem:s3] =	stream.indirect.scatter.add.f32 [tilespmem:s6], [sflag:$0x3], $0x10, s18, s0, $0xb8;
	[tilespmem:$0x1FC58] =	vst v63  }
0x7f: {  	_ =	swait.ge [sflag:s31], $0x1000  }
0x80: {  	[sflag:s31] =	ssyncset.done $0x0  }
0x81: {  	[sflag:s31] =	ssyncadd.s32 $0xFFFFF000  }
0x82: {  	_ =	swait.ge [sflag:s9], $0x1000  }
0x83: {  	[sflag:s9] =	ssyncset.done $0x0  }
0x84: {  	s17 =	simm.s32 $0x200;
	[sflag:s9] =	ssyncadd.s32 $0xFFFFF000  }
0x85: {  	[tilespmem:s6], [sflag:$0x1] =	stream.indirect.gather [spmem:s2], $0x10, s17, s0, $0xb8;
	[tilespmem:$0x1FC58] =	vst v63  }
0x86: {  	s18 =	simm.s32 $0x2800  }
0x87: {  	[spmem:s3] =	stream.indirect.scatter.add.f32 [tilespmem:s8], [sflag:$0x3], $0x10, s18, s0, $0xb8;
	[tilespmem:$0x1FC58] =	vst v63  }
0x88: {  	_ =	swait.ge [sflag:s31], $0x1000  }
0x89: {  	s16 =	simm.s32 $0x800;
	[sflag:s31] =	ssyncset.done $0x0  }
.LBB2_4:
0x8a: {  	p0 =	sne.s32 s16, $0x9000  }
0x8b: {  	[sflag:s31] =	ssyncadd.s32 $0xFFFFF000;
	s17 =	smov.u32 s16;
	s16 =	sadd.s32 $0x800, s16  }
0x8c: {  	_ = 	snop  }
0x8d: {  	_ =	swait.ge [sflag:s7], $0x1000  }
0x8e: {  	s17 =	sshra.s32 s17, $0x2;
	[sflag:s7] =	ssyncset.done $0x0  }
0x8f: {  	s18 =	sadd.s32 $0x100, s17;
	[sflag:s7] =	ssyncadd.s32 $0xFFFFF000  }
0x90: {  	[tilespmem:s8], [sflag:$0x2] =	stream.indirect.gather [spmem:s2], $0x10, s18, s0, $0xb8;
	[tilespmem:$0x1FC58] =	vst v63  }
0x91: {  	s18 =	sadd.s32 $0x2700, s17  }
0x92: {  	[spmem:s3] =	stream.indirect.scatter.add.f32 [tilespmem:s6], [sflag:$0x3], $0x10, s18, s0, $0xb8;
	[tilespmem:$0x1FC58] =	vst v63  }
0x93: {  	_ =	swait.ge [sflag:s31], $0x1000  }
0x94: {  	[sflag:s31] =	ssyncset.done $0x0  }
0x95: {  	[sflag:s31] =	ssyncadd.s32 $0xFFFFF000  }
0x96: {  	_ =	swait.ge [sflag:s9], $0x1000  }
0x97: {  	[sflag:s9] =	ssyncset.done $0x0  }
0x98: {  	s18 =	sadd.s32 $0x200, s17;
	[sflag:s9] =	ssyncadd.s32 $0xFFFFF000  }
0x99: {  	[tilespmem:s6], [sflag:$0x1] =	stream.indirect.gather [spmem:s2], $0x10, s18, s0, $0xb8;
	[tilespmem:$0x1FC58] =	vst v63  }
.Ltmp1:
0x9a: {  	_ = 	snop;
	(pc) =	sbr.rel @p0 .LBB2_4-.Ltmp1, $4  }
0x9b: {  	s17 =	sadd.s32 $0x2800, s17  }
0x9c: {  	[spmem:s3] =	stream.indirect.scatter.add.f32 [tilespmem:s8], [sflag:$0x3], $0x10, s17, s0, $0xb8;
	[tilespmem:$0x1FC58] =	vst v63  }
0x9d: {  	_ =	swait.ge [sflag:s31], $0x1000  }
0x9e: {  	[sflag:s31] =	ssyncset.done $0x0  }
0x9f: {  	[sflag:s31] =	ssyncadd.s32 $0xFFFFF000  }
0xa0: {  	_ =	swait.ge [sflag:s7], $0x1000  }
0xa1: {  	[sflag:s7] =	ssyncset.done $0x0  }
0xa2: {  	[sflag:s7] =	ssyncadd.s32 $0xFFFFF000  }
0xa3: {  	[bflag:$0x0] =	sbarrier.arrive $0xFFFF  }
0xa4: {  	s16 =	rddreg [dreg:$0xe]  }
0xa5: {  	[hbm:s16], [sflag:s12] =	dma.local [spmem:s13], $0x1880  }
0xa6: {  	_ =	swait.ge [sflag:s31], $0x1880  }
0xa7: {  	[sflag:s31] =	ssyncset.done $0x0  }
0xa8: {  	[sflag:s31] =	ssyncadd.s32 $0xFFFFE780  }
0xa9: {  	[bflag:$0x0] =	sbarrier.arrive $0xFFFF  }
0xaa: {  	s17 =	rddreg [dreg:$0xc]  }
0xab: {  	[spmem:s15], [sflag:s12] =	dma.local [hbm:s17], $0x1880  }
0xac: {  	_ =	swait.ge [sflag:s31], $0x1880  }
0xad: {  	[sflag:s31] =	ssyncset.done $0x0  }
0xae: {  	[sflag:s31] =	ssyncadd.s32 $0xFFFFE780  }
0xaf: {  	[spmem:s13], [sflag:s12] =	dma.local [hbm:s5], $0x1880  }
0xb0: {  	_ =	swait.ge [sflag:s31], $0x1880  }
0xb1: {  	[sflag:s31] =	ssyncset.done $0x0  }
0xb2: {  	[sflag:s31] =	ssyncadd.s32 $0xFFFFE780  }
0xb3: {  	[spmem:s14], [sflag:s12] =	dma.local [hbm:s5], $0x10  }
0xb4: {  	_ =	swait.ge [sflag:s31], $0x10  }
0xb5: {  	[sflag:s31] =	ssyncset.done $0x0  }
0xb6: {  	[sflag:s31] =	ssyncadd.s32 $0xFFFFFFF0  }
0xb7: {  	s18 =	simm.s32 $0x0;
	[bflag:$0x0] =	sbarrier.arrive $0xFFFF  }
0xb8: {  	[tilespmem:s6], [sflag:$0x1] =	stream.indirect.gather [spmem:s2], $0x10, s18, s0, $0xb8;
	[tilespmem:$0x1FC58] =	vst v63  }
0xb9: {  	_ =	swait.ge [sflag:s7], $0x1000  }
0xba: {  	[sflag:s7] =	ssyncset.done $0x0  }
0xbb: {  	s17 =	simm.s32 $0x100;
	[sflag:s7] =	ssyncadd.s32 $0xFFFFF000  }
0xbc: {  	[tilespmem:s8], [sflag:$0x2] =	stream.indirect.gather [spmem:s2], $0x10, s17, s0, $0xb8;
	[tilespmem:$0x1FC58] =	vst v63  }
0xbd: {  	s18 =	simm.s32 $0x2700  }
0xbe: {  	[spmem:s3] =	stream.indirect.scatter.add.f32 [tilespmem:s6], [sflag:$0x3], $0x10, s18, s0, $0xb8;
	[tilespmem:$0x1FC58] =	vst v63  }
0xbf: {  	_ =	swait.ge [sflag:s31], $0x1000  }
0xc0: {  	[sflag:s31] =	ssyncset.done $0x0  }
0xc1: {  	[sflag:s31] =	ssyncadd.s32 $0xFFFFF000  }
0xc2: {  	_ =	swait.ge [sflag:s9], $0x1000  }
0xc3: {  	[sflag:s9] =	ssyncset.done $0x0  }
0xc4: {  	s17 =	simm.s32 $0x200;
	[sflag:s9] =	ssyncadd.s32 $0xFFFFF000  }
0xc5: {  	[tilespmem:s6], [sflag:$0x1] =	stream.indirect.gather [spmem:s2], $0x10, s17, s0, $0xb8;
	[tilespmem:$0x1FC58] =	vst v63  }
0xc6: {  	s18 =	simm.s32 $0x2800  }
0xc7: {  	[spmem:s3] =	stream.indirect.scatter.add.f32 [tilespmem:s8], [sflag:$0x3], $0x10, s18, s0, $0xb8;
	[tilespmem:$0x1FC58] =	vst v63  }
0xc8: {  	_ =	swait.ge [sflag:s31], $0x1000  }
0xc9: {  	s16 =	simm.s32 $0x800;
	[sflag:s31] =	ssyncset.done $0x0  }
.LBB2_6:
0xca: {  	p0 =	sne.s32 s16, $0x9000  }
0xcb: {  	[sflag:s31] =	ssyncadd.s32 $0xFFFFF000;
	s17 =	smov.u32 s16;
	s16 =	sadd.s32 $0x800, s16  }
0xcc: {  	_ = 	snop  }
0xcd: {  	_ =	swait.ge [sflag:s7], $0x1000  }
0xce: {  	s17 =	sshra.s32 s17, $0x2;
	[sflag:s7] =	ssyncset.done $0x0  }
0xcf: {  	s18 =	sadd.s32 $0x100, s17;
	[sflag:s7] =	ssyncadd.s32 $0xFFFFF000  }
0xd0: {  	[tilespmem:s8], [sflag:$0x2] =	stream.indirect.gather [spmem:s2], $0x10, s18, s0, $0xb8;
	[tilespmem:$0x1FC58] =	vst v63  }
0xd1: {  	s18 =	sadd.s32 $0x2700, s17  }
0xd2: {  	[spmem:s3] =	stream.indirect.scatter.add.f32 [tilespmem:s6], [sflag:$0x3], $0x10, s18, s0, $0xb8;
	[tilespmem:$0x1FC58] =	vst v63  }
0xd3: {  	_ =	swait.ge [sflag:s31], $0x1000  }
0xd4: {  	[sflag:s31] =	ssyncset.done $0x0  }
0xd5: {  	[sflag:s31] =	ssyncadd.s32 $0xFFFFF000  }
0xd6: {  	_ =	swait.ge [sflag:s9], $0x1000  }
0xd7: {  	[sflag:s9] =	ssyncset.done $0x0  }
0xd8: {  	s18 =	sadd.s32 $0x200, s17;
	[sflag:s9] =	ssyncadd.s32 $0xFFFFF000  }
0xd9: {  	[tilespmem:s6], [sflag:$0x1] =	stream.indirect.gather [spmem:s2], $0x10, s18, s0, $0xb8;
	[tilespmem:$0x1FC58] =	vst v63  }
.Ltmp2:
0xda: {  	_ = 	snop;
	(pc) =	sbr.rel @p0 .LBB2_6-.Ltmp2, $4  }
0xdb: {  	s17 =	sadd.s32 $0x2800, s17  }
0xdc: {  	[spmem:s3] =	stream.indirect.scatter.add.f32 [tilespmem:s8], [sflag:$0x3], $0x10, s17, s0, $0xb8;
	[tilespmem:$0x1FC58] =	vst v63  }
0xdd: {  	_ =	swait.ge [sflag:s31], $0x1000  }
0xde: {  	[sflag:s31] =	ssyncset.done $0x0  }
0xdf: {  	[sflag:s31] =	ssyncadd.s32 $0xFFFFF000  }
0xe0: {  	_ =	swait.ge [sflag:s7], $0x1000  }
0xe1: {  	[sflag:s7] =	ssyncset.done $0x0  }
0xe2: {  	[sflag:s7] =	ssyncadd.s32 $0xFFFFF000  }
0xe3: {  	[bflag:$0x0] =	sbarrier.arrive $0xFFFF  }
0xe4: {  	s16 =	rddreg [dreg:$0xf]  }
0xe5: {  	[hbm:s16], [sflag:s12] =	dma.local [spmem:s13], $0x1880  }
0xe6: {  	_ =	swait.ge [sflag:s31], $0x1880  }
0xe7: {  	[sflag:s31] =	ssyncset.done $0x0  }
0xe8: {  	[sflag:s31] =	ssyncadd.s32 $0xFFFFE780  }
0xe9: {  	[bflag:$0x0] =	sbarrier.arrive $0xFFFF  }
0xea: {  	[spmem:s15], [sflag:s12] =	dma.local [hbm:s23], $0x1880  }
0xeb: {  	_ =	swait.ge [sflag:s31], $0x1880  }
0xec: {  	[sflag:s31] =	ssyncset.done $0x0  }
0xed: {  	[sflag:s31] =	ssyncadd.s32 $0xFFFFE780  }
0xee: {  	[spmem:s13], [sflag:s12] =	dma.local [hbm:s5], $0x1880  }
0xef: {  	_ =	swait.ge [sflag:s31], $0x1880  }
0xf0: {  	[sflag:s31] =	ssyncset.done $0x0  }
0xf1: {  	[sflag:s31] =	ssyncadd.s32 $0xFFFFE780  }
0xf2: {  	[spmem:s14], [sflag:s12] =	dma.local [hbm:s5], $0x10  }
0xf3: {  	_ =	swait.ge [sflag:s31], $0x10  }
0xf4: {  	[sflag:s31] =	ssyncset.done $0x0  }
0xf5: {  	[sflag:s31] =	ssyncadd.s32 $0xFFFFFFF0  }
0xf6: {  	s18 =	simm.s32 $0x0;
	[bflag:$0x0] =	sbarrier.arrive $0xFFFF  }
0xf7: {  	[tilespmem:s6], [sflag:$0x1] =	stream.indirect.gather [spmem:s2], $0x10, s18, s0, $0xb8;
	[tilespmem:$0x1FC58] =	vst v63  }
0xf8: {  	_ =	swait.ge [sflag:s7], $0x1000  }
0xf9: {  	[sflag:s7] =	ssyncset.done $0x0  }
0xfa: {  	s17 =	simm.s32 $0x100;
	[sflag:s7] =	ssyncadd.s32 $0xFFFFF000  }
0xfb: {  	[tilespmem:s8], [sflag:$0x2] =	stream.indirect.gather [spmem:s2], $0x10, s17, s0, $0xb8;
	[tilespmem:$0x1FC58] =	vst v63  }
0xfc: {  	s18 =	simm.s32 $0x2700  }
0xfd: {  	[spmem:s3] =	stream.indirect.scatter.add.f32 [tilespmem:s6], [sflag:$0x3], $0x10, s18, s0, $0xb8;
	[tilespmem:$0x1FC58] =	vst v63  }
0xfe: {  	_ =	swait.ge [sflag:s31], $0x1000  }
0xff: {  	[sflag:s31] =	ssyncset.done $0x0  }
0x100: {  	[sflag:s31] =	ssyncadd.s32 $0xFFFFF000  }
0x101: {  	_ =	swait.ge [sflag:s9], $0x1000  }
0x102: {  	[sflag:s9] =	ssyncset.done $0x0  }
0x103: {  	s17 =	simm.s32 $0x200;
	[sflag:s9] =	ssyncadd.s32 $0xFFFFF000  }
0x104: {  	[tilespmem:s6], [sflag:$0x1] =	stream.indirect.gather [spmem:s2], $0x10, s17, s0, $0xb8;
	[tilespmem:$0x1FC58] =	vst v63  }
0x105: {  	s18 =	simm.s32 $0x2800  }
0x106: {  	[spmem:s3] =	stream.indirect.scatter.add.f32 [tilespmem:s8], [sflag:$0x3], $0x10, s18, s0, $0xb8;
	[tilespmem:$0x1FC58] =	vst v63  }
0x107: {  	_ =	swait.ge [sflag:s31], $0x1000  }
0x108: {  	s16 =	simm.s32 $0x800;
	[sflag:s31] =	ssyncset.done $0x0  }
.LBB2_8:
0x109: {  	p0 =	sne.s32 s16, $0x9000  }
0x10a: {  	[sflag:s31] =	ssyncadd.s32 $0xFFFFF000;
	s17 =	smov.u32 s16;
	s16 =	sadd.s32 $0x800, s16  }
0x10b: {  	_ = 	snop  }
0x10c: {  	_ =	swait.ge [sflag:s7], $0x1000  }
0x10d: {  	s17 =	sshra.s32 s17, $0x2;
	[sflag:s7] =	ssyncset.done $0x0  }
0x10e: {  	s18 =	sadd.s32 $0x100, s17;
	[sflag:s7] =	ssyncadd.s32 $0xFFFFF000  }
0x10f: {  	[tilespmem:s8], [sflag:$0x2] =	stream.indirect.gather [spmem:s2], $0x10, s18, s0, $0xb8;
	[tilespmem:$0x1FC58] =	vst v63  }
0x110: {  	s18 =	sadd.s32 $0x2700, s17  }
0x111: {  	[spmem:s3] =	stream.indirect.scatter.add.f32 [tilespmem:s6], [sflag:$0x3], $0x10, s18, s0, $0xb8;
	[tilespmem:$0x1FC58] =	vst v63  }
0x112: {  	_ =	swait.ge [sflag:s31], $0x1000  }
0x113: {  	[sflag:s31] =	ssyncset.done $0x0  }
0x114: {  	[sflag:s31] =	ssyncadd.s32 $0xFFFFF000  }
0x115: {  	_ =	swait.ge [sflag:s9], $0x1000  }
0x116: {  	[sflag:s9] =	ssyncset.done $0x0  }
0x117: {  	s18 =	sadd.s32 $0x200, s17;
	[sflag:s9] =	ssyncadd.s32 $0xFFFFF000  }
0x118: {  	[tilespmem:s6], [sflag:$0x1] =	stream.indirect.gather [spmem:s2], $0x10, s18, s0, $0xb8;
	[tilespmem:$0x1FC58] =	vst v63  }
.Ltmp3:
0x119: {  	_ = 	snop;
	(pc) =	sbr.rel @p0 .LBB2_8-.Ltmp3, $4  }
0x11a: {  	s17 =	sadd.s32 $0x2800, s17  }
0x11b: {  	[spmem:s3] =	stream.indirect.scatter.add.f32 [tilespmem:s8], [sflag:$0x3], $0x10, s17, s0, $0xb8;
	[tilespmem:$0x1FC58] =	vst v63  }
0x11c: {  	_ =	swait.ge [sflag:s31], $0x1000  }
0x11d: {  	[sflag:s31] =	ssyncset.done $0x0  }
0x11e: {  	[sflag:s31] =	ssyncadd.s32 $0xFFFFF000  }
0x11f: {  	_ =	swait.ge [sflag:s7], $0x1000  }
0x120: {  	[sflag:s7] =	ssyncset.done $0x0  }
0x121: {  	[sflag:s7] =	ssyncadd.s32 $0xFFFFF000  }
0x122: {  	[bflag:$0x0] =	sbarrier.arrive $0xFFFF  }
0x123: {  	s16 =	rddreg [dreg:$0x10]  }
0x124: {  	[hbm:s16], [sflag:s12] =	dma.local [spmem:s13], $0x1880  }
0x125: {  	_ =	swait.ge [sflag:s31], $0x1880  }
0x126: {  	[sflag:s31] =	ssyncset.done $0x0  }
0x127: {  	[sflag:s31] =	ssyncadd.s32 $0xFFFFE780  }
0x128: {  	[bflag:$0x0] =	sbarrier.arrive $0xFFFF  }
0x129: {  	[spmem:s15], [sflag:s12] =	dma.local [hbm:s24], $0x1880  }
0x12a: {  	_ =	swait.ge [sflag:s31], $0x1880  }
0x12b: {  	[sflag:s31] =	ssyncset.done $0x0  }
0x12c: {  	[sflag:s31] =	ssyncadd.s32 $0xFFFFE780  }
0x12d: {  	[spmem:s13], [sflag:s12] =	dma.local [hbm:s5], $0x1880  }
0x12e: {  	_ =	swait.ge [sflag:s31], $0x1880  }
0x12f: {  	[sflag:s31] =	ssyncset.done $0x0  }
0x130: {  	[sflag:s31] =	ssyncadd.s32 $0xFFFFE780  }
0x131: {  	[spmem:s14], [sflag:s12] =	dma.local [hbm:s5], $0x10  }
0x132: {  	_ =	swait.ge [sflag:s31], $0x10  }
0x133: {  	[sflag:s31] =	ssyncset.done $0x0  }
0x134: {  	[sflag:s31] =	ssyncadd.s32 $0xFFFFFFF0  }
0x135: {  	s18 =	simm.s32 $0x0;
	[bflag:$0x0] =	sbarrier.arrive $0xFFFF  }
0x136: {  	[tilespmem:s6], [sflag:$0x1] =	stream.indirect.gather [spmem:s2], $0x10, s18, s0, $0xb8;
	[tilespmem:$0x1FC58] =	vst v63  }
0x137: {  	_ =	swait.ge [sflag:s7], $0x1000  }
0x138: {  	[sflag:s7] =	ssyncset.done $0x0  }
0x139: {  	s17 =	simm.s32 $0x100;
	[sflag:s7] =	ssyncadd.s32 $0xFFFFF000  }
0x13a: {  	[tilespmem:s8], [sflag:$0x2] =	stream.indirect.gather [spmem:s2], $0x10, s17, s0, $0xb8;
	[tilespmem:$0x1FC58] =	vst v63  }
0x13b: {  	s18 =	simm.s32 $0x2700  }
0x13c: {  	[spmem:s3] =	stream.indirect.scatter.add.f32 [tilespmem:s6], [sflag:$0x3], $0x10, s18, s0, $0xb8;
	[tilespmem:$0x1FC58] =	vst v63  }
0x13d: {  	_ =	swait.ge [sflag:s31], $0x1000  }
0x13e: {  	[sflag:s31] =	ssyncset.done $0x0  }
0x13f: {  	[sflag:s31] =	ssyncadd.s32 $0xFFFFF000  }
0x140: {  	_ =	swait.ge [sflag:s9], $0x1000  }
0x141: {  	[sflag:s9] =	ssyncset.done $0x0  }
0x142: {  	s17 =	simm.s32 $0x200;
	[sflag:s9] =	ssyncadd.s32 $0xFFFFF000  }
0x143: {  	[tilespmem:s6], [sflag:$0x1] =	stream.indirect.gather [spmem:s2], $0x10, s17, s0, $0xb8;
	[tilespmem:$0x1FC58] =	vst v63  }
0x144: {  	s18 =	simm.s32 $0x2800  }
0x145: {  	[spmem:s3] =	stream.indirect.scatter.add.f32 [tilespmem:s8], [sflag:$0x3], $0x10, s18, s0, $0xb8;
	[tilespmem:$0x1FC58] =	vst v63  }
0x146: {  	_ =	swait.ge [sflag:s31], $0x1000  }
0x147: {  	s16 =	simm.s32 $0x800;
	[sflag:s31] =	ssyncset.done $0x0  }
.LBB2_10:
0x148: {  	p0 =	sne.s32 s16, $0x9000  }
0x149: {  	[sflag:s31] =	ssyncadd.s32 $0xFFFFF000;
	s17 =	smov.u32 s16;
	s16 =	sadd.s32 $0x800, s16  }
0x14a: {  	_ = 	snop  }
0x14b: {  	_ =	swait.ge [sflag:s7], $0x1000  }
0x14c: {  	s17 =	sshra.s32 s17, $0x2;
	[sflag:s7] =	ssyncset.done $0x0  }
0x14d: {  	s18 =	sadd.s32 $0x100, s17;
	[sflag:s7] =	ssyncadd.s32 $0xFFFFF000  }
0x14e: {  	[tilespmem:s8], [sflag:$0x2] =	stream.indirect.gather [spmem:s2], $0x10, s18, s0, $0xb8;
	[tilespmem:$0x1FC58] =	vst v63  }
0x14f: {  	s18 =	sadd.s32 $0x2700, s17  }
0x150: {  	[spmem:s3] =	stream.indirect.scatter.add.f32 [tilespmem:s6], [sflag:$0x3], $0x10, s18, s0, $0xb8;
	[tilespmem:$0x1FC58] =	vst v63  }
0x151: {  	_ =	swait.ge [sflag:s31], $0x1000  }
0x152: {  	[sflag:s31] =	ssyncset.done $0x0  }
0x153: {  	[sflag:s31] =	ssyncadd.s32 $0xFFFFF000  }
0x154: {  	_ =	swait.ge [sflag:s9], $0x1000  }
0x155: {  	[sflag:s9] =	ssyncset.done $0x0  }
0x156: {  	s18 =	sadd.s32 $0x200, s17;
	[sflag:s9] =	ssyncadd.s32 $0xFFFFF000  }
0x157: {  	[tilespmem:s6], [sflag:$0x1] =	stream.indirect.gather [spmem:s2], $0x10, s18, s0, $0xb8;
	[tilespmem:$0x1FC58] =	vst v63  }
.Ltmp4:
0x158: {  	_ = 	snop;
	(pc) =	sbr.rel @p0 .LBB2_10-.Ltmp4, $4  }
0x159: {  	s17 =	sadd.s32 $0x2800, s17  }
0x15a: {  	[spmem:s3] =	stream.indirect.scatter.add.f32 [tilespmem:s8], [sflag:$0x3], $0x10, s17, s0, $0xb8;
	[tilespmem:$0x1FC58] =	vst v63  }
0x15b: {  	_ =	swait.ge [sflag:s31], $0x1000  }
0x15c: {  	[sflag:s31] =	ssyncset.done $0x0  }
0x15d: {  	[sflag:s31] =	ssyncadd.s32 $0xFFFFF000  }
0x15e: {  	_ =	swait.ge [sflag:s7], $0x1000  }
0x15f: {  	[sflag:s7] =	ssyncset.done $0x0  }
0x160: {  	[sflag:s7] =	ssyncadd.s32 $0xFFFFF000  }
0x161: {  	[bflag:$0x0] =	sbarrier.arrive $0xFFFF  }
0x162: {  	s16 =	rddreg [dreg:$0x11]  }
0x163: {  	[hbm:s16], [sflag:s12] =	dma.local [spmem:s13], $0x1880  }
0x164: {  	_ =	swait.ge [sflag:s31], $0x1880  }
0x165: {  	[sflag:s31] =	ssyncset.done $0x0  }
0x166: {  	[sflag:s31] =	ssyncadd.s32 $0xFFFFE780  }
0x167: {  	[bflag:$0x0] =	sbarrier.arrive $0xFFFF  }
0x168: {  	[spmem:s15], [sflag:s12] =	dma.local [hbm:s25], $0x1880  }
0x169: {  	_ =	swait.ge [sflag:s31], $0x1880  }
0x16a: {  	[sflag:s31] =	ssyncset.done $0x0  }
0x16b: {  	[sflag:s31] =	ssyncadd.s32 $0xFFFFE780  }
0x16c: {  	[spmem:s13], [sflag:s12] =	dma.local [hbm:s5], $0x1880  }
0x16d: {  	_ =	swait.ge [sflag:s31], $0x1880  }
0x16e: {  	[sflag:s31] =	ssyncset.done $0x0  }
0x16f: {  	[sflag:s31] =	ssyncadd.s32 $0xFFFFE780  }
0x170: {  	[spmem:s14], [sflag:s12] =	dma.local [hbm:s5], $0x10  }
0x171: {  	_ =	swait.ge [sflag:s31], $0x10  }
0x172: {  	[sflag:s31] =	ssyncset.done $0x0  }
0x173: {  	[sflag:s31] =	ssyncadd.s32 $0xFFFFFFF0  }
0x174: {  	s18 =	simm.s32 $0x0;
	[bflag:$0x0] =	sbarrier.arrive $0xFFFF  }
0x175: {  	[tilespmem:s6], [sflag:$0x1] =	stream.indirect.gather [spmem:s2], $0x10, s18, s0, $0xb8;
	[tilespmem:$0x1FC58] =	vst v63  }
0x176: {  	_ =	swait.ge [sflag:s7], $0x1000  }
0x177: {  	[sflag:s7] =	ssyncset.done $0x0  }
0x178: {  	s17 =	simm.s32 $0x100;
	[sflag:s7] =	ssyncadd.s32 $0xFFFFF000  }
0x179: {  	[tilespmem:s8], [sflag:$0x2] =	stream.indirect.gather [spmem:s2], $0x10, s17, s0, $0xb8;
	[tilespmem:$0x1FC58] =	vst v63  }
0x17a: {  	s18 =	simm.s32 $0x2700  }
0x17b: {  	[spmem:s3] =	stream.indirect.scatter.add.f32 [tilespmem:s6], [sflag:$0x3], $0x10, s18, s0, $0xb8;
	[tilespmem:$0x1FC58] =	vst v63  }
0x17c: {  	_ =	swait.ge [sflag:s31], $0x1000  }
0x17d: {  	[sflag:s31] =	ssyncset.done $0x0  }
0x17e: {  	[sflag:s31] =	ssyncadd.s32 $0xFFFFF000  }
0x17f: {  	_ =	swait.ge [sflag:s9], $0x1000  }
0x180: {  	[sflag:s9] =	ssyncset.done $0x0  }
0x181: {  	s17 =	simm.s32 $0x200;
	[sflag:s9] =	ssyncadd.s32 $0xFFFFF000  }
0x182: {  	[tilespmem:s6], [sflag:$0x1] =	stream.indirect.gather [spmem:s2], $0x10, s17, s0, $0xb8;
	[tilespmem:$0x1FC58] =	vst v63  }
0x183: {  	s18 =	simm.s32 $0x2800  }
0x184: {  	[spmem:s3] =	stream.indirect.scatter.add.f32 [tilespmem:s8], [sflag:$0x3], $0x10, s18, s0, $0xb8;
	[tilespmem:$0x1FC58] =	vst v63  }
0x185: {  	_ =	swait.ge [sflag:s31], $0x1000  }
0x186: {  	s16 =	simm.s32 $0x800;
	[sflag:s31] =	ssyncset.done $0x0  }
.LBB2_12:
0x187: {  	p0 =	sne.s32 s16, $0x9000  }
0x188: {  	[sflag:s31] =	ssyncadd.s32 $0xFFFFF000;
	s17 =	smov.u32 s16;
	s16 =	sadd.s32 $0x800, s16  }
0x189: {  	_ = 	snop  }
0x18a: {  	_ =	swait.ge [sflag:s7], $0x1000  }
0x18b: {  	s17 =	sshra.s32 s17, $0x2;
	[sflag:s7] =	ssyncset.done $0x0  }
0x18c: {  	s18 =	sadd.s32 $0x100, s17;
	[sflag:s7] =	ssyncadd.s32 $0xFFFFF000  }
0x18d: {  	[tilespmem:s8], [sflag:$0x2] =	stream.indirect.gather [spmem:s2], $0x10, s18, s0, $0xb8;
	[tilespmem:$0x1FC58] =	vst v63  }
0x18e: {  	s18 =	sadd.s32 $0x2700, s17  }
0x18f: {  	[spmem:s3] =	stream.indirect.scatter.add.f32 [tilespmem:s6], [sflag:$0x3], $0x10, s18, s0, $0xb8;
	[tilespmem:$0x1FC58] =	vst v63  }
0x190: {  	_ =	swait.ge [sflag:s31], $0x1000  }
0x191: {  	[sflag:s31] =	ssyncset.done $0x0  }
0x192: {  	[sflag:s31] =	ssyncadd.s32 $0xFFFFF000  }
0x193: {  	_ =	swait.ge [sflag:s9], $0x1000  }
0x194: {  	[sflag:s9] =	ssyncset.done $0x0  }
0x195: {  	s18 =	sadd.s32 $0x200, s17;
	[sflag:s9] =	ssyncadd.s32 $0xFFFFF000  }
0x196: {  	[tilespmem:s6], [sflag:$0x1] =	stream.indirect.gather [spmem:s2], $0x10, s18, s0, $0xb8;
	[tilespmem:$0x1FC58] =	vst v63  }
.Ltmp5:
0x197: {  	_ = 	snop;
	(pc) =	sbr.rel @p0 .LBB2_12-.Ltmp5, $4  }
0x198: {  	s17 =	sadd.s32 $0x2800, s17  }
0x199: {  	[spmem:s3] =	stream.indirect.scatter.add.f32 [tilespmem:s8], [sflag:$0x3], $0x10, s17, s0, $0xb8;
	[tilespmem:$0x1FC58] =	vst v63  }
0x19a: {  	_ =	swait.ge [sflag:s31], $0x1000  }
0x19b: {  	[sflag:s31] =	ssyncset.done $0x0  }
0x19c: {  	[sflag:s31] =	ssyncadd.s32 $0xFFFFF000  }
0x19d: {  	_ =	swait.ge [sflag:s7], $0x1000  }
0x19e: {  	[sflag:s7] =	ssyncset.done $0x0  }
0x19f: {  	[sflag:s7] =	ssyncadd.s32 $0xFFFFF000  }
0x1a0: {  	[bflag:$0x0] =	sbarrier.arrive $0xFFFF  }
0x1a1: {  	[hbm:s19], [sflag:s12] =	dma.local [spmem:s13], $0x1880  }
0x1a2: {  	_ =	swait.ge [sflag:s31], $0x1880  }
0x1a3: {  	[sflag:s31] =	ssyncset.done $0x0  }
0x1a4: {  	[sflag:s31] =	ssyncadd.s32 $0xFFFFE780  }
0x1a5: {  	[bflag:$0x0] =	sbarrier.arrive $0xFFFF  }
0x1a6: {  	[spmem:s15], [sflag:s12] =	dma.local [hbm:s26], $0x1880  }
0x1a7: {  	_ =	swait.ge [sflag:s31], $0x1880  }
0x1a8: {  	[sflag:s31] =	ssyncset.done $0x0  }
0x1a9: {  	[sflag:s31] =	ssyncadd.s32 $0xFFFFE780  }
0x1aa: {  	[spmem:s13], [sflag:s12] =	dma.local [hbm:s5], $0x1880  }
0x1ab: {  	_ =	swait.ge [sflag:s31], $0x1880  }
0x1ac: {  	[sflag:s31] =	ssyncset.done $0x0  }
0x1ad: {  	[sflag:s31] =	ssyncadd.s32 $0xFFFFE780  }
0x1ae: {  	[spmem:s14], [sflag:s12] =	dma.local [hbm:s5], $0x10  }
0x1af: {  	_ =	swait.ge [sflag:s31], $0x10  }
0x1b0: {  	[sflag:s31] =	ssyncset.done $0x0  }
0x1b1: {  	[sflag:s31] =	ssyncadd.s32 $0xFFFFFFF0  }
0x1b2: {  	s16 =	simm.s32 $0x0;
	[bflag:$0x0] =	sbarrier.arrive $0xFFFF  }
0x1b3: {  	[tilespmem:s6], [sflag:$0x1] =	stream.indirect.gather [spmem:s2], $0x10, s16, s0, $0xb8;
	[tilespmem:$0x1FC58] =	vst v63  }
0x1b4: {  	_ =	swait.ge [sflag:s7], $0x1000  }
0x1b5: {  	[sflag:s7] =	ssyncset.done $0x0  }
0x1b6: {  	s17 =	simm.s32 $0x100;
	[sflag:s7] =	ssyncadd.s32 $0xFFFFF000  }
0x1b7: {  	[tilespmem:s8], [sflag:$0x2] =	stream.indirect.gather [spmem:s2], $0x10, s17, s0, $0xb8;
	[tilespmem:$0x1FC58] =	vst v63  }
0x1b8: {  	s18 =	simm.s32 $0x2700  }
0x1b9: {  	[spmem:s3] =	stream.indirect.scatter.add.f32 [tilespmem:s6], [sflag:$0x3], $0x10, s18, s0, $0xb8;
	[tilespmem:$0x1FC58] =	vst v63  }
0x1ba: {  	_ =	swait.ge [sflag:s31], $0x1000  }
0x1bb: {  	[sflag:s31] =	ssyncset.done $0x0  }
0x1bc: {  	[sflag:s31] =	ssyncadd.s32 $0xFFFFF000  }
0x1bd: {  	_ =	swait.ge [sflag:s9], $0x1000  }
0x1be: {  	[sflag:s9] =	ssyncset.done $0x0  }
0x1bf: {  	s17 =	simm.s32 $0x200;
	[sflag:s9] =	ssyncadd.s32 $0xFFFFF000  }
0x1c0: {  	[tilespmem:s6], [sflag:$0x1] =	stream.indirect.gather [spmem:s2], $0x10, s17, s0, $0xb8;
	[tilespmem:$0x1FC58] =	vst v63  }
0x1c1: {  	s18 =	simm.s32 $0x2800  }
0x1c2: {  	[spmem:s3] =	stream.indirect.scatter.add.f32 [tilespmem:s8], [sflag:$0x3], $0x10, s18, s0, $0xb8;
	[tilespmem:$0x1FC58] =	vst v63  }
0x1c3: {  	_ =	swait.ge [sflag:s31], $0x1000  }
0x1c4: {  	s16 =	simm.s32 $0x800;
	[sflag:s31] =	ssyncset.done $0x0  }
.LBB2_14:
0x1c5: {  	p0 =	sne.s32 s16, $0x9000  }
0x1c6: {  	[sflag:s31] =	ssyncadd.s32 $0xFFFFF000;
	s17 =	smov.u32 s16;
	s16 =	sadd.s32 $0x800, s16  }
0x1c7: {  	_ = 	snop  }
0x1c8: {  	_ =	swait.ge [sflag:s7], $0x1000  }
0x1c9: {  	s17 =	sshra.s32 s17, $0x2;
	[sflag:s7] =	ssyncset.done $0x0  }
0x1ca: {  	s18 =	sadd.s32 $0x100, s17;
	[sflag:s7] =	ssyncadd.s32 $0xFFFFF000  }
0x1cb: {  	[tilespmem:s8], [sflag:$0x2] =	stream.indirect.gather [spmem:s2], $0x10, s18, s0, $0xb8;
	[tilespmem:$0x1FC58] =	vst v63  }
0x1cc: {  	s18 =	sadd.s32 $0x2700, s17  }
0x1cd: {  	[spmem:s3] =	stream.indirect.scatter.add.f32 [tilespmem:s6], [sflag:$0x3], $0x10, s18, s0, $0xb8;
	[tilespmem:$0x1FC58] =	vst v63  }
0x1ce: {  	_ =	swait.ge [sflag:s31], $0x1000  }
0x1cf: {  	[sflag:s31] =	ssyncset.done $0x0  }
0x1d0: {  	[sflag:s31] =	ssyncadd.s32 $0xFFFFF000  }
0x1d1: {  	_ =	swait.ge [sflag:s9], $0x1000  }
0x1d2: {  	[sflag:s9] =	ssyncset.done $0x0  }
0x1d3: {  	s18 =	sadd.s32 $0x200, s17;
	[sflag:s9] =	ssyncadd.s32 $0xFFFFF000  }
0x1d4: {  	[tilespmem:s6], [sflag:$0x1] =	stream.indirect.gather [spmem:s2], $0x10, s18, s0, $0xb8;
	[tilespmem:$0x1FC58] =	vst v63  }
.Ltmp6:
0x1d5: {  	_ = 	snop;
	(pc) =	sbr.rel @p0 .LBB2_14-.Ltmp6, $4  }
0x1d6: {  	s17 =	sadd.s32 $0x2800, s17  }
0x1d7: {  	[spmem:s3] =	stream.indirect.scatter.add.f32 [tilespmem:s8], [sflag:$0x3], $0x10, s17, s0, $0xb8;
	[tilespmem:$0x1FC58] =	vst v63  }
0x1d8: {  	_ =	swait.ge [sflag:s31], $0x1000  }
0x1d9: {  	[sflag:s31] =	ssyncset.done $0x0  }
0x1da: {  	[sflag:s31] =	ssyncadd.s32 $0xFFFFF000  }
0x1db: {  	_ =	swait.ge [sflag:s7], $0x1000  }
0x1dc: {  	[sflag:s7] =	ssyncset.done $0x0  }
0x1dd: {  	[sflag:s7] =	ssyncadd.s32 $0xFFFFF000  }
0x1de: {  	[bflag:$0x0] =	sbarrier.arrive $0xFFFF  }
0x1df: {  	[hbm:s20], [sflag:s12] =	dma.local [spmem:s13], $0x1880  }
0x1e0: {  	_ =	swait.ge [sflag:s31], $0x1880  }
0x1e1: {  	[sflag:s31] =	ssyncset.done $0x0  }
0x1e2: {  	[sflag:s31] =	ssyncadd.s32 $0xFFFFE780  }
0x1e3: {  	[bflag:$0x0] =	sbarrier.arrive $0xFFFF  }
0x1e4: {  	[spmem:s15], [sflag:s12] =	dma.local [hbm:s28], $0x1880  }
0x1e5: {  	_ =	swait.ge [sflag:s31], $0x1880  }
0x1e6: {  	[sflag:s31] =	ssyncset.done $0x0  }
0x1e7: {  	[sflag:s31] =	ssyncadd.s32 $0xFFFFE780  }
0x1e8: {  	[spmem:s13], [sflag:s12] =	dma.local [hbm:s5], $0x1880  }
0x1e9: {  	_ =	swait.ge [sflag:s31], $0x1880  }
0x1ea: {  	[sflag:s31] =	ssyncset.done $0x0  }
0x1eb: {  	[sflag:s31] =	ssyncadd.s32 $0xFFFFE780  }
0x1ec: {  	[spmem:s14], [sflag:s12] =	dma.local [hbm:s5], $0x10  }
0x1ed: {  	_ =	swait.ge [sflag:s31], $0x10  }
0x1ee: {  	[sflag:s31] =	ssyncset.done $0x0  }
0x1ef: {  	[sflag:s31] =	ssyncadd.s32 $0xFFFFFFF0  }
0x1f0: {  	s17 =	simm.s32 $0x0;
	[bflag:$0x0] =	sbarrier.arrive $0xFFFF  }
0x1f1: {  	[tilespmem:s6], [sflag:$0x1] =	stream.indirect.gather [spmem:s2], $0x10, s17, s0, $0xb8;
	[tilespmem:$0x1FC58] =	vst v63  }
0x1f2: {  	_ =	swait.ge [sflag:s7], $0x1000  }
0x1f3: {  	[sflag:s7] =	ssyncset.done $0x0  }
0x1f4: {  	s18 =	simm.s32 $0x100;
	[sflag:s7] =	ssyncadd.s32 $0xFFFFF000  }
0x1f5: {  	[tilespmem:s8], [sflag:$0x2] =	stream.indirect.gather [spmem:s2], $0x10, s18, s0, $0xb8;
	[tilespmem:$0x1FC58] =	vst v63  }
0x1f6: {  	s16 =	simm.s32 $0x2700  }
0x1f7: {  	[spmem:s3] =	stream.indirect.scatter.add.f32 [tilespmem:s6], [sflag:$0x3], $0x10, s16, s0, $0xb8;
	[tilespmem:$0x1FC58] =	vst v63  }
0x1f8: {  	_ =	swait.ge [sflag:s31], $0x1000  }
0x1f9: {  	[sflag:s31] =	ssyncset.done $0x0  }
0x1fa: {  	[sflag:s31] =	ssyncadd.s32 $0xFFFFF000  }
0x1fb: {  	_ =	swait.ge [sflag:s9], $0x1000  }
0x1fc: {  	[sflag:s9] =	ssyncset.done $0x0  }
0x1fd: {  	s17 =	simm.s32 $0x200;
	[sflag:s9] =	ssyncadd.s32 $0xFFFFF000  }
0x1fe: {  	[tilespmem:s6], [sflag:$0x1] =	stream.indirect.gather [spmem:s2], $0x10, s17, s0, $0xb8;
	[tilespmem:$0x1FC58] =	vst v63  }
0x1ff: {  	s18 =	simm.s32 $0x2800  }
0x200: {  	[spmem:s3] =	stream.indirect.scatter.add.f32 [tilespmem:s8], [sflag:$0x3], $0x10, s18, s0, $0xb8;
	[tilespmem:$0x1FC58] =	vst v63  }
0x201: {  	_ =	swait.ge [sflag:s31], $0x1000  }
0x202: {  	s15 =	simm.s32 $0x800;
	[sflag:s31] =	ssyncset.done $0x0  }
.LBB2_16:
0x203: {  	p0 =	sne.s32 s15, $0x9000  }
0x204: {  	[sflag:s31] =	ssyncadd.s32 $0xFFFFF000;
	s16 =	smov.u32 s15;
	s15 =	sadd.s32 $0x800, s15  }
0x205: {  	_ = 	snop  }
0x206: {  	_ =	swait.ge [sflag:s7], $0x1000  }
0x207: {  	s16 =	sshra.s32 s16, $0x2;
	[sflag:s7] =	ssyncset.done $0x0  }
0x208: {  	s17 =	sadd.s32 $0x100, s16;
	[sflag:s7] =	ssyncadd.s32 $0xFFFFF000  }
0x209: {  	[tilespmem:s8], [sflag:$0x2] =	stream.indirect.gather [spmem:s2], $0x10, s17, s0, $0xb8;
	[tilespmem:$0x1FC58] =	vst v63  }
0x20a: {  	s17 =	sadd.s32 $0x2700, s16  }
0x20b: {  	[spmem:s3] =	stream.indirect.scatter.add.f32 [tilespmem:s6], [sflag:$0x3], $0x10, s17, s0, $0xb8;
	[tilespmem:$0x1FC58] =	vst v63  }
0x20c: {  	_ =	swait.ge [sflag:s31], $0x1000  }
0x20d: {  	[sflag:s31] =	ssyncset.done $0x0  }
0x20e: {  	[sflag:s31] =	ssyncadd.s32 $0xFFFFF000  }
0x20f: {  	_ =	swait.ge [sflag:s9], $0x1000  }
0x210: {  	[sflag:s9] =	ssyncset.done $0x0  }
0x211: {  	s17 =	sadd.s32 $0x200, s16;
	[sflag:s9] =	ssyncadd.s32 $0xFFFFF000  }
0x212: {  	[tilespmem:s6], [sflag:$0x1] =	stream.indirect.gather [spmem:s2], $0x10, s17, s0, $0xb8;
	[tilespmem:$0x1FC58] =	vst v63  }
.Ltmp7:
0x213: {  	_ = 	snop;
	(pc) =	sbr.rel @p0 .LBB2_16-.Ltmp7, $4  }
0x214: {  	s16 =	sadd.s32 $0x2800, s16  }
0x215: {  	[spmem:s3] =	stream.indirect.scatter.add.f32 [tilespmem:s8], [sflag:$0x3], $0x10, s16, s0, $0xb8;
	[tilespmem:$0x1FC58] =	vst v63  }
0x216: {  	_ =	swait.ge [sflag:s31], $0x1000  }
0x217: {  	[sflag:s31] =	ssyncset.done $0x0  }
0x218: {  	[sflag:s31] =	ssyncadd.s32 $0xFFFFF000  }
0x219: {  	_ =	swait.ge [sflag:s7], $0x1000  }
0x21a: {  	[sflag:s7] =	ssyncset.done $0x0  }
0x21b: {  	[sflag:s7] =	ssyncadd.s32 $0xFFFFF000  }
0x21c: {  	[bflag:$0x0] =	sbarrier.arrive $0xFFFF  }
0x21d: {  	[hbm:s21], [sflag:s12] =	dma.local [spmem:s13], $0x1880  }
0x21e: {  	_ =	swait.ge [sflag:s31], $0x1880  }
0x21f: {  	[sflag:s31] =	ssyncset.done $0x0  }
0x220: {  	[sflag:s31] =	ssyncadd.s32 $0xFFFFE780  }
0x221: {  	[bflag:$0x0] =	sbarrier.arrive $0xFFFF  }
0x222: {  	[spmem:s13], [sflag:s12] =	dma.local [hbm:s5], $0x1880  }
0x223: {  	_ =	swait.ge [sflag:s31], $0x1880  }
0x224: {  	[sflag:s31] =	ssyncset.done $0x0  }
0x225: {  	[sflag:s31] =	ssyncadd.s32 $0xFFFFE780  }
0x226: {  	[spmem:s14], [sflag:s12] =	dma.local [hbm:s5], $0x10  }
0x227: {  	_ =	swait.ge [sflag:s31], $0x10  }
0x228: {  	[sflag:s31] =	ssyncset.done $0x0  }
0x229: {  	[sflag:s31] =	ssyncadd.s32 $0xFFFFFFF0  }
0x22a: {  	s18 =	simm.s32 $0x2700;
	[bflag:$0x0] =	sbarrier.arrive $0xFFFF  }
0x22b: {  	[spmem:s3] =	stream.indirect.scatter.add.f32 [tilespmem:s1], [sflag:$0x3], $0x10, s18, s10, $0xb8;
	[tilespmem:$0x1FC58] =	vst v63  }
0x22c: {  	s14 =	simm.s32 $0x200;
	_ =	swait.ge [sflag:s31], $0x800  }
.LBB2_18:
0x22d: {  	s15 =	sshra.s32 s14, $0x2;
	[sflag:s31] =	ssyncset.done $0x0;
	p0 =	sne.s32 s14, $0x9600  }
.Ltmp8:
0x22e: {  	s15 =	sadd.s32 $0x2700, s15;
	[sflag:s31] =	ssyncadd.s32 $0xFFFFF800;
	(pc) =	sbr.rel @p0 .LBB2_18-.Ltmp8, $3  }
0x22f: {  	[spmem:s3] =	stream.indirect.scatter.add.f32 [tilespmem:s1], [sflag:$0x3], $0x10, s15, s10, $0xb8;
	[tilespmem:$0x1FC58] =	vst v63  }
0x230: {  	s14 =	sadd.s32 $0x200, s14;
	_ =	sdelay $0x1  }
0x231: {  	_ =	swait.ge [sflag:s31], $0x800  }
0x232: {  	[sflag:s31] =	ssyncset.done $0x0  }
0x233: {  	s11 =	sadd.s32 $0x1, s11;
	[sflag:s31] =	ssyncadd.s32 $0xFFFFF800  }
0x234: {  	p0 =	sne.s32 s11, s29;
	[bflag:$0x0] =	sbarrier.arrive $0xFFFF  }
0x235: {  	[hbm:s22], [sflag:s12] =	dma.local [spmem:s13], $0x1880  }
.Ltmp9:
0x236: {  	_ =	swait.ge [sflag:s31], $0x1880;
	(pc) =	sbr.rel @p0 .LBB2_1-.Ltmp9, $3  }
0x237: {  	[sflag:s31] =	ssyncset.done $0x0  }
0x238: {  	[sflag:s31] =	ssyncadd.s32 $0xFFFFE780  }
0x239: {  	[bflag:$0x0] =	sbarrier.arrive $0xFFFF;
	_ =	sdelay $0x1  }
0x23a: {  	_ =	sfence.sel $0x180000  }
0x23b: {  	[bflag:$0x0] =	sbarrier.arrive $0xFFFF  }
0x23c: {  	_ =	strace $0x90000047  }
0x23d: {  	s0 =	stileid.u32;
	[bflag:$0x2] =	sbarrier.arrive $0xFFFF  }
0x23e: {  	p0 =	sne.s32 s0, $0x0;
	s0 =	rddreg [dreg:$0x4]  }
0x23f: {  	s0 =	sadd.s32 @!p0 $0x100000, s0  }
0x240: {  	[sflag:s0] =	ssyncadd.tile.s32 @!p0 $0x1;
	_ =	shalt  }
.Lfunc_end2:
_tile_overlayer_lowered:
.L_overlay_start_2:
0x241: {  	(tag) =	ssettag $0x2  }
0x242: {  	s0 =	rddreg [dreg:$0x0];
	s2 =	stileid.u32  }
0x243: {  	s1 =	rddreg [dreg:$0x1];
	p0 =	sne.s32 s2, $0x0  }
0x244: {  	s3 =	rddreg [dreg:$0x2];
	[bflag:$0x3] =	sbarrier.arrive $0xFFFF;
	s2 =	simm.s32 @!p0 $0x1C03  }
0x245: {  	[timem:s3], [sflag:s2] =	dma.local @!p0 [hbm:s0], s1  }
0x246: {  	s0 =	simm.s32 @!p0 $0x3  }
0x247: {  	_ =	swait.ge @!p0 [sflag:s0], s1  }
0x248: {  	s1 =	ssub.s32 @!p0 $0x0, s1;
	[sflag:s0] =	ssyncset.done @!p0 $0x0  }
0x249: {  	[sflag:s0] =	ssyncadd.s32 @!p0 s1  }
0x24a: {  	[bflag:$0x3] =	sbarrier.arrive $0xFFFF  }
0x24b: {  	_ =	shalt  }

</sc_bundles>
